<compile_context>
chip_gen: v7x
topology: tpu7x:2x2x1
jax: 0.10.2.dev20260603
libtpu: 0.0.44.dev20260713+nightly
codegen_flags: <defaults>
</compile_context>

<pallas_src>
import functools

import jax
import jax.numpy as jnp
from jax import lax
from jax.experimental import pallas as pl
from jax.experimental.pallas import tpu as pltpu
from jax.experimental.pallas import tpu_sc as plsc

_N_ROI = 5000
_N_CLASS = 21
_NF = _N_CLASS - 1
_TOPK = 1000
_NPAD = 5120
_PK = 1024
_NMS_T = 0.3
_SCORE_T = 0.01
_IMG_W = 800.0
_IMG_H = 800.0

_SEL_LEVELS = [(25, 0x7F, 128), (18, 0x7F, 128), (11, 0x7F, 128),
               (4, 0x7F, 128), (0, 0xF, 16)]


def _select_body(u_ref, out_ref):
    nch = u_ref.shape[2] // 128
    p = jnp.int32(0)
    r_want = jnp.int32(_PK)
    cg = jnp.int32(0)

    for lvl, (sh, msk, nb) in enumerate(_SEL_LEVELS):
        bcol = lax.broadcasted_iota(jnp.int32, (nb, 128), 0)
        hi_sh = sh + (7 if msk == 0x7F else 4)

        def chunk(ch, acc, p=p, sh=sh, msk=msk, hi_sh=hi_sh, lvl=lvl):
            uch = u_ref[0, 0, pl.ds(ch * 128, 128)].reshape(1, 128)
            dch = lax.shift_right_logical(uch, sh) & msk
            hit = dch == bcol
            if lvl > 0:
                ok = lax.shift_right_logical(uch, hi_sh) == p
                hit = hit & ok
            return acc + hit.astype(jnp.int32)

        acc = lax.fori_loop(0, nch, chunk, jnp.zeros((nb, 128), jnp.int32))
        hist = jnp.sum(acc, axis=1).reshape(nb, 1)
        bi = lax.broadcasted_iota(jnp.int32, (nb, nb), 0)
        bj = lax.broadcasted_iota(jnp.int32, (nb, nb), 1)
        sfx = jnp.sum(jnp.where(bj > bi, hist.reshape(1, nb), 0),
                      axis=1).reshape(nb, 1)
        pick = (sfx < r_want) & (sfx + hist >= r_want)
        pickf = pick.astype(jnp.int32)
        brow = lax.broadcasted_iota(jnp.int32, (nb, 1), 0)
        bsel = jnp.sum(brow * pickf)
        gsel = jnp.sum(sfx * pickf)
        r_want = r_want - gsel
        cg = cg + gsel
        p = jnp.bitwise_or(lax.shift_left(p, 7 if msk == 0x7F else 4), bsel)

    lane = lax.broadcasted_iota(jnp.int32, (128,), 0)
    out_ref[0, 0, :] = jnp.where(lane == 0, p,
                                 jnp.where(lane == 1, cg, 0))


def _select(u3):
    return pl.pallas_call(
        _select_body,
        grid=(_NF,),
        in_specs=[pl.BlockSpec((1, 1, _NPAD), lambda c: (c, 0, 0))],
        out_specs=pl.BlockSpec((1, 1, 128), lambda c: (c, 0, 0)),
        out_shape=jax.ShapeDtypeStruct((_NF, 1, 128), jnp.int32),
    )(u3)


@functools.cache
def _make_sc_compact():
    mesh = plsc.VectorSubcoreMesh(core_axis_name="c", subcore_axis_name="s")

    @functools.partial(
        pl.kernel,
        out_type=(jax.ShapeDtypeStruct((_NF, _PK), jnp.int32),
                  jax.ShapeDtypeStruct((_NF, 5 * _PK), jnp.float32)),
        mesh=mesh,
        compiler_params=pltpu.CompilerParams(needs_layout_passes=False),
        scratch_types=[
            pltpu.VMEM((_NPAD,), jnp.int32),
            pltpu.VMEM((5, _NPAD), jnp.float32),
            pltpu.VMEM((128,), jnp.int32),
            pltpu.VMEM((_PK,), jnp.int32),
            pltpu.VMEM((5 * _PK,), jnp.float32),
        ],
    )
    def sc_compact(u_hbm, vals_hbm, tb_hbm, cu_hbm, cv_hbm,
                   u_v, val_v, tb_v, cu_v, cv_v):
        wid = lax.axis_index("s") * 2 + lax.axis_index("c")

        @pl.when(wid < _NF)
        def _():
            pltpu.sync_copy(u_hbm.at[wid], u_v)
            pltpu.sync_copy(vals_hbm.at[wid], val_v)
            pltpu.sync_copy(tb_hbm.at[wid], tb_v)
            t_vec = tb_v[pl.ds(0, 16)]
            bud_vec = tb_v[pl.ds(16, 16)]

            def step(ch, carry):
                off_vec, tie = carry
                uch = u_v[pl.ds(ch * 16, 16)]
                m_gt = uch > t_vec
                m_eq = uch == t_vec
                cs_eq = plsc.cumsum(m_eq.astype(jnp.int32))
                sel = m_eq & ((tie + cs_eq) <= bud_vec)
                m = m_gt | sel
                cs_m = plsc.cumsum(m.astype(jnp.int32))
                dest = jnp.minimum(off_vec + cs_m - 1, _PK - 1)
                plsc.store_scatter(cu_v, [dest], uch, mask=m)
                for row in range(5):
                    v = val_v[row, pl.ds(ch * 16, 16)]
                    plsc.store_scatter(cv_v, [dest + row * _PK], v, mask=m)
                off_vec = off_vec + plsc.all_reduce_population_count(m)
                tie = tie + plsc.all_reduce_population_count(sel)
                return off_vec, tie

            lax.fori_loop(0, _NPAD // 16, step,
                          (jnp.zeros((16,), jnp.int32),
                           jnp.zeros((16,), jnp.int32)))
            pltpu.sync_copy(cu_v, cu_hbm.at[wid])
            pltpu.sync_copy(cv_v, cv_hbm.at[wid])

    return sc_compact


def _rank_body(u_ref, rank_ref):
    it = pl.program_id(1)
    njt = u_ref.shape[2] // 128
    for r in range(8):
        isub = it * 8 + r
        ibase = isub * 128
        ui = u_ref[0, 0, pl.ds(ibase, 128)].reshape(128, 1)
        ui_b = jnp.broadcast_to(ui, (128, 128))
        uim1_b = ui_b - 1

        def step_ge(jt, acc):
            uj = u_ref[0, 0, pl.ds(jt * 128, 128)].reshape(1, 128)
            return acc + (uj > uim1_b).astype(jnp.float32)

        def step_gt(jt, acc):
            uj = u_ref[0, 0, pl.ds(jt * 128, 128)].reshape(1, 128)
            return acc + (uj > ui_b).astype(jnp.float32)

        acc = lax.fori_loop(0, isub, step_ge,
                            jnp.zeros((128, 128), jnp.float32))
        acc = lax.fori_loop(isub, njt, step_gt, acc)
        ujd = u_ref[0, 0, pl.ds(ibase, 128)].reshape(1, 128)
        rows = lax.broadcasted_iota(jnp.int32, (128, 128), 0)
        cols = lax.broadcasted_iota(jnp.int32, (128, 128), 1)
        acc = acc + ((ujd == ui) & (cols < rows)).astype(jnp.float32)
        rank_ref[0, r, :] = jnp.sum(acc, axis=1).astype(jnp.int32)


def _ranks(u, npad):
    njt = npad // 128
    return pl.pallas_call(
        _rank_body,
        grid=(_NF, njt // 8),
        in_specs=[pl.BlockSpec((1, 1, npad), lambda c, i: (c, 0, 0))],
        out_specs=pl.BlockSpec((1, 8, 128), lambda c, i: (c, i, 0)),
        out_shape=jax.ShapeDtypeStruct((_NF, njt, 128), jnp.int32),
    )(u)


@functools.cache
def _make_sc_scatter():
    mesh = plsc.VectorSubcoreMesh(core_axis_name="c", subcore_axis_name="s")

    @functools.partial(
        pl.kernel,
        out_type=(jax.ShapeDtypeStruct((_NF, 8 * _PK), jnp.float32),
                  jax.ShapeDtypeStruct((_NF, 8 * _PK), jnp.float32)),
        mesh=mesh,
        compiler_params=pltpu.CompilerParams(needs_layout_passes=False),
        scratch_types=[
            pltpu.VMEM((_PK,), jnp.int32),
            pltpu.VMEM((5 * _PK,), jnp.float32),
            pltpu.VMEM((8 * _PK,), jnp.float32),
            pltpu.VMEM((8 * _PK,), jnp.float32),
        ],
    )
    def sc_scatter(rank_hbm, vals_hbm, out_hbm, out_t_hbm,
                   rnk_v, val_v, out_v, out_t_v):
        wid = lax.axis_index("s") * 2 + lax.axis_index("c")

        @pl.when(wid < _NF)
        def _():
            pltpu.sync_copy(rank_hbm.at[wid], rnk_v)
            pltpu.sync_copy(vals_hbm.at[wid], val_v)

            def step(k, carry):
                idx = rnk_v[pl.ds(k * 16, 16)]
                m = idx < _PK
                safe = jnp.where(m, idx, 0)
                for row in range(5):
                    v = val_v[pl.ds(row * _PK + k * 16, 16)]
                    plsc.store_scatter(out_v, [safe + row * _PK], v, mask=m)
                    plsc.store_scatter(out_t_v, [safe * 8 + row], v, mask=m)
                return carry

            lax.fori_loop(0, _PK // 16, step, 0)
            pltpu.sync_copy(out_v, out_hbm.at[wid])
            pltpu.sync_copy(out_t_v, out_t_hbm.at[wid])

    return sc_scatter


def _nms_body(srt_ref, srtt_ref, out_ref, sup_ref):
    x1 = jnp.clip(srt_ref[0, 0, :], 0.0, _IMG_W)
    y1 = jnp.clip(srt_ref[0, 1, :], 0.0, _IMG_H)
    x2 = jnp.clip(srt_ref[0, 2, :], 0.0, _IMG_W)
    y2 = jnp.clip(srt_ref[0, 3, :], 0.0, _IMG_H)
    s = srt_ref[0, 4, :]
    area = jnp.maximum(x2 - x1, 0.0) * jnp.maximum(y2 - y1, 0.0)

    nblk = _PK // 128

    def col_block(rt):
        rb = rt * 128
        xi1 = jnp.clip(srtt_ref[0, pl.ds(rb, 128), 0],
                       0.0, _IMG_W).reshape(128, 1)
        yi1 = jnp.clip(srtt_ref[0, pl.ds(rb, 128), 1],
                       0.0, _IMG_H).reshape(128, 1)
        xi2 = jnp.clip(srtt_ref[0, pl.ds(rb, 128), 2],
                       0.0, _IMG_W).reshape(128, 1)
        yi2 = jnp.clip(srtt_ref[0, pl.ds(rb, 128), 3],
                       0.0, _IMG_H).reshape(128, 1)
        ai = jnp.maximum(xi2 - xi1, 0.0) * jnp.maximum(yi2 - yi1, 0.0)
        return xi1, yi1, xi2, yi2, ai

    cols_all = [col_block(rt) for rt in range(nblk)]
    rows_all = [
        (x1[k * 128:(k + 1) * 128].reshape(1, 128),
         y1[k * 128:(k + 1) * 128].reshape(1, 128),
         x2[k * 128:(k + 1) * 128].reshape(1, 128),
         y2[k * 128:(k + 1) * 128].reshape(1, 128),
         area[k * 128:(k + 1) * 128].reshape(1, 128))
        for k in range(nblk)
    ]

    def m_tile(icols, k, diag):
        xi1, yi1, xi2, yi2, ai = icols
        x1j, y1j, x2j, y2j, aj = rows_all[k]
        ix1 = jnp.maximum(xi1, x1j)
        iy1 = jnp.maximum(yi1, y1j)
        ix2 = jnp.minimum(xi2, x2j)
        iy2 = jnp.minimum(yi2, y2j)
        inter = jnp.maximum(ix2 - ix1, 0.0) * jnp.maximum(iy2 - iy1, 0.0)
        union = ai + aj - inter
        iou = inter / jnp.maximum(union, 1e-9)
        m = iou > _NMS_T
        if diag:
            rows = lax.broadcasted_iota(jnp.int32, (128, 128), 0)
            cols = lax.broadcasted_iota(jnp.int32, (128, 128), 1)
            m = m & (cols < rows)
        return m.astype(jnp.float32)

    pos = lax.broadcasted_iota(jnp.int32, (_PK,), 0)
    validf = ((s > _SCORE_T) & (pos < _TOPK)).astype(jnp.float32)
    sup_ref[:] = jnp.zeros((_PK,), jnp.float32)

    for k in range(nblk):
        kb0 = k * 128
        supx = sup_ref[pl.ds(kb0, 128)]
        dmat = m_tile(cols_all[k], k, diag=True)
        vblk = validf.reshape(nblk, 128)[k, :]
        base = vblk * (supx == 0.0).astype(jnp.float32)

        def cond(carry):
            kb, prev = carry
            return jnp.sum(jnp.abs(kb - prev)) > 0.0

        def body(carry):
            kb, _ = carry
            di = jnp.sum(dmat * kb.reshape(1, 128), axis=1)
            return base * (di == 0.0).astype(jnp.float32), kb

        kb, _ = lax.while_loop(
            cond, body, (base, base - 1.0))

        out_ref[0, 5, pl.ds(kb0, 128)] = kb
        kbr = kb.reshape(1, 128)
        for rt in range(k + 1, nblk):
            mt = m_tile(cols_all[rt], k, diag=False)
            contrib = jnp.sum(mt * kbr, axis=1)
            sup_ref[pl.ds(rt * 128, 128)] = (
                sup_ref[pl.ds(rt * 128, 128)] + contrib)

    keep = out_ref[0, 5, :]
    out_ref[0, 0, :] = x1 * keep
    out_ref[0, 1, :] = y1 * keep
    out_ref[0, 2, :] = x2 * keep
    out_ref[0, 3, :] = y2 * keep
    out_ref[0, 4, :] = s * keep
    zeros = jnp.zeros((_PK,), jnp.float32)
    out_ref[0, 6, :] = zeros
    out_ref[0, 7, :] = zeros


def _nms(sorted_rows, sorted_pos):
    return pl.pallas_call(
        _nms_body,
        grid=(_NF,),
        in_specs=[pl.BlockSpec((1, 8, _PK), lambda c: (c, 0, 0)),
                  pl.BlockSpec((1, _PK, 8), lambda c: (c, 0, 0))],
        out_specs=pl.BlockSpec((1, 8, _PK), lambda c: (c, 0, 0)),
        out_shape=jax.ShapeDtypeStruct((_NF, 8, _PK), jnp.float32),
        scratch_shapes=[
            pltpu.VMEM((_PK,), jnp.float32),
        ],
    )(sorted_rows, sorted_pos)


def kernel(raw_bbox, roi_scores):
    prob = jax.nn.softmax(roi_scores, axis=1)
    s_fg = prob[:, 1:].T
    s_pad = jnp.pad(s_fg, ((0, 0), (0, _NPAD - _N_ROI)))
    keys = lax.bitcast_convert_type(s_pad, jnp.int32)

    boxes = raw_bbox.reshape(_N_ROI, _N_CLASS, 4)[:, 1:, :]
    boxes = boxes.transpose(1, 2, 0)
    boxes = jnp.pad(boxes, ((0, 0), (0, 0), (0, _NPAD - _N_ROI)))
    vals = jnp.concatenate([boxes, s_pad[:, None, :]], axis=1)

    sel = _select(keys.reshape(_NF, 1, _NPAD))
    t = sel[:, 0, 0]
    budget = _PK - sel[:, 0, 1]
    tb = jnp.broadcast_to(
        jnp.stack([t, budget], axis=1)[:, :, None], (_NF, 2, 16)
    ).reshape(_NF, 32).astype(jnp.int32)
    tb = jnp.pad(tb, ((0, 0), (0, 96)))

    cand_u, cand_v = _make_sc_compact()(keys, vals, tb)
    rank2 = _ranks(cand_u.reshape(_NF, 1, _PK), _PK).reshape(_NF, _PK)
    sorted_flat, sorted_t = _make_sc_scatter()(rank2, cand_v)
    out = _nms(sorted_flat.reshape(_NF, 8, _PK),
               sorted_t.reshape(_NF, _PK, 8))

    det = out[:, :5, :_TOPK].transpose(0, 2, 1)
    keep = out[:, 5, :_TOPK] > 0.5
    return det, keep

# --- scband reference (transcript-rebuilt; emitter-appended) ---
"""Pipeline reference for scband-faster-rcnn-24455543783978 (READ-ONLY COPY).

The authoritative reference and input builder live on the scoring server;
editing this copy changes nothing except your own understanding.
"""

import jax, jax.numpy as jnp
import numpy as np
from jax import lax

N_ROI = 5000
N_CLASS = 21
PRE_NMS_TOPK = 1000
NMS_THRESH = 0.3
SCORE_THRESH = 0.01
IMG_W = 800.0
IMG_H = 800.0


def setup_inputs(seed: int = 0) -> dict:
    key = jax.random.key(seed)
    k1, k2, k3 = jax.random.split(key, 3)
    # plausible decoded class boxes: top-left corner + positive width/height
    xy = jax.random.uniform(k1, (N_ROI, N_CLASS, 2), minval=0.0, maxval=700.0)
    wh = jax.random.uniform(k2, (N_ROI, N_CLASS, 2), minval=10.0, maxval=200.0)
    raw_bbox = jnp.concatenate([xy, xy + wh], axis=-1).reshape(N_ROI, N_CLASS * 4).astype(jnp.float32)
    roi_scores = (jax.random.normal(k3, (N_ROI, N_CLASS), dtype=jnp.float32) * 2.0)
    return {"raw_bbox": raw_bbox, "roi_scores": roi_scores}


def _iou_matrix(b):
    # b: [M, 4] as (x1, y1, x2, y2)
    x1, y1, x2, y2 = b[:, 0], b[:, 1], b[:, 2], b[:, 3]
    area = jnp.maximum(x2 - x1, 0.0) * jnp.maximum(y2 - y1, 0.0)
    ix1 = jnp.maximum(x1[:, None], x1[None, :])
    iy1 = jnp.maximum(y1[:, None], y1[None, :])
    ix2 = jnp.minimum(x2[:, None], x2[None, :])
    iy2 = jnp.minimum(y2[:, None], y2[None, :])
    inter = jnp.maximum(ix2 - ix1, 0.0) * jnp.maximum(iy2 - iy1, 0.0)
    union = area[:, None] + area[None, :] - inter
    return inter / jnp.maximum(union, 1e-9)


def _greedy_nms(iou, valid, thresh):
    # sequential greedy suppression over score-sorted boxes
    M = valid.shape[0]
    idxs = jnp.arange(M)
    def step(keep, i):
        suppressed = jnp.any((iou[i] > thresh) & keep & (idxs < i))
        keep_i = valid[i] & jnp.logical_not(suppressed)
        keep = keep.at[i].set(keep_i)
        return keep, keep_i
    keep, _ = lax.scan(step, jnp.zeros((M,), dtype=bool), idxs)
    return keep


def reference(raw_bbox, roi_scores):
    # Faithful jax translation of FasterRCNN.predict post-processing core
    # (clamp decoded boxes, softmax over class scores, per-foreground-class
    #  score threshold + descending sort + greedy NMS), as in self.modify.
    bbox = raw_bbox.reshape(N_ROI, N_CLASS, 4)
    bx1 = jnp.clip(bbox[..., 0], 0.0, IMG_W)
    by1 = jnp.clip(bbox[..., 1], 0.0, IMG_H)
    bx2 = jnp.clip(bbox[..., 2], 0.0, IMG_W)
    by2 = jnp.clip(bbox[..., 3], 0.0, IMG_H)
    bbox = jnp.stack([bx1, by1, bx2, by2], axis=-1)
    prob = jax.nn.softmax(roi_scores, axis=1)
    # skip background class 0
    boxes_c = jnp.transpose(bbox[:, 1:, :], (1, 0, 2))  # [C-1, N, 4]
    probs_c = prob[:, 1:].T                              # [C-1, N]

    def per_class(b, s):
        order = jnp.argsort(-s)[:PRE_NMS_TOPK]
        bt = b[order]
        st = s[order]
        valid = st > SCORE_THRESH
        iou = _iou_matrix(bt)
        keep = _greedy_nms(iou, valid, NMS_THRESH)
        keep_f = keep.astype(bt.dtype)
        det = jnp.concatenate([bt * keep_f[:, None], (st * keep_f)[:, None]], axis=-1)
        return det, keep

    det, keep = jax.vmap(per_class)(boxes_c, probs_c)
    # det: [n_class-1, PRE_NMS_TOPK, 5] (x1,y1,x2,y2,score), zeroed where suppressed
    return det, keep

if __name__ == "__main__":
    import jax
    _d = setup_inputs()
    print(jax.jit(kernel)(*tuple(_d.values())))

</pallas_src>

<mosaic_0001>
#map = affine_map<(d0, d1) -> (0, 0)>
module attributes {stable_mosaic.version = 14 : i64} {
  func.func @sc_scatter(%arg0: i32, %arg1: i32, %arg2: memref<20x1024xi32, #tpu.memory_space<hbm>>, %arg3: memref<20x5120xf32, #tpu.memory_space<hbm>>, %arg4: memref<20x8192xf32, #tpu.memory_space<hbm>>, %arg5: memref<20x8192xf32, #tpu.memory_space<hbm>>, %arg6: memref<1024xi32, #tpu.memory_space<vmem>>, %arg7: memref<5120xf32, #tpu.memory_space<vmem>>, %arg8: memref<8192xf32, #tpu.memory_space<vmem>>, %arg9: memref<8192xf32, #tpu.memory_space<vmem>>) attributes {dimension_semantics = [#tpu.dimension_semantics<core_parallel>, #tpu.dimension_semantics<subcore_parallel>], iteration_bounds = array<i64: 2, 16>, scalar_prefetch = 0 : i64, scratch_operands = 4 : i64, tpu.core_type = #tpu.core_type<sc_vector_subcore>, window_params = [{transform_indices = #map}, {transform_indices = #map}, {transform_indices = #map}, {transform_indices = #map}]} {
    %mul3A = arith.constant 2 : i32
    %mul3A_0 = arith.muli %arg1, %mul3A : i32
    %add3A = arith.addi %mul3A_0, %arg0 : i32
    %lt3A = arith.constant 20 : i32
    %lt3A_1 = arith.cmpi slt, %add3A, %lt3A : i32
    %convert_element_type3A = arith.extui %lt3A_1 : i1 to i32
    %cond3A = arith.constant 0 : i32
    %cond3A_2 = arith.cmpi ne, %convert_element_type3A, %cond3A : i32
    scf.if %cond3A_2 {
      "tpu.region"() ({
        %run_scoped3A = tpu.sem_alloc : memref<!tpu.dma_semaphore, #tpu.memory_space<semaphore_mem>>
        %dma_start3A = arith.constant 0 : i32
        %dma_start3A_8 = tpu.memref_slice %arg2[%add3A, %dma_start3A] : memref<20x1024xi32, #tpu.memory_space<hbm>> -> memref<1x1024xi32, #tpu.memory_space<hbm>>
        %dma_start3A_9 = tpu.memref_squeeze %dma_start3A_8 : memref<1x1024xi32, #tpu.memory_space<hbm>> -> memref<1024xi32, #tpu.memory_space<hbm>>
        %dma_start3A_10 = arith.constant 0 : i32
        %dma_start3A_11 = tpu.memref_slice %arg2[%add3A, %dma_start3A_10] : memref<20x1024xi32, #tpu.memory_space<hbm>> -> memref<1x1024xi32, #tpu.memory_space<hbm>>
        %dma_start3A_12 = tpu.memref_squeeze %dma_start3A_11 : memref<1x1024xi32, #tpu.memory_space<hbm>> -> memref<1024xi32, #tpu.memory_space<hbm>>
        tpu.enqueue_dma source(%dma_start3A_12 : memref<1024xi32, #tpu.memory_space<hbm>>) target(%arg6 : memref<1024xi32, #tpu.memory_space<vmem>>) target_semaphore(%run_scoped3A : memref<!tpu.dma_semaphore, #tpu.memory_space<semaphore_mem>>)
        %dma_wait3A = arith.constant 0 : i32
        %dma_wait3A_13 = tpu.memref_slice %arg2[%add3A, %dma_wait3A] : memref<20x1024xi32, #tpu.memory_space<hbm>> -> memref<1x1024xi32, #tpu.memory_space<hbm>>
        %dma_wait3A_14 = tpu.memref_squeeze %dma_wait3A_13 : memref<1x1024xi32, #tpu.memory_space<hbm>> -> memref<1024xi32, #tpu.memory_space<hbm>>
        %dma_wait3A_15 = arith.constant 0 : i32
        %dma_wait3A_16 = tpu.memref_slice %arg2[%add3A, %dma_wait3A_15] : memref<20x1024xi32, #tpu.memory_space<hbm>> -> memref<1x1024xi32, #tpu.memory_space<hbm>>
        %dma_wait3A_17 = tpu.memref_squeeze %dma_wait3A_16 : memref<1x1024xi32, #tpu.memory_space<hbm>> -> memref<1024xi32, #tpu.memory_space<hbm>>
        tpu.wait_dma2 semaphore(%run_scoped3A : memref<!tpu.dma_semaphore, #tpu.memory_space<semaphore_mem>>) src(%dma_wait3A_17 : memref<1024xi32, #tpu.memory_space<hbm>>) dst(%arg6 : memref<1024xi32, #tpu.memory_space<vmem>>)
        tpu.yield
      }) : () -> ()
      "tpu.region"() ({
        %run_scoped3A = tpu.sem_alloc : memref<!tpu.dma_semaphore, #tpu.memory_space<semaphore_mem>>
        %dma_start3A = arith.constant 0 : i32
        %dma_start3A_8 = tpu.memref_slice %arg3[%add3A, %dma_start3A] : memref<20x5120xf32, #tpu.memory_space<hbm>> -> memref<1x5120xf32, #tpu.memory_space<hbm>>
        %dma_start3A_9 = tpu.memref_squeeze %dma_start3A_8 : memref<1x5120xf32, #tpu.memory_space<hbm>> -> memref<5120xf32, #tpu.memory_space<hbm>>
        %dma_start3A_10 = arith.constant 0 : i32
        %dma_start3A_11 = tpu.memref_slice %arg3[%add3A, %dma_start3A_10] : memref<20x5120xf32, #tpu.memory_space<hbm>> -> memref<1x5120xf32, #tpu.memory_space<hbm>>
        %dma_start3A_12 = tpu.memref_squeeze %dma_start3A_11 : memref<1x5120xf32, #tpu.memory_space<hbm>> -> memref<5120xf32, #tpu.memory_space<hbm>>
        tpu.enqueue_dma source(%dma_start3A_12 : memref<5120xf32, #tpu.memory_space<hbm>>) target(%arg7 : memref<5120xf32, #tpu.memory_space<vmem>>) target_semaphore(%run_scoped3A : memref<!tpu.dma_semaphore, #tpu.memory_space<semaphore_mem>>)
        %dma_wait3A = arith.constant 0 : i32
        %dma_wait3A_13 = tpu.memref_slice %arg3[%add3A, %dma_wait3A] : memref<20x5120xf32, #tpu.memory_space<hbm>> -> memref<1x5120xf32, #tpu.memory_space<hbm>>
        %dma_wait3A_14 = tpu.memref_squeeze %dma_wait3A_13 : memref<1x5120xf32, #tpu.memory_space<hbm>> -> memref<5120xf32, #tpu.memory_space<hbm>>
        %dma_wait3A_15 = arith.constant 0 : i32
        %dma_wait3A_16 = tpu.memref_slice %arg3[%add3A, %dma_wait3A_15] : memref<20x5120xf32, #tpu.memory_space<hbm>> -> memref<1x5120xf32, #tpu.memory_space<hbm>>
        %dma_wait3A_17 = tpu.memref_squeeze %dma_wait3A_16 : memref<1x5120xf32, #tpu.memory_space<hbm>> -> memref<5120xf32, #tpu.memory_space<hbm>>
        tpu.wait_dma2 semaphore(%run_scoped3A : memref<!tpu.dma_semaphore, #tpu.memory_space<semaphore_mem>>) src(%dma_wait3A_17 : memref<5120xf32, #tpu.memory_space<hbm>>) dst(%arg7 : memref<5120xf32, #tpu.memory_space<vmem>>)
        tpu.yield
      }) : () -> ()
      %scan3A = arith.constant 0 : i32
      %scan3A_3 = arith.constant 0 : i32
      %scan3A_4 = arith.constant 64 : i32
      %scan3A_5 = arith.addi %scan3A_3, %scan3A_4 : i32
      %scan3A_6 = arith.constant 1 : i32
      scf.for %scan3A_8 = %scan3A_3 to %scan3A_5 step %scan3A_6  : i32 {
        %mul3A_9 = arith.constant 16 : i32
        %mul3A_10 = arith.muli %scan3A_8, %mul3A_9 : i32
        %get3A = arith.index_cast %mul3A_10 : i32 to index
        %get3A_11 = tpu.vector_load %arg6[%get3A] {strides = array<i32>} : memref<1024xi32, #tpu.memory_space<vmem>>, vector<16xi32>,
        %lt3A_12 = arith.constant 1024 : i32
        %lt3A_13 = vector.broadcast %lt3A_12 : i32 to vector<16xi32>
        %lt3A_14 = arith.cmpi slt, %get3A_11, %lt3A_13 : vector<16xi32>
        %jit3A = arith.constant 0 : i32
        %broadcast_in_dim3A = vector.broadcast %jit3A : i32 to vector<16xi32>
        %select_n3A = arith.select %lt3A_14, %get3A_11, %broadcast_in_dim3A : vector<16xi1>, vector<16xi32>
        %mul3A_15 = arith.constant 16 : i32
        %mul3A_16 = arith.muli %scan3A_8, %mul3A_15 : i32
        %add3A_17 = arith.constant 0 : i32
        %add3A_18 = arith.addi %add3A_17, %mul3A_16 : i32
        %get3A_19 = arith.index_cast %add3A_18 : i32 to index
        %get3A_20 = tpu.vector_load %arg7[%get3A_19] {strides = array<i32>} : memref<5120xf32, #tpu.memory_space<vmem>>, vector<16xf32>,
        %add3A_21 = arith.constant 0 : i32
        %add3A_22 = vector.broadcast %add3A_21 : i32 to vector<16xi32>
        %add3A_23 = arith.addi %select_n3A, %add3A_22 : vector<16xi32>
        tpu.vector_store_idx %arg8[%add3A_23], %get3A_20 masked %lt3A_14 : memref<8192xf32, #tpu.memory_space<vmem>>[vector<16xi32>], vector<16xf32>, vector<16xi1>
        %mul3A_24 = arith.constant 8 : i32
        %mul3A_25 = vector.broadcast %mul3A_24 : i32 to vector<16xi32>
        %mul3A_26 = arith.muli %select_n3A, %mul3A_25 : vector<16xi32>
        %add3A_27 = arith.constant 0 : i32
        %add3A_28 = vector.broadcast %add3A_27 : i32 to vector<16xi32>
        %add3A_29 = arith.addi %mul3A_26, %add3A_28 : vector<16xi32>
        tpu.vector_store_idx %arg9[%add3A_29], %get3A_20 masked %lt3A_14 : memref<8192xf32, #tpu.memory_space<vmem>>[vector<16xi32>], vector<16xf32>, vector<16xi1>
        %mul3A_30 = arith.constant 16 : i32
        %mul3A_31 = arith.muli %scan3A_8, %mul3A_30 : i32
        %add3A_32 = arith.constant 1024 : i32
        %add3A_33 = arith.addi %add3A_32, %mul3A_31 : i32
        %get3A_34 = arith.index_cast %add3A_33 : i32 to index
        %get3A_35 = tpu.vector_load %arg7[%get3A_34] {strides = array<i32>} : memref<5120xf32, #tpu.memory_space<vmem>>, vector<16xf32>,
        %add3A_36 = arith.constant 1024 : i32
        %add3A_37 = vector.broadcast %add3A_36 : i32 to vector<16xi32>
        %add3A_38 = arith.addi %select_n3A, %add3A_37 : vector<16xi32>
        tpu.vector_store_idx %arg8[%add3A_38], %get3A_35 masked %lt3A_14 : memref<8192xf32, #tpu.memory_space<vmem>>[vector<16xi32>], vector<16xf32>, vector<16xi1>
        %mul3A_39 = arith.constant 8 : i32
        %mul3A_40 = vector.broadcast %mul3A_39 : i32 to vector<16xi32>
        %mul3A_41 = arith.muli %select_n3A, %mul3A_40 : vector<16xi32>
        %add3A_42 = arith.constant 1 : i32
        %add3A_43 = vector.broadcast %add3A_42 : i32 to vector<16xi32>
        %add3A_44 = arith.addi %mul3A_41, %add3A_43 : vector<16xi32>
        tpu.vector_store_idx %arg9[%add3A_44], %get3A_35 masked %lt3A_14 : memref<8192xf32, #tpu.memory_space<vmem>>[vector<16xi32>], vector<16xf32>, vector<16xi1>
        %mul3A_45 = arith.constant 16 : i32
        %mul3A_46 = arith.muli %scan3A_8, %mul3A_45 : i32
        %add3A_47 = arith.constant 2048 : i32
        %add3A_48 = arith.addi %add3A_47, %mul3A_46 : i32
        %get3A_49 = arith.index_cast %add3A_48 : i32 to index
        %get3A_50 = tpu.vector_load %arg7[%get3A_49] {strides = array<i32>} : memref<5120xf32, #tpu.memory_space<vmem>>, vector<16xf32>,
        %add3A_51 = arith.constant 2048 : i32
        %add3A_52 = vector.broadcast %add3A_51 : i32 to vector<16xi32>
        %add3A_53 = arith.addi %select_n3A, %add3A_52 : vector<16xi32>
        tpu.vector_store_idx %arg8[%add3A_53], %get3A_50 masked %lt3A_14 : memref<8192xf32, #tpu.memory_space<vmem>>[vector<16xi32>], vector<16xf32>, vector<16xi1>
        %mul3A_54 = arith.constant 8 : i32
        %mul3A_55 = vector.broadcast %mul3A_54 : i32 to vector<16xi32>
        %mul3A_56 = arith.muli %select_n3A, %mul3A_55 : vector<16xi32>
        %add3A_57 = arith.constant 2 : i32
        %add3A_58 = vector.broadcast %add3A_57 : i32 to vector<16xi32>
        %add3A_59 = arith.addi %mul3A_56, %add3A_58 : vector<16xi32>
        tpu.vector_store_idx %arg9[%add3A_59], %get3A_50 masked %lt3A_14 : memref<8192xf32, #tpu.memory_space<vmem>>[vector<16xi32>], vector<16xf32>, vector<16xi1>
        %mul3A_60 = arith.constant 16 : i32
        %mul3A_61 = arith.muli %scan3A_8, %mul3A_60 : i32
        %add3A_62 = arith.constant 3072 : i32
        %add3A_63 = arith.addi %add3A_62, %mul3A_61 : i32
        %get3A_64 = arith.index_cast %add3A_63 : i32 to index
        %get3A_65 = tpu.vector_load %arg7[%get3A_64] {strides = array<i32>} : memref<5120xf32, #tpu.memory_space<vmem>>, vector<16xf32>,
        %add3A_66 = arith.constant 3072 : i32
        %add3A_67 = vector.broadcast %add3A_66 : i32 to vector<16xi32>
        %add3A_68 = arith.addi %select_n3A, %add3A_67 : vector<16xi32>
        tpu.vector_store_idx %arg8[%add3A_68], %get3A_65 masked %lt3A_14 : memref<8192xf32, #tpu.memory_space<vmem>>[vector<16xi32>], vector<16xf32>, vector<16xi1>
        %mul3A_69 = arith.constant 8 : i32
        %mul3A_70 = vector.broadcast %mul3A_69 : i32 to vector<16xi32>
        %mul3A_71 = arith.muli %select_n3A, %mul3A_70 : vector<16xi32>
        %add3A_72 = arith.constant 3 : i32
        %add3A_73 = vector.broadcast %add3A_72 : i32 to vector<16xi32>
        %add3A_74 = arith.addi %mul3A_71, %add3A_73 : vector<16xi32>
        tpu.vector_store_idx %arg9[%add3A_74], %get3A_65 masked %lt3A_14 : memref<8192xf32, #tpu.memory_space<vmem>>[vector<16xi32>], vector<16xf32>, vector<16xi1>
        %mul3A_75 = arith.constant 16 : i32
        %mul3A_76 = arith.muli %scan3A_8, %mul3A_75 : i32
        %add3A_77 = arith.constant 4096 : i32
        %add3A_78 = arith.addi %add3A_77, %mul3A_76 : i32
        %get3A_79 = arith.index_cast %add3A_78 : i32 to index
        %get3A_80 = tpu.vector_load %arg7[%get3A_79] {strides = array<i32>} : memref<5120xf32, #tpu.memory_space<vmem>>, vector<16xf32>,
        %add3A_81 = arith.constant 4096 : i32
        %add3A_82 = vector.broadcast %add3A_81 : i32 to vector<16xi32>
        %add3A_83 = arith.addi %select_n3A, %add3A_82 : vector<16xi32>
        tpu.vector_store_idx %arg8[%add3A_83], %get3A_80 masked %lt3A_14 : memref<8192xf32, #tpu.memory_space<vmem>>[vector<16xi32>], vector<16xf32>, vector<16xi1>
        %mul3A_84 = arith.constant 8 : i32
        %mul3A_85 = vector.broadcast %mul3A_84 : i32 to vector<16xi32>
        %mul3A_86 = arith.muli %select_n3A, %mul3A_85 : vector<16xi32>
        %add3A_87 = arith.constant 4 : i32
        %add3A_88 = vector.broadcast %add3A_87 : i32 to vector<16xi32>
        %add3A_89 = arith.addi %mul3A_86, %add3A_88 : vector<16xi32>
        tpu.vector_store_idx %arg9[%add3A_89], %get3A_80 masked %lt3A_14 : memref<8192xf32, #tpu.memory_space<vmem>>[vector<16xi32>], vector<16xf32>, vector<16xi1>
      }
      %scan3A_7 = arith.constant 64 : i32
      "tpu.region"() ({
        %run_scoped3A = tpu.sem_alloc : memref<!tpu.dma_semaphore, #tpu.memory_space<semaphore_mem>>
        %dma_start3A = arith.constant 0 : i32
        %dma_start3A_8 = tpu.memref_slice %arg4[%add3A, %dma_start3A] : memref<20x8192xf32, #tpu.memory_space<hbm>> -> memref<1x8192xf32, #tpu.memory_space<hbm>>
        %dma_start3A_9 = tpu.memref_squeeze %dma_start3A_8 : memref<1x8192xf32, #tpu.memory_space<hbm>> -> memref<8192xf32, #tpu.memory_space<hbm>>
        %dma_start3A_10 = arith.constant 0 : i32
        %dma_start3A_11 = tpu.memref_slice %arg4[%add3A, %dma_start3A_10] : memref<20x8192xf32, #tpu.memory_space<hbm>> -> memref<1x8192xf32, #tpu.memory_space<hbm>>
        %dma_start3A_12 = tpu.memref_squeeze %dma_start3A_11 : memref<1x8192xf32, #tpu.memory_space<hbm>> -> memref<8192xf32, #tpu.memory_space<hbm>>
        tpu.enqueue_dma source(%arg8 : memref<8192xf32, #tpu.memory_space<vmem>>) target(%dma_start3A_12 : memref<8192xf32, #tpu.memory_space<hbm>>) target_semaphore(%run_scoped3A : memref<!tpu.dma_semaphore, #tpu.memory_space<semaphore_mem>>)
        %dma_wait3A = arith.constant 0 : i32
        %dma_wait3A_13 = tpu.memref_slice %arg4[%add3A, %dma_wait3A] : memref<20x8192xf32, #tpu.memory_space<hbm>> -> memref<1x8192xf32, #tpu.memory_space<hbm>>
        %dma_wait3A_14 = tpu.memref_squeeze %dma_wait3A_13 : memref<1x8192xf32, #tpu.memory_space<hbm>> -> memref<8192xf32, #tpu.memory_space<hbm>>
        %dma_wait3A_15 = arith.constant 0 : i32
        %dma_wait3A_16 = tpu.memref_slice %arg4[%add3A, %dma_wait3A_15] : memref<20x8192xf32, #tpu.memory_space<hbm>> -> memref<1x8192xf32, #tpu.memory_space<hbm>>
        %dma_wait3A_17 = tpu.memref_squeeze %dma_wait3A_16 : memref<1x8192xf32, #tpu.memory_space<hbm>> -> memref<8192xf32, #tpu.memory_space<hbm>>
        tpu.wait_dma2 semaphore(%run_scoped3A : memref<!tpu.dma_semaphore, #tpu.memory_space<semaphore_mem>>) src(%arg8 : memref<8192xf32, #tpu.memory_space<vmem>>) dst(%dma_wait3A_17 : memref<8192xf32, #tpu.memory_space<hbm>>)
        tpu.yield
      }) : () -> ()
      "tpu.region"() ({
        %run_scoped3A = tpu.sem_alloc : memref<!tpu.dma_semaphore, #tpu.memory_space<semaphore_mem>>
        %dma_start3A = arith.constant 0 : i32
        %dma_start3A_8 = tpu.memref_slice %arg5[%add3A, %dma_start3A] : memref<20x8192xf32, #tpu.memory_space<hbm>> -> memref<1x8192xf32, #tpu.memory_space<hbm>>
        %dma_start3A_9 = tpu.memref_squeeze %dma_start3A_8 : memref<1x8192xf32, #tpu.memory_space<hbm>> -> memref<8192xf32, #tpu.memory_space<hbm>>
        %dma_start3A_10 = arith.constant 0 : i32
        %dma_start3A_11 = tpu.memref_slice %arg5[%add3A, %dma_start3A_10] : memref<20x8192xf32, #tpu.memory_space<hbm>> -> memref<1x8192xf32, #tpu.memory_space<hbm>>
        %dma_start3A_12 = tpu.memref_squeeze %dma_start3A_11 : memref<1x8192xf32, #tpu.memory_space<hbm>> -> memref<8192xf32, #tpu.memory_space<hbm>>
        tpu.enqueue_dma source(%arg9 : memref<8192xf32, #tpu.memory_space<vmem>>) target(%dma_start3A_12 : memref<8192xf32, #tpu.memory_space<hbm>>) target_semaphore(%run_scoped3A : memref<!tpu.dma_semaphore, #tpu.memory_space<semaphore_mem>>)
        %dma_wait3A = arith.constant 0 : i32
        %dma_wait3A_13 = tpu.memref_slice %arg5[%add3A, %dma_wait3A] : memref<20x8192xf32, #tpu.memory_space<hbm>> -> memref<1x8192xf32, #tpu.memory_space<hbm>>
        %dma_wait3A_14 = tpu.memref_squeeze %dma_wait3A_13 : memref<1x8192xf32, #tpu.memory_space<hbm>> -> memref<8192xf32, #tpu.memory_space<hbm>>
        %dma_wait3A_15 = arith.constant 0 : i32
        %dma_wait3A_16 = tpu.memref_slice %arg5[%add3A, %dma_wait3A_15] : memref<20x8192xf32, #tpu.memory_space<hbm>> -> memref<1x8192xf32, #tpu.memory_space<hbm>>
        %dma_wait3A_17 = tpu.memref_squeeze %dma_wait3A_16 : memref<1x8192xf32, #tpu.memory_space<hbm>> -> memref<8192xf32, #tpu.memory_space<hbm>>
        tpu.wait_dma2 semaphore(%run_scoped3A : memref<!tpu.dma_semaphore, #tpu.memory_space<semaphore_mem>>) src(%arg9 : memref<8192xf32, #tpu.memory_space<vmem>>) dst(%dma_wait3A_17 : memref<8192xf32, #tpu.memory_space<hbm>>)
        tpu.yield
      }) : () -> ()
    } else {
    }
    return
  }
}

#map = affine_map<(d0, d1) -> (0, 0)>
#map1 = affine_map<(d0, d1) -> (0, 0, 0)>
module attributes {stable_mosaic.version = 14 : i64} {
  func.func @sc_compact(%arg0: i32, %arg1: i32, %arg2: memref<20x5120xi32, #tpu.memory_space<hbm>>, %arg3: memref<20x5x5120xf32, #tpu.memory_space<hbm>>, %arg4: memref<20x128xi32, #tpu.memory_space<hbm>>, %arg5: memref<20x1024xi32, #tpu.memory_space<hbm>>, %arg6: memref<20x5120xf32, #tpu.memory_space<hbm>>, %arg7: memref<5120xi32, #tpu.memory_space<vmem>>, %arg8: memref<5x5120xf32, #tpu.memory_space<vmem>>, %arg9: memref<128xi32, #tpu.memory_space<vmem>>, %arg10: memref<1024xi32, #tpu.memory_space<vmem>>, %arg11: memref<5120xf32, #tpu.memory_space<vmem>>) attributes {dimension_semantics = [#tpu.dimension_semantics<core_parallel>, #tpu.dimension_semantics<subcore_parallel>], iteration_bounds = array<i64: 2, 16>, scalar_prefetch = 0 : i64, scratch_operands = 5 : i64, tpu.core_type = #tpu.core_type<sc_vector_subcore>, window_params = [{transform_indices = #map}, {transform_indices = #map1}, {transform_indices = #map}, {transform_indices = #map}, {transform_indices = #map}]} {
    %mul3A = arith.constant 2 : i32
    %mul3A_0 = arith.muli %arg1, %mul3A : i32
    %add3A = arith.addi %mul3A_0, %arg0 : i32
    %lt3A = arith.constant 20 : i32
    %lt3A_1 = arith.cmpi slt, %add3A, %lt3A : i32
    %convert_element_type3A = arith.extui %lt3A_1 : i1 to i32
    %cond3A = arith.constant 0 : i32
    %cond3A_2 = arith.cmpi ne, %convert_element_type3A, %cond3A : i32
    scf.if %cond3A_2 {
      "tpu.region"() ({
        %run_scoped3A = tpu.sem_alloc : memref<!tpu.dma_semaphore, #tpu.memory_space<semaphore_mem>>
        %dma_start3A = arith.constant 0 : i32
        %dma_start3A_14 = tpu.memref_slice %arg2[%add3A, %dma_start3A] : memref<20x5120xi32, #tpu.memory_space<hbm>> -> memref<1x5120xi32, #tpu.memory_space<hbm>>
        %dma_start3A_15 = tpu.memref_squeeze %dma_start3A_14 : memref<1x5120xi32, #tpu.memory_space<hbm>> -> memref<5120xi32, #tpu.memory_space<hbm>>
        %dma_start3A_16 = arith.constant 0 : i32
        %dma_start3A_17 = tpu.memref_slice %arg2[%add3A, %dma_start3A_16] : memref<20x5120xi32, #tpu.memory_space<hbm>> -> memref<1x5120xi32, #tpu.memory_space<hbm>>
        %dma_start3A_18 = tpu.memref_squeeze %dma_start3A_17 : memref<1x5120xi32, #tpu.memory_space<hbm>> -> memref<5120xi32, #tpu.memory_space<hbm>>
        tpu.enqueue_dma source(%dma_start3A_18 : memref<5120xi32, #tpu.memory_space<hbm>>) target(%arg7 : memref<5120xi32, #tpu.memory_space<vmem>>) target_semaphore(%run_scoped3A : memref<!tpu.dma_semaphore, #tpu.memory_space<semaphore_mem>>)
        %dma_wait3A = arith.constant 0 : i32
        %dma_wait3A_19 = tpu.memref_slice %arg2[%add3A, %dma_wait3A] : memref<20x5120xi32, #tpu.memory_space<hbm>> -> memref<1x5120xi32, #tpu.memory_space<hbm>>
        %dma_wait3A_20 = tpu.memref_squeeze %dma_wait3A_19 : memref<1x5120xi32, #tpu.memory_space<hbm>> -> memref<5120xi32, #tpu.memory_space<hbm>>
        %dma_wait3A_21 = arith.constant 0 : i32
        %dma_wait3A_22 = tpu.memref_slice %arg2[%add3A, %dma_wait3A_21] : memref<20x5120xi32, #tpu.memory_space<hbm>> -> memref<1x5120xi32, #tpu.memory_space<hbm>>
        %dma_wait3A_23 = tpu.memref_squeeze %dma_wait3A_22 : memref<1x5120xi32, #tpu.memory_space<hbm>> -> memref<5120xi32, #tpu.memory_space<hbm>>
        tpu.wait_dma2 semaphore(%run_scoped3A : memref<!tpu.dma_semaphore, #tpu.memory_space<semaphore_mem>>) src(%dma_wait3A_23 : memref<5120xi32, #tpu.memory_space<hbm>>) dst(%arg7 : memref<5120xi32, #tpu.memory_space<vmem>>)
        tpu.yield
      }) : () -> ()
      "tpu.region"() ({
        %run_scoped3A = tpu.sem_alloc : memref<!tpu.dma_semaphore, #tpu.memory_space<semaphore_mem>>
        %dma_start3A = arith.constant 0 : i32
        %dma_start3A_14 = arith.constant 0 : i32
        %dma_start3A_15 = tpu.memref_slice %arg3[%add3A, %dma_start3A, %dma_start3A_14] : memref<20x5x5120xf32, #tpu.memory_space<hbm>> -> memref<1x5x5120xf32, #tpu.memory_space<hbm>>
        %dma_start3A_16 = tpu.memref_squeeze %dma_start3A_15 : memref<1x5x5120xf32, #tpu.memory_space<hbm>> -> memref<5x5120xf32, #tpu.memory_space<hbm>>
        %dma_start3A_17 = arith.constant 0 : i32
        %dma_start3A_18 = arith.constant 0 : i32
        %dma_start3A_19 = tpu.memref_slice %arg3[%add3A, %dma_start3A_17, %dma_start3A_18] : memref<20x5x5120xf32, #tpu.memory_space<hbm>> -> memref<1x5x5120xf32, #tpu.memory_space<hbm>>
        %dma_start3A_20 = tpu.memref_squeeze %dma_start3A_19 : memref<1x5x5120xf32, #tpu.memory_space<hbm>> -> memref<5x5120xf32, #tpu.memory_space<hbm>>
        tpu.enqueue_dma source(%dma_start3A_20 : memref<5x5120xf32, #tpu.memory_space<hbm>>) target(%arg8 : memref<5x5120xf32, #tpu.memory_space<vmem>>) target_semaphore(%run_scoped3A : memref<!tpu.dma_semaphore, #tpu.memory_space<semaphore_mem>>)
        %dma_wait3A = arith.constant 0 : i32
        %dma_wait3A_21 = arith.constant 0 : i32
        %dma_wait3A_22 = tpu.memref_slice %arg3[%add3A, %dma_wait3A, %dma_wait3A_21] : memref<20x5x5120xf32, #tpu.memory_space<hbm>> -> memref<1x5x5120xf32, #tpu.memory_space<hbm>>
        %dma_wait3A_23 = tpu.memref_squeeze %dma_wait3A_22 : memref<1x5x5120xf32, #tpu.memory_space<hbm>> -> memref<5x5120xf32, #tpu.memory_space<hbm>>
        %dma_wait3A_24 = arith.constant 0 : i32
        %dma_wait3A_25 = arith.constant 0 : i32
        %dma_wait3A_26 = tpu.memref_slice %arg3[%add3A, %dma_wait3A_24, %dma_wait3A_25] : memref<20x5x5120xf32, #tpu.memory_space<hbm>> -> memref<1x5x5120xf32, #tpu.memory_space<hbm>>
        %dma_wait3A_27 = tpu.memref_squeeze %dma_wait3A_26 : memref<1x5x5120xf32, #tpu.memory_space<hbm>> -> memref<5x5120xf32, #tpu.memory_space<hbm>>
        tpu.wait_dma2 semaphore(%run_scoped3A : memref<!tpu.dma_semaphore, #tpu.memory_space<semaphore_mem>>) src(%dma_wait3A_27 : memref<5x5120xf32, #tpu.memory_space<hbm>>) dst(%arg8 : memref<5x5120xf32, #tpu.memory_space<vmem>>)
        tpu.yield
      }) : () -> ()
      "tpu.region"() ({
        %run_scoped3A = tpu.sem_alloc : memref<!tpu.dma_semaphore, #tpu.memory_space<semaphore_mem>>
        %dma_start3A = arith.constant 0 : i32
        %dma_start3A_14 = tpu.memref_slice %arg4[%add3A, %dma_start3A] : memref<20x128xi32, #tpu.memory_space<hbm>> -> memref<1x128xi32, #tpu.memory_space<hbm>>
        %dma_start3A_15 = tpu.memref_squeeze %dma_start3A_14 : memref<1x128xi32, #tpu.memory_space<hbm>> -> memref<128xi32, #tpu.memory_space<hbm>>
        %dma_start3A_16 = arith.constant 0 : i32
        %dma_start3A_17 = tpu.memref_slice %arg4[%add3A, %dma_start3A_16] : memref<20x128xi32, #tpu.memory_space<hbm>> -> memref<1x128xi32, #tpu.memory_space<hbm>>
        %dma_start3A_18 = tpu.memref_squeeze %dma_start3A_17 : memref<1x128xi32, #tpu.memory_space<hbm>> -> memref<128xi32, #tpu.memory_space<hbm>>
        tpu.enqueue_dma source(%dma_start3A_18 : memref<128xi32, #tpu.memory_space<hbm>>) target(%arg9 : memref<128xi32, #tpu.memory_space<vmem>>) target_semaphore(%run_scoped3A : memref<!tpu.dma_semaphore, #tpu.memory_space<semaphore_mem>>)
        %dma_wait3A = arith.constant 0 : i32
        %dma_wait3A_19 = tpu.memref_slice %arg4[%add3A, %dma_wait3A] : memref<20x128xi32, #tpu.memory_space<hbm>> -> memref<1x128xi32, #tpu.memory_space<hbm>>
        %dma_wait3A_20 = tpu.memref_squeeze %dma_wait3A_19 : memref<1x128xi32, #tpu.memory_space<hbm>> -> memref<128xi32, #tpu.memory_space<hbm>>
        %dma_wait3A_21 = arith.constant 0 : i32
        %dma_wait3A_22 = tpu.memref_slice %arg4[%add3A, %dma_wait3A_21] : memref<20x128xi32, #tpu.memory_space<hbm>> -> memref<1x128xi32, #tpu.memory_space<hbm>>
        %dma_wait3A_23 = tpu.memref_squeeze %dma_wait3A_22 : memref<1x128xi32, #tpu.memory_space<hbm>> -> memref<128xi32, #tpu.memory_space<hbm>>
        tpu.wait_dma2 semaphore(%run_scoped3A : memref<!tpu.dma_semaphore, #tpu.memory_space<semaphore_mem>>) src(%dma_wait3A_23 : memref<128xi32, #tpu.memory_space<hbm>>) dst(%arg9 : memref<128xi32, #tpu.memory_space<vmem>>)
        tpu.yield
      }) : () -> ()
      %get3A = arith.constant 0 : index
      %get3A_3 = tpu.vector_load %arg9[%get3A] {strides = array<i32>} : memref<128xi32, #tpu.memory_space<vmem>>, vector<16xi32>,
      %get3A_4 = arith.constant 16 : index
      %get3A_5 = tpu.vector_load %arg9[%get3A_4] {strides = array<i32>} : memref<128xi32, #tpu.memory_space<vmem>>, vector<16xi32>,
      %broadcast_in_dim3A = arith.constant 0 : i32
      %broadcast_in_dim3A_6 = vector.broadcast %broadcast_in_dim3A : i32 to vector<16xi32>
      %broadcast_in_dim3A_7 = arith.constant 0 : i32
      %broadcast_in_dim3A_8 = vector.broadcast %broadcast_in_dim3A_7 : i32 to vector<16xi32>
      %scan3A = arith.constant 0 : i32
      %scan3A_9 = arith.constant 320 : i32
      %scan3A_10 = arith.addi %scan3A, %scan3A_9 : i32
      %scan3A_11 = arith.constant 1 : i32
      %scan3A_12:2 = scf.for %scan3A_14 = %scan3A to %scan3A_10 step %scan3A_11 iter_args(%scan3A_15 = %broadcast_in_dim3A_6, %scan3A_16 = %broadcast_in_dim3A_8) -> (vector<16xi32>, vector<16xi32>)  : i32 {
        %mul3A_17 = arith.constant 16 : i32
        %mul3A_18 = arith.muli %scan3A_14, %mul3A_17 : i32
        %get3A_19 = arith.index_cast %mul3A_18 : i32 to index
        %get3A_20 = tpu.vector_load %arg7[%get3A_19] {strides = array<i32>} : memref<5120xi32, #tpu.memory_space<vmem>>, vector<16xi32>,
        %gt3A = arith.cmpi sgt, %get3A_20, %get3A_3 : vector<16xi32>
        %eq3A = arith.cmpi eq, %get3A_20, %get3A_3 : vector<16xi32>
        %convert_element_type3A_21 = arith.extui %eq3A : vector<16xi1> to vector<16xi32>
        %broadcast_in_dim3A_22 = arith.constant true
        %broadcast_in_dim3A_23 = vector.broadcast %broadcast_in_dim3A_22 : i1 to vector<16xi1>
        %masked_cumsum3A = tpu.scan <sum>, %convert_element_type3A_21 masked %broadcast_in_dim3A_23 : vector<16xi32>, vector<16xi1> -> vector<16xi32>
        %add3A_24 = arith.addi %scan3A_16, %masked_cumsum3A : vector<16xi32>
        %le3A = arith.cmpi sle, %add3A_24, %get3A_5 : vector<16xi32>
        %and3A = arith.andi %eq3A, %le3A : vector<16xi1>
        %or3A = arith.ori %gt3A, %and3A : vector<16xi1>
        %convert_element_type3A_25 = arith.extui %or3A : vector<16xi1> to vector<16xi32>
        %broadcast_in_dim3A_26 = arith.constant true
        %broadcast_in_dim3A_27 = vector.broadcast %broadcast_in_dim3A_26 : i1 to vector<16xi1>
        %masked_cumsum3A_28 = tpu.scan <sum>, %convert_element_type3A_25 masked %broadcast_in_dim3A_27 : vector<16xi32>, vector<16xi1> -> vector<16xi32>
        %add3A_29 = arith.addi %scan3A_15, %masked_cumsum3A_28 : vector<16xi32>
        %sub3A = arith.constant 1 : i32
        %sub3A_30 = vector.broadcast %sub3A : i32 to vector<16xi32>
        %sub3A_31 = arith.subi %add3A_29, %sub3A_30 : vector<16xi32>
        %min3A = arith.constant 1023 : i32
        %min3A_32 = vector.broadcast %min3A : i32 to vector<16xi32>
        %min3A_33 = arith.minsi %sub3A_31, %min3A_32 : vector<16xi32>
        tpu.vector_store_idx %arg10[%min3A_33], %get3A_20 masked %or3A : memref<1024xi32, #tpu.memory_space<vmem>>[vector<16xi32>], vector<16xi32>, vector<16xi1>
        %mul3A_34 = arith.constant 16 : i32
        %mul3A_35 = arith.muli %scan3A_14, %mul3A_34 : i32
        %get3A_36 = arith.constant 0 : i32
        %get3A_37 = arith.index_cast %get3A_36 : i32 to index
        %get3A_38 = arith.index_cast %mul3A_35 : i32 to index
        %get3A_39 = tpu.vector_load %arg8[%get3A_37, %get3A_38] {strides = array<i32>} : memref<5x5120xf32, #tpu.memory_space<vmem>>, vector<16xf32>,
        %add3A_40 = arith.constant 0 : i32
        %add3A_41 = vector.broadcast %add3A_40 : i32 to vector<16xi32>
        %add3A_42 = arith.addi %min3A_33, %add3A_41 : vector<16xi32>
        tpu.vector_store_idx %arg11[%add3A_42], %get3A_39 masked %or3A : memref<5120xf32, #tpu.memory_space<vmem>>[vector<16xi32>], vector<16xf32>, vector<16xi1>
        %mul3A_43 = arith.constant 16 : i32
        %mul3A_44 = arith.muli %scan3A_14, %mul3A_43 : i32
        %get3A_45 = arith.constant 1 : i32
        %get3A_46 = arith.index_cast %get3A_45 : i32 to index
        %get3A_47 = arith.index_cast %mul3A_44 : i32 to index
        %get3A_48 = tpu.vector_load %arg8[%get3A_46, %get3A_47] {strides = array<i32>} : memref<5x5120xf32, #tpu.memory_space<vmem>>, vector<16xf32>,
        %add3A_49 = arith.constant 1024 : i32
        %add3A_50 = vector.broadcast %add3A_49 : i32 to vector<16xi32>
        %add3A_51 = arith.addi %min3A_33, %add3A_50 : vector<16xi32>
        tpu.vector_store_idx %arg11[%add3A_51], %get3A_48 masked %or3A : memref<5120xf32, #tpu.memory_space<vmem>>[vector<16xi32>], vector<16xf32>, vector<16xi1>
        %mul3A_52 = arith.constant 16 : i32
        %mul3A_53 = arith.muli %scan3A_14, %mul3A_52 : i32
        %get3A_54 = arith.constant 2 : i32
        %get3A_55 = arith.index_cast %get3A_54 : i32 to index
        %get3A_56 = arith.index_cast %mul3A_53 : i32 to index
        %get3A_57 = tpu.vector_load %arg8[%get3A_55, %get3A_56] {strides = array<i32>} : memref<5x5120xf32, #tpu.memory_space<vmem>>, vector<16xf32>,
        %add3A_58 = arith.constant 2048 : i32
        %add3A_59 = vector.broadcast %add3A_58 : i32 to vector<16xi32>
        %add3A_60 = arith.addi %min3A_33, %add3A_59 : vector<16xi32>
        tpu.vector_store_idx %arg11[%add3A_60], %get3A_57 masked %or3A : memref<5120xf32, #tpu.memory_space<vmem>>[vector<16xi32>], vector<16xf32>, vector<16xi1>
        %mul3A_61 = arith.constant 16 : i32
        %mul3A_62 = arith.muli %scan3A_14, %mul3A_61 : i32
        %get3A_63 = arith.constant 3 : i32
        %get3A_64 = arith.index_cast %get3A_63 : i32 to index
        %get3A_65 = arith.index_cast %mul3A_62 : i32 to index
        %get3A_66 = tpu.vector_load %arg8[%get3A_64, %get3A_65] {strides = array<i32>} : memref<5x5120xf32, #tpu.memory_space<vmem>>, vector<16xf32>,
        %add3A_67 = arith.constant 3072 : i32
        %add3A_68 = vector.broadcast %add3A_67 : i32 to vector<16xi32>
        %add3A_69 = arith.addi %min3A_33, %add3A_68 : vector<16xi32>
        tpu.vector_store_idx %arg11[%add3A_69], %get3A_66 masked %or3A : memref<5120xf32, #tpu.memory_space<vmem>>[vector<16xi32>], vector<16xf32>, vector<16xi1>
        %mul3A_70 = arith.constant 16 : i32
        %mul3A_71 = arith.muli %scan3A_14, %mul3A_70 : i32
        %get3A_72 = arith.constant 4 : i32
        %get3A_73 = arith.index_cast %get3A_72 : i32 to index
        %get3A_74 = arith.index_cast %mul3A_71 : i32 to index
        %get3A_75 = tpu.vector_load %arg8[%get3A_73, %get3A_74] {strides = array<i32>} : memref<5x5120xf32, #tpu.memory_space<vmem>>, vector<16xf32>,
        %add3A_76 = arith.constant 4096 : i32
        %add3A_77 = vector.broadcast %add3A_76 : i32 to vector<16xi32>
        %add3A_78 = arith.addi %min3A_33, %add3A_77 : vector<16xi32>
        tpu.vector_store_idx %arg11[%add3A_78], %get3A_75 masked %or3A : memref<5120xf32, #tpu.memory_space<vmem>>[vector<16xi32>], vector<16xf32>, vector<16xi1>
        %all_reduce_population_count3A = tpu.all_reduce %or3A {dim = 0 : i64, kind = #tpu.reduction_kind<sum>} : vector<16xi1> -> vector<16xi32>
        %add3A_79 = arith.addi %scan3A_15, %all_reduce_population_count3A : vector<16xi32>
        %all_reduce_population_count3A_80 = tpu.all_reduce %and3A {dim = 0 : i64, kind = #tpu.reduction_kind<sum>} : vector<16xi1> -> vector<16xi32>
        %add3A_81 = arith.addi %scan3A_16, %all_reduce_population_count3A_80 : vector<16xi32>
        scf.yield %add3A_79, %add3A_81 : vector<16xi32>, vector<16xi32>
      }
      %scan3A_13 = arith.constant 320 : i32
      "tpu.region"() ({
        %run_scoped3A = tpu.sem_alloc : memref<!tpu.dma_semaphore, #tpu.memory_space<semaphore_mem>>
        %dma_start3A = arith.constant 0 : i32
        %dma_start3A_14 = tpu.memref_slice %arg5[%add3A, %dma_start3A] : memref<20x1024xi32, #tpu.memory_space<hbm>> -> memref<1x1024xi32, #tpu.memory_space<hbm>>
        %dma_start3A_15 = tpu.memref_squeeze %dma_start3A_14 : memref<1x1024xi32, #tpu.memory_space<hbm>> -> memref<1024xi32, #tpu.memory_space<hbm>>
        %dma_start3A_16 = arith.constant 0 : i32
        %dma_start3A_17 = tpu.memref_slice %arg5[%add3A, %dma_start3A_16] : memref<20x1024xi32, #tpu.memory_space<hbm>> -> memref<1x1024xi32, #tpu.memory_space<hbm>>
        %dma_start3A_18 = tpu.memref_squeeze %dma_start3A_17 : memref<1x1024xi32, #tpu.memory_space<hbm>> -> memref<1024xi32, #tpu.memory_space<hbm>>
        tpu.enqueue_dma source(%arg10 : memref<1024xi32, #tpu.memory_space<vmem>>) target(%dma_start3A_18 : memref<1024xi32, #tpu.memory_space<hbm>>) target_semaphore(%run_scoped3A : memref<!tpu.dma_semaphore, #tpu.memory_space<semaphore_mem>>)
        %dma_wait3A = arith.constant 0 : i32
        %dma_wait3A_19 = tpu.memref_slice %arg5[%add3A, %dma_wait3A] : memref<20x1024xi32, #tpu.memory_space<hbm>> -> memref<1x1024xi32, #tpu.memory_space<hbm>>
        %dma_wait3A_20 = tpu.memref_squeeze %dma_wait3A_19 : memref<1x1024xi32, #tpu.memory_space<hbm>> -> memref<1024xi32, #tpu.memory_space<hbm>>
        %dma_wait3A_21 = arith.constant 0 : i32
        %dma_wait3A_22 = tpu.memref_slice %arg5[%add3A, %dma_wait3A_21] : memref<20x1024xi32, #tpu.memory_space<hbm>> -> memref<1x1024xi32, #tpu.memory_space<hbm>>
        %dma_wait3A_23 = tpu.memref_squeeze %dma_wait3A_22 : memref<1x1024xi32, #tpu.memory_space<hbm>> -> memref<1024xi32, #tpu.memory_space<hbm>>
        tpu.wait_dma2 semaphore(%run_scoped3A : memref<!tpu.dma_semaphore, #tpu.memory_space<semaphore_mem>>) src(%arg10 : memref<1024xi32, #tpu.memory_space<vmem>>) dst(%dma_wait3A_23 : memref<1024xi32, #tpu.memory_space<hbm>>)
        tpu.yield
      }) : () -> ()
      "tpu.region"() ({
        %run_scoped3A = tpu.sem_alloc : memref<!tpu.dma_semaphore, #tpu.memory_space<semaphore_mem>>
        %dma_start3A = arith.constant 0 : i32
        %dma_start3A_14 = tpu.memref_slice %arg6[%add3A, %dma_start3A] : memref<20x5120xf32, #tpu.memory_space<hbm>> -> memref<1x5120xf32, #tpu.memory_space<hbm>>
        %dma_start3A_15 = tpu.memref_squeeze %dma_start3A_14 : memref<1x5120xf32, #tpu.memory_space<hbm>> -> memref<5120xf32, #tpu.memory_space<hbm>>
        %dma_start3A_16 = arith.constant 0 : i32
        %dma_start3A_17 = tpu.memref_slice %arg6[%add3A, %dma_start3A_16] : memref<20x5120xf32, #tpu.memory_space<hbm>> -> memref<1x5120xf32, #tpu.memory_space<hbm>>
        %dma_start3A_18 = tpu.memref_squeeze %dma_start3A_17 : memref<1x5120xf32, #tpu.memory_space<hbm>> -> memref<5120xf32, #tpu.memory_space<hbm>>
        tpu.enqueue_dma source(%arg11 : memref<5120xf32, #tpu.memory_space<vmem>>) target(%dma_start3A_18 : memref<5120xf32, #tpu.memory_space<hbm>>) target_semaphore(%run_scoped3A : memref<!tpu.dma_semaphore, #tpu.memory_space<semaphore_mem>>)
        %dma_wait3A = arith.constant 0 : i32
        %dma_wait3A_19 = tpu.memref_slice %arg6[%add3A, %dma_wait3A] : memref<20x5120xf32, #tpu.memory_space<hbm>> -> memref<1x5120xf32, #tpu.memory_space<hbm>>
        %dma_wait3A_20 = tpu.memref_squeeze %dma_wait3A_19 : memref<1x5120xf32, #tpu.memory_space<hbm>> -> memref<5120xf32, #tpu.memory_space<hbm>>
        %dma_wait3A_21 = arith.constant 0 : i32
        %dma_wait3A_22 = tpu.memref_slice %arg6[%add3A, %dma_wait3A_21] : memref<20x5120xf32, #tpu.memory_space<hbm>> -> memref<1x5120xf32, #tpu.memory_space<hbm>>
        %dma_wait3A_23 = tpu.memref_squeeze %dma_wait3A_22 : memref<1x5120xf32, #tpu.memory_space<hbm>> -> memref<5120xf32, #tpu.memory_space<hbm>>
        tpu.wait_dma2 semaphore(%run_scoped3A : memref<!tpu.dma_semaphore, #tpu.memory_space<semaphore_mem>>) src(%arg11 : memref<5120xf32, #tpu.memory_space<vmem>>) dst(%dma_wait3A_23 : memref<5120xf32, #tpu.memory_space<hbm>>)
        tpu.yield
      }) : () -> ()
    } else {
    }
    return
  }
}

module attributes {stable_mosaic.version = 14 : i64} {
  func.func @_select_body(%arg0: i32, %arg1: memref<1x1x5120xi32, #tpu.memory_space<vmem>>, %arg2: memref<1x1x128xi32, #tpu.memory_space<vmem>>) attributes {dimension_semantics = [#tpu.dimension_semantics<arbitrary>], iteration_bounds = array<i64: 20>, scalar_prefetch = 0 : i64, scratch_operands = 0 : i64, tpu.core_type = #tpu.core_type<tc>, window_params = [{transform_indices = @transform_0, window_bounds = array<i64: 1, 1, 5120>}, {transform_indices = @transform_1, window_bounds = array<i64: 1, 1, 128>}]} {
    %iota3A = tpu.iota {dimensions = array<i32: 0>} : vector<128x128xi32>
    %broadcast_in_dim3A = arith.constant 0 : i32
    %broadcast_in_dim3A_0 = vector.broadcast %broadcast_in_dim3A : i32 to vector<128x128xi32>
    %scan3A = arith.constant 0 : i32
    %scan3A_1 = arith.constant 40 : i32
    %scan3A_2 = arith.addi %scan3A, %scan3A_1 : i32
    %scan3A_3 = arith.constant 1 : i32
    %scan3A_4 = scf.for %scan3A_250 = %scan3A to %scan3A_2 step %scan3A_3 iter_args(%scan3A_251 = %broadcast_in_dim3A_0) -> (vector<128x128xi32>)  : i32 {
      %mul3A_252 = arith.constant 128 : i32
      %mul3A_253 = arith.muli %scan3A_250, %mul3A_252 : i32
      %get3A = arith.constant 0 : index
      %get3A_254 = arith.constant 0 : index
      %get3A_255 = arith.index_cast %mul3A_253 : i32 to index
      %get3A_256 = vector.load %arg1[%get3A, %get3A_254, %get3A_255] : memref<1x1x5120xi32, #tpu.memory_space<vmem>>, vector<1x1x128xi32>
      %get3A_257 = vector.shape_cast %get3A_256 : vector<1x1x128xi32> to vector<128xi32>
      %reshape3A_258 = vector.shape_cast %get3A_257 : vector<128xi32> to vector<1x128xi32>
      %shift_right_logical3A = arith.constant 25 : i32
      %shift_right_logical3A_259 = vector.broadcast %shift_right_logical3A : i32 to vector<1x128xi32>
      %shift_right_logical3A_260 = arith.shrui %reshape3A_258, %shift_right_logical3A_259 : vector<1x128xi32>
      %and3A_261 = arith.constant 127 : i32
      %and3A_262 = vector.broadcast %and3A_261 : i32 to vector<1x128xi32>
      %and3A_263 = arith.andi %shift_right_logical3A_260, %and3A_262 : vector<1x128xi32>
      %eq3A_264 = vector.broadcast %and3A_263 : vector<1x128xi32> to vector<128x128xi32>
      %eq3A_265 = arith.cmpi eq, %eq3A_264, %iota3A : vector<128x128xi32>
      %convert_element_type3A_266 = arith.extui %eq3A_265 : vector<128x128xi1> to vector<128x128xi32>
      %add3A_267 = arith.addi %scan3A_251, %convert_element_type3A_266 : vector<128x128xi32>
      scf.yield %add3A_267 : vector<128x128xi32>
    }
    %scan3A_5 = arith.constant 40 : i32
    %reduce_sum3A = arith.constant dense<0> : vector<128xi32>
    %reduce_sum3A_6 = vector.multi_reduction <add>, %scan3A_4, %reduce_sum3A [1] : vector<128x128xi32> to vector<128xi32>
    %reshape3A = vector.shape_cast %reduce_sum3A_6 : vector<128xi32> to vector<128x1xi32>
    %iota3A_7 = tpu.iota {dimensions = array<i32: 0>} : vector<128x128xi32>
    %iota3A_8 = tpu.iota {dimensions = array<i32: 1>} : vector<128x128xi32>
    %gt3A = arith.cmpi sgt, %iota3A_8, %iota3A_7 : vector<128x128xi32>
    %reshape3A_9 = vector.shape_cast %reshape3A : vector<128x1xi32> to vector<1x128xi32>
    %jit3A = arith.constant 0 : i32
    %broadcast_in_dim3A_10 = vector.shape_cast %reshape3A_9 : vector<1x128xi32> to vector<1x128xi32>
    %broadcast_in_dim3A_11 = vector.broadcast %broadcast_in_dim3A_10 : vector<1x128xi32> to vector<128x128xi32>
    %broadcast_in_dim3A_12 = vector.broadcast %jit3A : i32 to vector<128x128xi32>
    %select_n3A = arith.select %gt3A, %broadcast_in_dim3A_11, %broadcast_in_dim3A_12 : vector<128x128xi1>, vector<128x128xi32>
    %reduce_sum3A_13 = arith.constant dense<0> : vector<128xi32>
    %reduce_sum3A_14 = vector.multi_reduction <add>, %select_n3A, %reduce_sum3A_13 [1] : vector<128x128xi32> to vector<128xi32>
    %reshape3A_15 = vector.shape_cast %reduce_sum3A_14 : vector<128xi32> to vector<128x1xi32>
    %lt3A = arith.constant 1024 : i32
    %lt3A_16 = vector.broadcast %lt3A : i32 to vector<128x1xi32>
    %lt3A_17 = arith.cmpi slt, %reshape3A_15, %lt3A_16 : vector<128x1xi32>
    %add3A = arith.addi %reshape3A_15, %reshape3A : vector<128x1xi32>
    %ge3A = arith.constant 1024 : i32
    %ge3A_18 = vector.broadcast %ge3A : i32 to vector<128x1xi32>
    %ge3A_19 = arith.cmpi sge, %add3A, %ge3A_18 : vector<128x1xi32>
    %and3A = arith.andi %lt3A_17, %ge3A_19 : vector<128x1xi1>
    %convert_element_type3A = arith.extui %and3A : vector<128x1xi1> to vector<128x1xi32>
    %iota3A_20 = tpu.iota {dimensions = array<i32: 0>} : vector<128x1xi32>
    %mul3A = arith.muli %iota3A_20, %convert_element_type3A : vector<128x1xi32>
    %reduce_sum3A_21 = vector.shape_cast %mul3A : vector<128x1xi32> to vector<1x128x1xi32>
    %reduce_sum3A_22 = arith.constant dense<0> : vector<1xi32>
    %reduce_sum3A_23 = vector.multi_reduction <add>, %reduce_sum3A_21, %reduce_sum3A_22 [1, 2] : vector<1x128x1xi32> to vector<1xi32>
    %reduce_sum3A_24 = vector.shape_cast %reduce_sum3A_23 : vector<1xi32> to vector<1x1x1xi32>
    %reduce_sum3A_25 = vector.extract %reduce_sum3A_24[0, 0, 0] : i32 from vector<1x1x1xi32>
    %mul3A_26 = arith.muli %reshape3A_15, %convert_element_type3A : vector<128x1xi32>
    %reduce_sum3A_27 = vector.shape_cast %mul3A_26 : vector<128x1xi32> to vector<1x128x1xi32>
    %reduce_sum3A_28 = arith.constant dense<0> : vector<1xi32>
    %reduce_sum3A_29 = vector.multi_reduction <add>, %reduce_sum3A_27, %reduce_sum3A_28 [1, 2] : vector<1x128x1xi32> to vector<1xi32>
    %reduce_sum3A_30 = vector.shape_cast %reduce_sum3A_29 : vector<1xi32> to vector<1x1x1xi32>
    %reduce_sum3A_31 = vector.extract %reduce_sum3A_30[0, 0, 0] : i32 from vector<1x1x1xi32>
    %sub3A = arith.constant 1024 : i32
    %sub3A_32 = arith.subi %sub3A, %reduce_sum3A_31 : i32
    %add3A_33 = arith.constant 0 : i32
    %add3A_34 = arith.addi %add3A_33, %reduce_sum3A_31 : i32
    %shift_left3A = arith.constant 0 : i32
    %shift_left3A_35 = arith.constant 7 : i32
    %shift_left3A_36 = arith.shli %shift_left3A, %shift_left3A_35 : i32
    %or3A = arith.ori %shift_left3A_36, %reduce_sum3A_25 : i32
    %iota3A_37 = tpu.iota {dimensions = array<i32: 0>} : vector<128x128xi32>
    %broadcast_in_dim3A_38 = arith.constant 0 : i32
    %broadcast_in_dim3A_39 = vector.broadcast %broadcast_in_dim3A_38 : i32 to vector<128x128xi32>
    %scan3A_40 = arith.constant 0 : i32
    %scan3A_41 = arith.constant 40 : i32
    %scan3A_42 = arith.addi %scan3A_40, %scan3A_41 : i32
    %scan3A_43 = arith.constant 1 : i32
    %scan3A_44 = scf.for %scan3A_250 = %scan3A_40 to %scan3A_42 step %scan3A_43 iter_args(%scan3A_251 = %broadcast_in_dim3A_39) -> (vector<128x128xi32>)  : i32 {
      %mul3A_252 = arith.constant 128 : i32
      %mul3A_253 = arith.muli %scan3A_250, %mul3A_252 : i32
      %get3A = arith.constant 0 : index
      %get3A_254 = arith.constant 0 : index
      %get3A_255 = arith.index_cast %mul3A_253 : i32 to index
      %get3A_256 = vector.load %arg1[%get3A, %get3A_254, %get3A_255] : memref<1x1x5120xi32, #tpu.memory_space<vmem>>, vector<1x1x128xi32>
      %get3A_257 = vector.shape_cast %get3A_256 : vector<1x1x128xi32> to vector<128xi32>
      %reshape3A_258 = vector.shape_cast %get3A_257 : vector<128xi32> to vector<1x128xi32>
      %shift_right_logical3A = arith.constant 18 : i32
      %shift_right_logical3A_259 = vector.broadcast %shift_right_logical3A : i32 to vector<1x128xi32>
      %shift_right_logical3A_260 = arith.shrui %reshape3A_258, %shift_right_logical3A_259 : vector<1x128xi32>
      %and3A_261 = arith.constant 127 : i32
      %and3A_262 = vector.broadcast %and3A_261 : i32 to vector<1x128xi32>
      %and3A_263 = arith.andi %shift_right_logical3A_260, %and3A_262 : vector<1x128xi32>
      %eq3A_264 = vector.broadcast %and3A_263 : vector<1x128xi32> to vector<128x128xi32>
      %eq3A_265 = arith.cmpi eq, %eq3A_264, %iota3A_37 : vector<128x128xi32>
      %shift_right_logical3A_266 = arith.constant 25 : i32
      %shift_right_logical3A_267 = vector.broadcast %shift_right_logical3A_266 : i32 to vector<1x128xi32>
      %shift_right_logical3A_268 = arith.shrui %reshape3A_258, %shift_right_logical3A_267 : vector<1x128xi32>
      %eq3A_269 = vector.broadcast %or3A : i32 to vector<1x128xi32>
      %eq3A_270 = arith.cmpi eq, %shift_right_logical3A_268, %eq3A_269 : vector<1x128xi32>
      %and3A_271 = vector.broadcast %eq3A_270 : vector<1x128xi1> to vector<128x128xi1>
      %and3A_272 = arith.andi %eq3A_265, %and3A_271 : vector<128x128xi1>
      %convert_element_type3A_273 = arith.extui %and3A_272 : vector<128x128xi1> to vector<128x128xi32>
      %add3A_274 = arith.addi %scan3A_251, %convert_element_type3A_273 : vector<128x128xi32>
      scf.yield %add3A_274 : vector<128x128xi32>
    }
    %scan3A_45 = arith.constant 40 : i32
    %reduce_sum3A_46 = arith.constant dense<0> : vector<128xi32>
    %reduce_sum3A_47 = vector.multi_reduction <add>, %scan3A_44, %reduce_sum3A_46 [1] : vector<128x128xi32> to vector<128xi32>
    %reshape3A_48 = vector.shape_cast %reduce_sum3A_47 : vector<128xi32> to vector<128x1xi32>
    %iota3A_49 = tpu.iota {dimensions = array<i32: 0>} : vector<128x128xi32>
    %iota3A_50 = tpu.iota {dimensions = array<i32: 1>} : vector<128x128xi32>
    %gt3A_51 = arith.cmpi sgt, %iota3A_50, %iota3A_49 : vector<128x128xi32>
    %reshape3A_52 = vector.shape_cast %reshape3A_48 : vector<128x1xi32> to vector<1x128xi32>
    %jit3A_53 = arith.constant 0 : i32
    %broadcast_in_dim3A_54 = vector.shape_cast %reshape3A_52 : vector<1x128xi32> to vector<1x128xi32>
    %broadcast_in_dim3A_55 = vector.broadcast %broadcast_in_dim3A_54 : vector<1x128xi32> to vector<128x128xi32>
    %broadcast_in_dim3A_56 = vector.broadcast %jit3A_53 : i32 to vector<128x128xi32>
    %select_n3A_57 = arith.select %gt3A_51, %broadcast_in_dim3A_55, %broadcast_in_dim3A_56 : vector<128x128xi1>, vector<128x128xi32>
    %reduce_sum3A_58 = arith.constant dense<0> : vector<128xi32>
    %reduce_sum3A_59 = vector.multi_reduction <add>, %select_n3A_57, %reduce_sum3A_58 [1] : vector<128x128xi32> to vector<128xi32>
    %reshape3A_60 = vector.shape_cast %reduce_sum3A_59 : vector<128xi32> to vector<128x1xi32>
    %lt3A_61 = vector.broadcast %sub3A_32 : i32 to vector<128x1xi32>
    %lt3A_62 = arith.cmpi slt, %reshape3A_60, %lt3A_61 : vector<128x1xi32>
    %add3A_63 = arith.addi %reshape3A_60, %reshape3A_48 : vector<128x1xi32>
    %ge3A_64 = vector.broadcast %sub3A_32 : i32 to vector<128x1xi32>
    %ge3A_65 = arith.cmpi sge, %add3A_63, %ge3A_64 : vector<128x1xi32>
    %and3A_66 = arith.andi %lt3A_62, %ge3A_65 : vector<128x1xi1>
    %convert_element_type3A_67 = arith.extui %and3A_66 : vector<128x1xi1> to vector<128x1xi32>
    %iota3A_68 = tpu.iota {dimensions = array<i32: 0>} : vector<128x1xi32>
    %mul3A_69 = arith.muli %iota3A_68, %convert_element_type3A_67 : vector<128x1xi32>
    %reduce_sum3A_70 = vector.shape_cast %mul3A_69 : vector<128x1xi32> to vector<1x128x1xi32>
    %reduce_sum3A_71 = arith.constant dense<0> : vector<1xi32>
    %reduce_sum3A_72 = vector.multi_reduction <add>, %reduce_sum3A_70, %reduce_sum3A_71 [1, 2] : vector<1x128x1xi32> to vector<1xi32>
    %reduce_sum3A_73 = vector.shape_cast %reduce_sum3A_72 : vector<1xi32> to vector<1x1x1xi32>
    %reduce_sum3A_74 = vector.extract %reduce_sum3A_73[0, 0, 0] : i32 from vector<1x1x1xi32>
    %mul3A_75 = arith.muli %reshape3A_60, %convert_element_type3A_67 : vector<128x1xi32>
    %reduce_sum3A_76 = vector.shape_cast %mul3A_75 : vector<128x1xi32> to vector<1x128x1xi32>
    %reduce_sum3A_77 = arith.constant dense<0> : vector<1xi32>
    %reduce_sum3A_78 = vector.multi_reduction <add>, %reduce_sum3A_76, %reduce_sum3A_77 [1, 2] : vector<1x128x1xi32> to vector<1xi32>
    %reduce_sum3A_79 = vector.shape_cast %reduce_sum3A_78 : vector<1xi32> to vector<1x1x1xi32>
    %reduce_sum3A_80 = vector.extract %reduce_sum3A_79[0, 0, 0] : i32 from vector<1x1x1xi32>
    %sub3A_81 = arith.subi %sub3A_32, %reduce_sum3A_80 : i32
    %add3A_82 = arith.addi %add3A_34, %reduce_sum3A_80 : i32
    %shift_left3A_83 = arith.constant 7 : i32
    %shift_left3A_84 = arith.shli %or3A, %shift_left3A_83 : i32
    %or3A_85 = arith.ori %shift_left3A_84, %reduce_sum3A_74 : i32
    %iota3A_86 = tpu.iota {dimensions = array<i32: 0>} : vector<128x128xi32>
    %broadcast_in_dim3A_87 = arith.constant 0 : i32
    %broadcast_in_dim3A_88 = vector.broadcast %broadcast_in_dim3A_87 : i32 to vector<128x128xi32>
    %scan3A_89 = arith.constant 0 : i32
    %scan3A_90 = arith.constant 40 : i32
    %scan3A_91 = arith.addi %scan3A_89, %scan3A_90 : i32
    %scan3A_92 = arith.constant 1 : i32
    %scan3A_93 = scf.for %scan3A_250 = %scan3A_89 to %scan3A_91 step %scan3A_92 iter_args(%scan3A_251 = %broadcast_in_dim3A_88) -> (vector<128x128xi32>)  : i32 {
      %mul3A_252 = arith.constant 128 : i32
      %mul3A_253 = arith.muli %scan3A_250, %mul3A_252 : i32
      %get3A = arith.constant 0 : index
      %get3A_254 = arith.constant 0 : index
      %get3A_255 = arith.index_cast %mul3A_253 : i32 to index
      %get3A_256 = vector.load %arg1[%get3A, %get3A_254, %get3A_255] : memref<1x1x5120xi32, #tpu.memory_space<vmem>>, vector<1x1x128xi32>
      %get3A_257 = vector.shape_cast %get3A_256 : vector<1x1x128xi32> to vector<128xi32>
      %reshape3A_258 = vector.shape_cast %get3A_257 : vector<128xi32> to vector<1x128xi32>
      %shift_right_logical3A = arith.constant 11 : i32
      %shift_right_logical3A_259 = vector.broadcast %shift_right_logical3A : i32 to vector<1x128xi32>
      %shift_right_logical3A_260 = arith.shrui %reshape3A_258, %shift_right_logical3A_259 : vector<1x128xi32>
      %and3A_261 = arith.constant 127 : i32
      %and3A_262 = vector.broadcast %and3A_261 : i32 to vector<1x128xi32>
      %and3A_263 = arith.andi %shift_right_logical3A_260, %and3A_262 : vector<1x128xi32>
      %eq3A_264 = vector.broadcast %and3A_263 : vector<1x128xi32> to vector<128x128xi32>
      %eq3A_265 = arith.cmpi eq, %eq3A_264, %iota3A_86 : vector<128x128xi32>
      %shift_right_logical3A_266 = arith.constant 18 : i32
      %shift_right_logical3A_267 = vector.broadcast %shift_right_logical3A_266 : i32 to vector<1x128xi32>
      %shift_right_logical3A_268 = arith.shrui %reshape3A_258, %shift_right_logical3A_267 : vector<1x128xi32>
      %eq3A_269 = vector.broadcast %or3A_85 : i32 to vector<1x128xi32>
      %eq3A_270 = arith.cmpi eq, %shift_right_logical3A_268, %eq3A_269 : vector<1x128xi32>
      %and3A_271 = vector.broadcast %eq3A_270 : vector<1x128xi1> to vector<128x128xi1>
      %and3A_272 = arith.andi %eq3A_265, %and3A_271 : vector<128x128xi1>
      %convert_element_type3A_273 = arith.extui %and3A_272 : vector<128x128xi1> to vector<128x128xi32>
      %add3A_274 = arith.addi %scan3A_251, %convert_element_type3A_273 : vector<128x128xi32>
      scf.yield %add3A_274 : vector<128x128xi32>
    }
    %scan3A_94 = arith.constant 40 : i32
    %reduce_sum3A_95 = arith.constant dense<0> : vector<128xi32>
    %reduce_sum3A_96 = vector.multi_reduction <add>, %scan3A_93, %reduce_sum3A_95 [1] : vector<128x128xi32> to vector<128xi32>
    %reshape3A_97 = vector.shape_cast %reduce_sum3A_96 : vector<128xi32> to vector<128x1xi32>
    %iota3A_98 = tpu.iota {dimensions = array<i32: 0>} : vector<128x128xi32>
    %iota3A_99 = tpu.iota {dimensions = array<i32: 1>} : vector<128x128xi32>
    %gt3A_100 = arith.cmpi sgt, %iota3A_99, %iota3A_98 : vector<128x128xi32>
    %reshape3A_101 = vector.shape_cast %reshape3A_97 : vector<128x1xi32> to vector<1x128xi32>
    %jit3A_102 = arith.constant 0 : i32
    %broadcast_in_dim3A_103 = vector.shape_cast %reshape3A_101 : vector<1x128xi32> to vector<1x128xi32>
    %broadcast_in_dim3A_104 = vector.broadcast %broadcast_in_dim3A_103 : vector<1x128xi32> to vector<128x128xi32>
    %broadcast_in_dim3A_105 = vector.broadcast %jit3A_102 : i32 to vector<128x128xi32>
    %select_n3A_106 = arith.select %gt3A_100, %broadcast_in_dim3A_104, %broadcast_in_dim3A_105 : vector<128x128xi1>, vector<128x128xi32>
    %reduce_sum3A_107 = arith.constant dense<0> : vector<128xi32>
    %reduce_sum3A_108 = vector.multi_reduction <add>, %select_n3A_106, %reduce_sum3A_107 [1] : vector<128x128xi32> to vector<128xi32>
    %reshape3A_109 = vector.shape_cast %reduce_sum3A_108 : vector<128xi32> to vector<128x1xi32>
    %lt3A_110 = vector.broadcast %sub3A_81 : i32 to vector<128x1xi32>
    %lt3A_111 = arith.cmpi slt, %reshape3A_109, %lt3A_110 : vector<128x1xi32>
    %add3A_112 = arith.addi %reshape3A_109, %reshape3A_97 : vector<128x1xi32>
    %ge3A_113 = vector.broadcast %sub3A_81 : i32 to vector<128x1xi32>
    %ge3A_114 = arith.cmpi sge, %add3A_112, %ge3A_113 : vector<128x1xi32>
    %and3A_115 = arith.andi %lt3A_111, %ge3A_114 : vector<128x1xi1>
    %convert_element_type3A_116 = arith.extui %and3A_115 : vector<128x1xi1> to vector<128x1xi32>
    %iota3A_117 = tpu.iota {dimensions = array<i32: 0>} : vector<128x1xi32>
    %mul3A_118 = arith.muli %iota3A_117, %convert_element_type3A_116 : vector<128x1xi32>
    %reduce_sum3A_119 = vector.shape_cast %mul3A_118 : vector<128x1xi32> to vector<1x128x1xi32>
    %reduce_sum3A_120 = arith.constant dense<0> : vector<1xi32>
    %reduce_sum3A_121 = vector.multi_reduction <add>, %reduce_sum3A_119, %reduce_sum3A_120 [1, 2] : vector<1x128x1xi32> to vector<1xi32>
    %reduce_sum3A_122 = vector.shape_cast %reduce_sum3A_121 : vector<1xi32> to vector<1x1x1xi32>
    %reduce_sum3A_123 = vector.extract %reduce_sum3A_122[0, 0, 0] : i32 from vector<1x1x1xi32>
    %mul3A_124 = arith.muli %reshape3A_109, %convert_element_type3A_116 : vector<128x1xi32>
    %reduce_sum3A_125 = vector.shape_cast %mul3A_124 : vector<128x1xi32> to vector<1x128x1xi32>
    %reduce_sum3A_126 = arith.constant dense<0> : vector<1xi32>
    %reduce_sum3A_127 = vector.multi_reduction <add>, %reduce_sum3A_125, %reduce_sum3A_126 [1, 2] : vector<1x128x1xi32> to vector<1xi32>
    %reduce_sum3A_128 = vector.shape_cast %reduce_sum3A_127 : vector<1xi32> to vector<1x1x1xi32>
    %reduce_sum3A_129 = vector.extract %reduce_sum3A_128[0, 0, 0] : i32 from vector<1x1x1xi32>
    %sub3A_130 = arith.subi %sub3A_81, %reduce_sum3A_129 : i32
    %add3A_131 = arith.addi %add3A_82, %reduce_sum3A_129 : i32
    %shift_left3A_132 = arith.constant 7 : i32
    %shift_left3A_133 = arith.shli %or3A_85, %shift_left3A_132 : i32
    %or3A_134 = arith.ori %shift_left3A_133, %reduce_sum3A_123 : i32
    %iota3A_135 = tpu.iota {dimensions = array<i32: 0>} : vector<128x128xi32>
    %broadcast_in_dim3A_136 = arith.constant 0 : i32
    %broadcast_in_dim3A_137 = vector.broadcast %broadcast_in_dim3A_136 : i32 to vector<128x128xi32>
    %scan3A_138 = arith.constant 0 : i32
    %scan3A_139 = arith.constant 40 : i32
    %scan3A_140 = arith.addi %scan3A_138, %scan3A_139 : i32
    %scan3A_141 = arith.constant 1 : i32
    %scan3A_142 = scf.for %scan3A_250 = %scan3A_138 to %scan3A_140 step %scan3A_141 iter_args(%scan3A_251 = %broadcast_in_dim3A_137) -> (vector<128x128xi32>)  : i32 {
      %mul3A_252 = arith.constant 128 : i32
      %mul3A_253 = arith.muli %scan3A_250, %mul3A_252 : i32
      %get3A = arith.constant 0 : index
      %get3A_254 = arith.constant 0 : index
      %get3A_255 = arith.index_cast %mul3A_253 : i32 to index
      %get3A_256 = vector.load %arg1[%get3A, %get3A_254, %get3A_255] : memref<1x1x5120xi32, #tpu.memory_space<vmem>>, vector<1x1x128xi32>
      %get3A_257 = vector.shape_cast %get3A_256 : vector<1x1x128xi32> to vector<128xi32>
      %reshape3A_258 = vector.shape_cast %get3A_257 : vector<128xi32> to vector<1x128xi32>
      %shift_right_logical3A = arith.constant 4 : i32
      %shift_right_logical3A_259 = vector.broadcast %shift_right_logical3A : i32 to vector<1x128xi32>
      %shift_right_logical3A_260 = arith.shrui %reshape3A_258, %shift_right_logical3A_259 : vector<1x128xi32>
      %and3A_261 = arith.constant 127 : i32
      %and3A_262 = vector.broadcast %and3A_261 : i32 to vector<1x128xi32>
      %and3A_263 = arith.andi %shift_right_logical3A_260, %and3A_262 : vector<1x128xi32>
      %eq3A_264 = vector.broadcast %and3A_263 : vector<1x128xi32> to vector<128x128xi32>
      %eq3A_265 = arith.cmpi eq, %eq3A_264, %iota3A_135 : vector<128x128xi32>
      %shift_right_logical3A_266 = arith.constant 11 : i32
      %shift_right_logical3A_267 = vector.broadcast %shift_right_logical3A_266 : i32 to vector<1x128xi32>
      %shift_right_logical3A_268 = arith.shrui %reshape3A_258, %shift_right_logical3A_267 : vector<1x128xi32>
      %eq3A_269 = vector.broadcast %or3A_134 : i32 to vector<1x128xi32>
      %eq3A_270 = arith.cmpi eq, %shift_right_logical3A_268, %eq3A_269 : vector<1x128xi32>
      %and3A_271 = vector.broadcast %eq3A_270 : vector<1x128xi1> to vector<128x128xi1>
      %and3A_272 = arith.andi %eq3A_265, %and3A_271 : vector<128x128xi1>
      %convert_element_type3A_273 = arith.extui %and3A_272 : vector<128x128xi1> to vector<128x128xi32>
      %add3A_274 = arith.addi %scan3A_251, %convert_element_type3A_273 : vector<128x128xi32>
      scf.yield %add3A_274 : vector<128x128xi32>
    }
    %scan3A_143 = arith.constant 40 : i32
    %reduce_sum3A_144 = arith.constant dense<0> : vector<128xi32>
    %reduce_sum3A_145 = vector.multi_reduction <add>, %scan3A_142, %reduce_sum3A_144 [1] : vector<128x128xi32> to vector<128xi32>
    %reshape3A_146 = vector.shape_cast %reduce_sum3A_145 : vector<128xi32> to vector<128x1xi32>
    %iota3A_147 = tpu.iota {dimensions = array<i32: 0>} : vector<128x128xi32>
    %iota3A_148 = tpu.iota {dimensions = array<i32: 1>} : vector<128x128xi32>
    %gt3A_149 = arith.cmpi sgt, %iota3A_148, %iota3A_147 : vector<128x128xi32>
    %reshape3A_150 = vector.shape_cast %reshape3A_146 : vector<128x1xi32> to vector<1x128xi32>
    %jit3A_151 = arith.constant 0 : i32
    %broadcast_in_dim3A_152 = vector.shape_cast %reshape3A_150 : vector<1x128xi32> to vector<1x128xi32>
    %broadcast_in_dim3A_153 = vector.broadcast %broadcast_in_dim3A_152 : vector<1x128xi32> to vector<128x128xi32>
    %broadcast_in_dim3A_154 = vector.broadcast %jit3A_151 : i32 to vector<128x128xi32>
    %select_n3A_155 = arith.select %gt3A_149, %broadcast_in_dim3A_153, %broadcast_in_dim3A_154 : vector<128x128xi1>, vector<128x128xi32>
    %reduce_sum3A_156 = arith.constant dense<0> : vector<128xi32>
    %reduce_sum3A_157 = vector.multi_reduction <add>, %select_n3A_155, %reduce_sum3A_156 [1] : vector<128x128xi32> to vector<128xi32>
    %reshape3A_158 = vector.shape_cast %reduce_sum3A_157 : vector<128xi32> to vector<128x1xi32>
    %lt3A_159 = vector.broadcast %sub3A_130 : i32 to vector<128x1xi32>
    %lt3A_160 = arith.cmpi slt, %reshape3A_158, %lt3A_159 : vector<128x1xi32>
    %add3A_161 = arith.addi %reshape3A_158, %reshape3A_146 : vector<128x1xi32>
    %ge3A_162 = vector.broadcast %sub3A_130 : i32 to vector<128x1xi32>
    %ge3A_163 = arith.cmpi sge, %add3A_161, %ge3A_162 : vector<128x1xi32>
    %and3A_164 = arith.andi %lt3A_160, %ge3A_163 : vector<128x1xi1>
    %convert_element_type3A_165 = arith.extui %and3A_164 : vector<128x1xi1> to vector<128x1xi32>
    %iota3A_166 = tpu.iota {dimensions = array<i32: 0>} : vector<128x1xi32>
    %mul3A_167 = arith.muli %iota3A_166, %convert_element_type3A_165 : vector<128x1xi32>
    %reduce_sum3A_168 = vector.shape_cast %mul3A_167 : vector<128x1xi32> to vector<1x128x1xi32>
    %reduce_sum3A_169 = arith.constant dense<0> : vector<1xi32>
    %reduce_sum3A_170 = vector.multi_reduction <add>, %reduce_sum3A_168, %reduce_sum3A_169 [1, 2] : vector<1x128x1xi32> to vector<1xi32>
    %reduce_sum3A_171 = vector.shape_cast %reduce_sum3A_170 : vector<1xi32> to vector<1x1x1xi32>
    %reduce_sum3A_172 = vector.extract %reduce_sum3A_171[0, 0, 0] : i32 from vector<1x1x1xi32>
    %mul3A_173 = arith.muli %reshape3A_158, %convert_element_type3A_165 : vector<128x1xi32>
    %reduce_sum3A_174 = vector.shape_cast %mul3A_173 : vector<128x1xi32> to vector<1x128x1xi32>
    %reduce_sum3A_175 = arith.constant dense<0> : vector<1xi32>
    %reduce_sum3A_176 = vector.multi_reduction <add>, %reduce_sum3A_174, %reduce_sum3A_175 [1, 2] : vector<1x128x1xi32> to vector<1xi32>
    %reduce_sum3A_177 = vector.shape_cast %reduce_sum3A_176 : vector<1xi32> to vector<1x1x1xi32>
    %reduce_sum3A_178 = vector.extract %reduce_sum3A_177[0, 0, 0] : i32 from vector<1x1x1xi32>
    %sub3A_179 = arith.subi %sub3A_130, %reduce_sum3A_178 : i32
    %add3A_180 = arith.addi %add3A_131, %reduce_sum3A_178 : i32
    %shift_left3A_181 = arith.constant 7 : i32
    %shift_left3A_182 = arith.shli %or3A_134, %shift_left3A_181 : i32
    %or3A_183 = arith.ori %shift_left3A_182, %reduce_sum3A_172 : i32
    %iota3A_184 = tpu.iota {dimensions = array<i32: 0>} : vector<16x128xi32>
    %broadcast_in_dim3A_185 = arith.constant 0 : i32
    %broadcast_in_dim3A_186 = vector.broadcast %broadcast_in_dim3A_185 : i32 to vector<16x128xi32>
    %scan3A_187 = arith.constant 0 : i32
    %scan3A_188 = arith.constant 40 : i32
    %scan3A_189 = arith.addi %scan3A_187, %scan3A_188 : i32
    %scan3A_190 = arith.constant 1 : i32
    %scan3A_191 = scf.for %scan3A_250 = %scan3A_187 to %scan3A_189 step %scan3A_190 iter_args(%scan3A_251 = %broadcast_in_dim3A_186) -> (vector<16x128xi32>)  : i32 {
      %mul3A_252 = arith.constant 128 : i32
      %mul3A_253 = arith.muli %scan3A_250, %mul3A_252 : i32
      %get3A = arith.constant 0 : index
      %get3A_254 = arith.constant 0 : index
      %get3A_255 = arith.index_cast %mul3A_253 : i32 to index
      %get3A_256 = vector.load %arg1[%get3A, %get3A_254, %get3A_255] : memref<1x1x5120xi32, #tpu.memory_space<vmem>>, vector<1x1x128xi32>
      %get3A_257 = vector.shape_cast %get3A_256 : vector<1x1x128xi32> to vector<128xi32>
      %reshape3A_258 = vector.shape_cast %get3A_257 : vector<128xi32> to vector<1x128xi32>
      %shift_right_logical3A = arith.constant 0 : i32
      %shift_right_logical3A_259 = vector.broadcast %shift_right_logical3A : i32 to vector<1x128xi32>
      %shift_right_logical3A_260 = arith.shrui %reshape3A_258, %shift_right_logical3A_259 : vector<1x128xi32>
      %and3A_261 = arith.constant 15 : i32
      %and3A_262 = vector.broadcast %and3A_261 : i32 to vector<1x128xi32>
      %and3A_263 = arith.andi %shift_right_logical3A_260, %and3A_262 : vector<1x128xi32>
      %eq3A_264 = vector.broadcast %and3A_263 : vector<1x128xi32> to vector<16x128xi32>
      %eq3A_265 = arith.cmpi eq, %eq3A_264, %iota3A_184 : vector<16x128xi32>
      %shift_right_logical3A_266 = arith.constant 4 : i32
      %shift_right_logical3A_267 = vector.broadcast %shift_right_logical3A_266 : i32 to vector<1x128xi32>
      %shift_right_logical3A_268 = arith.shrui %reshape3A_258, %shift_right_logical3A_267 : vector<1x128xi32>
      %eq3A_269 = vector.broadcast %or3A_183 : i32 to vector<1x128xi32>
      %eq3A_270 = arith.cmpi eq, %shift_right_logical3A_268, %eq3A_269 : vector<1x128xi32>
      %and3A_271 = vector.broadcast %eq3A_270 : vector<1x128xi1> to vector<16x128xi1>
      %and3A_272 = arith.andi %eq3A_265, %and3A_271 : vector<16x128xi1>
      %convert_element_type3A_273 = arith.extui %and3A_272 : vector<16x128xi1> to vector<16x128xi32>
      %add3A_274 = arith.addi %scan3A_251, %convert_element_type3A_273 : vector<16x128xi32>
      scf.yield %add3A_274 : vector<16x128xi32>
    }
    %scan3A_192 = arith.constant 40 : i32
    %reduce_sum3A_193 = arith.constant dense<0> : vector<16xi32>
    %reduce_sum3A_194 = vector.multi_reduction <add>, %scan3A_191, %reduce_sum3A_193 [1] : vector<16x128xi32> to vector<16xi32>
    %reshape3A_195 = vector.shape_cast %reduce_sum3A_194 : vector<16xi32> to vector<16x1xi32>
    %iota3A_196 = tpu.iota {dimensions = array<i32: 0>} : vector<16x16xi32>
    %iota3A_197 = tpu.iota {dimensions = array<i32: 1>} : vector<16x16xi32>
    %gt3A_198 = arith.cmpi sgt, %iota3A_197, %iota3A_196 : vector<16x16xi32>
    %reshape3A_199 = vector.shape_cast %reshape3A_195 : vector<16x1xi32> to vector<1x16xi32>
    %jit3A_200 = arith.constant 0 : i32
    %broadcast_in_dim3A_201 = vector.shape_cast %reshape3A_199 : vector<1x16xi32> to vector<1x16xi32>
    %broadcast_in_dim3A_202 = vector.broadcast %broadcast_in_dim3A_201 : vector<1x16xi32> to vector<16x16xi32>
    %broadcast_in_dim3A_203 = vector.broadcast %jit3A_200 : i32 to vector<16x16xi32>
    %select_n3A_204 = arith.select %gt3A_198, %broadcast_in_dim3A_202, %broadcast_in_dim3A_203 : vector<16x16xi1>, vector<16x16xi32>
    %reduce_sum3A_205 = arith.constant dense<0> : vector<16xi32>
    %reduce_sum3A_206 = vector.multi_reduction <add>, %select_n3A_204, %reduce_sum3A_205 [1] : vector<16x16xi32> to vector<16xi32>
    %reshape3A_207 = vector.shape_cast %reduce_sum3A_206 : vector<16xi32> to vector<16x1xi32>
    %lt3A_208 = vector.broadcast %sub3A_179 : i32 to vector<16x1xi32>
    %lt3A_209 = arith.cmpi slt, %reshape3A_207, %lt3A_208 : vector<16x1xi32>
    %add3A_210 = arith.addi %reshape3A_207, %reshape3A_195 : vector<16x1xi32>
    %ge3A_211 = vector.broadcast %sub3A_179 : i32 to vector<16x1xi32>
    %ge3A_212 = arith.cmpi sge, %add3A_210, %ge3A_211 : vector<16x1xi32>
    %and3A_213 = arith.andi %lt3A_209, %ge3A_212 : vector<16x1xi1>
    %convert_element_type3A_214 = arith.extui %and3A_213 : vector<16x1xi1> to vector<16x1xi32>
    %iota3A_215 = tpu.iota {dimensions = array<i32: 0>} : vector<16x1xi32>
    %mul3A_216 = arith.muli %iota3A_215, %convert_element_type3A_214 : vector<16x1xi32>
    %reduce_sum3A_217 = vector.shape_cast %mul3A_216 : vector<16x1xi32> to vector<1x16x1xi32>
    %reduce_sum3A_218 = arith.constant dense<0> : vector<1xi32>
    %reduce_sum3A_219 = vector.multi_reduction <add>, %reduce_sum3A_217, %reduce_sum3A_218 [1, 2] : vector<1x16x1xi32> to vector<1xi32>
    %reduce_sum3A_220 = vector.shape_cast %reduce_sum3A_219 : vector<1xi32> to vector<1x1x1xi32>
    %reduce_sum3A_221 = vector.extract %reduce_sum3A_220[0, 0, 0] : i32 from vector<1x1x1xi32>
    %mul3A_222 = arith.muli %reshape3A_207, %convert_element_type3A_214 : vector<16x1xi32>
    %reduce_sum3A_223 = vector.shape_cast %mul3A_222 : vector<16x1xi32> to vector<1x16x1xi32>
    %reduce_sum3A_224 = arith.constant dense<0> : vector<1xi32>
    %reduce_sum3A_225 = vector.multi_reduction <add>, %reduce_sum3A_223, %reduce_sum3A_224 [1, 2] : vector<1x16x1xi32> to vector<1xi32>
    %reduce_sum3A_226 = vector.shape_cast %reduce_sum3A_225 : vector<1xi32> to vector<1x1x1xi32>
    %reduce_sum3A_227 = vector.extract %reduce_sum3A_226[0, 0, 0] : i32 from vector<1x1x1xi32>
    %add3A_228 = arith.addi %add3A_180, %reduce_sum3A_227 : i32
    %shift_left3A_229 = arith.constant 4 : i32
    %shift_left3A_230 = arith.shli %or3A_183, %shift_left3A_229 : i32
    %or3A_231 = arith.ori %shift_left3A_230, %reduce_sum3A_221 : i32
    %iota3A_232 = tpu.iota {dimensions = array<i32: 1>} : vector<1x128xi32>
    %iota3A_233 = vector.shape_cast %iota3A_232 : vector<1x128xi32> to vector<128xi32>
    %eq3A = arith.constant 0 : i32
    %eq3A_234 = vector.broadcast %eq3A : i32 to vector<128xi32>
    %eq3A_235 = arith.cmpi eq, %iota3A_233, %eq3A_234 : vector<128xi32>
    %eq3A_236 = arith.constant 1 : i32
    %eq3A_237 = vector.broadcast %eq3A_236 : i32 to vector<128xi32>
    %eq3A_238 = arith.cmpi eq, %iota3A_233, %eq3A_237 : vector<128xi32>
    %jit3A_239 = arith.constant 0 : i32
    %broadcast_in_dim3A_240 = vector.broadcast %add3A_228 : i32 to vector<128xi32>
    %broadcast_in_dim3A_241 = vector.broadcast %jit3A_239 : i32 to vector<128xi32>
    %select_n3A_242 = arith.select %eq3A_238, %broadcast_in_dim3A_240, %broadcast_in_dim3A_241 : vector<128xi1>, vector<128xi32>
    %broadcast_in_dim3A_243 = vector.broadcast %or3A_231 : i32 to vector<128xi32>
    %select_n3A_244 = arith.select %eq3A_235, %broadcast_in_dim3A_243, %select_n3A_242 : vector<128xi1>, vector<128xi32>
    %swap3A = arith.constant 0 : index
    %swap3A_245 = arith.constant 0 : index
    %swap3A_246 = arith.constant 0 : index
    %swap3A_247 = vector.load %arg2[%swap3A, %swap3A_245, %swap3A_246] : memref<1x1x128xi32, #tpu.memory_space<vmem>>, vector<1x1x128xi32>
    %swap3A_248 = vector.shape_cast %swap3A_247 : vector<1x1x128xi32> to vector<128xi32>
    %swap3A_249 = vector.shape_cast %select_n3A_244 : vector<128xi32> to vector<1x1x128xi32>
    tpu.vector_store %arg2[%swap3A, %swap3A_245, %swap3A_246], %swap3A_249 {strides = array<i32>} : memref<1x1x128xi32, #tpu.memory_space<vmem>>, vector<1x1x128xi32>,
    return
  }
  func.func @transform_0(%arg0: i32) -> (i32, i32, i32) {
    %c0_i32 = arith.constant 0 : i32
    %c0_i32_0 = arith.constant 0 : i32
    %c0_i32_1 = arith.constant 0 : i32
    return %arg0, %c0_i32, %c0_i32_0 : i32, i32, i32
  }
  func.func @transform_1(%arg0: i32) -> (i32, i32, i32) {
    %c0_i32 = arith.constant 0 : i32
    %c0_i32_0 = arith.constant 0 : i32
    %c0_i32_1 = arith.constant 0 : i32
    return %arg0, %c0_i32, %c0_i32_0 : i32, i32, i32
  }
}

module attributes {stable_mosaic.version = 14 : i64} {
  func.func @_rank_body(%arg0: i32, %arg1: i32, %arg2: memref<1x1x1024xi32, #tpu.memory_space<vmem>>, %arg3: memref<1x8x128xi32, #tpu.memory_space<vmem>>) attributes {dimension_semantics = [#tpu.dimension_semantics<arbitrary>, #tpu.dimension_semantics<arbitrary>], iteration_bounds = array<i64: 20, 1>, scalar_prefetch = 0 : i64, scratch_operands = 0 : i64, tpu.core_type = #tpu.core_type<tc>, window_params = [{transform_indices = @transform_0, window_bounds = array<i64: 1, 1, 1024>}, {transform_indices = @transform_1, window_bounds = array<i64: 1, 8, 128>}]} {
    %mul3A = arith.constant 8 : i32
    %mul3A_0 = arith.muli %arg1, %mul3A : i32
    %add3A = arith.constant 0 : i32
    %add3A_1 = arith.addi %mul3A_0, %add3A : i32
    %mul3A_2 = arith.constant 128 : i32
    %mul3A_3 = arith.muli %add3A_1, %mul3A_2 : i32
    %get3A = arith.constant 0 : index
    %get3A_4 = arith.constant 0 : index
    %get3A_5 = arith.index_cast %mul3A_3 : i32 to index
    %get3A_6 = vector.load %arg2[%get3A, %get3A_4, %get3A_5] : memref<1x1x1024xi32, #tpu.memory_space<vmem>>, vector<1x1x128xi32>
    %get3A_7 = vector.shape_cast %get3A_6 : vector<1x1x128xi32> to vector<128xi32>
    %reshape3A = vector.shape_cast %get3A_7 : vector<128xi32> to vector<128x1xi32>
    %broadcast_in_dim3A = vector.shape_cast %reshape3A : vector<128x1xi32> to vector<128x1xi32>
    %broadcast_in_dim3A_8 = vector.broadcast %broadcast_in_dim3A : vector<128x1xi32> to vector<128x128xi32>
    %sub3A = arith.constant 1 : i32
    %sub3A_9 = vector.broadcast %sub3A : i32 to vector<128x128xi32>
    %sub3A_10 = arith.subi %broadcast_in_dim3A_8, %sub3A_9 : vector<128x128xi32>
    %broadcast_in_dim3A_11 = arith.constant 0.000000e+00 : f32
    %broadcast_in_dim3A_12 = vector.broadcast %broadcast_in_dim3A_11 : f32 to vector<128x128xf32>
    %while3A = arith.constant 0 : i32
    %while3A_13 = arith.subi %add3A_1, %while3A : i32
    %while3A_14 = arith.addi %while3A, %while3A_13 : i32
    %while3A_15 = arith.constant 1 : i32
    %while3A_16 = arith.divsi %while3A_13, %while3A_15 : i32
    %while3A_17 = arith.muli %while3A_16, %while3A_15 : i32
    %while3A_18 = arith.addi %while3A, %while3A_17 : i32
    %while3A_19 = arith.constant 1 : i32
    %while3A_20 = scf.for %while3A_514 = %while3A to %while3A_18 step %while3A_19 iter_args(%while3A_515 = %broadcast_in_dim3A_12) -> (vector<128x128xf32>)  : i32 {
      %mul3A_516 = arith.constant 128 : i32
      %mul3A_517 = arith.muli %while3A_514, %mul3A_516 : i32
      %get3A_518 = arith.constant 0 : index
      %get3A_519 = arith.constant 0 : index
      %get3A_520 = arith.index_cast %mul3A_517 : i32 to index
      %get3A_521 = vector.load %arg2[%get3A_518, %get3A_519, %get3A_520] : memref<1x1x1024xi32, #tpu.memory_space<vmem>>, vector<1x1x128xi32>
      %get3A_522 = vector.shape_cast %get3A_521 : vector<1x1x128xi32> to vector<128xi32>
      %reshape3A_523 = vector.shape_cast %get3A_522 : vector<128xi32> to vector<1x128xi32>
      %gt3A = vector.broadcast %reshape3A_523 : vector<1x128xi32> to vector<128x128xi32>
      %gt3A_524 = arith.cmpi sgt, %gt3A, %sub3A_10 : vector<128x128xi32>
      %convert_element_type3A_525 = arith.extui %gt3A_524 : vector<128x128xi1> to vector<128x128xi32>
      %convert_element_type3A_526 = arith.sitofp %convert_element_type3A_525 : vector<128x128xi32> to vector<128x128xf32>
      %add3A_527 = arith.addf %while3A_515, %convert_element_type3A_526 : vector<128x128xf32>
      scf.yield %add3A_527 : vector<128x128xf32>
    }
    %while3A_21 = arith.constant 1 : i32
    %while3A_22 = scf.for %while3A_514 = %while3A_18 to %while3A_14 step %while3A_21 iter_args(%while3A_515 = %while3A_20) -> (vector<128x128xf32>)  : i32 {
      %mul3A_516 = arith.constant 128 : i32
      %mul3A_517 = arith.muli %while3A_514, %mul3A_516 : i32
      %get3A_518 = arith.constant 0 : index
      %get3A_519 = arith.constant 0 : index
      %get3A_520 = arith.index_cast %mul3A_517 : i32 to index
      %get3A_521 = vector.load %arg2[%get3A_518, %get3A_519, %get3A_520] : memref<1x1x1024xi32, #tpu.memory_space<vmem>>, vector<1x1x128xi32>
      %get3A_522 = vector.shape_cast %get3A_521 : vector<1x1x128xi32> to vector<128xi32>
      %reshape3A_523 = vector.shape_cast %get3A_522 : vector<128xi32> to vector<1x128xi32>
      %gt3A = vector.broadcast %reshape3A_523 : vector<1x128xi32> to vector<128x128xi32>
      %gt3A_524 = arith.cmpi sgt, %gt3A, %sub3A_10 : vector<128x128xi32>
      %convert_element_type3A_525 = arith.extui %gt3A_524 : vector<128x128xi1> to vector<128x128xi32>
      %convert_element_type3A_526 = arith.sitofp %convert_element_type3A_525 : vector<128x128xi32> to vector<128x128xf32>
      %add3A_527 = arith.addf %while3A_515, %convert_element_type3A_526 : vector<128x128xf32>
      scf.yield %add3A_527 : vector<128x128xf32>
    }
    %while3A_23 = arith.constant 8 : i32
    %while3A_24 = arith.subi %while3A_23, %add3A_1 : i32
    %while3A_25 = arith.addi %add3A_1, %while3A_24 : i32
    %while3A_26 = arith.constant 1 : i32
    %while3A_27 = arith.divsi %while3A_24, %while3A_26 : i32
    %while3A_28 = arith.muli %while3A_27, %while3A_26 : i32
    %while3A_29 = arith.addi %add3A_1, %while3A_28 : i32
    %while3A_30 = arith.constant 1 : i32
    %while3A_31 = scf.for %while3A_514 = %add3A_1 to %while3A_29 step %while3A_30 iter_args(%while3A_515 = %while3A_22) -> (vector<128x128xf32>)  : i32 {
      %mul3A_516 = arith.constant 128 : i32
      %mul3A_517 = arith.muli %while3A_514, %mul3A_516 : i32
      %get3A_518 = arith.constant 0 : index
      %get3A_519 = arith.constant 0 : index
      %get3A_520 = arith.index_cast %mul3A_517 : i32 to index
      %get3A_521 = vector.load %arg2[%get3A_518, %get3A_519, %get3A_520] : memref<1x1x1024xi32, #tpu.memory_space<vmem>>, vector<1x1x128xi32>
      %get3A_522 = vector.shape_cast %get3A_521 : vector<1x1x128xi32> to vector<128xi32>
      %reshape3A_523 = vector.shape_cast %get3A_522 : vector<128xi32> to vector<1x128xi32>
      %gt3A = vector.broadcast %reshape3A_523 : vector<1x128xi32> to vector<128x128xi32>
      %gt3A_524 = arith.cmpi sgt, %gt3A, %broadcast_in_dim3A_8 : vector<128x128xi32>
      %convert_element_type3A_525 = arith.extui %gt3A_524 : vector<128x128xi1> to vector<128x128xi32>
      %convert_element_type3A_526 = arith.sitofp %convert_element_type3A_525 : vector<128x128xi32> to vector<128x128xf32>
      %add3A_527 = arith.addf %while3A_515, %convert_element_type3A_526 : vector<128x128xf32>
      scf.yield %add3A_527 : vector<128x128xf32>
    }
    %while3A_32 = arith.constant 1 : i32
    %while3A_33 = scf.for %while3A_514 = %while3A_29 to %while3A_25 step %while3A_32 iter_args(%while3A_515 = %while3A_31) -> (vector<128x128xf32>)  : i32 {
      %mul3A_516 = arith.constant 128 : i32
      %mul3A_517 = arith.muli %while3A_514, %mul3A_516 : i32
      %get3A_518 = arith.constant 0 : index
      %get3A_519 = arith.constant 0 : index
      %get3A_520 = arith.index_cast %mul3A_517 : i32 to index
      %get3A_521 = vector.load %arg2[%get3A_518, %get3A_519, %get3A_520] : memref<1x1x1024xi32, #tpu.memory_space<vmem>>, vector<1x1x128xi32>
      %get3A_522 = vector.shape_cast %get3A_521 : vector<1x1x128xi32> to vector<128xi32>
      %reshape3A_523 = vector.shape_cast %get3A_522 : vector<128xi32> to vector<1x128xi32>
      %gt3A = vector.broadcast %reshape3A_523 : vector<1x128xi32> to vector<128x128xi32>
      %gt3A_524 = arith.cmpi sgt, %gt3A, %broadcast_in_dim3A_8 : vector<128x128xi32>
      %convert_element_type3A_525 = arith.extui %gt3A_524 : vector<128x128xi1> to vector<128x128xi32>
      %convert_element_type3A_526 = arith.sitofp %convert_element_type3A_525 : vector<128x128xi32> to vector<128x128xf32>
      %add3A_527 = arith.addf %while3A_515, %convert_element_type3A_526 : vector<128x128xf32>
      scf.yield %add3A_527 : vector<128x128xf32>
    }
    %get3A_34 = arith.constant 0 : index
    %get3A_35 = arith.constant 0 : index
    %get3A_36 = arith.index_cast %mul3A_3 : i32 to index
    %get3A_37 = vector.load %arg2[%get3A_34, %get3A_35, %get3A_36] : memref<1x1x1024xi32, #tpu.memory_space<vmem>>, vector<1x1x128xi32>
    %get3A_38 = vector.shape_cast %get3A_37 : vector<1x1x128xi32> to vector<128xi32>
    %reshape3A_39 = vector.shape_cast %get3A_38 : vector<128xi32> to vector<1x128xi32>
    %iota3A = tpu.iota {dimensions = array<i32: 0>} : vector<128x128xi32>
    %iota3A_40 = tpu.iota {dimensions = array<i32: 1>} : vector<128x128xi32>
    %eq3A = vector.broadcast %reshape3A_39 : vector<1x128xi32> to vector<128x128xi32>
    %eq3A_41 = vector.broadcast %reshape3A : vector<128x1xi32> to vector<128x128xi32>
    %eq3A_42 = arith.cmpi eq, %eq3A, %eq3A_41 : vector<128x128xi32>
    %lt3A = arith.cmpi slt, %iota3A_40, %iota3A : vector<128x128xi32>
    %and3A = arith.andi %eq3A_42, %lt3A : vector<128x128xi1>
    %convert_element_type3A = arith.extui %and3A : vector<128x128xi1> to vector<128x128xi32>
    %convert_element_type3A_43 = arith.sitofp %convert_element_type3A : vector<128x128xi32> to vector<128x128xf32>
    %add3A_44 = arith.addf %while3A_33, %convert_element_type3A_43 : vector<128x128xf32>
    %reduce_sum3A = arith.constant dense<0.000000e+00> : vector<128xf32>
    %reduce_sum3A_45 = vector.multi_reduction <add>, %add3A_44, %reduce_sum3A [1] : vector<128x128xf32> to vector<128xf32>
    %convert_element_type3A_46 = arith.fptosi %reduce_sum3A_45 : vector<128xf32> to vector<128xi32>
    %swap3A = arith.constant 0 : index
    %swap3A_47 = arith.constant 0 : index
    %swap3A_48 = arith.constant 0 : index
    %swap3A_49 = vector.load %arg3[%swap3A, %swap3A_47, %swap3A_48] : memref<1x8x128xi32, #tpu.memory_space<vmem>>, vector<1x1x128xi32>
    %swap3A_50 = vector.shape_cast %swap3A_49 : vector<1x1x128xi32> to vector<128xi32>
    %swap3A_51 = vector.shape_cast %convert_element_type3A_46 : vector<128xi32> to vector<1x1x128xi32>
    tpu.vector_store %arg3[%swap3A, %swap3A_47, %swap3A_48], %swap3A_51 {strides = array<i32>} : memref<1x8x128xi32, #tpu.memory_space<vmem>>, vector<1x1x128xi32>,
    %mul3A_52 = arith.constant 8 : i32
    %mul3A_53 = arith.muli %arg1, %mul3A_52 : i32
    %add3A_54 = arith.constant 1 : i32
    %add3A_55 = arith.addi %mul3A_53, %add3A_54 : i32
    %mul3A_56 = arith.constant 128 : i32
    %mul3A_57 = arith.muli %add3A_55, %mul3A_56 : i32
    %get3A_58 = arith.constant 0 : index
    %get3A_59 = arith.constant 0 : index
    %get3A_60 = arith.index_cast %mul3A_57 : i32 to index
    %get3A_61 = vector.load %arg2[%get3A_58, %get3A_59, %get3A_60] : memref<1x1x1024xi32, #tpu.memory_space<vmem>>, vector<1x1x128xi32>
    %get3A_62 = vector.shape_cast %get3A_61 : vector<1x1x128xi32> to vector<128xi32>
    %reshape3A_63 = vector.shape_cast %get3A_62 : vector<128xi32> to vector<128x1xi32>
    %broadcast_in_dim3A_64 = vector.shape_cast %reshape3A_63 : vector<128x1xi32> to vector<128x1xi32>
    %broadcast_in_dim3A_65 = vector.broadcast %broadcast_in_dim3A_64 : vector<128x1xi32> to vector<128x128xi32>
    %sub3A_66 = arith.constant 1 : i32
    %sub3A_67 = vector.broadcast %sub3A_66 : i32 to vector<128x128xi32>
    %sub3A_68 = arith.subi %broadcast_in_dim3A_65, %sub3A_67 : vector<128x128xi32>
    %broadcast_in_dim3A_69 = arith.constant 0.000000e+00 : f32
    %broadcast_in_dim3A_70 = vector.broadcast %broadcast_in_dim3A_69 : f32 to vector<128x128xf32>
    %while3A_71 = arith.constant 0 : i32
    %while3A_72 = arith.subi %add3A_55, %while3A_71 : i32
    %while3A_73 = arith.addi %while3A_71, %while3A_72 : i32
    %while3A_74 = arith.constant 1 : i32
    %while3A_75 = arith.divsi %while3A_72, %while3A_74 : i32
    %while3A_76 = arith.muli %while3A_75, %while3A_74 : i32
    %while3A_77 = arith.addi %while3A_71, %while3A_76 : i32
    %while3A_78 = arith.constant 1 : i32
    %while3A_79 = scf.for %while3A_514 = %while3A_71 to %while3A_77 step %while3A_78 iter_args(%while3A_515 = %broadcast_in_dim3A_70) -> (vector<128x128xf32>)  : i32 {
      %mul3A_516 = arith.constant 128 : i32
      %mul3A_517 = arith.muli %while3A_514, %mul3A_516 : i32
      %get3A_518 = arith.constant 0 : index
      %get3A_519 = arith.constant 0 : index
      %get3A_520 = arith.index_cast %mul3A_517 : i32 to index
      %get3A_521 = vector.load %arg2[%get3A_518, %get3A_519, %get3A_520] : memref<1x1x1024xi32, #tpu.memory_space<vmem>>, vector<1x1x128xi32>
      %get3A_522 = vector.shape_cast %get3A_521 : vector<1x1x128xi32> to vector<128xi32>
      %reshape3A_523 = vector.shape_cast %get3A_522 : vector<128xi32> to vector<1x128xi32>
      %gt3A = vector.broadcast %reshape3A_523 : vector<1x128xi32> to vector<128x128xi32>
      %gt3A_524 = arith.cmpi sgt, %gt3A, %sub3A_68 : vector<128x128xi32>
      %convert_element_type3A_525 = arith.extui %gt3A_524 : vector<128x128xi1> to vector<128x128xi32>
      %convert_element_type3A_526 = arith.sitofp %convert_element_type3A_525 : vector<128x128xi32> to vector<128x128xf32>
      %add3A_527 = arith.addf %while3A_515, %convert_element_type3A_526 : vector<128x128xf32>
      scf.yield %add3A_527 : vector<128x128xf32>
    }
    %while3A_80 = arith.constant 1 : i32
    %while3A_81 = scf.for %while3A_514 = %while3A_77 to %while3A_73 step %while3A_80 iter_args(%while3A_515 = %while3A_79) -> (vector<128x128xf32>)  : i32 {
      %mul3A_516 = arith.constant 128 : i32
      %mul3A_517 = arith.muli %while3A_514, %mul3A_516 : i32
      %get3A_518 = arith.constant 0 : index
      %get3A_519 = arith.constant 0 : index
      %get3A_520 = arith.index_cast %mul3A_517 : i32 to index
      %get3A_521 = vector.load %arg2[%get3A_518, %get3A_519, %get3A_520] : memref<1x1x1024xi32, #tpu.memory_space<vmem>>, vector<1x1x128xi32>
      %get3A_522 = vector.shape_cast %get3A_521 : vector<1x1x128xi32> to vector<128xi32>
      %reshape3A_523 = vector.shape_cast %get3A_522 : vector<128xi32> to vector<1x128xi32>
      %gt3A = vector.broadcast %reshape3A_523 : vector<1x128xi32> to vector<128x128xi32>
      %gt3A_524 = arith.cmpi sgt, %gt3A, %sub3A_68 : vector<128x128xi32>
      %convert_element_type3A_525 = arith.extui %gt3A_524 : vector<128x128xi1> to vector<128x128xi32>
      %convert_element_type3A_526 = arith.sitofp %convert_element_type3A_525 : vector<128x128xi32> to vector<128x128xf32>
      %add3A_527 = arith.addf %while3A_515, %convert_element_type3A_526 : vector<128x128xf32>
      scf.yield %add3A_527 : vector<128x128xf32>
    }
    %while3A_82 = arith.constant 8 : i32
    %while3A_83 = arith.subi %while3A_82, %add3A_55 : i32
    %while3A_84 = arith.addi %add3A_55, %while3A_83 : i32
    %while3A_85 = arith.constant 1 : i32
    %while3A_86 = arith.divsi %while3A_83, %while3A_85 : i32
    %while3A_87 = arith.muli %while3A_86, %while3A_85 : i32
    %while3A_88 = arith.addi %add3A_55, %while3A_87 : i32
    %while3A_89 = arith.constant 1 : i32
    %while3A_90 = scf.for %while3A_514 = %add3A_55 to %while3A_88 step %while3A_89 iter_args(%while3A_515 = %while3A_81) -> (vector<128x128xf32>)  : i32 {
      %mul3A_516 = arith.constant 128 : i32
      %mul3A_517 = arith.muli %while3A_514, %mul3A_516 : i32
      %get3A_518 = arith.constant 0 : index
      %get3A_519 = arith.constant 0 : index
      %get3A_520 = arith.index_cast %mul3A_517 : i32 to index
      %get3A_521 = vector.load %arg2[%get3A_518, %get3A_519, %get3A_520] : memref<1x1x1024xi32, #tpu.memory_space<vmem>>, vector<1x1x128xi32>
      %get3A_522 = vector.shape_cast %get3A_521 : vector<1x1x128xi32> to vector<128xi32>
      %reshape3A_523 = vector.shape_cast %get3A_522 : vector<128xi32> to vector<1x128xi32>
      %gt3A = vector.broadcast %reshape3A_523 : vector<1x128xi32> to vector<128x128xi32>
      %gt3A_524 = arith.cmpi sgt, %gt3A, %broadcast_in_dim3A_65 : vector<128x128xi32>
      %convert_element_type3A_525 = arith.extui %gt3A_524 : vector<128x128xi1> to vector<128x128xi32>
      %convert_element_type3A_526 = arith.sitofp %convert_element_type3A_525 : vector<128x128xi32> to vector<128x128xf32>
      %add3A_527 = arith.addf %while3A_515, %convert_element_type3A_526 : vector<128x128xf32>
      scf.yield %add3A_527 : vector<128x128xf32>
    }
    %while3A_91 = arith.constant 1 : i32
    %while3A_92 = scf.for %while3A_514 = %while3A_88 to %while3A_84 step %while3A_91 iter_args(%while3A_515 = %while3A_90) -> (vector<128x128xf32>)  : i32 {
      %mul3A_516 = arith.constant 128 : i32
      %mul3A_517 = arith.muli %while3A_514, %mul3A_516 : i32
      %get3A_518 = arith.constant 0 : index
      %get3A_519 = arith.constant 0 : index
      %get3A_520 = arith.index_cast %mul3A_517 : i32 to index
      %get3A_521 = vector.load %arg2[%get3A_518, %get3A_519, %get3A_520] : memref<1x1x1024xi32, #tpu.memory_space<vmem>>, vector<1x1x128xi32>
      %get3A_522 = vector.shape_cast %get3A_521 : vector<1x1x128xi32> to vector<128xi32>
      %reshape3A_523 = vector.shape_cast %get3A_522 : vector<128xi32> to vector<1x128xi32>
      %gt3A = vector.broadcast %reshape3A_523 : vector<1x128xi32> to vector<128x128xi32>
      %gt3A_524 = arith.cmpi sgt, %gt3A, %broadcast_in_dim3A_65 : vector<128x128xi32>
      %convert_element_type3A_525 = arith.extui %gt3A_524 : vector<128x128xi1> to vector<128x128xi32>
      %convert_element_type3A_526 = arith.sitofp %convert_element_type3A_525 : vector<128x128xi32> to vector<128x128xf32>
      %add3A_527 = arith.addf %while3A_515, %convert_element_type3A_526 : vector<128x128xf32>
      scf.yield %add3A_527 : vector<128x128xf32>
    }
    %get3A_93 = arith.constant 0 : index
    %get3A_94 = arith.constant 0 : index
    %get3A_95 = arith.index_cast %mul3A_57 : i32 to index
    %get3A_96 = vector.load %arg2[%get3A_93, %get3A_94, %get3A_95] : memref<1x1x1024xi32, #tpu.memory_space<vmem>>, vector<1x1x128xi32>
    %get3A_97 = vector.shape_cast %get3A_96 : vector<1x1x128xi32> to vector<128xi32>
    %reshape3A_98 = vector.shape_cast %get3A_97 : vector<128xi32> to vector<1x128xi32>
    %iota3A_99 = tpu.iota {dimensions = array<i32: 0>} : vector<128x128xi32>
    %iota3A_100 = tpu.iota {dimensions = array<i32: 1>} : vector<128x128xi32>
    %eq3A_101 = vector.broadcast %reshape3A_98 : vector<1x128xi32> to vector<128x128xi32>
    %eq3A_102 = vector.broadcast %reshape3A_63 : vector<128x1xi32> to vector<128x128xi32>
    %eq3A_103 = arith.cmpi eq, %eq3A_101, %eq3A_102 : vector<128x128xi32>
    %lt3A_104 = arith.cmpi slt, %iota3A_100, %iota3A_99 : vector<128x128xi32>
    %and3A_105 = arith.andi %eq3A_103, %lt3A_104 : vector<128x128xi1>
    %convert_element_type3A_106 = arith.extui %and3A_105 : vector<128x128xi1> to vector<128x128xi32>
    %convert_element_type3A_107 = arith.sitofp %convert_element_type3A_106 : vector<128x128xi32> to vector<128x128xf32>
    %add3A_108 = arith.addf %while3A_92, %convert_element_type3A_107 : vector<128x128xf32>
    %reduce_sum3A_109 = arith.constant dense<0.000000e+00> : vector<128xf32>
    %reduce_sum3A_110 = vector.multi_reduction <add>, %add3A_108, %reduce_sum3A_109 [1] : vector<128x128xf32> to vector<128xf32>
    %convert_element_type3A_111 = arith.fptosi %reduce_sum3A_110 : vector<128xf32> to vector<128xi32>
    %swap3A_112 = arith.constant 0 : index
    %swap3A_113 = arith.constant 1 : index
    %swap3A_114 = arith.constant 0 : index
    %swap3A_115 = vector.load %arg3[%swap3A_112, %swap3A_113, %swap3A_114] : memref<1x8x128xi32, #tpu.memory_space<vmem>>, vector<1x1x128xi32>
    %swap3A_116 = vector.shape_cast %swap3A_115 : vector<1x1x128xi32> to vector<128xi32>
    %swap3A_117 = vector.shape_cast %convert_element_type3A_111 : vector<128xi32> to vector<1x1x128xi32>
    tpu.vector_store %arg3[%swap3A_112, %swap3A_113, %swap3A_114], %swap3A_117 {strides = array<i32>} : memref<1x8x128xi32, #tpu.memory_space<vmem>>, vector<1x1x128xi32>,
    %mul3A_118 = arith.constant 8 : i32
    %mul3A_119 = arith.muli %arg1, %mul3A_118 : i32
    %add3A_120 = arith.constant 2 : i32
    %add3A_121 = arith.addi %mul3A_119, %add3A_120 : i32
    %mul3A_122 = arith.constant 128 : i32
    %mul3A_123 = arith.muli %add3A_121, %mul3A_122 : i32
    %get3A_124 = arith.constant 0 : index
    %get3A_125 = arith.constant 0 : index
    %get3A_126 = arith.index_cast %mul3A_123 : i32 to index
    %get3A_127 = vector.load %arg2[%get3A_124, %get3A_125, %get3A_126] : memref<1x1x1024xi32, #tpu.memory_space<vmem>>, vector<1x1x128xi32>
    %get3A_128 = vector.shape_cast %get3A_127 : vector<1x1x128xi32> to vector<128xi32>
    %reshape3A_129 = vector.shape_cast %get3A_128 : vector<128xi32> to vector<128x1xi32>
    %broadcast_in_dim3A_130 = vector.shape_cast %reshape3A_129 : vector<128x1xi32> to vector<128x1xi32>
    %broadcast_in_dim3A_131 = vector.broadcast %broadcast_in_dim3A_130 : vector<128x1xi32> to vector<128x128xi32>
    %sub3A_132 = arith.constant 1 : i32
    %sub3A_133 = vector.broadcast %sub3A_132 : i32 to vector<128x128xi32>
    %sub3A_134 = arith.subi %broadcast_in_dim3A_131, %sub3A_133 : vector<128x128xi32>
    %broadcast_in_dim3A_135 = arith.constant 0.000000e+00 : f32
    %broadcast_in_dim3A_136 = vector.broadcast %broadcast_in_dim3A_135 : f32 to vector<128x128xf32>
    %while3A_137 = arith.constant 0 : i32
    %while3A_138 = arith.subi %add3A_121, %while3A_137 : i32
    %while3A_139 = arith.addi %while3A_137, %while3A_138 : i32
    %while3A_140 = arith.constant 1 : i32
    %while3A_141 = arith.divsi %while3A_138, %while3A_140 : i32
    %while3A_142 = arith.muli %while3A_141, %while3A_140 : i32
    %while3A_143 = arith.addi %while3A_137, %while3A_142 : i32
    %while3A_144 = arith.constant 1 : i32
    %while3A_145 = scf.for %while3A_514 = %while3A_137 to %while3A_143 step %while3A_144 iter_args(%while3A_515 = %broadcast_in_dim3A_136) -> (vector<128x128xf32>)  : i32 {
      %mul3A_516 = arith.constant 128 : i32
      %mul3A_517 = arith.muli %while3A_514, %mul3A_516 : i32
      %get3A_518 = arith.constant 0 : index
      %get3A_519 = arith.constant 0 : index
      %get3A_520 = arith.index_cast %mul3A_517 : i32 to index
      %get3A_521 = vector.load %arg2[%get3A_518, %get3A_519, %get3A_520] : memref<1x1x1024xi32, #tpu.memory_space<vmem>>, vector<1x1x128xi32>
      %get3A_522 = vector.shape_cast %get3A_521 : vector<1x1x128xi32> to vector<128xi32>
      %reshape3A_523 = vector.shape_cast %get3A_522 : vector<128xi32> to vector<1x128xi32>
      %gt3A = vector.broadcast %reshape3A_523 : vector<1x128xi32> to vector<128x128xi32>
      %gt3A_524 = arith.cmpi sgt, %gt3A, %sub3A_134 : vector<128x128xi32>
      %convert_element_type3A_525 = arith.extui %gt3A_524 : vector<128x128xi1> to vector<128x128xi32>
      %convert_element_type3A_526 = arith.sitofp %convert_element_type3A_525 : vector<128x128xi32> to vector<128x128xf32>
      %add3A_527 = arith.addf %while3A_515, %convert_element_type3A_526 : vector<128x128xf32>
      scf.yield %add3A_527 : vector<128x128xf32>
    }
    %while3A_146 = arith.constant 1 : i32
    %while3A_147 = scf.for %while3A_514 = %while3A_143 to %while3A_139 step %while3A_146 iter_args(%while3A_515 = %while3A_145) -> (vector<128x128xf32>)  : i32 {
      %mul3A_516 = arith.constant 128 : i32
      %mul3A_517 = arith.muli %while3A_514, %mul3A_516 : i32
      %get3A_518 = arith.constant 0 : index
      %get3A_519 = arith.constant 0 : index
      %get3A_520 = arith.index_cast %mul3A_517 : i32 to index
      %get3A_521 = vector.load %arg2[%get3A_518, %get3A_519, %get3A_520] : memref<1x1x1024xi32, #tpu.memory_space<vmem>>, vector<1x1x128xi32>
      %get3A_522 = vector.shape_cast %get3A_521 : vector<1x1x128xi32> to vector<128xi32>
      %reshape3A_523 = vector.shape_cast %get3A_522 : vector<128xi32> to vector<1x128xi32>
      %gt3A = vector.broadcast %reshape3A_523 : vector<1x128xi32> to vector<128x128xi32>
      %gt3A_524 = arith.cmpi sgt, %gt3A, %sub3A_134 : vector<128x128xi32>
      %convert_element_type3A_525 = arith.extui %gt3A_524 : vector<128x128xi1> to vector<128x128xi32>
      %convert_element_type3A_526 = arith.sitofp %convert_element_type3A_525 : vector<128x128xi32> to vector<128x128xf32>
      %add3A_527 = arith.addf %while3A_515, %convert_element_type3A_526 : vector<128x128xf32>
      scf.yield %add3A_527 : vector<128x128xf32>
    }
    %while3A_148 = arith.constant 8 : i32
    %while3A_149 = arith.subi %while3A_148, %add3A_121 : i32
    %while3A_150 = arith.addi %add3A_121, %while3A_149 : i32
    %while3A_151 = arith.constant 1 : i32
    %while3A_152 = arith.divsi %while3A_149, %while3A_151 : i32
    %while3A_153 = arith.muli %while3A_152, %while3A_151 : i32
    %while3A_154 = arith.addi %add3A_121, %while3A_153 : i32
    %while3A_155 = arith.constant 1 : i32
    %while3A_156 = scf.for %while3A_514 = %add3A_121 to %while3A_154 step %while3A_155 iter_args(%while3A_515 = %while3A_147) -> (vector<128x128xf32>)  : i32 {
      %mul3A_516 = arith.constant 128 : i32
      %mul3A_517 = arith.muli %while3A_514, %mul3A_516 : i32
      %get3A_518 = arith.constant 0 : index
      %get3A_519 = arith.constant 0 : index
      %get3A_520 = arith.index_cast %mul3A_517 : i32 to index
      %get3A_521 = vector.load %arg2[%get3A_518, %get3A_519, %get3A_520] : memref<1x1x1024xi32, #tpu.memory_space<vmem>>, vector<1x1x128xi32>
      %get3A_522 = vector.shape_cast %get3A_521 : vector<1x1x128xi32> to vector<128xi32>
      %reshape3A_523 = vector.shape_cast %get3A_522 : vector<128xi32> to vector<1x128xi32>
      %gt3A = vector.broadcast %reshape3A_523 : vector<1x128xi32> to vector<128x128xi32>
      %gt3A_524 = arith.cmpi sgt, %gt3A, %broadcast_in_dim3A_131 : vector<128x128xi32>
      %convert_element_type3A_525 = arith.extui %gt3A_524 : vector<128x128xi1> to vector<128x128xi32>
      %convert_element_type3A_526 = arith.sitofp %convert_element_type3A_525 : vector<128x128xi32> to vector<128x128xf32>
      %add3A_527 = arith.addf %while3A_515, %convert_element_type3A_526 : vector<128x128xf32>
      scf.yield %add3A_527 : vector<128x128xf32>
    }
    %while3A_157 = arith.constant 1 : i32
    %while3A_158 = scf.for %while3A_514 = %while3A_154 to %while3A_150 step %while3A_157 iter_args(%while3A_515 = %while3A_156) -> (vector<128x128xf32>)  : i32 {
      %mul3A_516 = arith.constant 128 : i32
      %mul3A_517 = arith.muli %while3A_514, %mul3A_516 : i32
      %get3A_518 = arith.constant 0 : index
      %get3A_519 = arith.constant 0 : index
      %get3A_520 = arith.index_cast %mul3A_517 : i32 to index
      %get3A_521 = vector.load %arg2[%get3A_518, %get3A_519, %get3A_520] : memref<1x1x1024xi32, #tpu.memory_space<vmem>>, vector<1x1x128xi32>
      %get3A_522 = vector.shape_cast %get3A_521 : vector<1x1x128xi32> to vector<128xi32>
      %reshape3A_523 = vector.shape_cast %get3A_522 : vector<128xi32> to vector<1x128xi32>
      %gt3A = vector.broadcast %reshape3A_523 : vector<1x128xi32> to vector<128x128xi32>
      %gt3A_524 = arith.cmpi sgt, %gt3A, %broadcast_in_dim3A_131 : vector<128x128xi32>
      %convert_element_type3A_525 = arith.extui %gt3A_524 : vector<128x128xi1> to vector<128x128xi32>
      %convert_element_type3A_526 = arith.sitofp %convert_element_type3A_525 : vector<128x128xi32> to vector<128x128xf32>
      %add3A_527 = arith.addf %while3A_515, %convert_element_type3A_526 : vector<128x128xf32>
      scf.yield %add3A_527 : vector<128x128xf32>
    }
    %get3A_159 = arith.constant 0 : index
    %get3A_160 = arith.constant 0 : index
    %get3A_161 = arith.index_cast %mul3A_123 : i32 to index
    %get3A_162 = vector.load %arg2[%get3A_159, %get3A_160, %get3A_161] : memref<1x1x1024xi32, #tpu.memory_space<vmem>>, vector<1x1x128xi32>
    %get3A_163 = vector.shape_cast %get3A_162 : vector<1x1x128xi32> to vector<128xi32>
    %reshape3A_164 = vector.shape_cast %get3A_163 : vector<128xi32> to vector<1x128xi32>
    %iota3A_165 = tpu.iota {dimensions = array<i32: 0>} : vector<128x128xi32>
    %iota3A_166 = tpu.iota {dimensions = array<i32: 1>} : vector<128x128xi32>
    %eq3A_167 = vector.broadcast %reshape3A_164 : vector<1x128xi32> to vector<128x128xi32>
    %eq3A_168 = vector.broadcast %reshape3A_129 : vector<128x1xi32> to vector<128x128xi32>
    %eq3A_169 = arith.cmpi eq, %eq3A_167, %eq3A_168 : vector<128x128xi32>
    %lt3A_170 = arith.cmpi slt, %iota3A_166, %iota3A_165 : vector<128x128xi32>
    %and3A_171 = arith.andi %eq3A_169, %lt3A_170 : vector<128x128xi1>
    %convert_element_type3A_172 = arith.extui %and3A_171 : vector<128x128xi1> to vector<128x128xi32>
    %convert_element_type3A_173 = arith.sitofp %convert_element_type3A_172 : vector<128x128xi32> to vector<128x128xf32>
    %add3A_174 = arith.addf %while3A_158, %convert_element_type3A_173 : vector<128x128xf32>
    %reduce_sum3A_175 = arith.constant dense<0.000000e+00> : vector<128xf32>
    %reduce_sum3A_176 = vector.multi_reduction <add>, %add3A_174, %reduce_sum3A_175 [1] : vector<128x128xf32> to vector<128xf32>
    %convert_element_type3A_177 = arith.fptosi %reduce_sum3A_176 : vector<128xf32> to vector<128xi32>
    %swap3A_178 = arith.constant 0 : index
    %swap3A_179 = arith.constant 2 : index
    %swap3A_180 = arith.constant 0 : index
    %swap3A_181 = vector.load %arg3[%swap3A_178, %swap3A_179, %swap3A_180] : memref<1x8x128xi32, #tpu.memory_space<vmem>>, vector<1x1x128xi32>
    %swap3A_182 = vector.shape_cast %swap3A_181 : vector<1x1x128xi32> to vector<128xi32>
    %swap3A_183 = vector.shape_cast %convert_element_type3A_177 : vector<128xi32> to vector<1x1x128xi32>
    tpu.vector_store %arg3[%swap3A_178, %swap3A_179, %swap3A_180], %swap3A_183 {strides = array<i32>} : memref<1x8x128xi32, #tpu.memory_space<vmem>>, vector<1x1x128xi32>,
    %mul3A_184 = arith.constant 8 : i32
    %mul3A_185 = arith.muli %arg1, %mul3A_184 : i32
    %add3A_186 = arith.constant 3 : i32
    %add3A_187 = arith.addi %mul3A_185, %add3A_186 : i32
    %mul3A_188 = arith.constant 128 : i32
    %mul3A_189 = arith.muli %add3A_187, %mul3A_188 : i32
    %get3A_190 = arith.constant 0 : index
    %get3A_191 = arith.constant 0 : index
    %get3A_192 = arith.index_cast %mul3A_189 : i32 to index
    %get3A_193 = vector.load %arg2[%get3A_190, %get3A_191, %get3A_192] : memref<1x1x1024xi32, #tpu.memory_space<vmem>>, vector<1x1x128xi32>
    %get3A_194 = vector.shape_cast %get3A_193 : vector<1x1x128xi32> to vector<128xi32>
    %reshape3A_195 = vector.shape_cast %get3A_194 : vector<128xi32> to vector<128x1xi32>
    %broadcast_in_dim3A_196 = vector.shape_cast %reshape3A_195 : vector<128x1xi32> to vector<128x1xi32>
    %broadcast_in_dim3A_197 = vector.broadcast %broadcast_in_dim3A_196 : vector<128x1xi32> to vector<128x128xi32>
    %sub3A_198 = arith.constant 1 : i32
    %sub3A_199 = vector.broadcast %sub3A_198 : i32 to vector<128x128xi32>
    %sub3A_200 = arith.subi %broadcast_in_dim3A_197, %sub3A_199 : vector<128x128xi32>
    %broadcast_in_dim3A_201 = arith.constant 0.000000e+00 : f32
    %broadcast_in_dim3A_202 = vector.broadcast %broadcast_in_dim3A_201 : f32 to vector<128x128xf32>
    %while3A_203 = arith.constant 0 : i32
    %while3A_204 = arith.subi %add3A_187, %while3A_203 : i32
    %while3A_205 = arith.addi %while3A_203, %while3A_204 : i32
    %while3A_206 = arith.constant 1 : i32
    %while3A_207 = arith.divsi %while3A_204, %while3A_206 : i32
    %while3A_208 = arith.muli %while3A_207, %while3A_206 : i32
    %while3A_209 = arith.addi %while3A_203, %while3A_208 : i32
    %while3A_210 = arith.constant 1 : i32
    %while3A_211 = scf.for %while3A_514 = %while3A_203 to %while3A_209 step %while3A_210 iter_args(%while3A_515 = %broadcast_in_dim3A_202) -> (vector<128x128xf32>)  : i32 {
      %mul3A_516 = arith.constant 128 : i32
      %mul3A_517 = arith.muli %while3A_514, %mul3A_516 : i32
      %get3A_518 = arith.constant 0 : index
      %get3A_519 = arith.constant 0 : index
      %get3A_520 = arith.index_cast %mul3A_517 : i32 to index
      %get3A_521 = vector.load %arg2[%get3A_518, %get3A_519, %get3A_520] : memref<1x1x1024xi32, #tpu.memory_space<vmem>>, vector<1x1x128xi32>
      %get3A_522 = vector.shape_cast %get3A_521 : vector<1x1x128xi32> to vector<128xi32>
      %reshape3A_523 = vector.shape_cast %get3A_522 : vector<128xi32> to vector<1x128xi32>
      %gt3A = vector.broadcast %reshape3A_523 : vector<1x128xi32> to vector<128x128xi32>
      %gt3A_524 = arith.cmpi sgt, %gt3A, %sub3A_200 : vector<128x128xi32>
      %convert_element_type3A_525 = arith.extui %gt3A_524 : vector<128x128xi1> to vector<128x128xi32>
      %convert_element_type3A_526 = arith.sitofp %convert_element_type3A_525 : vector<128x128xi32> to vector<128x128xf32>
      %add3A_527 = arith.addf %while3A_515, %convert_element_type3A_526 : vector<128x128xf32>
      scf.yield %add3A_527 : vector<128x128xf32>
    }
    %while3A_212 = arith.constant 1 : i32
    %while3A_213 = scf.for %while3A_514 = %while3A_209 to %while3A_205 step %while3A_212 iter_args(%while3A_515 = %while3A_211) -> (vector<128x128xf32>)  : i32 {
      %mul3A_516 = arith.constant 128 : i32
      %mul3A_517 = arith.muli %while3A_514, %mul3A_516 : i32
      %get3A_518 = arith.constant 0 : index
      %get3A_519 = arith.constant 0 : index
      %get3A_520 = arith.index_cast %mul3A_517 : i32 to index
      %get3A_521 = vector.load %arg2[%get3A_518, %get3A_519, %get3A_520] : memref<1x1x1024xi32, #tpu.memory_space<vmem>>, vector<1x1x128xi32>
      %get3A_522 = vector.shape_cast %get3A_521 : vector<1x1x128xi32> to vector<128xi32>
      %reshape3A_523 = vector.shape_cast %get3A_522 : vector<128xi32> to vector<1x128xi32>
      %gt3A = vector.broadcast %reshape3A_523 : vector<1x128xi32> to vector<128x128xi32>
      %gt3A_524 = arith.cmpi sgt, %gt3A, %sub3A_200 : vector<128x128xi32>
      %convert_element_type3A_525 = arith.extui %gt3A_524 : vector<128x128xi1> to vector<128x128xi32>
      %convert_element_type3A_526 = arith.sitofp %convert_element_type3A_525 : vector<128x128xi32> to vector<128x128xf32>
      %add3A_527 = arith.addf %while3A_515, %convert_element_type3A_526 : vector<128x128xf32>
      scf.yield %add3A_527 : vector<128x128xf32>
    }
    %while3A_214 = arith.constant 8 : i32
    %while3A_215 = arith.subi %while3A_214, %add3A_187 : i32
    %while3A_216 = arith.addi %add3A_187, %while3A_215 : i32
    %while3A_217 = arith.constant 1 : i32
    %while3A_218 = arith.divsi %while3A_215, %while3A_217 : i32
    %while3A_219 = arith.muli %while3A_218, %while3A_217 : i32
    %while3A_220 = arith.addi %add3A_187, %while3A_219 : i32
    %while3A_221 = arith.constant 1 : i32
    %while3A_222 = scf.for %while3A_514 = %add3A_187 to %while3A_220 step %while3A_221 iter_args(%while3A_515 = %while3A_213) -> (vector<128x128xf32>)  : i32 {
      %mul3A_516 = arith.constant 128 : i32
      %mul3A_517 = arith.muli %while3A_514, %mul3A_516 : i32
      %get3A_518 = arith.constant 0 : index
      %get3A_519 = arith.constant 0 : index
      %get3A_520 = arith.index_cast %mul3A_517 : i32 to index
      %get3A_521 = vector.load %arg2[%get3A_518, %get3A_519, %get3A_520] : memref<1x1x1024xi32, #tpu.memory_space<vmem>>, vector<1x1x128xi32>
      %get3A_522 = vector.shape_cast %get3A_521 : vector<1x1x128xi32> to vector<128xi32>
      %reshape3A_523 = vector.shape_cast %get3A_522 : vector<128xi32> to vector<1x128xi32>
      %gt3A = vector.broadcast %reshape3A_523 : vector<1x128xi32> to vector<128x128xi32>
      %gt3A_524 = arith.cmpi sgt, %gt3A, %broadcast_in_dim3A_197 : vector<128x128xi32>
      %convert_element_type3A_525 = arith.extui %gt3A_524 : vector<128x128xi1> to vector<128x128xi32>
      %convert_element_type3A_526 = arith.sitofp %convert_element_type3A_525 : vector<128x128xi32> to vector<128x128xf32>
      %add3A_527 = arith.addf %while3A_515, %convert_element_type3A_526 : vector<128x128xf32>
      scf.yield %add3A_527 : vector<128x128xf32>
    }
    %while3A_223 = arith.constant 1 : i32
    %while3A_224 = scf.for %while3A_514 = %while3A_220 to %while3A_216 step %while3A_223 iter_args(%while3A_515 = %while3A_222) -> (vector<128x128xf32>)  : i32 {
      %mul3A_516 = arith.constant 128 : i32
      %mul3A_517 = arith.muli %while3A_514, %mul3A_516 : i32
      %get3A_518 = arith.constant 0 : index
      %get3A_519 = arith.constant 0 : index
      %get3A_520 = arith.index_cast %mul3A_517 : i32 to index
      %get3A_521 = vector.load %arg2[%get3A_518, %get3A_519, %get3A_520] : memref<1x1x1024xi32, #tpu.memory_space<vmem>>, vector<1x1x128xi32>
      %get3A_522 = vector.shape_cast %get3A_521 : vector<1x1x128xi32> to vector<128xi32>
      %reshape3A_523 = vector.shape_cast %get3A_522 : vector<128xi32> to vector<1x128xi32>
      %gt3A = vector.broadcast %reshape3A_523 : vector<1x128xi32> to vector<128x128xi32>
      %gt3A_524 = arith.cmpi sgt, %gt3A, %broadcast_in_dim3A_197 : vector<128x128xi32>
      %convert_element_type3A_525 = arith.extui %gt3A_524 : vector<128x128xi1> to vector<128x128xi32>
      %convert_element_type3A_526 = arith.sitofp %convert_element_type3A_525 : vector<128x128xi32> to vector<128x128xf32>
      %add3A_527 = arith.addf %while3A_515, %convert_element_type3A_526 : vector<128x128xf32>
      scf.yield %add3A_527 : vector<128x128xf32>
    }
    %get3A_225 = arith.constant 0 : index
    %get3A_226 = arith.constant 0 : index
    %get3A_227 = arith.index_cast %mul3A_189 : i32 to index
    %get3A_228 = vector.load %arg2[%get3A_225, %get3A_226, %get3A_227] : memref<1x1x1024xi32, #tpu.memory_space<vmem>>, vector<1x1x128xi32>
    %get3A_229 = vector.shape_cast %get3A_228 : vector<1x1x128xi32> to vector<128xi32>
    %reshape3A_230 = vector.shape_cast %get3A_229 : vector<128xi32> to vector<1x128xi32>
    %iota3A_231 = tpu.iota {dimensions = array<i32: 0>} : vector<128x128xi32>
    %iota3A_232 = tpu.iota {dimensions = array<i32: 1>} : vector<128x128xi32>
    %eq3A_233 = vector.broadcast %reshape3A_230 : vector<1x128xi32> to vector<128x128xi32>
    %eq3A_234 = vector.broadcast %reshape3A_195 : vector<128x1xi32> to vector<128x128xi32>
    %eq3A_235 = arith.cmpi eq, %eq3A_233, %eq3A_234 : vector<128x128xi32>
    %lt3A_236 = arith.cmpi slt, %iota3A_232, %iota3A_231 : vector<128x128xi32>
    %and3A_237 = arith.andi %eq3A_235, %lt3A_236 : vector<128x128xi1>
    %convert_element_type3A_238 = arith.extui %and3A_237 : vector<128x128xi1> to vector<128x128xi32>
    %convert_element_type3A_239 = arith.sitofp %convert_element_type3A_238 : vector<128x128xi32> to vector<128x128xf32>
    %add3A_240 = arith.addf %while3A_224, %convert_element_type3A_239 : vector<128x128xf32>
    %reduce_sum3A_241 = arith.constant dense<0.000000e+00> : vector<128xf32>
    %reduce_sum3A_242 = vector.multi_reduction <add>, %add3A_240, %reduce_sum3A_241 [1] : vector<128x128xf32> to vector<128xf32>
    %convert_element_type3A_243 = arith.fptosi %reduce_sum3A_242 : vector<128xf32> to vector<128xi32>
    %swap3A_244 = arith.constant 0 : index
    %swap3A_245 = arith.constant 3 : index
    %swap3A_246 = arith.constant 0 : index
    %swap3A_247 = vector.load %arg3[%swap3A_244, %swap3A_245, %swap3A_246] : memref<1x8x128xi32, #tpu.memory_space<vmem>>, vector<1x1x128xi32>
    %swap3A_248 = vector.shape_cast %swap3A_247 : vector<1x1x128xi32> to vector<128xi32>
    %swap3A_249 = vector.shape_cast %convert_element_type3A_243 : vector<128xi32> to vector<1x1x128xi32>
    tpu.vector_store %arg3[%swap3A_244, %swap3A_245, %swap3A_246], %swap3A_249 {strides = array<i32>} : memref<1x8x128xi32, #tpu.memory_space<vmem>>, vector<1x1x128xi32>,
    %mul3A_250 = arith.constant 8 : i32
    %mul3A_251 = arith.muli %arg1, %mul3A_250 : i32
    %add3A_252 = arith.constant 4 : i32
    %add3A_253 = arith.addi %mul3A_251, %add3A_252 : i32
    %mul3A_254 = arith.constant 128 : i32
    %mul3A_255 = arith.muli %add3A_253, %mul3A_254 : i32
    %get3A_256 = arith.constant 0 : index
    %get3A_257 = arith.constant 0 : index
    %get3A_258 = arith.index_cast %mul3A_255 : i32 to index
    %get3A_259 = vector.load %arg2[%get3A_256, %get3A_257, %get3A_258] : memref<1x1x1024xi32, #tpu.memory_space<vmem>>, vector<1x1x128xi32>
    %get3A_260 = vector.shape_cast %get3A_259 : vector<1x1x128xi32> to vector<128xi32>
    %reshape3A_261 = vector.shape_cast %get3A_260 : vector<128xi32> to vector<128x1xi32>
    %broadcast_in_dim3A_262 = vector.shape_cast %reshape3A_261 : vector<128x1xi32> to vector<128x1xi32>
    %broadcast_in_dim3A_263 = vector.broadcast %broadcast_in_dim3A_262 : vector<128x1xi32> to vector<128x128xi32>
    %sub3A_264 = arith.constant 1 : i32
    %sub3A_265 = vector.broadcast %sub3A_264 : i32 to vector<128x128xi32>
    %sub3A_266 = arith.subi %broadcast_in_dim3A_263, %sub3A_265 : vector<128x128xi32>
    %broadcast_in_dim3A_267 = arith.constant 0.000000e+00 : f32
    %broadcast_in_dim3A_268 = vector.broadcast %broadcast_in_dim3A_267 : f32 to vector<128x128xf32>
    %while3A_269 = arith.constant 0 : i32
    %while3A_270 = arith.subi %add3A_253, %while3A_269 : i32
    %while3A_271 = arith.addi %while3A_269, %while3A_270 : i32
    %while3A_272 = arith.constant 1 : i32
    %while3A_273 = arith.divsi %while3A_270, %while3A_272 : i32
    %while3A_274 = arith.muli %while3A_273, %while3A_272 : i32
    %while3A_275 = arith.addi %while3A_269, %while3A_274 : i32
    %while3A_276 = arith.constant 1 : i32
    %while3A_277 = scf.for %while3A_514 = %while3A_269 to %while3A_275 step %while3A_276 iter_args(%while3A_515 = %broadcast_in_dim3A_268) -> (vector<128x128xf32>)  : i32 {
      %mul3A_516 = arith.constant 128 : i32
      %mul3A_517 = arith.muli %while3A_514, %mul3A_516 : i32
      %get3A_518 = arith.constant 0 : index
      %get3A_519 = arith.constant 0 : index
      %get3A_520 = arith.index_cast %mul3A_517 : i32 to index
      %get3A_521 = vector.load %arg2[%get3A_518, %get3A_519, %get3A_520] : memref<1x1x1024xi32, #tpu.memory_space<vmem>>, vector<1x1x128xi32>
      %get3A_522 = vector.shape_cast %get3A_521 : vector<1x1x128xi32> to vector<128xi32>
      %reshape3A_523 = vector.shape_cast %get3A_522 : vector<128xi32> to vector<1x128xi32>
      %gt3A = vector.broadcast %reshape3A_523 : vector<1x128xi32> to vector<128x128xi32>
      %gt3A_524 = arith.cmpi sgt, %gt3A, %sub3A_266 : vector<128x128xi32>
      %convert_element_type3A_525 = arith.extui %gt3A_524 : vector<128x128xi1> to vector<128x128xi32>
      %convert_element_type3A_526 = arith.sitofp %convert_element_type3A_525 : vector<128x128xi32> to vector<128x128xf32>
      %add3A_527 = arith.addf %while3A_515, %convert_element_type3A_526 : vector<128x128xf32>
      scf.yield %add3A_527 : vector<128x128xf32>
    }
    %while3A_278 = arith.constant 1 : i32
    %while3A_279 = scf.for %while3A_514 = %while3A_275 to %while3A_271 step %while3A_278 iter_args(%while3A_515 = %while3A_277) -> (vector<128x128xf32>)  : i32 {
      %mul3A_516 = arith.constant 128 : i32
      %mul3A_517 = arith.muli %while3A_514, %mul3A_516 : i32
      %get3A_518 = arith.constant 0 : index
      %get3A_519 = arith.constant 0 : index
      %get3A_520 = arith.index_cast %mul3A_517 : i32 to index
      %get3A_521 = vector.load %arg2[%get3A_518, %get3A_519, %get3A_520] : memref<1x1x1024xi32, #tpu.memory_space<vmem>>, vector<1x1x128xi32>
      %get3A_522 = vector.shape_cast %get3A_521 : vector<1x1x128xi32> to vector<128xi32>
      %reshape3A_523 = vector.shape_cast %get3A_522 : vector<128xi32> to vector<1x128xi32>
      %gt3A = vector.broadcast %reshape3A_523 : vector<1x128xi32> to vector<128x128xi32>
      %gt3A_524 = arith.cmpi sgt, %gt3A, %sub3A_266 : vector<128x128xi32>
      %convert_element_type3A_525 = arith.extui %gt3A_524 : vector<128x128xi1> to vector<128x128xi32>
      %convert_element_type3A_526 = arith.sitofp %convert_element_type3A_525 : vector<128x128xi32> to vector<128x128xf32>
      %add3A_527 = arith.addf %while3A_515, %convert_element_type3A_526 : vector<128x128xf32>
      scf.yield %add3A_527 : vector<128x128xf32>
    }
    %while3A_280 = arith.constant 8 : i32
    %while3A_281 = arith.subi %while3A_280, %add3A_253 : i32
    %while3A_282 = arith.addi %add3A_253, %while3A_281 : i32
    %while3A_283 = arith.constant 1 : i32
    %while3A_284 = arith.divsi %while3A_281, %while3A_283 : i32
    %while3A_285 = arith.muli %while3A_284, %while3A_283 : i32
    %while3A_286 = arith.addi %add3A_253, %while3A_285 : i32
    %while3A_287 = arith.constant 1 : i32
    %while3A_288 = scf.for %while3A_514 = %add3A_253 to %while3A_286 step %while3A_287 iter_args(%while3A_515 = %while3A_279) -> (vector<128x128xf32>)  : i32 {
      %mul3A_516 = arith.constant 128 : i32
      %mul3A_517 = arith.muli %while3A_514, %mul3A_516 : i32
      %get3A_518 = arith.constant 0 : index
      %get3A_519 = arith.constant 0 : index
      %get3A_520 = arith.index_cast %mul3A_517 : i32 to index
      %get3A_521 = vector.load %arg2[%get3A_518, %get3A_519, %get3A_520] : memref<1x1x1024xi32, #tpu.memory_space<vmem>>, vector<1x1x128xi32>
      %get3A_522 = vector.shape_cast %get3A_521 : vector<1x1x128xi32> to vector<128xi32>
      %reshape3A_523 = vector.shape_cast %get3A_522 : vector<128xi32> to vector<1x128xi32>
      %gt3A = vector.broadcast %reshape3A_523 : vector<1x128xi32> to vector<128x128xi32>
      %gt3A_524 = arith.cmpi sgt, %gt3A, %broadcast_in_dim3A_263 : vector<128x128xi32>
      %convert_element_type3A_525 = arith.extui %gt3A_524 : vector<128x128xi1> to vector<128x128xi32>
      %convert_element_type3A_526 = arith.sitofp %convert_element_type3A_525 : vector<128x128xi32> to vector<128x128xf32>
      %add3A_527 = arith.addf %while3A_515, %convert_element_type3A_526 : vector<128x128xf32>
      scf.yield %add3A_527 : vector<128x128xf32>
    }
    %while3A_289 = arith.constant 1 : i32
    %while3A_290 = scf.for %while3A_514 = %while3A_286 to %while3A_282 step %while3A_289 iter_args(%while3A_515 = %while3A_288) -> (vector<128x128xf32>)  : i32 {
      %mul3A_516 = arith.constant 128 : i32
      %mul3A_517 = arith.muli %while3A_514, %mul3A_516 : i32
      %get3A_518 = arith.constant 0 : index
      %get3A_519 = arith.constant 0 : index
      %get3A_520 = arith.index_cast %mul3A_517 : i32 to index
      %get3A_521 = vector.load %arg2[%get3A_518, %get3A_519, %get3A_520] : memref<1x1x1024xi32, #tpu.memory_space<vmem>>, vector<1x1x128xi32>
      %get3A_522 = vector.shape_cast %get3A_521 : vector<1x1x128xi32> to vector<128xi32>
      %reshape3A_523 = vector.shape_cast %get3A_522 : vector<128xi32> to vector<1x128xi32>
      %gt3A = vector.broadcast %reshape3A_523 : vector<1x128xi32> to vector<128x128xi32>
      %gt3A_524 = arith.cmpi sgt, %gt3A, %broadcast_in_dim3A_263 : vector<128x128xi32>
      %convert_element_type3A_525 = arith.extui %gt3A_524 : vector<128x128xi1> to vector<128x128xi32>
      %convert_element_type3A_526 = arith.sitofp %convert_element_type3A_525 : vector<128x128xi32> to vector<128x128xf32>
      %add3A_527 = arith.addf %while3A_515, %convert_element_type3A_526 : vector<128x128xf32>
      scf.yield %add3A_527 : vector<128x128xf32>
    }
    %get3A_291 = arith.constant 0 : index
    %get3A_292 = arith.constant 0 : index
    %get3A_293 = arith.index_cast %mul3A_255 : i32 to index
    %get3A_294 = vector.load %arg2[%get3A_291, %get3A_292, %get3A_293] : memref<1x1x1024xi32, #tpu.memory_space<vmem>>, vector<1x1x128xi32>
    %get3A_295 = vector.shape_cast %get3A_294 : vector<1x1x128xi32> to vector<128xi32>
    %reshape3A_296 = vector.shape_cast %get3A_295 : vector<128xi32> to vector<1x128xi32>
    %iota3A_297 = tpu.iota {dimensions = array<i32: 0>} : vector<128x128xi32>
    %iota3A_298 = tpu.iota {dimensions = array<i32: 1>} : vector<128x128xi32>
    %eq3A_299 = vector.broadcast %reshape3A_296 : vector<1x128xi32> to vector<128x128xi32>
    %eq3A_300 = vector.broadcast %reshape3A_261 : vector<128x1xi32> to vector<128x128xi32>
    %eq3A_301 = arith.cmpi eq, %eq3A_299, %eq3A_300 : vector<128x128xi32>
    %lt3A_302 = arith.cmpi slt, %iota3A_298, %iota3A_297 : vector<128x128xi32>
    %and3A_303 = arith.andi %eq3A_301, %lt3A_302 : vector<128x128xi1>
    %convert_element_type3A_304 = arith.extui %and3A_303 : vector<128x128xi1> to vector<128x128xi32>
    %convert_element_type3A_305 = arith.sitofp %convert_element_type3A_304 : vector<128x128xi32> to vector<128x128xf32>
    %add3A_306 = arith.addf %while3A_290, %convert_element_type3A_305 : vector<128x128xf32>
    %reduce_sum3A_307 = arith.constant dense<0.000000e+00> : vector<128xf32>
    %reduce_sum3A_308 = vector.multi_reduction <add>, %add3A_306, %reduce_sum3A_307 [1] : vector<128x128xf32> to vector<128xf32>
    %convert_element_type3A_309 = arith.fptosi %reduce_sum3A_308 : vector<128xf32> to vector<128xi32>
    %swap3A_310 = arith.constant 0 : index
    %swap3A_311 = arith.constant 4 : index
    %swap3A_312 = arith.constant 0 : index
    %swap3A_313 = vector.load %arg3[%swap3A_310, %swap3A_311, %swap3A_312] : memref<1x8x128xi32, #tpu.memory_space<vmem>>, vector<1x1x128xi32>
    %swap3A_314 = vector.shape_cast %swap3A_313 : vector<1x1x128xi32> to vector<128xi32>
    %swap3A_315 = vector.shape_cast %convert_element_type3A_309 : vector<128xi32> to vector<1x1x128xi32>
    tpu.vector_store %arg3[%swap3A_310, %swap3A_311, %swap3A_312], %swap3A_315 {strides = array<i32>} : memref<1x8x128xi32, #tpu.memory_space<vmem>>, vector<1x1x128xi32>,
    %mul3A_316 = arith.constant 8 : i32
    %mul3A_317 = arith.muli %arg1, %mul3A_316 : i32
    %add3A_318 = arith.constant 5 : i32
    %add3A_319 = arith.addi %mul3A_317, %add3A_318 : i32
    %mul3A_320 = arith.constant 128 : i32
    %mul3A_321 = arith.muli %add3A_319, %mul3A_320 : i32
    %get3A_322 = arith.constant 0 : index
    %get3A_323 = arith.constant 0 : index
    %get3A_324 = arith.index_cast %mul3A_321 : i32 to index
    %get3A_325 = vector.load %arg2[%get3A_322, %get3A_323, %get3A_324] : memref<1x1x1024xi32, #tpu.memory_space<vmem>>, vector<1x1x128xi32>
    %get3A_326 = vector.shape_cast %get3A_325 : vector<1x1x128xi32> to vector<128xi32>
    %reshape3A_327 = vector.shape_cast %get3A_326 : vector<128xi32> to vector<128x1xi32>
    %broadcast_in_dim3A_328 = vector.shape_cast %reshape3A_327 : vector<128x1xi32> to vector<128x1xi32>
    %broadcast_in_dim3A_329 = vector.broadcast %broadcast_in_dim3A_328 : vector<128x1xi32> to vector<128x128xi32>
    %sub3A_330 = arith.constant 1 : i32
    %sub3A_331 = vector.broadcast %sub3A_330 : i32 to vector<128x128xi32>
    %sub3A_332 = arith.subi %broadcast_in_dim3A_329, %sub3A_331 : vector<128x128xi32>
    %broadcast_in_dim3A_333 = arith.constant 0.000000e+00 : f32
    %broadcast_in_dim3A_334 = vector.broadcast %broadcast_in_dim3A_333 : f32 to vector<128x128xf32>
    %while3A_335 = arith.constant 0 : i32
    %while3A_336 = arith.subi %add3A_319, %while3A_335 : i32
    %while3A_337 = arith.addi %while3A_335, %while3A_336 : i32
    %while3A_338 = arith.constant 1 : i32
    %while3A_339 = arith.divsi %while3A_336, %while3A_338 : i32
    %while3A_340 = arith.muli %while3A_339, %while3A_338 : i32
    %while3A_341 = arith.addi %while3A_335, %while3A_340 : i32
    %while3A_342 = arith.constant 1 : i32
    %while3A_343 = scf.for %while3A_514 = %while3A_335 to %while3A_341 step %while3A_342 iter_args(%while3A_515 = %broadcast_in_dim3A_334) -> (vector<128x128xf32>)  : i32 {
      %mul3A_516 = arith.constant 128 : i32
      %mul3A_517 = arith.muli %while3A_514, %mul3A_516 : i32
      %get3A_518 = arith.constant 0 : index
      %get3A_519 = arith.constant 0 : index
      %get3A_520 = arith.index_cast %mul3A_517 : i32 to index
      %get3A_521 = vector.load %arg2[%get3A_518, %get3A_519, %get3A_520] : memref<1x1x1024xi32, #tpu.memory_space<vmem>>, vector<1x1x128xi32>
      %get3A_522 = vector.shape_cast %get3A_521 : vector<1x1x128xi32> to vector<128xi32>
      %reshape3A_523 = vector.shape_cast %get3A_522 : vector<128xi32> to vector<1x128xi32>
      %gt3A = vector.broadcast %reshape3A_523 : vector<1x128xi32> to vector<128x128xi32>
      %gt3A_524 = arith.cmpi sgt, %gt3A, %sub3A_332 : vector<128x128xi32>
      %convert_element_type3A_525 = arith.extui %gt3A_524 : vector<128x128xi1> to vector<128x128xi32>
      %convert_element_type3A_526 = arith.sitofp %convert_element_type3A_525 : vector<128x128xi32> to vector<128x128xf32>
      %add3A_527 = arith.addf %while3A_515, %convert_element_type3A_526 : vector<128x128xf32>
      scf.yield %add3A_527 : vector<128x128xf32>
    }
    %while3A_344 = arith.constant 1 : i32
    %while3A_345 = scf.for %while3A_514 = %while3A_341 to %while3A_337 step %while3A_344 iter_args(%while3A_515 = %while3A_343) -> (vector<128x128xf32>)  : i32 {
      %mul3A_516 = arith.constant 128 : i32
      %mul3A_517 = arith.muli %while3A_514, %mul3A_516 : i32
      %get3A_518 = arith.constant 0 : index
      %get3A_519 = arith.constant 0 : index
      %get3A_520 = arith.index_cast %mul3A_517 : i32 to index
      %get3A_521 = vector.load %arg2[%get3A_518, %get3A_519, %get3A_520] : memref<1x1x1024xi32, #tpu.memory_space<vmem>>, vector<1x1x128xi32>
      %get3A_522 = vector.shape_cast %get3A_521 : vector<1x1x128xi32> to vector<128xi32>
      %reshape3A_523 = vector.shape_cast %get3A_522 : vector<128xi32> to vector<1x128xi32>
      %gt3A = vector.broadcast %reshape3A_523 : vector<1x128xi32> to vector<128x128xi32>
      %gt3A_524 = arith.cmpi sgt, %gt3A, %sub3A_332 : vector<128x128xi32>
      %convert_element_type3A_525 = arith.extui %gt3A_524 : vector<128x128xi1> to vector<128x128xi32>
      %convert_element_type3A_526 = arith.sitofp %convert_element_type3A_525 : vector<128x128xi32> to vector<128x128xf32>
      %add3A_527 = arith.addf %while3A_515, %convert_element_type3A_526 : vector<128x128xf32>
      scf.yield %add3A_527 : vector<128x128xf32>
    }
    %while3A_346 = arith.constant 8 : i32
    %while3A_347 = arith.subi %while3A_346, %add3A_319 : i32
    %while3A_348 = arith.addi %add3A_319, %while3A_347 : i32
    %while3A_349 = arith.constant 1 : i32
    %while3A_350 = arith.divsi %while3A_347, %while3A_349 : i32
    %while3A_351 = arith.muli %while3A_350, %while3A_349 : i32
    %while3A_352 = arith.addi %add3A_319, %while3A_351 : i32
    %while3A_353 = arith.constant 1 : i32
    %while3A_354 = scf.for %while3A_514 = %add3A_319 to %while3A_352 step %while3A_353 iter_args(%while3A_515 = %while3A_345) -> (vector<128x128xf32>)  : i32 {
      %mul3A_516 = arith.constant 128 : i32
      %mul3A_517 = arith.muli %while3A_514, %mul3A_516 : i32
      %get3A_518 = arith.constant 0 : index
      %get3A_519 = arith.constant 0 : index
      %get3A_520 = arith.index_cast %mul3A_517 : i32 to index
      %get3A_521 = vector.load %arg2[%get3A_518, %get3A_519, %get3A_520] : memref<1x1x1024xi32, #tpu.memory_space<vmem>>, vector<1x1x128xi32>
      %get3A_522 = vector.shape_cast %get3A_521 : vector<1x1x128xi32> to vector<128xi32>
      %reshape3A_523 = vector.shape_cast %get3A_522 : vector<128xi32> to vector<1x128xi32>
      %gt3A = vector.broadcast %reshape3A_523 : vector<1x128xi32> to vector<128x128xi32>
      %gt3A_524 = arith.cmpi sgt, %gt3A, %broadcast_in_dim3A_329 : vector<128x128xi32>
      %convert_element_type3A_525 = arith.extui %gt3A_524 : vector<128x128xi1> to vector<128x128xi32>
      %convert_element_type3A_526 = arith.sitofp %convert_element_type3A_525 : vector<128x128xi32> to vector<128x128xf32>
      %add3A_527 = arith.addf %while3A_515, %convert_element_type3A_526 : vector<128x128xf32>
      scf.yield %add3A_527 : vector<128x128xf32>
    }
    %while3A_355 = arith.constant 1 : i32
    %while3A_356 = scf.for %while3A_514 = %while3A_352 to %while3A_348 step %while3A_355 iter_args(%while3A_515 = %while3A_354) -> (vector<128x128xf32>)  : i32 {
      %mul3A_516 = arith.constant 128 : i32
      %mul3A_517 = arith.muli %while3A_514, %mul3A_516 : i32
      %get3A_518 = arith.constant 0 : index
      %get3A_519 = arith.constant 0 : index
      %get3A_520 = arith.index_cast %mul3A_517 : i32 to index
      %get3A_521 = vector.load %arg2[%get3A_518, %get3A_519, %get3A_520] : memref<1x1x1024xi32, #tpu.memory_space<vmem>>, vector<1x1x128xi32>
      %get3A_522 = vector.shape_cast %get3A_521 : vector<1x1x128xi32> to vector<128xi32>
      %reshape3A_523 = vector.shape_cast %get3A_522 : vector<128xi32> to vector<1x128xi32>
      %gt3A = vector.broadcast %reshape3A_523 : vector<1x128xi32> to vector<128x128xi32>
      %gt3A_524 = arith.cmpi sgt, %gt3A, %broadcast_in_dim3A_329 : vector<128x128xi32>
      %convert_element_type3A_525 = arith.extui %gt3A_524 : vector<128x128xi1> to vector<128x128xi32>
      %convert_element_type3A_526 = arith.sitofp %convert_element_type3A_525 : vector<128x128xi32> to vector<128x128xf32>
      %add3A_527 = arith.addf %while3A_515, %convert_element_type3A_526 : vector<128x128xf32>
      scf.yield %add3A_527 : vector<128x128xf32>
    }
    %get3A_357 = arith.constant 0 : index
    %get3A_358 = arith.constant 0 : index
    %get3A_359 = arith.index_cast %mul3A_321 : i32 to index
    %get3A_360 = vector.load %arg2[%get3A_357, %get3A_358, %get3A_359] : memref<1x1x1024xi32, #tpu.memory_space<vmem>>, vector<1x1x128xi32>
    %get3A_361 = vector.shape_cast %get3A_360 : vector<1x1x128xi32> to vector<128xi32>
    %reshape3A_362 = vector.shape_cast %get3A_361 : vector<128xi32> to vector<1x128xi32>
    %iota3A_363 = tpu.iota {dimensions = array<i32: 0>} : vector<128x128xi32>
    %iota3A_364 = tpu.iota {dimensions = array<i32: 1>} : vector<128x128xi32>
    %eq3A_365 = vector.broadcast %reshape3A_362 : vector<1x128xi32> to vector<128x128xi32>
    %eq3A_366 = vector.broadcast %reshape3A_327 : vector<128x1xi32> to vector<128x128xi32>
    %eq3A_367 = arith.cmpi eq, %eq3A_365, %eq3A_366 : vector<128x128xi32>
    %lt3A_368 = arith.cmpi slt, %iota3A_364, %iota3A_363 : vector<128x128xi32>
    %and3A_369 = arith.andi %eq3A_367, %lt3A_368 : vector<128x128xi1>
    %convert_element_type3A_370 = arith.extui %and3A_369 : vector<128x128xi1> to vector<128x128xi32>
    %convert_element_type3A_371 = arith.sitofp %convert_element_type3A_370 : vector<128x128xi32> to vector<128x128xf32>
    %add3A_372 = arith.addf %while3A_356, %convert_element_type3A_371 : vector<128x128xf32>
    %reduce_sum3A_373 = arith.constant dense<0.000000e+00> : vector<128xf32>
    %reduce_sum3A_374 = vector.multi_reduction <add>, %add3A_372, %reduce_sum3A_373 [1] : vector<128x128xf32> to vector<128xf32>
    %convert_element_type3A_375 = arith.fptosi %reduce_sum3A_374 : vector<128xf32> to vector<128xi32>
    %swap3A_376 = arith.constant 0 : index
    %swap3A_377 = arith.constant 5 : index
    %swap3A_378 = arith.constant 0 : index
    %swap3A_379 = vector.load %arg3[%swap3A_376, %swap3A_377, %swap3A_378] : memref<1x8x128xi32, #tpu.memory_space<vmem>>, vector<1x1x128xi32>
    %swap3A_380 = vector.shape_cast %swap3A_379 : vector<1x1x128xi32> to vector<128xi32>
    %swap3A_381 = vector.shape_cast %convert_element_type3A_375 : vector<128xi32> to vector<1x1x128xi32>
    tpu.vector_store %arg3[%swap3A_376, %swap3A_377, %swap3A_378], %swap3A_381 {strides = array<i32>} : memref<1x8x128xi32, #tpu.memory_space<vmem>>, vector<1x1x128xi32>,
    %mul3A_382 = arith.constant 8 : i32
    %mul3A_383 = arith.muli %arg1, %mul3A_382 : i32
    %add3A_384 = arith.constant 6 : i32
    %add3A_385 = arith.addi %mul3A_383, %add3A_384 : i32
    %mul3A_386 = arith.constant 128 : i32
    %mul3A_387 = arith.muli %add3A_385, %mul3A_386 : i32
    %get3A_388 = arith.constant 0 : index
    %get3A_389 = arith.constant 0 : index
    %get3A_390 = arith.index_cast %mul3A_387 : i32 to index
    %get3A_391 = vector.load %arg2[%get3A_388, %get3A_389, %get3A_390] : memref<1x1x1024xi32, #tpu.memory_space<vmem>>, vector<1x1x128xi32>
    %get3A_392 = vector.shape_cast %get3A_391 : vector<1x1x128xi32> to vector<128xi32>
    %reshape3A_393 = vector.shape_cast %get3A_392 : vector<128xi32> to vector<128x1xi32>
    %broadcast_in_dim3A_394 = vector.shape_cast %reshape3A_393 : vector<128x1xi32> to vector<128x1xi32>
    %broadcast_in_dim3A_395 = vector.broadcast %broadcast_in_dim3A_394 : vector<128x1xi32> to vector<128x128xi32>
    %sub3A_396 = arith.constant 1 : i32
    %sub3A_397 = vector.broadcast %sub3A_396 : i32 to vector<128x128xi32>
    %sub3A_398 = arith.subi %broadcast_in_dim3A_395, %sub3A_397 : vector<128x128xi32>
    %broadcast_in_dim3A_399 = arith.constant 0.000000e+00 : f32
    %broadcast_in_dim3A_400 = vector.broadcast %broadcast_in_dim3A_399 : f32 to vector<128x128xf32>
    %while3A_401 = arith.constant 0 : i32
    %while3A_402 = arith.subi %add3A_385, %while3A_401 : i32
    %while3A_403 = arith.addi %while3A_401, %while3A_402 : i32
    %while3A_404 = arith.constant 1 : i32
    %while3A_405 = arith.divsi %while3A_402, %while3A_404 : i32
    %while3A_406 = arith.muli %while3A_405, %while3A_404 : i32
    %while3A_407 = arith.addi %while3A_401, %while3A_406 : i32
    %while3A_408 = arith.constant 1 : i32
    %while3A_409 = scf.for %while3A_514 = %while3A_401 to %while3A_407 step %while3A_408 iter_args(%while3A_515 = %broadcast_in_dim3A_400) -> (vector<128x128xf32>)  : i32 {
      %mul3A_516 = arith.constant 128 : i32
      %mul3A_517 = arith.muli %while3A_514, %mul3A_516 : i32
      %get3A_518 = arith.constant 0 : index
      %get3A_519 = arith.constant 0 : index
      %get3A_520 = arith.index_cast %mul3A_517 : i32 to index
      %get3A_521 = vector.load %arg2[%get3A_518, %get3A_519, %get3A_520] : memref<1x1x1024xi32, #tpu.memory_space<vmem>>, vector<1x1x128xi32>
      %get3A_522 = vector.shape_cast %get3A_521 : vector<1x1x128xi32> to vector<128xi32>
      %reshape3A_523 = vector.shape_cast %get3A_522 : vector<128xi32> to vector<1x128xi32>
      %gt3A = vector.broadcast %reshape3A_523 : vector<1x128xi32> to vector<128x128xi32>
      %gt3A_524 = arith.cmpi sgt, %gt3A, %sub3A_398 : vector<128x128xi32>
      %convert_element_type3A_525 = arith.extui %gt3A_524 : vector<128x128xi1> to vector<128x128xi32>
      %convert_element_type3A_526 = arith.sitofp %convert_element_type3A_525 : vector<128x128xi32> to vector<128x128xf32>
      %add3A_527 = arith.addf %while3A_515, %convert_element_type3A_526 : vector<128x128xf32>
      scf.yield %add3A_527 : vector<128x128xf32>
    }
    %while3A_410 = arith.constant 1 : i32
    %while3A_411 = scf.for %while3A_514 = %while3A_407 to %while3A_403 step %while3A_410 iter_args(%while3A_515 = %while3A_409) -> (vector<128x128xf32>)  : i32 {
      %mul3A_516 = arith.constant 128 : i32
      %mul3A_517 = arith.muli %while3A_514, %mul3A_516 : i32
      %get3A_518 = arith.constant 0 : index
      %get3A_519 = arith.constant 0 : index
      %get3A_520 = arith.index_cast %mul3A_517 : i32 to index
      %get3A_521 = vector.load %arg2[%get3A_518, %get3A_519, %get3A_520] : memref<1x1x1024xi32, #tpu.memory_space<vmem>>, vector<1x1x128xi32>
      %get3A_522 = vector.shape_cast %get3A_521 : vector<1x1x128xi32> to vector<128xi32>
      %reshape3A_523 = vector.shape_cast %get3A_522 : vector<128xi32> to vector<1x128xi32>
      %gt3A = vector.broadcast %reshape3A_523 : vector<1x128xi32> to vector<128x128xi32>
      %gt3A_524 = arith.cmpi sgt, %gt3A, %sub3A_398 : vector<128x128xi32>
      %convert_element_type3A_525 = arith.extui %gt3A_524 : vector<128x128xi1> to vector<128x128xi32>
      %convert_element_type3A_526 = arith.sitofp %convert_element_type3A_525 : vector<128x128xi32> to vector<128x128xf32>
      %add3A_527 = arith.addf %while3A_515, %convert_element_type3A_526 : vector<128x128xf32>
      scf.yield %add3A_527 : vector<128x128xf32>
    }
    %while3A_412 = arith.constant 8 : i32
    %while3A_413 = arith.subi %while3A_412, %add3A_385 : i32
    %while3A_414 = arith.addi %add3A_385, %while3A_413 : i32
    %while3A_415 = arith.constant 1 : i32
    %while3A_416 = arith.divsi %while3A_413, %while3A_415 : i32
    %while3A_417 = arith.muli %while3A_416, %while3A_415 : i32
    %while3A_418 = arith.addi %add3A_385, %while3A_417 : i32
    %while3A_419 = arith.constant 1 : i32
    %while3A_420 = scf.for %while3A_514 = %add3A_385 to %while3A_418 step %while3A_419 iter_args(%while3A_515 = %while3A_411) -> (vector<128x128xf32>)  : i32 {
      %mul3A_516 = arith.constant 128 : i32
      %mul3A_517 = arith.muli %while3A_514, %mul3A_516 : i32
      %get3A_518 = arith.constant 0 : index
      %get3A_519 = arith.constant 0 : index
      %get3A_520 = arith.index_cast %mul3A_517 : i32 to index
      %get3A_521 = vector.load %arg2[%get3A_518, %get3A_519, %get3A_520] : memref<1x1x1024xi32, #tpu.memory_space<vmem>>, vector<1x1x128xi32>
      %get3A_522 = vector.shape_cast %get3A_521 : vector<1x1x128xi32> to vector<128xi32>
      %reshape3A_523 = vector.shape_cast %get3A_522 : vector<128xi32> to vector<1x128xi32>
      %gt3A = vector.broadcast %reshape3A_523 : vector<1x128xi32> to vector<128x128xi32>
      %gt3A_524 = arith.cmpi sgt, %gt3A, %broadcast_in_dim3A_395 : vector<128x128xi32>
      %convert_element_type3A_525 = arith.extui %gt3A_524 : vector<128x128xi1> to vector<128x128xi32>
      %convert_element_type3A_526 = arith.sitofp %convert_element_type3A_525 : vector<128x128xi32> to vector<128x128xf32>
      %add3A_527 = arith.addf %while3A_515, %convert_element_type3A_526 : vector<128x128xf32>
      scf.yield %add3A_527 : vector<128x128xf32>
    }
    %while3A_421 = arith.constant 1 : i32
    %while3A_422 = scf.for %while3A_514 = %while3A_418 to %while3A_414 step %while3A_421 iter_args(%while3A_515 = %while3A_420) -> (vector<128x128xf32>)  : i32 {
      %mul3A_516 = arith.constant 128 : i32
      %mul3A_517 = arith.muli %while3A_514, %mul3A_516 : i32
      %get3A_518 = arith.constant 0 : index
      %get3A_519 = arith.constant 0 : index
      %get3A_520 = arith.index_cast %mul3A_517 : i32 to index
      %get3A_521 = vector.load %arg2[%get3A_518, %get3A_519, %get3A_520] : memref<1x1x1024xi32, #tpu.memory_space<vmem>>, vector<1x1x128xi32>
      %get3A_522 = vector.shape_cast %get3A_521 : vector<1x1x128xi32> to vector<128xi32>
      %reshape3A_523 = vector.shape_cast %get3A_522 : vector<128xi32> to vector<1x128xi32>
      %gt3A = vector.broadcast %reshape3A_523 : vector<1x128xi32> to vector<128x128xi32>
      %gt3A_524 = arith.cmpi sgt, %gt3A, %broadcast_in_dim3A_395 : vector<128x128xi32>
      %convert_element_type3A_525 = arith.extui %gt3A_524 : vector<128x128xi1> to vector<128x128xi32>
      %convert_element_type3A_526 = arith.sitofp %convert_element_type3A_525 : vector<128x128xi32> to vector<128x128xf32>
      %add3A_527 = arith.addf %while3A_515, %convert_element_type3A_526 : vector<128x128xf32>
      scf.yield %add3A_527 : vector<128x128xf32>
    }
    %get3A_423 = arith.constant 0 : index
    %get3A_424 = arith.constant 0 : index
    %get3A_425 = arith.index_cast %mul3A_387 : i32 to index
    %get3A_426 = vector.load %arg2[%get3A_423, %get3A_424, %get3A_425] : memref<1x1x1024xi32, #tpu.memory_space<vmem>>, vector<1x1x128xi32>
    %get3A_427 = vector.shape_cast %get3A_426 : vector<1x1x128xi32> to vector<128xi32>
    %reshape3A_428 = vector.shape_cast %get3A_427 : vector<128xi32> to vector<1x128xi32>
    %iota3A_429 = tpu.iota {dimensions = array<i32: 0>} : vector<128x128xi32>
    %iota3A_430 = tpu.iota {dimensions = array<i32: 1>} : vector<128x128xi32>
    %eq3A_431 = vector.broadcast %reshape3A_428 : vector<1x128xi32> to vector<128x128xi32>
    %eq3A_432 = vector.broadcast %reshape3A_393 : vector<128x1xi32> to vector<128x128xi32>
    %eq3A_433 = arith.cmpi eq, %eq3A_431, %eq3A_432 : vector<128x128xi32>
    %lt3A_434 = arith.cmpi slt, %iota3A_430, %iota3A_429 : vector<128x128xi32>
    %and3A_435 = arith.andi %eq3A_433, %lt3A_434 : vector<128x128xi1>
    %convert_element_type3A_436 = arith.extui %and3A_435 : vector<128x128xi1> to vector<128x128xi32>
    %convert_element_type3A_437 = arith.sitofp %convert_element_type3A_436 : vector<128x128xi32> to vector<128x128xf32>
    %add3A_438 = arith.addf %while3A_422, %convert_element_type3A_437 : vector<128x128xf32>
    %reduce_sum3A_439 = arith.constant dense<0.000000e+00> : vector<128xf32>
    %reduce_sum3A_440 = vector.multi_reduction <add>, %add3A_438, %reduce_sum3A_439 [1] : vector<128x128xf32> to vector<128xf32>
    %convert_element_type3A_441 = arith.fptosi %reduce_sum3A_440 : vector<128xf32> to vector<128xi32>
    %swap3A_442 = arith.constant 0 : index
    %swap3A_443 = arith.constant 6 : index
    %swap3A_444 = arith.constant 0 : index
    %swap3A_445 = vector.load %arg3[%swap3A_442, %swap3A_443, %swap3A_444] : memref<1x8x128xi32, #tpu.memory_space<vmem>>, vector<1x1x128xi32>
    %swap3A_446 = vector.shape_cast %swap3A_445 : vector<1x1x128xi32> to vector<128xi32>
    %swap3A_447 = vector.shape_cast %convert_element_type3A_441 : vector<128xi32> to vector<1x1x128xi32>
    tpu.vector_store %arg3[%swap3A_442, %swap3A_443, %swap3A_444], %swap3A_447 {strides = array<i32>} : memref<1x8x128xi32, #tpu.memory_space<vmem>>, vector<1x1x128xi32>,
    %mul3A_448 = arith.constant 8 : i32
    %mul3A_449 = arith.muli %arg1, %mul3A_448 : i32
    %add3A_450 = arith.constant 7 : i32
    %add3A_451 = arith.addi %mul3A_449, %add3A_450 : i32
    %mul3A_452 = arith.constant 128 : i32
    %mul3A_453 = arith.muli %add3A_451, %mul3A_452 : i32
    %get3A_454 = arith.constant 0 : index
    %get3A_455 = arith.constant 0 : index
    %get3A_456 = arith.index_cast %mul3A_453 : i32 to index
    %get3A_457 = vector.load %arg2[%get3A_454, %get3A_455, %get3A_456] : memref<1x1x1024xi32, #tpu.memory_space<vmem>>, vector<1x1x128xi32>
    %get3A_458 = vector.shape_cast %get3A_457 : vector<1x1x128xi32> to vector<128xi32>
    %reshape3A_459 = vector.shape_cast %get3A_458 : vector<128xi32> to vector<128x1xi32>
    %broadcast_in_dim3A_460 = vector.shape_cast %reshape3A_459 : vector<128x1xi32> to vector<128x1xi32>
    %broadcast_in_dim3A_461 = vector.broadcast %broadcast_in_dim3A_460 : vector<128x1xi32> to vector<128x128xi32>
    %sub3A_462 = arith.constant 1 : i32
    %sub3A_463 = vector.broadcast %sub3A_462 : i32 to vector<128x128xi32>
    %sub3A_464 = arith.subi %broadcast_in_dim3A_461, %sub3A_463 : vector<128x128xi32>
    %broadcast_in_dim3A_465 = arith.constant 0.000000e+00 : f32
    %broadcast_in_dim3A_466 = vector.broadcast %broadcast_in_dim3A_465 : f32 to vector<128x128xf32>
    %while3A_467 = arith.constant 0 : i32
    %while3A_468 = arith.subi %add3A_451, %while3A_467 : i32
    %while3A_469 = arith.addi %while3A_467, %while3A_468 : i32
    %while3A_470 = arith.constant 1 : i32
    %while3A_471 = arith.divsi %while3A_468, %while3A_470 : i32
    %while3A_472 = arith.muli %while3A_471, %while3A_470 : i32
    %while3A_473 = arith.addi %while3A_467, %while3A_472 : i32
    %while3A_474 = arith.constant 1 : i32
    %while3A_475 = scf.for %while3A_514 = %while3A_467 to %while3A_473 step %while3A_474 iter_args(%while3A_515 = %broadcast_in_dim3A_466) -> (vector<128x128xf32>)  : i32 {
      %mul3A_516 = arith.constant 128 : i32
      %mul3A_517 = arith.muli %while3A_514, %mul3A_516 : i32
      %get3A_518 = arith.constant 0 : index
      %get3A_519 = arith.constant 0 : index
      %get3A_520 = arith.index_cast %mul3A_517 : i32 to index
      %get3A_521 = vector.load %arg2[%get3A_518, %get3A_519, %get3A_520] : memref<1x1x1024xi32, #tpu.memory_space<vmem>>, vector<1x1x128xi32>
      %get3A_522 = vector.shape_cast %get3A_521 : vector<1x1x128xi32> to vector<128xi32>
      %reshape3A_523 = vector.shape_cast %get3A_522 : vector<128xi32> to vector<1x128xi32>
      %gt3A = vector.broadcast %reshape3A_523 : vector<1x128xi32> to vector<128x128xi32>
      %gt3A_524 = arith.cmpi sgt, %gt3A, %sub3A_464 : vector<128x128xi32>
      %convert_element_type3A_525 = arith.extui %gt3A_524 : vector<128x128xi1> to vector<128x128xi32>
      %convert_element_type3A_526 = arith.sitofp %convert_element_type3A_525 : vector<128x128xi32> to vector<128x128xf32>
      %add3A_527 = arith.addf %while3A_515, %convert_element_type3A_526 : vector<128x128xf32>
      scf.yield %add3A_527 : vector<128x128xf32>
    }
    %while3A_476 = arith.constant 1 : i32
    %while3A_477 = scf.for %while3A_514 = %while3A_473 to %while3A_469 step %while3A_476 iter_args(%while3A_515 = %while3A_475) -> (vector<128x128xf32>)  : i32 {
      %mul3A_516 = arith.constant 128 : i32
      %mul3A_517 = arith.muli %while3A_514, %mul3A_516 : i32
      %get3A_518 = arith.constant 0 : index
      %get3A_519 = arith.constant 0 : index
      %get3A_520 = arith.index_cast %mul3A_517 : i32 to index
      %get3A_521 = vector.load %arg2[%get3A_518, %get3A_519, %get3A_520] : memref<1x1x1024xi32, #tpu.memory_space<vmem>>, vector<1x1x128xi32>
      %get3A_522 = vector.shape_cast %get3A_521 : vector<1x1x128xi32> to vector<128xi32>
      %reshape3A_523 = vector.shape_cast %get3A_522 : vector<128xi32> to vector<1x128xi32>
      %gt3A = vector.broadcast %reshape3A_523 : vector<1x128xi32> to vector<128x128xi32>
      %gt3A_524 = arith.cmpi sgt, %gt3A, %sub3A_464 : vector<128x128xi32>
      %convert_element_type3A_525 = arith.extui %gt3A_524 : vector<128x128xi1> to vector<128x128xi32>
      %convert_element_type3A_526 = arith.sitofp %convert_element_type3A_525 : vector<128x128xi32> to vector<128x128xf32>
      %add3A_527 = arith.addf %while3A_515, %convert_element_type3A_526 : vector<128x128xf32>
      scf.yield %add3A_527 : vector<128x128xf32>
    }
    %while3A_478 = arith.constant 8 : i32
    %while3A_479 = arith.subi %while3A_478, %add3A_451 : i32
    %while3A_480 = arith.addi %add3A_451, %while3A_479 : i32
    %while3A_481 = arith.constant 1 : i32
    %while3A_482 = arith.divsi %while3A_479, %while3A_481 : i32
    %while3A_483 = arith.muli %while3A_482, %while3A_481 : i32
    %while3A_484 = arith.addi %add3A_451, %while3A_483 : i32
    %while3A_485 = arith.constant 1 : i32
    %while3A_486 = scf.for %while3A_514 = %add3A_451 to %while3A_484 step %while3A_485 iter_args(%while3A_515 = %while3A_477) -> (vector<128x128xf32>)  : i32 {
      %mul3A_516 = arith.constant 128 : i32
      %mul3A_517 = arith.muli %while3A_514, %mul3A_516 : i32
      %get3A_518 = arith.constant 0 : index
      %get3A_519 = arith.constant 0 : index
      %get3A_520 = arith.index_cast %mul3A_517 : i32 to index
      %get3A_521 = vector.load %arg2[%get3A_518, %get3A_519, %get3A_520] : memref<1x1x1024xi32, #tpu.memory_space<vmem>>, vector<1x1x128xi32>
      %get3A_522 = vector.shape_cast %get3A_521 : vector<1x1x128xi32> to vector<128xi32>
      %reshape3A_523 = vector.shape_cast %get3A_522 : vector<128xi32> to vector<1x128xi32>
      %gt3A = vector.broadcast %reshape3A_523 : vector<1x128xi32> to vector<128x128xi32>
      %gt3A_524 = arith.cmpi sgt, %gt3A, %broadcast_in_dim3A_461 : vector<128x128xi32>
      %convert_element_type3A_525 = arith.extui %gt3A_524 : vector<128x128xi1> to vector<128x128xi32>
      %convert_element_type3A_526 = arith.sitofp %convert_element_type3A_525 : vector<128x128xi32> to vector<128x128xf32>
      %add3A_527 = arith.addf %while3A_515, %convert_element_type3A_526 : vector<128x128xf32>
      scf.yield %add3A_527 : vector<128x128xf32>
    }
    %while3A_487 = arith.constant 1 : i32
    %while3A_488 = scf.for %while3A_514 = %while3A_484 to %while3A_480 step %while3A_487 iter_args(%while3A_515 = %while3A_486) -> (vector<128x128xf32>)  : i32 {
      %mul3A_516 = arith.constant 128 : i32
      %mul3A_517 = arith.muli %while3A_514, %mul3A_516 : i32
      %get3A_518 = arith.constant 0 : index
      %get3A_519 = arith.constant 0 : index
      %get3A_520 = arith.index_cast %mul3A_517 : i32 to index
      %get3A_521 = vector.load %arg2[%get3A_518, %get3A_519, %get3A_520] : memref<1x1x1024xi32, #tpu.memory_space<vmem>>, vector<1x1x128xi32>
      %get3A_522 = vector.shape_cast %get3A_521 : vector<1x1x128xi32> to vector<128xi32>
      %reshape3A_523 = vector.shape_cast %get3A_522 : vector<128xi32> to vector<1x128xi32>
      %gt3A = vector.broadcast %reshape3A_523 : vector<1x128xi32> to vector<128x128xi32>
      %gt3A_524 = arith.cmpi sgt, %gt3A, %broadcast_in_dim3A_461 : vector<128x128xi32>
      %convert_element_type3A_525 = arith.extui %gt3A_524 : vector<128x128xi1> to vector<128x128xi32>
      %convert_element_type3A_526 = arith.sitofp %convert_element_type3A_525 : vector<128x128xi32> to vector<128x128xf32>
      %add3A_527 = arith.addf %while3A_515, %convert_element_type3A_526 : vector<128x128xf32>
      scf.yield %add3A_527 : vector<128x128xf32>
    }
    %get3A_489 = arith.constant 0 : index
    %get3A_490 = arith.constant 0 : index
    %get3A_491 = arith.index_cast %mul3A_453 : i32 to index
    %get3A_492 = vector.load %arg2[%get3A_489, %get3A_490, %get3A_491] : memref<1x1x1024xi32, #tpu.memory_space<vmem>>, vector<1x1x128xi32>
    %get3A_493 = vector.shape_cast %get3A_492 : vector<1x1x128xi32> to vector<128xi32>
    %reshape3A_494 = vector.shape_cast %get3A_493 : vector<128xi32> to vector<1x128xi32>
    %iota3A_495 = tpu.iota {dimensions = array<i32: 0>} : vector<128x128xi32>
    %iota3A_496 = tpu.iota {dimensions = array<i32: 1>} : vector<128x128xi32>
    %eq3A_497 = vector.broadcast %reshape3A_494 : vector<1x128xi32> to vector<128x128xi32>
    %eq3A_498 = vector.broadcast %reshape3A_459 : vector<128x1xi32> to vector<128x128xi32>
    %eq3A_499 = arith.cmpi eq, %eq3A_497, %eq3A_498 : vector<128x128xi32>
    %lt3A_500 = arith.cmpi slt, %iota3A_496, %iota3A_495 : vector<128x128xi32>
    %and3A_501 = arith.andi %eq3A_499, %lt3A_500 : vector<128x128xi1>
    %convert_element_type3A_502 = arith.extui %and3A_501 : vector<128x128xi1> to vector<128x128xi32>
    %convert_element_type3A_503 = arith.sitofp %convert_element_type3A_502 : vector<128x128xi32> to vector<128x128xf32>
    %add3A_504 = arith.addf %while3A_488, %convert_element_type3A_503 : vector<128x128xf32>
    %reduce_sum3A_505 = arith.constant dense<0.000000e+00> : vector<128xf32>
    %reduce_sum3A_506 = vector.multi_reduction <add>, %add3A_504, %reduce_sum3A_505 [1] : vector<128x128xf32> to vector<128xf32>
    %convert_element_type3A_507 = arith.fptosi %reduce_sum3A_506 : vector<128xf32> to vector<128xi32>
    %swap3A_508 = arith.constant 0 : index
    %swap3A_509 = arith.constant 7 : index
    %swap3A_510 = arith.constant 0 : index
    %swap3A_511 = vector.load %arg3[%swap3A_508, %swap3A_509, %swap3A_510] : memref<1x8x128xi32, #tpu.memory_space<vmem>>, vector<1x1x128xi32>
    %swap3A_512 = vector.shape_cast %swap3A_511 : vector<1x1x128xi32> to vector<128xi32>
    %swap3A_513 = vector.shape_cast %convert_element_type3A_507 : vector<128xi32> to vector<1x1x128xi32>
    tpu.vector_store %arg3[%swap3A_508, %swap3A_509, %swap3A_510], %swap3A_513 {strides = array<i32>} : memref<1x8x128xi32, #tpu.memory_space<vmem>>, vector<1x1x128xi32>,
    return
  }
  func.func @transform_0(%arg0: i32, %arg1: i32) -> (i32, i32, i32) {
    %c0_i32 = arith.constant 0 : i32
    %c0_i32_0 = arith.constant 0 : i32
    %c0_i32_1 = arith.constant 0 : i32
    return %arg0, %c0_i32, %c0_i32_0 : i32, i32, i32
  }
  func.func @transform_1(%arg0: i32, %arg1: i32) -> (i32, i32, i32) {
    %c0_i32 = arith.constant 0 : i32
    %c0_i32_0 = arith.constant 0 : i32
    return %arg0, %arg1, %c0_i32 : i32, i32, i32
  }
}

module attributes {stable_mosaic.version = 14 : i64} {
  func.func @_nms_body(%arg0: i32, %arg1: memref<1x8x1024xf32, #tpu.memory_space<vmem>>, %arg2: memref<1x1024x8xf32, #tpu.memory_space<vmem>>, %arg3: memref<1x8x1024xf32, #tpu.memory_space<vmem>>, %arg4: memref<1024xf32, #tpu.memory_space<vmem>>) attributes {dimension_semantics = [#tpu.dimension_semantics<arbitrary>], iteration_bounds = array<i64: 20>, scalar_prefetch = 0 : i64, scratch_operands = 1 : i64, tpu.core_type = #tpu.core_type<tc>, window_params = [{transform_indices = @transform_0, window_bounds = array<i64: 1, 8, 1024>}, {transform_indices = @transform_1, window_bounds = array<i64: 1, 1024, 8>}, {transform_indices = @transform_2, window_bounds = array<i64: 1, 8, 1024>}]} {
    %get3A = arith.constant 0 : index
    %get3A_0 = arith.constant 0 : index
    %get3A_1 = arith.constant 0 : index
    %get3A_2 = vector.load %arg1[%get3A, %get3A_0, %get3A_1] : memref<1x8x1024xf32, #tpu.memory_space<vmem>>, vector<1x1x1024xf32>
    %get3A_3 = vector.shape_cast %get3A_2 : vector<1x1x1024xf32> to vector<1024xf32>
    %jit3A = arith.constant 0.000000e+00 : f32
    %jit3A_4 = arith.constant 8.000000e+02 : f32
    %max3A = vector.broadcast %jit3A : f32 to vector<1024xf32>
    %max3A_5 = arith.maximumf %max3A, %get3A_3 : vector<1024xf32>
    %min3A = vector.broadcast %jit3A_4 : f32 to vector<1024xf32>
    %min3A_6 = arith.minimumf %min3A, %max3A_5 : vector<1024xf32>
    %get3A_7 = arith.constant 0 : index
    %get3A_8 = arith.constant 1 : index
    %get3A_9 = arith.constant 0 : index
    %get3A_10 = vector.load %arg1[%get3A_7, %get3A_8, %get3A_9] : memref<1x8x1024xf32, #tpu.memory_space<vmem>>, vector<1x1x1024xf32>
    %get3A_11 = vector.shape_cast %get3A_10 : vector<1x1x1024xf32> to vector<1024xf32>
    %jit3A_12 = arith.constant 0.000000e+00 : f32
    %jit3A_13 = arith.constant 8.000000e+02 : f32
    %max3A_14 = vector.broadcast %jit3A_12 : f32 to vector<1024xf32>
    %max3A_15 = arith.maximumf %max3A_14, %get3A_11 : vector<1024xf32>
    %min3A_16 = vector.broadcast %jit3A_13 : f32 to vector<1024xf32>
    %min3A_17 = arith.minimumf %min3A_16, %max3A_15 : vector<1024xf32>
    %get3A_18 = arith.constant 0 : index
    %get3A_19 = arith.constant 2 : index
    %get3A_20 = arith.constant 0 : index
    %get3A_21 = vector.load %arg1[%get3A_18, %get3A_19, %get3A_20] : memref<1x8x1024xf32, #tpu.memory_space<vmem>>, vector<1x1x1024xf32>
    %get3A_22 = vector.shape_cast %get3A_21 : vector<1x1x1024xf32> to vector<1024xf32>
    %jit3A_23 = arith.constant 0.000000e+00 : f32
    %jit3A_24 = arith.constant 8.000000e+02 : f32
    %max3A_25 = vector.broadcast %jit3A_23 : f32 to vector<1024xf32>
    %max3A_26 = arith.maximumf %max3A_25, %get3A_22 : vector<1024xf32>
    %min3A_27 = vector.broadcast %jit3A_24 : f32 to vector<1024xf32>
    %min3A_28 = arith.minimumf %min3A_27, %max3A_26 : vector<1024xf32>
    %get3A_29 = arith.constant 0 : index
    %get3A_30 = arith.constant 3 : index
    %get3A_31 = arith.constant 0 : index
    %get3A_32 = vector.load %arg1[%get3A_29, %get3A_30, %get3A_31] : memref<1x8x1024xf32, #tpu.memory_space<vmem>>, vector<1x1x1024xf32>
    %get3A_33 = vector.shape_cast %get3A_32 : vector<1x1x1024xf32> to vector<1024xf32>
    %jit3A_34 = arith.constant 0.000000e+00 : f32
    %jit3A_35 = arith.constant 8.000000e+02 : f32
    %max3A_36 = vector.broadcast %jit3A_34 : f32 to vector<1024xf32>
    %max3A_37 = arith.maximumf %max3A_36, %get3A_33 : vector<1024xf32>
    %min3A_38 = vector.broadcast %jit3A_35 : f32 to vector<1024xf32>
    %min3A_39 = arith.minimumf %min3A_38, %max3A_37 : vector<1024xf32>
    %get3A_40 = arith.constant 0 : index
    %get3A_41 = arith.constant 4 : index
    %get3A_42 = arith.constant 0 : index
    %get3A_43 = vector.load %arg1[%get3A_40, %get3A_41, %get3A_42] : memref<1x8x1024xf32, #tpu.memory_space<vmem>>, vector<1x1x1024xf32>
    %get3A_44 = vector.shape_cast %get3A_43 : vector<1x1x1024xf32> to vector<1024xf32>
    %sub3A = arith.subf %min3A_28, %min3A_6 : vector<1024xf32>
    %max3A_45 = arith.constant 0.000000e+00 : f32
    %max3A_46 = vector.broadcast %max3A_45 : f32 to vector<1024xf32>
    %max3A_47 = arith.maximumf %sub3A, %max3A_46 : vector<1024xf32>
    %sub3A_48 = arith.subf %min3A_39, %min3A_17 : vector<1024xf32>
    %max3A_49 = arith.constant 0.000000e+00 : f32
    %max3A_50 = vector.broadcast %max3A_49 : f32 to vector<1024xf32>
    %max3A_51 = arith.maximumf %sub3A_48, %max3A_50 : vector<1024xf32>
    %mul3A = arith.mulf %max3A_47, %max3A_51 : vector<1024xf32>
    %get3A_52 = arith.constant 0 : index
    %get3A_53 = arith.constant 0 : index
    %get3A_54 = arith.constant 0 : index
    %get3A_55 = vector.load %arg2[%get3A_52, %get3A_53, %get3A_54] : memref<1x1024x8xf32, #tpu.memory_space<vmem>>, vector<1x128x1xf32>
    %get3A_56 = vector.shape_cast %get3A_55 : vector<1x128x1xf32> to vector<128xf32>
    %jit3A_57 = arith.constant 0.000000e+00 : f32
    %jit3A_58 = arith.constant 8.000000e+02 : f32
    %max3A_59 = vector.broadcast %jit3A_57 : f32 to vector<128xf32>
    %max3A_60 = arith.maximumf %max3A_59, %get3A_56 : vector<128xf32>
    %min3A_61 = vector.broadcast %jit3A_58 : f32 to vector<128xf32>
    %min3A_62 = arith.minimumf %min3A_61, %max3A_60 : vector<128xf32>
    %reshape3A = vector.shape_cast %min3A_62 : vector<128xf32> to vector<128x1xf32>
    %get3A_63 = arith.constant 0 : index
    %get3A_64 = arith.constant 0 : index
    %get3A_65 = arith.constant 1 : index
    %get3A_66 = vector.load %arg2[%get3A_63, %get3A_64, %get3A_65] : memref<1x1024x8xf32, #tpu.memory_space<vmem>>, vector<1x128x1xf32>
    %get3A_67 = vector.shape_cast %get3A_66 : vector<1x128x1xf32> to vector<128xf32>
    %jit3A_68 = arith.constant 0.000000e+00 : f32
    %jit3A_69 = arith.constant 8.000000e+02 : f32
    %max3A_70 = vector.broadcast %jit3A_68 : f32 to vector<128xf32>
    %max3A_71 = arith.maximumf %max3A_70, %get3A_67 : vector<128xf32>
    %min3A_72 = vector.broadcast %jit3A_69 : f32 to vector<128xf32>
    %min3A_73 = arith.minimumf %min3A_72, %max3A_71 : vector<128xf32>
    %reshape3A_74 = vector.shape_cast %min3A_73 : vector<128xf32> to vector<128x1xf32>
    %get3A_75 = arith.constant 0 : index
    %get3A_76 = arith.constant 0 : index
    %get3A_77 = arith.constant 2 : index
    %get3A_78 = vector.load %arg2[%get3A_75, %get3A_76, %get3A_77] : memref<1x1024x8xf32, #tpu.memory_space<vmem>>, vector<1x128x1xf32>
    %get3A_79 = vector.shape_cast %get3A_78 : vector<1x128x1xf32> to vector<128xf32>
    %jit3A_80 = arith.constant 0.000000e+00 : f32
    %jit3A_81 = arith.constant 8.000000e+02 : f32
    %max3A_82 = vector.broadcast %jit3A_80 : f32 to vector<128xf32>
    %max3A_83 = arith.maximumf %max3A_82, %get3A_79 : vector<128xf32>
    %min3A_84 = vector.broadcast %jit3A_81 : f32 to vector<128xf32>
    %min3A_85 = arith.minimumf %min3A_84, %max3A_83 : vector<128xf32>
    %reshape3A_86 = vector.shape_cast %min3A_85 : vector<128xf32> to vector<128x1xf32>
    %get3A_87 = arith.constant 0 : index
    %get3A_88 = arith.constant 0 : index
    %get3A_89 = arith.constant 3 : index
    %get3A_90 = vector.load %arg2[%get3A_87, %get3A_88, %get3A_89] : memref<1x1024x8xf32, #tpu.memory_space<vmem>>, vector<1x128x1xf32>
    %get3A_91 = vector.shape_cast %get3A_90 : vector<1x128x1xf32> to vector<128xf32>
    %jit3A_92 = arith.constant 0.000000e+00 : f32
    %jit3A_93 = arith.constant 8.000000e+02 : f32
    %max3A_94 = vector.broadcast %jit3A_92 : f32 to vector<128xf32>
    %max3A_95 = arith.maximumf %max3A_94, %get3A_91 : vector<128xf32>
    %min3A_96 = vector.broadcast %jit3A_93 : f32 to vector<128xf32>
    %min3A_97 = arith.minimumf %min3A_96, %max3A_95 : vector<128xf32>
    %reshape3A_98 = vector.shape_cast %min3A_97 : vector<128xf32> to vector<128x1xf32>
    %sub3A_99 = arith.subf %reshape3A_86, %reshape3A : vector<128x1xf32>
    %max3A_100 = arith.constant 0.000000e+00 : f32
    %max3A_101 = vector.broadcast %max3A_100 : f32 to vector<128x1xf32>
    %max3A_102 = arith.maximumf %sub3A_99, %max3A_101 : vector<128x1xf32>
    %sub3A_103 = arith.subf %reshape3A_98, %reshape3A_74 : vector<128x1xf32>
    %max3A_104 = arith.constant 0.000000e+00 : f32
    %max3A_105 = vector.broadcast %max3A_104 : f32 to vector<128x1xf32>
    %max3A_106 = arith.maximumf %sub3A_103, %max3A_105 : vector<128x1xf32>
    %mul3A_107 = arith.mulf %max3A_102, %max3A_106 : vector<128x1xf32>
    %get3A_108 = arith.constant 0 : index
    %get3A_109 = arith.constant 128 : index
    %get3A_110 = arith.constant 0 : index
    %get3A_111 = vector.load %arg2[%get3A_108, %get3A_109, %get3A_110] : memref<1x1024x8xf32, #tpu.memory_space<vmem>>, vector<1x128x1xf32>
    %get3A_112 = vector.shape_cast %get3A_111 : vector<1x128x1xf32> to vector<128xf32>
    %jit3A_113 = arith.constant 0.000000e+00 : f32
    %jit3A_114 = arith.constant 8.000000e+02 : f32
    %max3A_115 = vector.broadcast %jit3A_113 : f32 to vector<128xf32>
    %max3A_116 = arith.maximumf %max3A_115, %get3A_112 : vector<128xf32>
    %min3A_117 = vector.broadcast %jit3A_114 : f32 to vector<128xf32>
    %min3A_118 = arith.minimumf %min3A_117, %max3A_116 : vector<128xf32>
    %reshape3A_119 = vector.shape_cast %min3A_118 : vector<128xf32> to vector<128x1xf32>
    %get3A_120 = arith.constant 0 : index
    %get3A_121 = arith.constant 128 : index
    %get3A_122 = arith.constant 1 : index
    %get3A_123 = vector.load %arg2[%get3A_120, %get3A_121, %get3A_122] : memref<1x1024x8xf32, #tpu.memory_space<vmem>>, vector<1x128x1xf32>
    %get3A_124 = vector.shape_cast %get3A_123 : vector<1x128x1xf32> to vector<128xf32>
    %jit3A_125 = arith.constant 0.000000e+00 : f32
    %jit3A_126 = arith.constant 8.000000e+02 : f32
    %max3A_127 = vector.broadcast %jit3A_125 : f32 to vector<128xf32>
    %max3A_128 = arith.maximumf %max3A_127, %get3A_124 : vector<128xf32>
    %min3A_129 = vector.broadcast %jit3A_126 : f32 to vector<128xf32>
    %min3A_130 = arith.minimumf %min3A_129, %max3A_128 : vector<128xf32>
    %reshape3A_131 = vector.shape_cast %min3A_130 : vector<128xf32> to vector<128x1xf32>
    %get3A_132 = arith.constant 0 : index
    %get3A_133 = arith.constant 128 : index
    %get3A_134 = arith.constant 2 : index
    %get3A_135 = vector.load %arg2[%get3A_132, %get3A_133, %get3A_134] : memref<1x1024x8xf32, #tpu.memory_space<vmem>>, vector<1x128x1xf32>
    %get3A_136 = vector.shape_cast %get3A_135 : vector<1x128x1xf32> to vector<128xf32>
    %jit3A_137 = arith.constant 0.000000e+00 : f32
    %jit3A_138 = arith.constant 8.000000e+02 : f32
    %max3A_139 = vector.broadcast %jit3A_137 : f32 to vector<128xf32>
    %max3A_140 = arith.maximumf %max3A_139, %get3A_136 : vector<128xf32>
    %min3A_141 = vector.broadcast %jit3A_138 : f32 to vector<128xf32>
    %min3A_142 = arith.minimumf %min3A_141, %max3A_140 : vector<128xf32>
    %reshape3A_143 = vector.shape_cast %min3A_142 : vector<128xf32> to vector<128x1xf32>
    %get3A_144 = arith.constant 0 : index
    %get3A_145 = arith.constant 128 : index
    %get3A_146 = arith.constant 3 : index
    %get3A_147 = vector.load %arg2[%get3A_144, %get3A_145, %get3A_146] : memref<1x1024x8xf32, #tpu.memory_space<vmem>>, vector<1x128x1xf32>
    %get3A_148 = vector.shape_cast %get3A_147 : vector<1x128x1xf32> to vector<128xf32>
    %jit3A_149 = arith.constant 0.000000e+00 : f32
    %jit3A_150 = arith.constant 8.000000e+02 : f32
    %max3A_151 = vector.broadcast %jit3A_149 : f32 to vector<128xf32>
    %max3A_152 = arith.maximumf %max3A_151, %get3A_148 : vector<128xf32>
    %min3A_153 = vector.broadcast %jit3A_150 : f32 to vector<128xf32>
    %min3A_154 = arith.minimumf %min3A_153, %max3A_152 : vector<128xf32>
    %reshape3A_155 = vector.shape_cast %min3A_154 : vector<128xf32> to vector<128x1xf32>
    %sub3A_156 = arith.subf %reshape3A_143, %reshape3A_119 : vector<128x1xf32>
    %max3A_157 = arith.constant 0.000000e+00 : f32
    %max3A_158 = vector.broadcast %max3A_157 : f32 to vector<128x1xf32>
    %max3A_159 = arith.maximumf %sub3A_156, %max3A_158 : vector<128x1xf32>
    %sub3A_160 = arith.subf %reshape3A_155, %reshape3A_131 : vector<128x1xf32>
    %max3A_161 = arith.constant 0.000000e+00 : f32
    %max3A_162 = vector.broadcast %max3A_161 : f32 to vector<128x1xf32>
    %max3A_163 = arith.maximumf %sub3A_160, %max3A_162 : vector<128x1xf32>
    %mul3A_164 = arith.mulf %max3A_159, %max3A_163 : vector<128x1xf32>
    %get3A_165 = arith.constant 0 : index
    %get3A_166 = arith.constant 256 : index
    %get3A_167 = arith.constant 0 : index
    %get3A_168 = vector.load %arg2[%get3A_165, %get3A_166, %get3A_167] : memref<1x1024x8xf32, #tpu.memory_space<vmem>>, vector<1x128x1xf32>
    %get3A_169 = vector.shape_cast %get3A_168 : vector<1x128x1xf32> to vector<128xf32>
    %jit3A_170 = arith.constant 0.000000e+00 : f32
    %jit3A_171 = arith.constant 8.000000e+02 : f32
    %max3A_172 = vector.broadcast %jit3A_170 : f32 to vector<128xf32>
    %max3A_173 = arith.maximumf %max3A_172, %get3A_169 : vector<128xf32>
    %min3A_174 = vector.broadcast %jit3A_171 : f32 to vector<128xf32>
    %min3A_175 = arith.minimumf %min3A_174, %max3A_173 : vector<128xf32>
    %reshape3A_176 = vector.shape_cast %min3A_175 : vector<128xf32> to vector<128x1xf32>
    %get3A_177 = arith.constant 0 : index
    %get3A_178 = arith.constant 256 : index
    %get3A_179 = arith.constant 1 : index
    %get3A_180 = vector.load %arg2[%get3A_177, %get3A_178, %get3A_179] : memref<1x1024x8xf32, #tpu.memory_space<vmem>>, vector<1x128x1xf32>
    %get3A_181 = vector.shape_cast %get3A_180 : vector<1x128x1xf32> to vector<128xf32>
    %jit3A_182 = arith.constant 0.000000e+00 : f32
    %jit3A_183 = arith.constant 8.000000e+02 : f32
    %max3A_184 = vector.broadcast %jit3A_182 : f32 to vector<128xf32>
    %max3A_185 = arith.maximumf %max3A_184, %get3A_181 : vector<128xf32>
    %min3A_186 = vector.broadcast %jit3A_183 : f32 to vector<128xf32>
    %min3A_187 = arith.minimumf %min3A_186, %max3A_185 : vector<128xf32>
    %reshape3A_188 = vector.shape_cast %min3A_187 : vector<128xf32> to vector<128x1xf32>
    %get3A_189 = arith.constant 0 : index
    %get3A_190 = arith.constant 256 : index
    %get3A_191 = arith.constant 2 : index
    %get3A_192 = vector.load %arg2[%get3A_189, %get3A_190, %get3A_191] : memref<1x1024x8xf32, #tpu.memory_space<vmem>>, vector<1x128x1xf32>
    %get3A_193 = vector.shape_cast %get3A_192 : vector<1x128x1xf32> to vector<128xf32>
    %jit3A_194 = arith.constant 0.000000e+00 : f32
    %jit3A_195 = arith.constant 8.000000e+02 : f32
    %max3A_196 = vector.broadcast %jit3A_194 : f32 to vector<128xf32>
    %max3A_197 = arith.maximumf %max3A_196, %get3A_193 : vector<128xf32>
    %min3A_198 = vector.broadcast %jit3A_195 : f32 to vector<128xf32>
    %min3A_199 = arith.minimumf %min3A_198, %max3A_197 : vector<128xf32>
    %reshape3A_200 = vector.shape_cast %min3A_199 : vector<128xf32> to vector<128x1xf32>
    %get3A_201 = arith.constant 0 : index
    %get3A_202 = arith.constant 256 : index
    %get3A_203 = arith.constant 3 : index
    %get3A_204 = vector.load %arg2[%get3A_201, %get3A_202, %get3A_203] : memref<1x1024x8xf32, #tpu.memory_space<vmem>>, vector<1x128x1xf32>
    %get3A_205 = vector.shape_cast %get3A_204 : vector<1x128x1xf32> to vector<128xf32>
    %jit3A_206 = arith.constant 0.000000e+00 : f32
    %jit3A_207 = arith.constant 8.000000e+02 : f32
    %max3A_208 = vector.broadcast %jit3A_206 : f32 to vector<128xf32>
    %max3A_209 = arith.maximumf %max3A_208, %get3A_205 : vector<128xf32>
    %min3A_210 = vector.broadcast %jit3A_207 : f32 to vector<128xf32>
    %min3A_211 = arith.minimumf %min3A_210, %max3A_209 : vector<128xf32>
    %reshape3A_212 = vector.shape_cast %min3A_211 : vector<128xf32> to vector<128x1xf32>
    %sub3A_213 = arith.subf %reshape3A_200, %reshape3A_176 : vector<128x1xf32>
    %max3A_214 = arith.constant 0.000000e+00 : f32
    %max3A_215 = vector.broadcast %max3A_214 : f32 to vector<128x1xf32>
    %max3A_216 = arith.maximumf %sub3A_213, %max3A_215 : vector<128x1xf32>
    %sub3A_217 = arith.subf %reshape3A_212, %reshape3A_188 : vector<128x1xf32>
    %max3A_218 = arith.constant 0.000000e+00 : f32
    %max3A_219 = vector.broadcast %max3A_218 : f32 to vector<128x1xf32>
    %max3A_220 = arith.maximumf %sub3A_217, %max3A_219 : vector<128x1xf32>
    %mul3A_221 = arith.mulf %max3A_216, %max3A_220 : vector<128x1xf32>
    %get3A_222 = arith.constant 0 : index
    %get3A_223 = arith.constant 384 : index
    %get3A_224 = arith.constant 0 : index
    %get3A_225 = vector.load %arg2[%get3A_222, %get3A_223, %get3A_224] : memref<1x1024x8xf32, #tpu.memory_space<vmem>>, vector<1x128x1xf32>
    %get3A_226 = vector.shape_cast %get3A_225 : vector<1x128x1xf32> to vector<128xf32>
    %jit3A_227 = arith.constant 0.000000e+00 : f32
    %jit3A_228 = arith.constant 8.000000e+02 : f32
    %max3A_229 = vector.broadcast %jit3A_227 : f32 to vector<128xf32>
    %max3A_230 = arith.maximumf %max3A_229, %get3A_226 : vector<128xf32>
    %min3A_231 = vector.broadcast %jit3A_228 : f32 to vector<128xf32>
    %min3A_232 = arith.minimumf %min3A_231, %max3A_230 : vector<128xf32>
    %reshape3A_233 = vector.shape_cast %min3A_232 : vector<128xf32> to vector<128x1xf32>
    %get3A_234 = arith.constant 0 : index
    %get3A_235 = arith.constant 384 : index
    %get3A_236 = arith.constant 1 : index
    %get3A_237 = vector.load %arg2[%get3A_234, %get3A_235, %get3A_236] : memref<1x1024x8xf32, #tpu.memory_space<vmem>>, vector<1x128x1xf32>
    %get3A_238 = vector.shape_cast %get3A_237 : vector<1x128x1xf32> to vector<128xf32>
    %jit3A_239 = arith.constant 0.000000e+00 : f32
    %jit3A_240 = arith.constant 8.000000e+02 : f32
    %max3A_241 = vector.broadcast %jit3A_239 : f32 to vector<128xf32>
    %max3A_242 = arith.maximumf %max3A_241, %get3A_238 : vector<128xf32>
    %min3A_243 = vector.broadcast %jit3A_240 : f32 to vector<128xf32>
    %min3A_244 = arith.minimumf %min3A_243, %max3A_242 : vector<128xf32>
    %reshape3A_245 = vector.shape_cast %min3A_244 : vector<128xf32> to vector<128x1xf32>
    %get3A_246 = arith.constant 0 : index
    %get3A_247 = arith.constant 384 : index
    %get3A_248 = arith.constant 2 : index
    %get3A_249 = vector.load %arg2[%get3A_246, %get3A_247, %get3A_248] : memref<1x1024x8xf32, #tpu.memory_space<vmem>>, vector<1x128x1xf32>
    %get3A_250 = vector.shape_cast %get3A_249 : vector<1x128x1xf32> to vector<128xf32>
    %jit3A_251 = arith.constant 0.000000e+00 : f32
    %jit3A_252 = arith.constant 8.000000e+02 : f32
    %max3A_253 = vector.broadcast %jit3A_251 : f32 to vector<128xf32>
    %max3A_254 = arith.maximumf %max3A_253, %get3A_250 : vector<128xf32>
    %min3A_255 = vector.broadcast %jit3A_252 : f32 to vector<128xf32>
    %min3A_256 = arith.minimumf %min3A_255, %max3A_254 : vector<128xf32>
    %reshape3A_257 = vector.shape_cast %min3A_256 : vector<128xf32> to vector<128x1xf32>
    %get3A_258 = arith.constant 0 : index
    %get3A_259 = arith.constant 384 : index
    %get3A_260 = arith.constant 3 : index
    %get3A_261 = vector.load %arg2[%get3A_258, %get3A_259, %get3A_260] : memref<1x1024x8xf32, #tpu.memory_space<vmem>>, vector<1x128x1xf32>
    %get3A_262 = vector.shape_cast %get3A_261 : vector<1x128x1xf32> to vector<128xf32>
    %jit3A_263 = arith.constant 0.000000e+00 : f32
    %jit3A_264 = arith.constant 8.000000e+02 : f32
    %max3A_265 = vector.broadcast %jit3A_263 : f32 to vector<128xf32>
    %max3A_266 = arith.maximumf %max3A_265, %get3A_262 : vector<128xf32>
    %min3A_267 = vector.broadcast %jit3A_264 : f32 to vector<128xf32>
    %min3A_268 = arith.minimumf %min3A_267, %max3A_266 : vector<128xf32>
    %reshape3A_269 = vector.shape_cast %min3A_268 : vector<128xf32> to vector<128x1xf32>
    %sub3A_270 = arith.subf %reshape3A_257, %reshape3A_233 : vector<128x1xf32>
    %max3A_271 = arith.constant 0.000000e+00 : f32
    %max3A_272 = vector.broadcast %max3A_271 : f32 to vector<128x1xf32>
    %max3A_273 = arith.maximumf %sub3A_270, %max3A_272 : vector<128x1xf32>
    %sub3A_274 = arith.subf %reshape3A_269, %reshape3A_245 : vector<128x1xf32>
    %max3A_275 = arith.constant 0.000000e+00 : f32
    %max3A_276 = vector.broadcast %max3A_275 : f32 to vector<128x1xf32>
    %max3A_277 = arith.maximumf %sub3A_274, %max3A_276 : vector<128x1xf32>
    %mul3A_278 = arith.mulf %max3A_273, %max3A_277 : vector<128x1xf32>
    %get3A_279 = arith.constant 0 : index
    %get3A_280 = arith.constant 512 : index
    %get3A_281 = arith.constant 0 : index
    %get3A_282 = vector.load %arg2[%get3A_279, %get3A_280, %get3A_281] : memref<1x1024x8xf32, #tpu.memory_space<vmem>>, vector<1x128x1xf32>
    %get3A_283 = vector.shape_cast %get3A_282 : vector<1x128x1xf32> to vector<128xf32>
    %jit3A_284 = arith.constant 0.000000e+00 : f32
    %jit3A_285 = arith.constant 8.000000e+02 : f32
    %max3A_286 = vector.broadcast %jit3A_284 : f32 to vector<128xf32>
    %max3A_287 = arith.maximumf %max3A_286, %get3A_283 : vector<128xf32>
    %min3A_288 = vector.broadcast %jit3A_285 : f32 to vector<128xf32>
    %min3A_289 = arith.minimumf %min3A_288, %max3A_287 : vector<128xf32>
    %reshape3A_290 = vector.shape_cast %min3A_289 : vector<128xf32> to vector<128x1xf32>
    %get3A_291 = arith.constant 0 : index
    %get3A_292 = arith.constant 512 : index
    %get3A_293 = arith.constant 1 : index
    %get3A_294 = vector.load %arg2[%get3A_291, %get3A_292, %get3A_293] : memref<1x1024x8xf32, #tpu.memory_space<vmem>>, vector<1x128x1xf32>
    %get3A_295 = vector.shape_cast %get3A_294 : vector<1x128x1xf32> to vector<128xf32>
    %jit3A_296 = arith.constant 0.000000e+00 : f32
    %jit3A_297 = arith.constant 8.000000e+02 : f32
    %max3A_298 = vector.broadcast %jit3A_296 : f32 to vector<128xf32>
    %max3A_299 = arith.maximumf %max3A_298, %get3A_295 : vector<128xf32>
    %min3A_300 = vector.broadcast %jit3A_297 : f32 to vector<128xf32>
    %min3A_301 = arith.minimumf %min3A_300, %max3A_299 : vector<128xf32>
    %reshape3A_302 = vector.shape_cast %min3A_301 : vector<128xf32> to vector<128x1xf32>
    %get3A_303 = arith.constant 0 : index
    %get3A_304 = arith.constant 512 : index
    %get3A_305 = arith.constant 2 : index
    %get3A_306 = vector.load %arg2[%get3A_303, %get3A_304, %get3A_305] : memref<1x1024x8xf32, #tpu.memory_space<vmem>>, vector<1x128x1xf32>
    %get3A_307 = vector.shape_cast %get3A_306 : vector<1x128x1xf32> to vector<128xf32>
    %jit3A_308 = arith.constant 0.000000e+00 : f32
    %jit3A_309 = arith.constant 8.000000e+02 : f32
    %max3A_310 = vector.broadcast %jit3A_308 : f32 to vector<128xf32>
    %max3A_311 = arith.maximumf %max3A_310, %get3A_307 : vector<128xf32>
    %min3A_312 = vector.broadcast %jit3A_309 : f32 to vector<128xf32>
    %min3A_313 = arith.minimumf %min3A_312, %max3A_311 : vector<128xf32>
    %reshape3A_314 = vector.shape_cast %min3A_313 : vector<128xf32> to vector<128x1xf32>
    %get3A_315 = arith.constant 0 : index
    %get3A_316 = arith.constant 512 : index
    %get3A_317 = arith.constant 3 : index
    %get3A_318 = vector.load %arg2[%get3A_315, %get3A_316, %get3A_317] : memref<1x1024x8xf32, #tpu.memory_space<vmem>>, vector<1x128x1xf32>
    %get3A_319 = vector.shape_cast %get3A_318 : vector<1x128x1xf32> to vector<128xf32>
    %jit3A_320 = arith.constant 0.000000e+00 : f32
    %jit3A_321 = arith.constant 8.000000e+02 : f32
    %max3A_322 = vector.broadcast %jit3A_320 : f32 to vector<128xf32>
    %max3A_323 = arith.maximumf %max3A_322, %get3A_319 : vector<128xf32>
    %min3A_324 = vector.broadcast %jit3A_321 : f32 to vector<128xf32>
    %min3A_325 = arith.minimumf %min3A_324, %max3A_323 : vector<128xf32>
    %reshape3A_326 = vector.shape_cast %min3A_325 : vector<128xf32> to vector<128x1xf32>
    %sub3A_327 = arith.subf %reshape3A_314, %reshape3A_290 : vector<128x1xf32>
    %max3A_328 = arith.constant 0.000000e+00 : f32
    %max3A_329 = vector.broadcast %max3A_328 : f32 to vector<128x1xf32>
    %max3A_330 = arith.maximumf %sub3A_327, %max3A_329 : vector<128x1xf32>
    %sub3A_331 = arith.subf %reshape3A_326, %reshape3A_302 : vector<128x1xf32>
    %max3A_332 = arith.constant 0.000000e+00 : f32
    %max3A_333 = vector.broadcast %max3A_332 : f32 to vector<128x1xf32>
    %max3A_334 = arith.maximumf %sub3A_331, %max3A_333 : vector<128x1xf32>
    %mul3A_335 = arith.mulf %max3A_330, %max3A_334 : vector<128x1xf32>
    %get3A_336 = arith.constant 0 : index
    %get3A_337 = arith.constant 640 : index
    %get3A_338 = arith.constant 0 : index
    %get3A_339 = vector.load %arg2[%get3A_336, %get3A_337, %get3A_338] : memref<1x1024x8xf32, #tpu.memory_space<vmem>>, vector<1x128x1xf32>
    %get3A_340 = vector.shape_cast %get3A_339 : vector<1x128x1xf32> to vector<128xf32>
    %jit3A_341 = arith.constant 0.000000e+00 : f32
    %jit3A_342 = arith.constant 8.000000e+02 : f32
    %max3A_343 = vector.broadcast %jit3A_341 : f32 to vector<128xf32>
    %max3A_344 = arith.maximumf %max3A_343, %get3A_340 : vector<128xf32>
    %min3A_345 = vector.broadcast %jit3A_342 : f32 to vector<128xf32>
    %min3A_346 = arith.minimumf %min3A_345, %max3A_344 : vector<128xf32>
    %reshape3A_347 = vector.shape_cast %min3A_346 : vector<128xf32> to vector<128x1xf32>
    %get3A_348 = arith.constant 0 : index
    %get3A_349 = arith.constant 640 : index
    %get3A_350 = arith.constant 1 : index
    %get3A_351 = vector.load %arg2[%get3A_348, %get3A_349, %get3A_350] : memref<1x1024x8xf32, #tpu.memory_space<vmem>>, vector<1x128x1xf32>
    %get3A_352 = vector.shape_cast %get3A_351 : vector<1x128x1xf32> to vector<128xf32>
    %jit3A_353 = arith.constant 0.000000e+00 : f32
    %jit3A_354 = arith.constant 8.000000e+02 : f32
    %max3A_355 = vector.broadcast %jit3A_353 : f32 to vector<128xf32>
    %max3A_356 = arith.maximumf %max3A_355, %get3A_352 : vector<128xf32>
    %min3A_357 = vector.broadcast %jit3A_354 : f32 to vector<128xf32>
    %min3A_358 = arith.minimumf %min3A_357, %max3A_356 : vector<128xf32>
    %reshape3A_359 = vector.shape_cast %min3A_358 : vector<128xf32> to vector<128x1xf32>
    %get3A_360 = arith.constant 0 : index
    %get3A_361 = arith.constant 640 : index
    %get3A_362 = arith.constant 2 : index
    %get3A_363 = vector.load %arg2[%get3A_360, %get3A_361, %get3A_362] : memref<1x1024x8xf32, #tpu.memory_space<vmem>>, vector<1x128x1xf32>
    %get3A_364 = vector.shape_cast %get3A_363 : vector<1x128x1xf32> to vector<128xf32>
    %jit3A_365 = arith.constant 0.000000e+00 : f32
    %jit3A_366 = arith.constant 8.000000e+02 : f32
    %max3A_367 = vector.broadcast %jit3A_365 : f32 to vector<128xf32>
    %max3A_368 = arith.maximumf %max3A_367, %get3A_364 : vector<128xf32>
    %min3A_369 = vector.broadcast %jit3A_366 : f32 to vector<128xf32>
    %min3A_370 = arith.minimumf %min3A_369, %max3A_368 : vector<128xf32>
    %reshape3A_371 = vector.shape_cast %min3A_370 : vector<128xf32> to vector<128x1xf32>
    %get3A_372 = arith.constant 0 : index
    %get3A_373 = arith.constant 640 : index
    %get3A_374 = arith.constant 3 : index
    %get3A_375 = vector.load %arg2[%get3A_372, %get3A_373, %get3A_374] : memref<1x1024x8xf32, #tpu.memory_space<vmem>>, vector<1x128x1xf32>
    %get3A_376 = vector.shape_cast %get3A_375 : vector<1x128x1xf32> to vector<128xf32>
    %jit3A_377 = arith.constant 0.000000e+00 : f32
    %jit3A_378 = arith.constant 8.000000e+02 : f32
    %max3A_379 = vector.broadcast %jit3A_377 : f32 to vector<128xf32>
    %max3A_380 = arith.maximumf %max3A_379, %get3A_376 : vector<128xf32>
    %min3A_381 = vector.broadcast %jit3A_378 : f32 to vector<128xf32>
    %min3A_382 = arith.minimumf %min3A_381, %max3A_380 : vector<128xf32>
    %reshape3A_383 = vector.shape_cast %min3A_382 : vector<128xf32> to vector<128x1xf32>
    %sub3A_384 = arith.subf %reshape3A_371, %reshape3A_347 : vector<128x1xf32>
    %max3A_385 = arith.constant 0.000000e+00 : f32
    %max3A_386 = vector.broadcast %max3A_385 : f32 to vector<128x1xf32>
    %max3A_387 = arith.maximumf %sub3A_384, %max3A_386 : vector<128x1xf32>
    %sub3A_388 = arith.subf %reshape3A_383, %reshape3A_359 : vector<128x1xf32>
    %max3A_389 = arith.constant 0.000000e+00 : f32
    %max3A_390 = vector.broadcast %max3A_389 : f32 to vector<128x1xf32>
    %max3A_391 = arith.maximumf %sub3A_388, %max3A_390 : vector<128x1xf32>
    %mul3A_392 = arith.mulf %max3A_387, %max3A_391 : vector<128x1xf32>
    %get3A_393 = arith.constant 0 : index
    %get3A_394 = arith.constant 768 : index
    %get3A_395 = arith.constant 0 : index
    %get3A_396 = vector.load %arg2[%get3A_393, %get3A_394, %get3A_395] : memref<1x1024x8xf32, #tpu.memory_space<vmem>>, vector<1x128x1xf32>
    %get3A_397 = vector.shape_cast %get3A_396 : vector<1x128x1xf32> to vector<128xf32>
    %jit3A_398 = arith.constant 0.000000e+00 : f32
    %jit3A_399 = arith.constant 8.000000e+02 : f32
    %max3A_400 = vector.broadcast %jit3A_398 : f32 to vector<128xf32>
    %max3A_401 = arith.maximumf %max3A_400, %get3A_397 : vector<128xf32>
    %min3A_402 = vector.broadcast %jit3A_399 : f32 to vector<128xf32>
    %min3A_403 = arith.minimumf %min3A_402, %max3A_401 : vector<128xf32>
    %reshape3A_404 = vector.shape_cast %min3A_403 : vector<128xf32> to vector<128x1xf32>
    %get3A_405 = arith.constant 0 : index
    %get3A_406 = arith.constant 768 : index
    %get3A_407 = arith.constant 1 : index
    %get3A_408 = vector.load %arg2[%get3A_405, %get3A_406, %get3A_407] : memref<1x1024x8xf32, #tpu.memory_space<vmem>>, vector<1x128x1xf32>
    %get3A_409 = vector.shape_cast %get3A_408 : vector<1x128x1xf32> to vector<128xf32>
    %jit3A_410 = arith.constant 0.000000e+00 : f32
    %jit3A_411 = arith.constant 8.000000e+02 : f32
    %max3A_412 = vector.broadcast %jit3A_410 : f32 to vector<128xf32>
    %max3A_413 = arith.maximumf %max3A_412, %get3A_409 : vector<128xf32>
    %min3A_414 = vector.broadcast %jit3A_411 : f32 to vector<128xf32>
    %min3A_415 = arith.minimumf %min3A_414, %max3A_413 : vector<128xf32>
    %reshape3A_416 = vector.shape_cast %min3A_415 : vector<128xf32> to vector<128x1xf32>
    %get3A_417 = arith.constant 0 : index
    %get3A_418 = arith.constant 768 : index
    %get3A_419 = arith.constant 2 : index
    %get3A_420 = vector.load %arg2[%get3A_417, %get3A_418, %get3A_419] : memref<1x1024x8xf32, #tpu.memory_space<vmem>>, vector<1x128x1xf32>
    %get3A_421 = vector.shape_cast %get3A_420 : vector<1x128x1xf32> to vector<128xf32>
    %jit3A_422 = arith.constant 0.000000e+00 : f32
    %jit3A_423 = arith.constant 8.000000e+02 : f32
    %max3A_424 = vector.broadcast %jit3A_422 : f32 to vector<128xf32>
    %max3A_425 = arith.maximumf %max3A_424, %get3A_421 : vector<128xf32>
    %min3A_426 = vector.broadcast %jit3A_423 : f32 to vector<128xf32>
    %min3A_427 = arith.minimumf %min3A_426, %max3A_425 : vector<128xf32>
    %reshape3A_428 = vector.shape_cast %min3A_427 : vector<128xf32> to vector<128x1xf32>
    %get3A_429 = arith.constant 0 : index
    %get3A_430 = arith.constant 768 : index
    %get3A_431 = arith.constant 3 : index
    %get3A_432 = vector.load %arg2[%get3A_429, %get3A_430, %get3A_431] : memref<1x1024x8xf32, #tpu.memory_space<vmem>>, vector<1x128x1xf32>
    %get3A_433 = vector.shape_cast %get3A_432 : vector<1x128x1xf32> to vector<128xf32>
    %jit3A_434 = arith.constant 0.000000e+00 : f32
    %jit3A_435 = arith.constant 8.000000e+02 : f32
    %max3A_436 = vector.broadcast %jit3A_434 : f32 to vector<128xf32>
    %max3A_437 = arith.maximumf %max3A_436, %get3A_433 : vector<128xf32>
    %min3A_438 = vector.broadcast %jit3A_435 : f32 to vector<128xf32>
    %min3A_439 = arith.minimumf %min3A_438, %max3A_437 : vector<128xf32>
    %reshape3A_440 = vector.shape_cast %min3A_439 : vector<128xf32> to vector<128x1xf32>
    %sub3A_441 = arith.subf %reshape3A_428, %reshape3A_404 : vector<128x1xf32>
    %max3A_442 = arith.constant 0.000000e+00 : f32
    %max3A_443 = vector.broadcast %max3A_442 : f32 to vector<128x1xf32>
    %max3A_444 = arith.maximumf %sub3A_441, %max3A_443 : vector<128x1xf32>
    %sub3A_445 = arith.subf %reshape3A_440, %reshape3A_416 : vector<128x1xf32>
    %max3A_446 = arith.constant 0.000000e+00 : f32
    %max3A_447 = vector.broadcast %max3A_446 : f32 to vector<128x1xf32>
    %max3A_448 = arith.maximumf %sub3A_445, %max3A_447 : vector<128x1xf32>
    %mul3A_449 = arith.mulf %max3A_444, %max3A_448 : vector<128x1xf32>
    %get3A_450 = arith.constant 0 : index
    %get3A_451 = arith.constant 896 : index
    %get3A_452 = arith.constant 0 : index
    %get3A_453 = vector.load %arg2[%get3A_450, %get3A_451, %get3A_452] : memref<1x1024x8xf32, #tpu.memory_space<vmem>>, vector<1x128x1xf32>
    %get3A_454 = vector.shape_cast %get3A_453 : vector<1x128x1xf32> to vector<128xf32>
    %jit3A_455 = arith.constant 0.000000e+00 : f32
    %jit3A_456 = arith.constant 8.000000e+02 : f32
    %max3A_457 = vector.broadcast %jit3A_455 : f32 to vector<128xf32>
    %max3A_458 = arith.maximumf %max3A_457, %get3A_454 : vector<128xf32>
    %min3A_459 = vector.broadcast %jit3A_456 : f32 to vector<128xf32>
    %min3A_460 = arith.minimumf %min3A_459, %max3A_458 : vector<128xf32>
    %reshape3A_461 = vector.shape_cast %min3A_460 : vector<128xf32> to vector<128x1xf32>
    %get3A_462 = arith.constant 0 : index
    %get3A_463 = arith.constant 896 : index
    %get3A_464 = arith.constant 1 : index
    %get3A_465 = vector.load %arg2[%get3A_462, %get3A_463, %get3A_464] : memref<1x1024x8xf32, #tpu.memory_space<vmem>>, vector<1x128x1xf32>
    %get3A_466 = vector.shape_cast %get3A_465 : vector<1x128x1xf32> to vector<128xf32>
    %jit3A_467 = arith.constant 0.000000e+00 : f32
    %jit3A_468 = arith.constant 8.000000e+02 : f32
    %max3A_469 = vector.broadcast %jit3A_467 : f32 to vector<128xf32>
    %max3A_470 = arith.maximumf %max3A_469, %get3A_466 : vector<128xf32>
    %min3A_471 = vector.broadcast %jit3A_468 : f32 to vector<128xf32>
    %min3A_472 = arith.minimumf %min3A_471, %max3A_470 : vector<128xf32>
    %reshape3A_473 = vector.shape_cast %min3A_472 : vector<128xf32> to vector<128x1xf32>
    %get3A_474 = arith.constant 0 : index
    %get3A_475 = arith.constant 896 : index
    %get3A_476 = arith.constant 2 : index
    %get3A_477 = vector.load %arg2[%get3A_474, %get3A_475, %get3A_476] : memref<1x1024x8xf32, #tpu.memory_space<vmem>>, vector<1x128x1xf32>
    %get3A_478 = vector.shape_cast %get3A_477 : vector<1x128x1xf32> to vector<128xf32>
    %jit3A_479 = arith.constant 0.000000e+00 : f32
    %jit3A_480 = arith.constant 8.000000e+02 : f32
    %max3A_481 = vector.broadcast %jit3A_479 : f32 to vector<128xf32>
    %max3A_482 = arith.maximumf %max3A_481, %get3A_478 : vector<128xf32>
    %min3A_483 = vector.broadcast %jit3A_480 : f32 to vector<128xf32>
    %min3A_484 = arith.minimumf %min3A_483, %max3A_482 : vector<128xf32>
    %reshape3A_485 = vector.shape_cast %min3A_484 : vector<128xf32> to vector<128x1xf32>
    %get3A_486 = arith.constant 0 : index
    %get3A_487 = arith.constant 896 : index
    %get3A_488 = arith.constant 3 : index
    %get3A_489 = vector.load %arg2[%get3A_486, %get3A_487, %get3A_488] : memref<1x1024x8xf32, #tpu.memory_space<vmem>>, vector<1x128x1xf32>
    %get3A_490 = vector.shape_cast %get3A_489 : vector<1x128x1xf32> to vector<128xf32>
    %jit3A_491 = arith.constant 0.000000e+00 : f32
    %jit3A_492 = arith.constant 8.000000e+02 : f32
    %max3A_493 = vector.broadcast %jit3A_491 : f32 to vector<128xf32>
    %max3A_494 = arith.maximumf %max3A_493, %get3A_490 : vector<128xf32>
    %min3A_495 = vector.broadcast %jit3A_492 : f32 to vector<128xf32>
    %min3A_496 = arith.minimumf %min3A_495, %max3A_494 : vector<128xf32>
    %reshape3A_497 = vector.shape_cast %min3A_496 : vector<128xf32> to vector<128x1xf32>
    %sub3A_498 = arith.subf %reshape3A_485, %reshape3A_461 : vector<128x1xf32>
    %max3A_499 = arith.constant 0.000000e+00 : f32
    %max3A_500 = vector.broadcast %max3A_499 : f32 to vector<128x1xf32>
    %max3A_501 = arith.maximumf %sub3A_498, %max3A_500 : vector<128x1xf32>
    %sub3A_502 = arith.subf %reshape3A_497, %reshape3A_473 : vector<128x1xf32>
    %max3A_503 = arith.constant 0.000000e+00 : f32
    %max3A_504 = vector.broadcast %max3A_503 : f32 to vector<128x1xf32>
    %max3A_505 = arith.maximumf %sub3A_502, %max3A_504 : vector<128x1xf32>
    %mul3A_506 = arith.mulf %max3A_501, %max3A_505 : vector<128x1xf32>
    %slice3A = vector.extract_strided_slice %min3A_6 {offsets = [0], sizes = [128], strides = [1]} : vector<1024xf32> to vector<128xf32>
    %reshape3A_507 = vector.shape_cast %slice3A : vector<128xf32> to vector<1x128xf32>
    %slice3A_508 = vector.extract_strided_slice %min3A_17 {offsets = [0], sizes = [128], strides = [1]} : vector<1024xf32> to vector<128xf32>
    %reshape3A_509 = vector.shape_cast %slice3A_508 : vector<128xf32> to vector<1x128xf32>
    %slice3A_510 = vector.extract_strided_slice %min3A_28 {offsets = [0], sizes = [128], strides = [1]} : vector<1024xf32> to vector<128xf32>
    %reshape3A_511 = vector.shape_cast %slice3A_510 : vector<128xf32> to vector<1x128xf32>
    %slice3A_512 = vector.extract_strided_slice %min3A_39 {offsets = [0], sizes = [128], strides = [1]} : vector<1024xf32> to vector<128xf32>
    %reshape3A_513 = vector.shape_cast %slice3A_512 : vector<128xf32> to vector<1x128xf32>
    %slice3A_514 = vector.extract_strided_slice %mul3A {offsets = [0], sizes = [128], strides = [1]} : vector<1024xf32> to vector<128xf32>
    %reshape3A_515 = vector.shape_cast %slice3A_514 : vector<128xf32> to vector<1x128xf32>
    %slice3A_516 = vector.extract_strided_slice %min3A_6 {offsets = [128], sizes = [128], strides = [1]} : vector<1024xf32> to vector<128xf32>
    %reshape3A_517 = vector.shape_cast %slice3A_516 : vector<128xf32> to vector<1x128xf32>
    %slice3A_518 = vector.extract_strided_slice %min3A_17 {offsets = [128], sizes = [128], strides = [1]} : vector<1024xf32> to vector<128xf32>
    %reshape3A_519 = vector.shape_cast %slice3A_518 : vector<128xf32> to vector<1x128xf32>
    %slice3A_520 = vector.extract_strided_slice %min3A_28 {offsets = [128], sizes = [128], strides = [1]} : vector<1024xf32> to vector<128xf32>
    %reshape3A_521 = vector.shape_cast %slice3A_520 : vector<128xf32> to vector<1x128xf32>
    %slice3A_522 = vector.extract_strided_slice %min3A_39 {offsets = [128], sizes = [128], strides = [1]} : vector<1024xf32> to vector<128xf32>
    %reshape3A_523 = vector.shape_cast %slice3A_522 : vector<128xf32> to vector<1x128xf32>
    %slice3A_524 = vector.extract_strided_slice %mul3A {offsets = [128], sizes = [128], strides = [1]} : vector<1024xf32> to vector<128xf32>
    %reshape3A_525 = vector.shape_cast %slice3A_524 : vector<128xf32> to vector<1x128xf32>
    %slice3A_526 = vector.extract_strided_slice %min3A_6 {offsets = [256], sizes = [128], strides = [1]} : vector<1024xf32> to vector<128xf32>
    %reshape3A_527 = vector.shape_cast %slice3A_526 : vector<128xf32> to vector<1x128xf32>
    %slice3A_528 = vector.extract_strided_slice %min3A_17 {offsets = [256], sizes = [128], strides = [1]} : vector<1024xf32> to vector<128xf32>
    %reshape3A_529 = vector.shape_cast %slice3A_528 : vector<128xf32> to vector<1x128xf32>
    %slice3A_530 = vector.extract_strided_slice %min3A_28 {offsets = [256], sizes = [128], strides = [1]} : vector<1024xf32> to vector<128xf32>
    %reshape3A_531 = vector.shape_cast %slice3A_530 : vector<128xf32> to vector<1x128xf32>
    %slice3A_532 = vector.extract_strided_slice %min3A_39 {offsets = [256], sizes = [128], strides = [1]} : vector<1024xf32> to vector<128xf32>
    %reshape3A_533 = vector.shape_cast %slice3A_532 : vector<128xf32> to vector<1x128xf32>
    %slice3A_534 = vector.extract_strided_slice %mul3A {offsets = [256], sizes = [128], strides = [1]} : vector<1024xf32> to vector<128xf32>
    %reshape3A_535 = vector.shape_cast %slice3A_534 : vector<128xf32> to vector<1x128xf32>
    %slice3A_536 = vector.extract_strided_slice %min3A_6 {offsets = [384], sizes = [128], strides = [1]} : vector<1024xf32> to vector<128xf32>
    %reshape3A_537 = vector.shape_cast %slice3A_536 : vector<128xf32> to vector<1x128xf32>
    %slice3A_538 = vector.extract_strided_slice %min3A_17 {offsets = [384], sizes = [128], strides = [1]} : vector<1024xf32> to vector<128xf32>
    %reshape3A_539 = vector.shape_cast %slice3A_538 : vector<128xf32> to vector<1x128xf32>
    %slice3A_540 = vector.extract_strided_slice %min3A_28 {offsets = [384], sizes = [128], strides = [1]} : vector<1024xf32> to vector<128xf32>
    %reshape3A_541 = vector.shape_cast %slice3A_540 : vector<128xf32> to vector<1x128xf32>
    %slice3A_542 = vector.extract_strided_slice %min3A_39 {offsets = [384], sizes = [128], strides = [1]} : vector<1024xf32> to vector<128xf32>
    %reshape3A_543 = vector.shape_cast %slice3A_542 : vector<128xf32> to vector<1x128xf32>
    %slice3A_544 = vector.extract_strided_slice %mul3A {offsets = [384], sizes = [128], strides = [1]} : vector<1024xf32> to vector<128xf32>
    %reshape3A_545 = vector.shape_cast %slice3A_544 : vector<128xf32> to vector<1x128xf32>
    %slice3A_546 = vector.extract_strided_slice %min3A_6 {offsets = [512], sizes = [128], strides = [1]} : vector<1024xf32> to vector<128xf32>
    %reshape3A_547 = vector.shape_cast %slice3A_546 : vector<128xf32> to vector<1x128xf32>
    %slice3A_548 = vector.extract_strided_slice %min3A_17 {offsets = [512], sizes = [128], strides = [1]} : vector<1024xf32> to vector<128xf32>
    %reshape3A_549 = vector.shape_cast %slice3A_548 : vector<128xf32> to vector<1x128xf32>
    %slice3A_550 = vector.extract_strided_slice %min3A_28 {offsets = [512], sizes = [128], strides = [1]} : vector<1024xf32> to vector<128xf32>
    %reshape3A_551 = vector.shape_cast %slice3A_550 : vector<128xf32> to vector<1x128xf32>
    %slice3A_552 = vector.extract_strided_slice %min3A_39 {offsets = [512], sizes = [128], strides = [1]} : vector<1024xf32> to vector<128xf32>
    %reshape3A_553 = vector.shape_cast %slice3A_552 : vector<128xf32> to vector<1x128xf32>
    %slice3A_554 = vector.extract_strided_slice %mul3A {offsets = [512], sizes = [128], strides = [1]} : vector<1024xf32> to vector<128xf32>
    %reshape3A_555 = vector.shape_cast %slice3A_554 : vector<128xf32> to vector<1x128xf32>
    %slice3A_556 = vector.extract_strided_slice %min3A_6 {offsets = [640], sizes = [128], strides = [1]} : vector<1024xf32> to vector<128xf32>
    %reshape3A_557 = vector.shape_cast %slice3A_556 : vector<128xf32> to vector<1x128xf32>
    %slice3A_558 = vector.extract_strided_slice %min3A_17 {offsets = [640], sizes = [128], strides = [1]} : vector<1024xf32> to vector<128xf32>
    %reshape3A_559 = vector.shape_cast %slice3A_558 : vector<128xf32> to vector<1x128xf32>
    %slice3A_560 = vector.extract_strided_slice %min3A_28 {offsets = [640], sizes = [128], strides = [1]} : vector<1024xf32> to vector<128xf32>
    %reshape3A_561 = vector.shape_cast %slice3A_560 : vector<128xf32> to vector<1x128xf32>
    %slice3A_562 = vector.extract_strided_slice %min3A_39 {offsets = [640], sizes = [128], strides = [1]} : vector<1024xf32> to vector<128xf32>
    %reshape3A_563 = vector.shape_cast %slice3A_562 : vector<128xf32> to vector<1x128xf32>
    %slice3A_564 = vector.extract_strided_slice %mul3A {offsets = [640], sizes = [128], strides = [1]} : vector<1024xf32> to vector<128xf32>
    %reshape3A_565 = vector.shape_cast %slice3A_564 : vector<128xf32> to vector<1x128xf32>
    %slice3A_566 = vector.extract_strided_slice %min3A_6 {offsets = [768], sizes = [128], strides = [1]} : vector<1024xf32> to vector<128xf32>
    %reshape3A_567 = vector.shape_cast %slice3A_566 : vector<128xf32> to vector<1x128xf32>
    %slice3A_568 = vector.extract_strided_slice %min3A_17 {offsets = [768], sizes = [128], strides = [1]} : vector<1024xf32> to vector<128xf32>
    %reshape3A_569 = vector.shape_cast %slice3A_568 : vector<128xf32> to vector<1x128xf32>
    %slice3A_570 = vector.extract_strided_slice %min3A_28 {offsets = [768], sizes = [128], strides = [1]} : vector<1024xf32> to vector<128xf32>
    %reshape3A_571 = vector.shape_cast %slice3A_570 : vector<128xf32> to vector<1x128xf32>
    %slice3A_572 = vector.extract_strided_slice %min3A_39 {offsets = [768], sizes = [128], strides = [1]} : vector<1024xf32> to vector<128xf32>
    %reshape3A_573 = vector.shape_cast %slice3A_572 : vector<128xf32> to vector<1x128xf32>
    %slice3A_574 = vector.extract_strided_slice %mul3A {offsets = [768], sizes = [128], strides = [1]} : vector<1024xf32> to vector<128xf32>
    %reshape3A_575 = vector.shape_cast %slice3A_574 : vector<128xf32> to vector<1x128xf32>
    %slice3A_576 = vector.extract_strided_slice %min3A_6 {offsets = [896], sizes = [128], strides = [1]} : vector<1024xf32> to vector<128xf32>
    %reshape3A_577 = vector.shape_cast %slice3A_576 : vector<128xf32> to vector<1x128xf32>
    %slice3A_578 = vector.extract_strided_slice %min3A_17 {offsets = [896], sizes = [128], strides = [1]} : vector<1024xf32> to vector<128xf32>
    %reshape3A_579 = vector.shape_cast %slice3A_578 : vector<128xf32> to vector<1x128xf32>
    %slice3A_580 = vector.extract_strided_slice %min3A_28 {offsets = [896], sizes = [128], strides = [1]} : vector<1024xf32> to vector<128xf32>
    %reshape3A_581 = vector.shape_cast %slice3A_580 : vector<128xf32> to vector<1x128xf32>
    %slice3A_582 = vector.extract_strided_slice %min3A_39 {offsets = [896], sizes = [128], strides = [1]} : vector<1024xf32> to vector<128xf32>
    %reshape3A_583 = vector.shape_cast %slice3A_582 : vector<128xf32> to vector<1x128xf32>
    %slice3A_584 = vector.extract_strided_slice %mul3A {offsets = [896], sizes = [128], strides = [1]} : vector<1024xf32> to vector<128xf32>
    %reshape3A_585 = vector.shape_cast %slice3A_584 : vector<128xf32> to vector<1x128xf32>
    %iota3A = tpu.iota {dimensions = array<i32: 1>} : vector<1x1024xi32>
    %iota3A_586 = vector.shape_cast %iota3A : vector<1x1024xi32> to vector<1024xi32>
    %gt3A = arith.constant 0.00999999977 : f32
    %gt3A_587 = vector.broadcast %gt3A : f32 to vector<1024xf32>
    %gt3A_588 = arith.cmpf ogt, %get3A_44, %gt3A_587 : vector<1024xf32>
    %lt3A = arith.constant 1000 : i32
    %lt3A_589 = vector.broadcast %lt3A : i32 to vector<1024xi32>
    %lt3A_590 = arith.cmpi slt, %iota3A_586, %lt3A_589 : vector<1024xi32>
    %and3A = arith.andi %gt3A_588, %lt3A_590 : vector<1024xi1>
    %convert_element_type3A = arith.extui %and3A : vector<1024xi1> to vector<1024xi32>
    %convert_element_type3A_591 = arith.sitofp %convert_element_type3A : vector<1024xi32> to vector<1024xf32>
    %broadcast_in_dim3A = arith.constant 0.000000e+00 : f32
    %broadcast_in_dim3A_592 = vector.broadcast %broadcast_in_dim3A : f32 to vector<1024xf32>
    %swap3A = arith.constant 0 : index
    %swap3A_593 = vector.load %arg4[%swap3A] : memref<1024xf32, #tpu.memory_space<vmem>>, vector<1024xf32>
    tpu.vector_store %arg4[%swap3A], %broadcast_in_dim3A_592 {strides = array<i32>} : memref<1024xf32, #tpu.memory_space<vmem>>, vector<1024xf32>,
    %get3A_594 = arith.constant 0 : index
    %get3A_595 = vector.load %arg4[%get3A_594] : memref<1024xf32, #tpu.memory_space<vmem>>, vector<128xf32>
    %max3A_596 = vector.broadcast %reshape3A : vector<128x1xf32> to vector<128x128xf32>
    %max3A_597 = vector.broadcast %reshape3A_507 : vector<1x128xf32> to vector<128x128xf32>
    %max3A_598 = arith.maximumf %max3A_596, %max3A_597 : vector<128x128xf32>
    %max3A_599 = vector.broadcast %reshape3A_74 : vector<128x1xf32> to vector<128x128xf32>
    %max3A_600 = vector.broadcast %reshape3A_509 : vector<1x128xf32> to vector<128x128xf32>
    %max3A_601 = arith.maximumf %max3A_599, %max3A_600 : vector<128x128xf32>
    %min3A_602 = vector.broadcast %reshape3A_86 : vector<128x1xf32> to vector<128x128xf32>
    %min3A_603 = vector.broadcast %reshape3A_511 : vector<1x128xf32> to vector<128x128xf32>
    %min3A_604 = arith.minimumf %min3A_602, %min3A_603 : vector<128x128xf32>
    %min3A_605 = vector.broadcast %reshape3A_98 : vector<128x1xf32> to vector<128x128xf32>
    %min3A_606 = vector.broadcast %reshape3A_513 : vector<1x128xf32> to vector<128x128xf32>
    %min3A_607 = arith.minimumf %min3A_605, %min3A_606 : vector<128x128xf32>
    %sub3A_608 = arith.subf %min3A_604, %max3A_598 : vector<128x128xf32>
    %max3A_609 = arith.constant 0.000000e+00 : f32
    %max3A_610 = vector.broadcast %max3A_609 : f32 to vector<128x128xf32>
    %max3A_611 = arith.maximumf %sub3A_608, %max3A_610 : vector<128x128xf32>
    %sub3A_612 = arith.subf %min3A_607, %max3A_601 : vector<128x128xf32>
    %max3A_613 = arith.constant 0.000000e+00 : f32
    %max3A_614 = vector.broadcast %max3A_613 : f32 to vector<128x128xf32>
    %max3A_615 = arith.maximumf %sub3A_612, %max3A_614 : vector<128x128xf32>
    %mul3A_616 = arith.mulf %max3A_611, %max3A_615 : vector<128x128xf32>
    %add3A = vector.broadcast %mul3A_107 : vector<128x1xf32> to vector<128x128xf32>
    %add3A_617 = vector.broadcast %reshape3A_515 : vector<1x128xf32> to vector<128x128xf32>
    %add3A_618 = arith.addf %add3A, %add3A_617 : vector<128x128xf32>
    %sub3A_619 = arith.subf %add3A_618, %mul3A_616 : vector<128x128xf32>
    %max3A_620 = arith.constant 9.99999971E-10 : f32
    %max3A_621 = vector.broadcast %max3A_620 : f32 to vector<128x128xf32>
    %max3A_622 = arith.maximumf %sub3A_619, %max3A_621 : vector<128x128xf32>
    %div3A = arith.divf %mul3A_616, %max3A_622 : vector<128x128xf32>
    %gt3A_623 = arith.constant 3.000000e-01 : f32
    %gt3A_624 = vector.broadcast %gt3A_623 : f32 to vector<128x128xf32>
    %gt3A_625 = arith.cmpf ogt, %div3A, %gt3A_624 : vector<128x128xf32>
    %iota3A_626 = tpu.iota {dimensions = array<i32: 0>} : vector<128x128xi32>
    %iota3A_627 = tpu.iota {dimensions = array<i32: 1>} : vector<128x128xi32>
    %lt3A_628 = arith.cmpi slt, %iota3A_627, %iota3A_626 : vector<128x128xi32>
    %and3A_629 = arith.andi %gt3A_625, %lt3A_628 : vector<128x128xi1>
    %convert_element_type3A_630 = arith.extui %and3A_629 : vector<128x128xi1> to vector<128x128xi32>
    %convert_element_type3A_631 = arith.sitofp %convert_element_type3A_630 : vector<128x128xi32> to vector<128x128xf32>
    %reshape3A_632 = vector.shape_cast %convert_element_type3A_591 : vector<1024xf32> to vector<8x128xf32>
    %slice3A_633 = vector.extract_strided_slice %reshape3A_632 {offsets = [0, 0], sizes = [1, 128], strides = [1, 1]} : vector<8x128xf32> to vector<1x128xf32>
    %squeeze3A = vector.shape_cast %slice3A_633 : vector<1x128xf32> to vector<128xf32>
    %eq3A = arith.constant 0.000000e+00 : f32
    %eq3A_634 = vector.broadcast %eq3A : f32 to vector<128xf32>
    %eq3A_635 = arith.cmpf oeq, %get3A_595, %eq3A_634 : vector<128xf32>
    %convert_element_type3A_636 = arith.extui %eq3A_635 : vector<128xi1> to vector<128xi32>
    %convert_element_type3A_637 = arith.sitofp %convert_element_type3A_636 : vector<128xi32> to vector<128xf32>
    %mul3A_638 = arith.mulf %squeeze3A, %convert_element_type3A_637 : vector<128xf32>
    %sub3A_639 = arith.constant 1.000000e+00 : f32
    %sub3A_640 = vector.broadcast %sub3A_639 : f32 to vector<128xf32>
    %sub3A_641 = arith.subf %mul3A_638, %sub3A_640 : vector<128xf32>
    %while3A:2 = scf.while (%while3A_2325 = %mul3A_638, %while3A_2326 = %sub3A_641) : (vector<128xf32>, vector<128xf32>) -> (vector<128xf32>, vector<128xf32>) {
      %sub3A_2327 = arith.subf %while3A_2325, %while3A_2326 : vector<128xf32>
      %abs3A = math.absf %sub3A_2327 : vector<128xf32>
      %reduce_sum3A_2328 = vector.shape_cast %abs3A : vector<128xf32> to vector<1x128xf32>
      %reduce_sum3A_2329 = arith.constant dense<0.000000e+00> : vector<1xf32>
      %reduce_sum3A_2330 = vector.multi_reduction <add>, %reduce_sum3A_2328, %reduce_sum3A_2329 [1] : vector<1x128xf32> to vector<1xf32>
      %reduce_sum3A_2331 = vector.shape_cast %reduce_sum3A_2330 : vector<1xf32> to vector<1x1xf32>
      %reduce_sum3A_2332 = vector.extract %reduce_sum3A_2331[0, 0] : f32 from vector<1x1xf32>
      %gt3A_2333 = arith.constant 0.000000e+00 : f32
      %gt3A_2334 = arith.cmpf ogt, %reduce_sum3A_2332, %gt3A_2333 : f32
      scf.condition(%gt3A_2334) %while3A_2325, %while3A_2326 : vector<128xf32>, vector<128xf32>
    } do {
    ^bb0(%while3A_2325: vector<128xf32>, %while3A_2326: vector<128xf32>):
      %reshape3A_2327 = vector.shape_cast %while3A_2325 : vector<128xf32> to vector<1x128xf32>
      %mul3A_2328 = vector.broadcast %reshape3A_2327 : vector<1x128xf32> to vector<128x128xf32>
      %mul3A_2329 = arith.mulf %convert_element_type3A_631, %mul3A_2328 : vector<128x128xf32>
      %reduce_sum3A_2330 = arith.constant dense<0.000000e+00> : vector<128xf32>
      %reduce_sum3A_2331 = vector.multi_reduction <add>, %mul3A_2329, %reduce_sum3A_2330 [1] : vector<128x128xf32> to vector<128xf32>
      %eq3A_2332 = arith.constant 0.000000e+00 : f32
      %eq3A_2333 = vector.broadcast %eq3A_2332 : f32 to vector<128xf32>
      %eq3A_2334 = arith.cmpf oeq, %reduce_sum3A_2331, %eq3A_2333 : vector<128xf32>
      %convert_element_type3A_2335 = arith.extui %eq3A_2334 : vector<128xi1> to vector<128xi32>
      %convert_element_type3A_2336 = arith.sitofp %convert_element_type3A_2335 : vector<128xi32> to vector<128xf32>
      %mul3A_2337 = arith.mulf %mul3A_638, %convert_element_type3A_2336 : vector<128xf32>
      scf.yield %mul3A_2337, %while3A_2325 : vector<128xf32>, vector<128xf32>
    }
    %swap3A_642 = arith.constant 0 : index
    %swap3A_643 = arith.constant 5 : index
    %swap3A_644 = arith.constant 0 : index
    %swap3A_645 = vector.load %arg3[%swap3A_642, %swap3A_643, %swap3A_644] : memref<1x8x1024xf32, #tpu.memory_space<vmem>>, vector<1x1x128xf32>
    %swap3A_646 = vector.shape_cast %swap3A_645 : vector<1x1x128xf32> to vector<128xf32>
    %swap3A_647 = vector.shape_cast %while3A#0 : vector<128xf32> to vector<1x1x128xf32>
    tpu.vector_store %arg3[%swap3A_642, %swap3A_643, %swap3A_644], %swap3A_647 {strides = array<i32>} : memref<1x8x1024xf32, #tpu.memory_space<vmem>>, vector<1x1x128xf32>,
    %reshape3A_648 = vector.shape_cast %while3A#0 : vector<128xf32> to vector<1x128xf32>
    %max3A_649 = vector.broadcast %reshape3A_119 : vector<128x1xf32> to vector<128x128xf32>
    %max3A_650 = vector.broadcast %reshape3A_507 : vector<1x128xf32> to vector<128x128xf32>
    %max3A_651 = arith.maximumf %max3A_649, %max3A_650 : vector<128x128xf32>
    %max3A_652 = vector.broadcast %reshape3A_131 : vector<128x1xf32> to vector<128x128xf32>
    %max3A_653 = vector.broadcast %reshape3A_509 : vector<1x128xf32> to vector<128x128xf32>
    %max3A_654 = arith.maximumf %max3A_652, %max3A_653 : vector<128x128xf32>
    %min3A_655 = vector.broadcast %reshape3A_143 : vector<128x1xf32> to vector<128x128xf32>
    %min3A_656 = vector.broadcast %reshape3A_511 : vector<1x128xf32> to vector<128x128xf32>
    %min3A_657 = arith.minimumf %min3A_655, %min3A_656 : vector<128x128xf32>
    %min3A_658 = vector.broadcast %reshape3A_155 : vector<128x1xf32> to vector<128x128xf32>
    %min3A_659 = vector.broadcast %reshape3A_513 : vector<1x128xf32> to vector<128x128xf32>
    %min3A_660 = arith.minimumf %min3A_658, %min3A_659 : vector<128x128xf32>
    %sub3A_661 = arith.subf %min3A_657, %max3A_651 : vector<128x128xf32>
    %max3A_662 = arith.constant 0.000000e+00 : f32
    %max3A_663 = vector.broadcast %max3A_662 : f32 to vector<128x128xf32>
    %max3A_664 = arith.maximumf %sub3A_661, %max3A_663 : vector<128x128xf32>
    %sub3A_665 = arith.subf %min3A_660, %max3A_654 : vector<128x128xf32>
    %max3A_666 = arith.constant 0.000000e+00 : f32
    %max3A_667 = vector.broadcast %max3A_666 : f32 to vector<128x128xf32>
    %max3A_668 = arith.maximumf %sub3A_665, %max3A_667 : vector<128x128xf32>
    %mul3A_669 = arith.mulf %max3A_664, %max3A_668 : vector<128x128xf32>
    %add3A_670 = vector.broadcast %mul3A_164 : vector<128x1xf32> to vector<128x128xf32>
    %add3A_671 = vector.broadcast %reshape3A_515 : vector<1x128xf32> to vector<128x128xf32>
    %add3A_672 = arith.addf %add3A_670, %add3A_671 : vector<128x128xf32>
    %sub3A_673 = arith.subf %add3A_672, %mul3A_669 : vector<128x128xf32>
    %max3A_674 = arith.constant 9.99999971E-10 : f32
    %max3A_675 = vector.broadcast %max3A_674 : f32 to vector<128x128xf32>
    %max3A_676 = arith.maximumf %sub3A_673, %max3A_675 : vector<128x128xf32>
    %div3A_677 = arith.divf %mul3A_669, %max3A_676 : vector<128x128xf32>
    %gt3A_678 = arith.constant 3.000000e-01 : f32
    %gt3A_679 = vector.broadcast %gt3A_678 : f32 to vector<128x128xf32>
    %gt3A_680 = arith.cmpf ogt, %div3A_677, %gt3A_679 : vector<128x128xf32>
    %convert_element_type3A_681 = arith.extui %gt3A_680 : vector<128x128xi1> to vector<128x128xi32>
    %convert_element_type3A_682 = arith.sitofp %convert_element_type3A_681 : vector<128x128xi32> to vector<128x128xf32>
    %mul3A_683 = vector.broadcast %reshape3A_648 : vector<1x128xf32> to vector<128x128xf32>
    %mul3A_684 = arith.mulf %convert_element_type3A_682, %mul3A_683 : vector<128x128xf32>
    %reduce_sum3A = arith.constant dense<0.000000e+00> : vector<128xf32>
    %reduce_sum3A_685 = vector.multi_reduction <add>, %mul3A_684, %reduce_sum3A [1] : vector<128x128xf32> to vector<128xf32>
    %get3A_686 = arith.constant 128 : index
    %get3A_687 = vector.load %arg4[%get3A_686] : memref<1024xf32, #tpu.memory_space<vmem>>, vector<128xf32>
    %add3A_688 = arith.addf %get3A_687, %reduce_sum3A_685 : vector<128xf32>
    %swap3A_689 = arith.constant 128 : index
    %swap3A_690 = vector.load %arg4[%swap3A_689] : memref<1024xf32, #tpu.memory_space<vmem>>, vector<128xf32>
    tpu.vector_store %arg4[%swap3A_689], %add3A_688 {strides = array<i32>} : memref<1024xf32, #tpu.memory_space<vmem>>, vector<128xf32>,
    %max3A_691 = vector.broadcast %reshape3A_176 : vector<128x1xf32> to vector<128x128xf32>
    %max3A_692 = vector.broadcast %reshape3A_507 : vector<1x128xf32> to vector<128x128xf32>
    %max3A_693 = arith.maximumf %max3A_691, %max3A_692 : vector<128x128xf32>
    %max3A_694 = vector.broadcast %reshape3A_188 : vector<128x1xf32> to vector<128x128xf32>
    %max3A_695 = vector.broadcast %reshape3A_509 : vector<1x128xf32> to vector<128x128xf32>
    %max3A_696 = arith.maximumf %max3A_694, %max3A_695 : vector<128x128xf32>
    %min3A_697 = vector.broadcast %reshape3A_200 : vector<128x1xf32> to vector<128x128xf32>
    %min3A_698 = vector.broadcast %reshape3A_511 : vector<1x128xf32> to vector<128x128xf32>
    %min3A_699 = arith.minimumf %min3A_697, %min3A_698 : vector<128x128xf32>
    %min3A_700 = vector.broadcast %reshape3A_212 : vector<128x1xf32> to vector<128x128xf32>
    %min3A_701 = vector.broadcast %reshape3A_513 : vector<1x128xf32> to vector<128x128xf32>
    %min3A_702 = arith.minimumf %min3A_700, %min3A_701 : vector<128x128xf32>
    %sub3A_703 = arith.subf %min3A_699, %max3A_693 : vector<128x128xf32>
    %max3A_704 = arith.constant 0.000000e+00 : f32
    %max3A_705 = vector.broadcast %max3A_704 : f32 to vector<128x128xf32>
    %max3A_706 = arith.maximumf %sub3A_703, %max3A_705 : vector<128x128xf32>
    %sub3A_707 = arith.subf %min3A_702, %max3A_696 : vector<128x128xf32>
    %max3A_708 = arith.constant 0.000000e+00 : f32
    %max3A_709 = vector.broadcast %max3A_708 : f32 to vector<128x128xf32>
    %max3A_710 = arith.maximumf %sub3A_707, %max3A_709 : vector<128x128xf32>
    %mul3A_711 = arith.mulf %max3A_706, %max3A_710 : vector<128x128xf32>
    %add3A_712 = vector.broadcast %mul3A_221 : vector<128x1xf32> to vector<128x128xf32>
    %add3A_713 = vector.broadcast %reshape3A_515 : vector<1x128xf32> to vector<128x128xf32>
    %add3A_714 = arith.addf %add3A_712, %add3A_713 : vector<128x128xf32>
    %sub3A_715 = arith.subf %add3A_714, %mul3A_711 : vector<128x128xf32>
    %max3A_716 = arith.constant 9.99999971E-10 : f32
    %max3A_717 = vector.broadcast %max3A_716 : f32 to vector<128x128xf32>
    %max3A_718 = arith.maximumf %sub3A_715, %max3A_717 : vector<128x128xf32>
    %div3A_719 = arith.divf %mul3A_711, %max3A_718 : vector<128x128xf32>
    %gt3A_720 = arith.constant 3.000000e-01 : f32
    %gt3A_721 = vector.broadcast %gt3A_720 : f32 to vector<128x128xf32>
    %gt3A_722 = arith.cmpf ogt, %div3A_719, %gt3A_721 : vector<128x128xf32>
    %convert_element_type3A_723 = arith.extui %gt3A_722 : vector<128x128xi1> to vector<128x128xi32>
    %convert_element_type3A_724 = arith.sitofp %convert_element_type3A_723 : vector<128x128xi32> to vector<128x128xf32>
    %mul3A_725 = vector.broadcast %reshape3A_648 : vector<1x128xf32> to vector<128x128xf32>
    %mul3A_726 = arith.mulf %convert_element_type3A_724, %mul3A_725 : vector<128x128xf32>
    %reduce_sum3A_727 = arith.constant dense<0.000000e+00> : vector<128xf32>
    %reduce_sum3A_728 = vector.multi_reduction <add>, %mul3A_726, %reduce_sum3A_727 [1] : vector<128x128xf32> to vector<128xf32>
    %get3A_729 = arith.constant 256 : index
    %get3A_730 = vector.load %arg4[%get3A_729] : memref<1024xf32, #tpu.memory_space<vmem>>, vector<128xf32>
    %add3A_731 = arith.addf %get3A_730, %reduce_sum3A_728 : vector<128xf32>
    %swap3A_732 = arith.constant 256 : index
    %swap3A_733 = vector.load %arg4[%swap3A_732] : memref<1024xf32, #tpu.memory_space<vmem>>, vector<128xf32>
    tpu.vector_store %arg4[%swap3A_732], %add3A_731 {strides = array<i32>} : memref<1024xf32, #tpu.memory_space<vmem>>, vector<128xf32>,
    %max3A_734 = vector.broadcast %reshape3A_233 : vector<128x1xf32> to vector<128x128xf32>
    %max3A_735 = vector.broadcast %reshape3A_507 : vector<1x128xf32> to vector<128x128xf32>
    %max3A_736 = arith.maximumf %max3A_734, %max3A_735 : vector<128x128xf32>
    %max3A_737 = vector.broadcast %reshape3A_245 : vector<128x1xf32> to vector<128x128xf32>
    %max3A_738 = vector.broadcast %reshape3A_509 : vector<1x128xf32> to vector<128x128xf32>
    %max3A_739 = arith.maximumf %max3A_737, %max3A_738 : vector<128x128xf32>
    %min3A_740 = vector.broadcast %reshape3A_257 : vector<128x1xf32> to vector<128x128xf32>
    %min3A_741 = vector.broadcast %reshape3A_511 : vector<1x128xf32> to vector<128x128xf32>
    %min3A_742 = arith.minimumf %min3A_740, %min3A_741 : vector<128x128xf32>
    %min3A_743 = vector.broadcast %reshape3A_269 : vector<128x1xf32> to vector<128x128xf32>
    %min3A_744 = vector.broadcast %reshape3A_513 : vector<1x128xf32> to vector<128x128xf32>
    %min3A_745 = arith.minimumf %min3A_743, %min3A_744 : vector<128x128xf32>
    %sub3A_746 = arith.subf %min3A_742, %max3A_736 : vector<128x128xf32>
    %max3A_747 = arith.constant 0.000000e+00 : f32
    %max3A_748 = vector.broadcast %max3A_747 : f32 to vector<128x128xf32>
    %max3A_749 = arith.maximumf %sub3A_746, %max3A_748 : vector<128x128xf32>
    %sub3A_750 = arith.subf %min3A_745, %max3A_739 : vector<128x128xf32>
    %max3A_751 = arith.constant 0.000000e+00 : f32
    %max3A_752 = vector.broadcast %max3A_751 : f32 to vector<128x128xf32>
    %max3A_753 = arith.maximumf %sub3A_750, %max3A_752 : vector<128x128xf32>
    %mul3A_754 = arith.mulf %max3A_749, %max3A_753 : vector<128x128xf32>
    %add3A_755 = vector.broadcast %mul3A_278 : vector<128x1xf32> to vector<128x128xf32>
    %add3A_756 = vector.broadcast %reshape3A_515 : vector<1x128xf32> to vector<128x128xf32>
    %add3A_757 = arith.addf %add3A_755, %add3A_756 : vector<128x128xf32>
    %sub3A_758 = arith.subf %add3A_757, %mul3A_754 : vector<128x128xf32>
    %max3A_759 = arith.constant 9.99999971E-10 : f32
    %max3A_760 = vector.broadcast %max3A_759 : f32 to vector<128x128xf32>
    %max3A_761 = arith.maximumf %sub3A_758, %max3A_760 : vector<128x128xf32>
    %div3A_762 = arith.divf %mul3A_754, %max3A_761 : vector<128x128xf32>
    %gt3A_763 = arith.constant 3.000000e-01 : f32
    %gt3A_764 = vector.broadcast %gt3A_763 : f32 to vector<128x128xf32>
    %gt3A_765 = arith.cmpf ogt, %div3A_762, %gt3A_764 : vector<128x128xf32>
    %convert_element_type3A_766 = arith.extui %gt3A_765 : vector<128x128xi1> to vector<128x128xi32>
    %convert_element_type3A_767 = arith.sitofp %convert_element_type3A_766 : vector<128x128xi32> to vector<128x128xf32>
    %mul3A_768 = vector.broadcast %reshape3A_648 : vector<1x128xf32> to vector<128x128xf32>
    %mul3A_769 = arith.mulf %convert_element_type3A_767, %mul3A_768 : vector<128x128xf32>
    %reduce_sum3A_770 = arith.constant dense<0.000000e+00> : vector<128xf32>
    %reduce_sum3A_771 = vector.multi_reduction <add>, %mul3A_769, %reduce_sum3A_770 [1] : vector<128x128xf32> to vector<128xf32>
    %get3A_772 = arith.constant 384 : index
    %get3A_773 = vector.load %arg4[%get3A_772] : memref<1024xf32, #tpu.memory_space<vmem>>, vector<128xf32>
    %add3A_774 = arith.addf %get3A_773, %reduce_sum3A_771 : vector<128xf32>
    %swap3A_775 = arith.constant 384 : index
    %swap3A_776 = vector.load %arg4[%swap3A_775] : memref<1024xf32, #tpu.memory_space<vmem>>, vector<128xf32>
    tpu.vector_store %arg4[%swap3A_775], %add3A_774 {strides = array<i32>} : memref<1024xf32, #tpu.memory_space<vmem>>, vector<128xf32>,
    %max3A_777 = vector.broadcast %reshape3A_290 : vector<128x1xf32> to vector<128x128xf32>
    %max3A_778 = vector.broadcast %reshape3A_507 : vector<1x128xf32> to vector<128x128xf32>
    %max3A_779 = arith.maximumf %max3A_777, %max3A_778 : vector<128x128xf32>
    %max3A_780 = vector.broadcast %reshape3A_302 : vector<128x1xf32> to vector<128x128xf32>
    %max3A_781 = vector.broadcast %reshape3A_509 : vector<1x128xf32> to vector<128x128xf32>
    %max3A_782 = arith.maximumf %max3A_780, %max3A_781 : vector<128x128xf32>
    %min3A_783 = vector.broadcast %reshape3A_314 : vector<128x1xf32> to vector<128x128xf32>
    %min3A_784 = vector.broadcast %reshape3A_511 : vector<1x128xf32> to vector<128x128xf32>
    %min3A_785 = arith.minimumf %min3A_783, %min3A_784 : vector<128x128xf32>
    %min3A_786 = vector.broadcast %reshape3A_326 : vector<128x1xf32> to vector<128x128xf32>
    %min3A_787 = vector.broadcast %reshape3A_513 : vector<1x128xf32> to vector<128x128xf32>
    %min3A_788 = arith.minimumf %min3A_786, %min3A_787 : vector<128x128xf32>
    %sub3A_789 = arith.subf %min3A_785, %max3A_779 : vector<128x128xf32>
    %max3A_790 = arith.constant 0.000000e+00 : f32
    %max3A_791 = vector.broadcast %max3A_790 : f32 to vector<128x128xf32>
    %max3A_792 = arith.maximumf %sub3A_789, %max3A_791 : vector<128x128xf32>
    %sub3A_793 = arith.subf %min3A_788, %max3A_782 : vector<128x128xf32>
    %max3A_794 = arith.constant 0.000000e+00 : f32
    %max3A_795 = vector.broadcast %max3A_794 : f32 to vector<128x128xf32>
    %max3A_796 = arith.maximumf %sub3A_793, %max3A_795 : vector<128x128xf32>
    %mul3A_797 = arith.mulf %max3A_792, %max3A_796 : vector<128x128xf32>
    %add3A_798 = vector.broadcast %mul3A_335 : vector<128x1xf32> to vector<128x128xf32>
    %add3A_799 = vector.broadcast %reshape3A_515 : vector<1x128xf32> to vector<128x128xf32>
    %add3A_800 = arith.addf %add3A_798, %add3A_799 : vector<128x128xf32>
    %sub3A_801 = arith.subf %add3A_800, %mul3A_797 : vector<128x128xf32>
    %max3A_802 = arith.constant 9.99999971E-10 : f32
    %max3A_803 = vector.broadcast %max3A_802 : f32 to vector<128x128xf32>
    %max3A_804 = arith.maximumf %sub3A_801, %max3A_803 : vector<128x128xf32>
    %div3A_805 = arith.divf %mul3A_797, %max3A_804 : vector<128x128xf32>
    %gt3A_806 = arith.constant 3.000000e-01 : f32
    %gt3A_807 = vector.broadcast %gt3A_806 : f32 to vector<128x128xf32>
    %gt3A_808 = arith.cmpf ogt, %div3A_805, %gt3A_807 : vector<128x128xf32>
    %convert_element_type3A_809 = arith.extui %gt3A_808 : vector<128x128xi1> to vector<128x128xi32>
    %convert_element_type3A_810 = arith.sitofp %convert_element_type3A_809 : vector<128x128xi32> to vector<128x128xf32>
    %mul3A_811 = vector.broadcast %reshape3A_648 : vector<1x128xf32> to vector<128x128xf32>
    %mul3A_812 = arith.mulf %convert_element_type3A_810, %mul3A_811 : vector<128x128xf32>
    %reduce_sum3A_813 = arith.constant dense<0.000000e+00> : vector<128xf32>
    %reduce_sum3A_814 = vector.multi_reduction <add>, %mul3A_812, %reduce_sum3A_813 [1] : vector<128x128xf32> to vector<128xf32>
    %get3A_815 = arith.constant 512 : index
    %get3A_816 = vector.load %arg4[%get3A_815] : memref<1024xf32, #tpu.memory_space<vmem>>, vector<128xf32>
    %add3A_817 = arith.addf %get3A_816, %reduce_sum3A_814 : vector<128xf32>
    %swap3A_818 = arith.constant 512 : index
    %swap3A_819 = vector.load %arg4[%swap3A_818] : memref<1024xf32, #tpu.memory_space<vmem>>, vector<128xf32>
    tpu.vector_store %arg4[%swap3A_818], %add3A_817 {strides = array<i32>} : memref<1024xf32, #tpu.memory_space<vmem>>, vector<128xf32>,
    %max3A_820 = vector.broadcast %reshape3A_347 : vector<128x1xf32> to vector<128x128xf32>
    %max3A_821 = vector.broadcast %reshape3A_507 : vector<1x128xf32> to vector<128x128xf32>
    %max3A_822 = arith.maximumf %max3A_820, %max3A_821 : vector<128x128xf32>
    %max3A_823 = vector.broadcast %reshape3A_359 : vector<128x1xf32> to vector<128x128xf32>
    %max3A_824 = vector.broadcast %reshape3A_509 : vector<1x128xf32> to vector<128x128xf32>
    %max3A_825 = arith.maximumf %max3A_823, %max3A_824 : vector<128x128xf32>
    %min3A_826 = vector.broadcast %reshape3A_371 : vector<128x1xf32> to vector<128x128xf32>
    %min3A_827 = vector.broadcast %reshape3A_511 : vector<1x128xf32> to vector<128x128xf32>
    %min3A_828 = arith.minimumf %min3A_826, %min3A_827 : vector<128x128xf32>
    %min3A_829 = vector.broadcast %reshape3A_383 : vector<128x1xf32> to vector<128x128xf32>
    %min3A_830 = vector.broadcast %reshape3A_513 : vector<1x128xf32> to vector<128x128xf32>
    %min3A_831 = arith.minimumf %min3A_829, %min3A_830 : vector<128x128xf32>
    %sub3A_832 = arith.subf %min3A_828, %max3A_822 : vector<128x128xf32>
    %max3A_833 = arith.constant 0.000000e+00 : f32
    %max3A_834 = vector.broadcast %max3A_833 : f32 to vector<128x128xf32>
    %max3A_835 = arith.maximumf %sub3A_832, %max3A_834 : vector<128x128xf32>
    %sub3A_836 = arith.subf %min3A_831, %max3A_825 : vector<128x128xf32>
    %max3A_837 = arith.constant 0.000000e+00 : f32
    %max3A_838 = vector.broadcast %max3A_837 : f32 to vector<128x128xf32>
    %max3A_839 = arith.maximumf %sub3A_836, %max3A_838 : vector<128x128xf32>
    %mul3A_840 = arith.mulf %max3A_835, %max3A_839 : vector<128x128xf32>
    %add3A_841 = vector.broadcast %mul3A_392 : vector<128x1xf32> to vector<128x128xf32>
    %add3A_842 = vector.broadcast %reshape3A_515 : vector<1x128xf32> to vector<128x128xf32>
    %add3A_843 = arith.addf %add3A_841, %add3A_842 : vector<128x128xf32>
    %sub3A_844 = arith.subf %add3A_843, %mul3A_840 : vector<128x128xf32>
    %max3A_845 = arith.constant 9.99999971E-10 : f32
    %max3A_846 = vector.broadcast %max3A_845 : f32 to vector<128x128xf32>
    %max3A_847 = arith.maximumf %sub3A_844, %max3A_846 : vector<128x128xf32>
    %div3A_848 = arith.divf %mul3A_840, %max3A_847 : vector<128x128xf32>
    %gt3A_849 = arith.constant 3.000000e-01 : f32
    %gt3A_850 = vector.broadcast %gt3A_849 : f32 to vector<128x128xf32>
    %gt3A_851 = arith.cmpf ogt, %div3A_848, %gt3A_850 : vector<128x128xf32>
    %convert_element_type3A_852 = arith.extui %gt3A_851 : vector<128x128xi1> to vector<128x128xi32>
    %convert_element_type3A_853 = arith.sitofp %convert_element_type3A_852 : vector<128x128xi32> to vector<128x128xf32>
    %mul3A_854 = vector.broadcast %reshape3A_648 : vector<1x128xf32> to vector<128x128xf32>
    %mul3A_855 = arith.mulf %convert_element_type3A_853, %mul3A_854 : vector<128x128xf32>
    %reduce_sum3A_856 = arith.constant dense<0.000000e+00> : vector<128xf32>
    %reduce_sum3A_857 = vector.multi_reduction <add>, %mul3A_855, %reduce_sum3A_856 [1] : vector<128x128xf32> to vector<128xf32>
    %get3A_858 = arith.constant 640 : index
    %get3A_859 = vector.load %arg4[%get3A_858] : memref<1024xf32, #tpu.memory_space<vmem>>, vector<128xf32>
    %add3A_860 = arith.addf %get3A_859, %reduce_sum3A_857 : vector<128xf32>
    %swap3A_861 = arith.constant 640 : index
    %swap3A_862 = vector.load %arg4[%swap3A_861] : memref<1024xf32, #tpu.memory_space<vmem>>, vector<128xf32>
    tpu.vector_store %arg4[%swap3A_861], %add3A_860 {strides = array<i32>} : memref<1024xf32, #tpu.memory_space<vmem>>, vector<128xf32>,
    %max3A_863 = vector.broadcast %reshape3A_404 : vector<128x1xf32> to vector<128x128xf32>
    %max3A_864 = vector.broadcast %reshape3A_507 : vector<1x128xf32> to vector<128x128xf32>
    %max3A_865 = arith.maximumf %max3A_863, %max3A_864 : vector<128x128xf32>
    %max3A_866 = vector.broadcast %reshape3A_416 : vector<128x1xf32> to vector<128x128xf32>
    %max3A_867 = vector.broadcast %reshape3A_509 : vector<1x128xf32> to vector<128x128xf32>
    %max3A_868 = arith.maximumf %max3A_866, %max3A_867 : vector<128x128xf32>
    %min3A_869 = vector.broadcast %reshape3A_428 : vector<128x1xf32> to vector<128x128xf32>
    %min3A_870 = vector.broadcast %reshape3A_511 : vector<1x128xf32> to vector<128x128xf32>
    %min3A_871 = arith.minimumf %min3A_869, %min3A_870 : vector<128x128xf32>
    %min3A_872 = vector.broadcast %reshape3A_440 : vector<128x1xf32> to vector<128x128xf32>
    %min3A_873 = vector.broadcast %reshape3A_513 : vector<1x128xf32> to vector<128x128xf32>
    %min3A_874 = arith.minimumf %min3A_872, %min3A_873 : vector<128x128xf32>
    %sub3A_875 = arith.subf %min3A_871, %max3A_865 : vector<128x128xf32>
    %max3A_876 = arith.constant 0.000000e+00 : f32
    %max3A_877 = vector.broadcast %max3A_876 : f32 to vector<128x128xf32>
    %max3A_878 = arith.maximumf %sub3A_875, %max3A_877 : vector<128x128xf32>
    %sub3A_879 = arith.subf %min3A_874, %max3A_868 : vector<128x128xf32>
    %max3A_880 = arith.constant 0.000000e+00 : f32
    %max3A_881 = vector.broadcast %max3A_880 : f32 to vector<128x128xf32>
    %max3A_882 = arith.maximumf %sub3A_879, %max3A_881 : vector<128x128xf32>
    %mul3A_883 = arith.mulf %max3A_878, %max3A_882 : vector<128x128xf32>
    %add3A_884 = vector.broadcast %mul3A_449 : vector<128x1xf32> to vector<128x128xf32>
    %add3A_885 = vector.broadcast %reshape3A_515 : vector<1x128xf32> to vector<128x128xf32>
    %add3A_886 = arith.addf %add3A_884, %add3A_885 : vector<128x128xf32>
    %sub3A_887 = arith.subf %add3A_886, %mul3A_883 : vector<128x128xf32>
    %max3A_888 = arith.constant 9.99999971E-10 : f32
    %max3A_889 = vector.broadcast %max3A_888 : f32 to vector<128x128xf32>
    %max3A_890 = arith.maximumf %sub3A_887, %max3A_889 : vector<128x128xf32>
    %div3A_891 = arith.divf %mul3A_883, %max3A_890 : vector<128x128xf32>
    %gt3A_892 = arith.constant 3.000000e-01 : f32
    %gt3A_893 = vector.broadcast %gt3A_892 : f32 to vector<128x128xf32>
    %gt3A_894 = arith.cmpf ogt, %div3A_891, %gt3A_893 : vector<128x128xf32>
    %convert_element_type3A_895 = arith.extui %gt3A_894 : vector<128x128xi1> to vector<128x128xi32>
    %convert_element_type3A_896 = arith.sitofp %convert_element_type3A_895 : vector<128x128xi32> to vector<128x128xf32>
    %mul3A_897 = vector.broadcast %reshape3A_648 : vector<1x128xf32> to vector<128x128xf32>
    %mul3A_898 = arith.mulf %convert_element_type3A_896, %mul3A_897 : vector<128x128xf32>
    %reduce_sum3A_899 = arith.constant dense<0.000000e+00> : vector<128xf32>
    %reduce_sum3A_900 = vector.multi_reduction <add>, %mul3A_898, %reduce_sum3A_899 [1] : vector<128x128xf32> to vector<128xf32>
    %get3A_901 = arith.constant 768 : index
    %get3A_902 = vector.load %arg4[%get3A_901] : memref<1024xf32, #tpu.memory_space<vmem>>, vector<128xf32>
    %add3A_903 = arith.addf %get3A_902, %reduce_sum3A_900 : vector<128xf32>
    %swap3A_904 = arith.constant 768 : index
    %swap3A_905 = vector.load %arg4[%swap3A_904] : memref<1024xf32, #tpu.memory_space<vmem>>, vector<128xf32>
    tpu.vector_store %arg4[%swap3A_904], %add3A_903 {strides = array<i32>} : memref<1024xf32, #tpu.memory_space<vmem>>, vector<128xf32>,
    %max3A_906 = vector.broadcast %reshape3A_461 : vector<128x1xf32> to vector<128x128xf32>
    %max3A_907 = vector.broadcast %reshape3A_507 : vector<1x128xf32> to vector<128x128xf32>
    %max3A_908 = arith.maximumf %max3A_906, %max3A_907 : vector<128x128xf32>
    %max3A_909 = vector.broadcast %reshape3A_473 : vector<128x1xf32> to vector<128x128xf32>
    %max3A_910 = vector.broadcast %reshape3A_509 : vector<1x128xf32> to vector<128x128xf32>
    %max3A_911 = arith.maximumf %max3A_909, %max3A_910 : vector<128x128xf32>
    %min3A_912 = vector.broadcast %reshape3A_485 : vector<128x1xf32> to vector<128x128xf32>
    %min3A_913 = vector.broadcast %reshape3A_511 : vector<1x128xf32> to vector<128x128xf32>
    %min3A_914 = arith.minimumf %min3A_912, %min3A_913 : vector<128x128xf32>
    %min3A_915 = vector.broadcast %reshape3A_497 : vector<128x1xf32> to vector<128x128xf32>
    %min3A_916 = vector.broadcast %reshape3A_513 : vector<1x128xf32> to vector<128x128xf32>
    %min3A_917 = arith.minimumf %min3A_915, %min3A_916 : vector<128x128xf32>
    %sub3A_918 = arith.subf %min3A_914, %max3A_908 : vector<128x128xf32>
    %max3A_919 = arith.constant 0.000000e+00 : f32
    %max3A_920 = vector.broadcast %max3A_919 : f32 to vector<128x128xf32>
    %max3A_921 = arith.maximumf %sub3A_918, %max3A_920 : vector<128x128xf32>
    %sub3A_922 = arith.subf %min3A_917, %max3A_911 : vector<128x128xf32>
    %max3A_923 = arith.constant 0.000000e+00 : f32
    %max3A_924 = vector.broadcast %max3A_923 : f32 to vector<128x128xf32>
    %max3A_925 = arith.maximumf %sub3A_922, %max3A_924 : vector<128x128xf32>
    %mul3A_926 = arith.mulf %max3A_921, %max3A_925 : vector<128x128xf32>
    %add3A_927 = vector.broadcast %mul3A_506 : vector<128x1xf32> to vector<128x128xf32>
    %add3A_928 = vector.broadcast %reshape3A_515 : vector<1x128xf32> to vector<128x128xf32>
    %add3A_929 = arith.addf %add3A_927, %add3A_928 : vector<128x128xf32>
    %sub3A_930 = arith.subf %add3A_929, %mul3A_926 : vector<128x128xf32>
    %max3A_931 = arith.constant 9.99999971E-10 : f32
    %max3A_932 = vector.broadcast %max3A_931 : f32 to vector<128x128xf32>
    %max3A_933 = arith.maximumf %sub3A_930, %max3A_932 : vector<128x128xf32>
    %div3A_934 = arith.divf %mul3A_926, %max3A_933 : vector<128x128xf32>
    %gt3A_935 = arith.constant 3.000000e-01 : f32
    %gt3A_936 = vector.broadcast %gt3A_935 : f32 to vector<128x128xf32>
    %gt3A_937 = arith.cmpf ogt, %div3A_934, %gt3A_936 : vector<128x128xf32>
    %convert_element_type3A_938 = arith.extui %gt3A_937 : vector<128x128xi1> to vector<128x128xi32>
    %convert_element_type3A_939 = arith.sitofp %convert_element_type3A_938 : vector<128x128xi32> to vector<128x128xf32>
    %mul3A_940 = vector.broadcast %reshape3A_648 : vector<1x128xf32> to vector<128x128xf32>
    %mul3A_941 = arith.mulf %convert_element_type3A_939, %mul3A_940 : vector<128x128xf32>
    %reduce_sum3A_942 = arith.constant dense<0.000000e+00> : vector<128xf32>
    %reduce_sum3A_943 = vector.multi_reduction <add>, %mul3A_941, %reduce_sum3A_942 [1] : vector<128x128xf32> to vector<128xf32>
    %get3A_944 = arith.constant 896 : index
    %get3A_945 = vector.load %arg4[%get3A_944] : memref<1024xf32, #tpu.memory_space<vmem>>, vector<128xf32>
    %add3A_946 = arith.addf %get3A_945, %reduce_sum3A_943 : vector<128xf32>
    %swap3A_947 = arith.constant 896 : index
    %swap3A_948 = vector.load %arg4[%swap3A_947] : memref<1024xf32, #tpu.memory_space<vmem>>, vector<128xf32>
    tpu.vector_store %arg4[%swap3A_947], %add3A_946 {strides = array<i32>} : memref<1024xf32, #tpu.memory_space<vmem>>, vector<128xf32>,
    %get3A_949 = arith.constant 128 : index
    %get3A_950 = vector.load %arg4[%get3A_949] : memref<1024xf32, #tpu.memory_space<vmem>>, vector<128xf32>
    %max3A_951 = vector.broadcast %reshape3A_119 : vector<128x1xf32> to vector<128x128xf32>
    %max3A_952 = vector.broadcast %reshape3A_517 : vector<1x128xf32> to vector<128x128xf32>
    %max3A_953 = arith.maximumf %max3A_951, %max3A_952 : vector<128x128xf32>
    %max3A_954 = vector.broadcast %reshape3A_131 : vector<128x1xf32> to vector<128x128xf32>
    %max3A_955 = vector.broadcast %reshape3A_519 : vector<1x128xf32> to vector<128x128xf32>
    %max3A_956 = arith.maximumf %max3A_954, %max3A_955 : vector<128x128xf32>
    %min3A_957 = vector.broadcast %reshape3A_143 : vector<128x1xf32> to vector<128x128xf32>
    %min3A_958 = vector.broadcast %reshape3A_521 : vector<1x128xf32> to vector<128x128xf32>
    %min3A_959 = arith.minimumf %min3A_957, %min3A_958 : vector<128x128xf32>
    %min3A_960 = vector.broadcast %reshape3A_155 : vector<128x1xf32> to vector<128x128xf32>
    %min3A_961 = vector.broadcast %reshape3A_523 : vector<1x128xf32> to vector<128x128xf32>
    %min3A_962 = arith.minimumf %min3A_960, %min3A_961 : vector<128x128xf32>
    %sub3A_963 = arith.subf %min3A_959, %max3A_953 : vector<128x128xf32>
    %max3A_964 = arith.constant 0.000000e+00 : f32
    %max3A_965 = vector.broadcast %max3A_964 : f32 to vector<128x128xf32>
    %max3A_966 = arith.maximumf %sub3A_963, %max3A_965 : vector<128x128xf32>
    %sub3A_967 = arith.subf %min3A_962, %max3A_956 : vector<128x128xf32>
    %max3A_968 = arith.constant 0.000000e+00 : f32
    %max3A_969 = vector.broadcast %max3A_968 : f32 to vector<128x128xf32>
    %max3A_970 = arith.maximumf %sub3A_967, %max3A_969 : vector<128x128xf32>
    %mul3A_971 = arith.mulf %max3A_966, %max3A_970 : vector<128x128xf32>
    %add3A_972 = vector.broadcast %mul3A_164 : vector<128x1xf32> to vector<128x128xf32>
    %add3A_973 = vector.broadcast %reshape3A_525 : vector<1x128xf32> to vector<128x128xf32>
    %add3A_974 = arith.addf %add3A_972, %add3A_973 : vector<128x128xf32>
    %sub3A_975 = arith.subf %add3A_974, %mul3A_971 : vector<128x128xf32>
    %max3A_976 = arith.constant 9.99999971E-10 : f32
    %max3A_977 = vector.broadcast %max3A_976 : f32 to vector<128x128xf32>
    %max3A_978 = arith.maximumf %sub3A_975, %max3A_977 : vector<128x128xf32>
    %div3A_979 = arith.divf %mul3A_971, %max3A_978 : vector<128x128xf32>
    %gt3A_980 = arith.constant 3.000000e-01 : f32
    %gt3A_981 = vector.broadcast %gt3A_980 : f32 to vector<128x128xf32>
    %gt3A_982 = arith.cmpf ogt, %div3A_979, %gt3A_981 : vector<128x128xf32>
    %iota3A_983 = tpu.iota {dimensions = array<i32: 0>} : vector<128x128xi32>
    %iota3A_984 = tpu.iota {dimensions = array<i32: 1>} : vector<128x128xi32>
    %lt3A_985 = arith.cmpi slt, %iota3A_984, %iota3A_983 : vector<128x128xi32>
    %and3A_986 = arith.andi %gt3A_982, %lt3A_985 : vector<128x128xi1>
    %convert_element_type3A_987 = arith.extui %and3A_986 : vector<128x128xi1> to vector<128x128xi32>
    %convert_element_type3A_988 = arith.sitofp %convert_element_type3A_987 : vector<128x128xi32> to vector<128x128xf32>
    %reshape3A_989 = vector.shape_cast %convert_element_type3A_591 : vector<1024xf32> to vector<8x128xf32>
    %slice3A_990 = vector.extract_strided_slice %reshape3A_989 {offsets = [1, 0], sizes = [1, 128], strides = [1, 1]} : vector<8x128xf32> to vector<1x128xf32>
    %squeeze3A_991 = vector.shape_cast %slice3A_990 : vector<1x128xf32> to vector<128xf32>
    %eq3A_992 = arith.constant 0.000000e+00 : f32
    %eq3A_993 = vector.broadcast %eq3A_992 : f32 to vector<128xf32>
    %eq3A_994 = arith.cmpf oeq, %get3A_950, %eq3A_993 : vector<128xf32>
    %convert_element_type3A_995 = arith.extui %eq3A_994 : vector<128xi1> to vector<128xi32>
    %convert_element_type3A_996 = arith.sitofp %convert_element_type3A_995 : vector<128xi32> to vector<128xf32>
    %mul3A_997 = arith.mulf %squeeze3A_991, %convert_element_type3A_996 : vector<128xf32>
    %sub3A_998 = arith.constant 1.000000e+00 : f32
    %sub3A_999 = vector.broadcast %sub3A_998 : f32 to vector<128xf32>
    %sub3A_1000 = arith.subf %mul3A_997, %sub3A_999 : vector<128xf32>
    %while3A_1001:2 = scf.while (%while3A_2325 = %mul3A_997, %while3A_2326 = %sub3A_1000) : (vector<128xf32>, vector<128xf32>) -> (vector<128xf32>, vector<128xf32>) {
      %sub3A_2327 = arith.subf %while3A_2325, %while3A_2326 : vector<128xf32>
      %abs3A = math.absf %sub3A_2327 : vector<128xf32>
      %reduce_sum3A_2328 = vector.shape_cast %abs3A : vector<128xf32> to vector<1x128xf32>
      %reduce_sum3A_2329 = arith.constant dense<0.000000e+00> : vector<1xf32>
      %reduce_sum3A_2330 = vector.multi_reduction <add>, %reduce_sum3A_2328, %reduce_sum3A_2329 [1] : vector<1x128xf32> to vector<1xf32>
      %reduce_sum3A_2331 = vector.shape_cast %reduce_sum3A_2330 : vector<1xf32> to vector<1x1xf32>
      %reduce_sum3A_2332 = vector.extract %reduce_sum3A_2331[0, 0] : f32 from vector<1x1xf32>
      %gt3A_2333 = arith.constant 0.000000e+00 : f32
      %gt3A_2334 = arith.cmpf ogt, %reduce_sum3A_2332, %gt3A_2333 : f32
      scf.condition(%gt3A_2334) %while3A_2325, %while3A_2326 : vector<128xf32>, vector<128xf32>
    } do {
    ^bb0(%while3A_2325: vector<128xf32>, %while3A_2326: vector<128xf32>):
      %reshape3A_2327 = vector.shape_cast %while3A_2325 : vector<128xf32> to vector<1x128xf32>
      %mul3A_2328 = vector.broadcast %reshape3A_2327 : vector<1x128xf32> to vector<128x128xf32>
      %mul3A_2329 = arith.mulf %convert_element_type3A_988, %mul3A_2328 : vector<128x128xf32>
      %reduce_sum3A_2330 = arith.constant dense<0.000000e+00> : vector<128xf32>
      %reduce_sum3A_2331 = vector.multi_reduction <add>, %mul3A_2329, %reduce_sum3A_2330 [1] : vector<128x128xf32> to vector<128xf32>
      %eq3A_2332 = arith.constant 0.000000e+00 : f32
      %eq3A_2333 = vector.broadcast %eq3A_2332 : f32 to vector<128xf32>
      %eq3A_2334 = arith.cmpf oeq, %reduce_sum3A_2331, %eq3A_2333 : vector<128xf32>
      %convert_element_type3A_2335 = arith.extui %eq3A_2334 : vector<128xi1> to vector<128xi32>
      %convert_element_type3A_2336 = arith.sitofp %convert_element_type3A_2335 : vector<128xi32> to vector<128xf32>
      %mul3A_2337 = arith.mulf %mul3A_997, %convert_element_type3A_2336 : vector<128xf32>
      scf.yield %mul3A_2337, %while3A_2325 : vector<128xf32>, vector<128xf32>
    }
    %swap3A_1002 = arith.constant 0 : index
    %swap3A_1003 = arith.constant 5 : index
    %swap3A_1004 = arith.constant 128 : index
    %swap3A_1005 = vector.load %arg3[%swap3A_1002, %swap3A_1003, %swap3A_1004] : memref<1x8x1024xf32, #tpu.memory_space<vmem>>, vector<1x1x128xf32>
    %swap3A_1006 = vector.shape_cast %swap3A_1005 : vector<1x1x128xf32> to vector<128xf32>
    %swap3A_1007 = vector.shape_cast %while3A_1001#0 : vector<128xf32> to vector<1x1x128xf32>
    tpu.vector_store %arg3[%swap3A_1002, %swap3A_1003, %swap3A_1004], %swap3A_1007 {strides = array<i32>} : memref<1x8x1024xf32, #tpu.memory_space<vmem>>, vector<1x1x128xf32>,
    %reshape3A_1008 = vector.shape_cast %while3A_1001#0 : vector<128xf32> to vector<1x128xf32>
    %max3A_1009 = vector.broadcast %reshape3A_176 : vector<128x1xf32> to vector<128x128xf32>
    %max3A_1010 = vector.broadcast %reshape3A_517 : vector<1x128xf32> to vector<128x128xf32>
    %max3A_1011 = arith.maximumf %max3A_1009, %max3A_1010 : vector<128x128xf32>
    %max3A_1012 = vector.broadcast %reshape3A_188 : vector<128x1xf32> to vector<128x128xf32>
    %max3A_1013 = vector.broadcast %reshape3A_519 : vector<1x128xf32> to vector<128x128xf32>
    %max3A_1014 = arith.maximumf %max3A_1012, %max3A_1013 : vector<128x128xf32>
    %min3A_1015 = vector.broadcast %reshape3A_200 : vector<128x1xf32> to vector<128x128xf32>
    %min3A_1016 = vector.broadcast %reshape3A_521 : vector<1x128xf32> to vector<128x128xf32>
    %min3A_1017 = arith.minimumf %min3A_1015, %min3A_1016 : vector<128x128xf32>
    %min3A_1018 = vector.broadcast %reshape3A_212 : vector<128x1xf32> to vector<128x128xf32>
    %min3A_1019 = vector.broadcast %reshape3A_523 : vector<1x128xf32> to vector<128x128xf32>
    %min3A_1020 = arith.minimumf %min3A_1018, %min3A_1019 : vector<128x128xf32>
    %sub3A_1021 = arith.subf %min3A_1017, %max3A_1011 : vector<128x128xf32>
    %max3A_1022 = arith.constant 0.000000e+00 : f32
    %max3A_1023 = vector.broadcast %max3A_1022 : f32 to vector<128x128xf32>
    %max3A_1024 = arith.maximumf %sub3A_1021, %max3A_1023 : vector<128x128xf32>
    %sub3A_1025 = arith.subf %min3A_1020, %max3A_1014 : vector<128x128xf32>
    %max3A_1026 = arith.constant 0.000000e+00 : f32
    %max3A_1027 = vector.broadcast %max3A_1026 : f32 to vector<128x128xf32>
    %max3A_1028 = arith.maximumf %sub3A_1025, %max3A_1027 : vector<128x128xf32>
    %mul3A_1029 = arith.mulf %max3A_1024, %max3A_1028 : vector<128x128xf32>
    %add3A_1030 = vector.broadcast %mul3A_221 : vector<128x1xf32> to vector<128x128xf32>
    %add3A_1031 = vector.broadcast %reshape3A_525 : vector<1x128xf32> to vector<128x128xf32>
    %add3A_1032 = arith.addf %add3A_1030, %add3A_1031 : vector<128x128xf32>
    %sub3A_1033 = arith.subf %add3A_1032, %mul3A_1029 : vector<128x128xf32>
    %max3A_1034 = arith.constant 9.99999971E-10 : f32
    %max3A_1035 = vector.broadcast %max3A_1034 : f32 to vector<128x128xf32>
    %max3A_1036 = arith.maximumf %sub3A_1033, %max3A_1035 : vector<128x128xf32>
    %div3A_1037 = arith.divf %mul3A_1029, %max3A_1036 : vector<128x128xf32>
    %gt3A_1038 = arith.constant 3.000000e-01 : f32
    %gt3A_1039 = vector.broadcast %gt3A_1038 : f32 to vector<128x128xf32>
    %gt3A_1040 = arith.cmpf ogt, %div3A_1037, %gt3A_1039 : vector<128x128xf32>
    %convert_element_type3A_1041 = arith.extui %gt3A_1040 : vector<128x128xi1> to vector<128x128xi32>
    %convert_element_type3A_1042 = arith.sitofp %convert_element_type3A_1041 : vector<128x128xi32> to vector<128x128xf32>
    %mul3A_1043 = vector.broadcast %reshape3A_1008 : vector<1x128xf32> to vector<128x128xf32>
    %mul3A_1044 = arith.mulf %convert_element_type3A_1042, %mul3A_1043 : vector<128x128xf32>
    %reduce_sum3A_1045 = arith.constant dense<0.000000e+00> : vector<128xf32>
    %reduce_sum3A_1046 = vector.multi_reduction <add>, %mul3A_1044, %reduce_sum3A_1045 [1] : vector<128x128xf32> to vector<128xf32>
    %get3A_1047 = arith.constant 256 : index
    %get3A_1048 = vector.load %arg4[%get3A_1047] : memref<1024xf32, #tpu.memory_space<vmem>>, vector<128xf32>
    %add3A_1049 = arith.addf %get3A_1048, %reduce_sum3A_1046 : vector<128xf32>
    %swap3A_1050 = arith.constant 256 : index
    %swap3A_1051 = vector.load %arg4[%swap3A_1050] : memref<1024xf32, #tpu.memory_space<vmem>>, vector<128xf32>
    tpu.vector_store %arg4[%swap3A_1050], %add3A_1049 {strides = array<i32>} : memref<1024xf32, #tpu.memory_space<vmem>>, vector<128xf32>,
    %max3A_1052 = vector.broadcast %reshape3A_233 : vector<128x1xf32> to vector<128x128xf32>
    %max3A_1053 = vector.broadcast %reshape3A_517 : vector<1x128xf32> to vector<128x128xf32>
    %max3A_1054 = arith.maximumf %max3A_1052, %max3A_1053 : vector<128x128xf32>
    %max3A_1055 = vector.broadcast %reshape3A_245 : vector<128x1xf32> to vector<128x128xf32>
    %max3A_1056 = vector.broadcast %reshape3A_519 : vector<1x128xf32> to vector<128x128xf32>
    %max3A_1057 = arith.maximumf %max3A_1055, %max3A_1056 : vector<128x128xf32>
    %min3A_1058 = vector.broadcast %reshape3A_257 : vector<128x1xf32> to vector<128x128xf32>
    %min3A_1059 = vector.broadcast %reshape3A_521 : vector<1x128xf32> to vector<128x128xf32>
    %min3A_1060 = arith.minimumf %min3A_1058, %min3A_1059 : vector<128x128xf32>
    %min3A_1061 = vector.broadcast %reshape3A_269 : vector<128x1xf32> to vector<128x128xf32>
    %min3A_1062 = vector.broadcast %reshape3A_523 : vector<1x128xf32> to vector<128x128xf32>
    %min3A_1063 = arith.minimumf %min3A_1061, %min3A_1062 : vector<128x128xf32>
    %sub3A_1064 = arith.subf %min3A_1060, %max3A_1054 : vector<128x128xf32>
    %max3A_1065 = arith.constant 0.000000e+00 : f32
    %max3A_1066 = vector.broadcast %max3A_1065 : f32 to vector<128x128xf32>
    %max3A_1067 = arith.maximumf %sub3A_1064, %max3A_1066 : vector<128x128xf32>
    %sub3A_1068 = arith.subf %min3A_1063, %max3A_1057 : vector<128x128xf32>
    %max3A_1069 = arith.constant 0.000000e+00 : f32
    %max3A_1070 = vector.broadcast %max3A_1069 : f32 to vector<128x128xf32>
    %max3A_1071 = arith.maximumf %sub3A_1068, %max3A_1070 : vector<128x128xf32>
    %mul3A_1072 = arith.mulf %max3A_1067, %max3A_1071 : vector<128x128xf32>
    %add3A_1073 = vector.broadcast %mul3A_278 : vector<128x1xf32> to vector<128x128xf32>
    %add3A_1074 = vector.broadcast %reshape3A_525 : vector<1x128xf32> to vector<128x128xf32>
    %add3A_1075 = arith.addf %add3A_1073, %add3A_1074 : vector<128x128xf32>
    %sub3A_1076 = arith.subf %add3A_1075, %mul3A_1072 : vector<128x128xf32>
    %max3A_1077 = arith.constant 9.99999971E-10 : f32
    %max3A_1078 = vector.broadcast %max3A_1077 : f32 to vector<128x128xf32>
    %max3A_1079 = arith.maximumf %sub3A_1076, %max3A_1078 : vector<128x128xf32>
    %div3A_1080 = arith.divf %mul3A_1072, %max3A_1079 : vector<128x128xf32>
    %gt3A_1081 = arith.constant 3.000000e-01 : f32
    %gt3A_1082 = vector.broadcast %gt3A_1081 : f32 to vector<128x128xf32>
    %gt3A_1083 = arith.cmpf ogt, %div3A_1080, %gt3A_1082 : vector<128x128xf32>
    %convert_element_type3A_1084 = arith.extui %gt3A_1083 : vector<128x128xi1> to vector<128x128xi32>
    %convert_element_type3A_1085 = arith.sitofp %convert_element_type3A_1084 : vector<128x128xi32> to vector<128x128xf32>
    %mul3A_1086 = vector.broadcast %reshape3A_1008 : vector<1x128xf32> to vector<128x128xf32>
    %mul3A_1087 = arith.mulf %convert_element_type3A_1085, %mul3A_1086 : vector<128x128xf32>
    %reduce_sum3A_1088 = arith.constant dense<0.000000e+00> : vector<128xf32>
    %reduce_sum3A_1089 = vector.multi_reduction <add>, %mul3A_1087, %reduce_sum3A_1088 [1] : vector<128x128xf32> to vector<128xf32>
    %get3A_1090 = arith.constant 384 : index
    %get3A_1091 = vector.load %arg4[%get3A_1090] : memref<1024xf32, #tpu.memory_space<vmem>>, vector<128xf32>
    %add3A_1092 = arith.addf %get3A_1091, %reduce_sum3A_1089 : vector<128xf32>
    %swap3A_1093 = arith.constant 384 : index
    %swap3A_1094 = vector.load %arg4[%swap3A_1093] : memref<1024xf32, #tpu.memory_space<vmem>>, vector<128xf32>
    tpu.vector_store %arg4[%swap3A_1093], %add3A_1092 {strides = array<i32>} : memref<1024xf32, #tpu.memory_space<vmem>>, vector<128xf32>,
    %max3A_1095 = vector.broadcast %reshape3A_290 : vector<128x1xf32> to vector<128x128xf32>
    %max3A_1096 = vector.broadcast %reshape3A_517 : vector<1x128xf32> to vector<128x128xf32>
    %max3A_1097 = arith.maximumf %max3A_1095, %max3A_1096 : vector<128x128xf32>
    %max3A_1098 = vector.broadcast %reshape3A_302 : vector<128x1xf32> to vector<128x128xf32>
    %max3A_1099 = vector.broadcast %reshape3A_519 : vector<1x128xf32> to vector<128x128xf32>
    %max3A_1100 = arith.maximumf %max3A_1098, %max3A_1099 : vector<128x128xf32>
    %min3A_1101 = vector.broadcast %reshape3A_314 : vector<128x1xf32> to vector<128x128xf32>
    %min3A_1102 = vector.broadcast %reshape3A_521 : vector<1x128xf32> to vector<128x128xf32>
    %min3A_1103 = arith.minimumf %min3A_1101, %min3A_1102 : vector<128x128xf32>
    %min3A_1104 = vector.broadcast %reshape3A_326 : vector<128x1xf32> to vector<128x128xf32>
    %min3A_1105 = vector.broadcast %reshape3A_523 : vector<1x128xf32> to vector<128x128xf32>
    %min3A_1106 = arith.minimumf %min3A_1104, %min3A_1105 : vector<128x128xf32>
    %sub3A_1107 = arith.subf %min3A_1103, %max3A_1097 : vector<128x128xf32>
    %max3A_1108 = arith.constant 0.000000e+00 : f32
    %max3A_1109 = vector.broadcast %max3A_1108 : f32 to vector<128x128xf32>
    %max3A_1110 = arith.maximumf %sub3A_1107, %max3A_1109 : vector<128x128xf32>
    %sub3A_1111 = arith.subf %min3A_1106, %max3A_1100 : vector<128x128xf32>
    %max3A_1112 = arith.constant 0.000000e+00 : f32
    %max3A_1113 = vector.broadcast %max3A_1112 : f32 to vector<128x128xf32>
    %max3A_1114 = arith.maximumf %sub3A_1111, %max3A_1113 : vector<128x128xf32>
    %mul3A_1115 = arith.mulf %max3A_1110, %max3A_1114 : vector<128x128xf32>
    %add3A_1116 = vector.broadcast %mul3A_335 : vector<128x1xf32> to vector<128x128xf32>
    %add3A_1117 = vector.broadcast %reshape3A_525 : vector<1x128xf32> to vector<128x128xf32>
    %add3A_1118 = arith.addf %add3A_1116, %add3A_1117 : vector<128x128xf32>
    %sub3A_1119 = arith.subf %add3A_1118, %mul3A_1115 : vector<128x128xf32>
    %max3A_1120 = arith.constant 9.99999971E-10 : f32
    %max3A_1121 = vector.broadcast %max3A_1120 : f32 to vector<128x128xf32>
    %max3A_1122 = arith.maximumf %sub3A_1119, %max3A_1121 : vector<128x128xf32>
    %div3A_1123 = arith.divf %mul3A_1115, %max3A_1122 : vector<128x128xf32>
    %gt3A_1124 = arith.constant 3.000000e-01 : f32
    %gt3A_1125 = vector.broadcast %gt3A_1124 : f32 to vector<128x128xf32>
    %gt3A_1126 = arith.cmpf ogt, %div3A_1123, %gt3A_1125 : vector<128x128xf32>
    %convert_element_type3A_1127 = arith.extui %gt3A_1126 : vector<128x128xi1> to vector<128x128xi32>
    %convert_element_type3A_1128 = arith.sitofp %convert_element_type3A_1127 : vector<128x128xi32> to vector<128x128xf32>
    %mul3A_1129 = vector.broadcast %reshape3A_1008 : vector<1x128xf32> to vector<128x128xf32>
    %mul3A_1130 = arith.mulf %convert_element_type3A_1128, %mul3A_1129 : vector<128x128xf32>
    %reduce_sum3A_1131 = arith.constant dense<0.000000e+00> : vector<128xf32>
    %reduce_sum3A_1132 = vector.multi_reduction <add>, %mul3A_1130, %reduce_sum3A_1131 [1] : vector<128x128xf32> to vector<128xf32>
    %get3A_1133 = arith.constant 512 : index
    %get3A_1134 = vector.load %arg4[%get3A_1133] : memref<1024xf32, #tpu.memory_space<vmem>>, vector<128xf32>
    %add3A_1135 = arith.addf %get3A_1134, %reduce_sum3A_1132 : vector<128xf32>
    %swap3A_1136 = arith.constant 512 : index
    %swap3A_1137 = vector.load %arg4[%swap3A_1136] : memref<1024xf32, #tpu.memory_space<vmem>>, vector<128xf32>
    tpu.vector_store %arg4[%swap3A_1136], %add3A_1135 {strides = array<i32>} : memref<1024xf32, #tpu.memory_space<vmem>>, vector<128xf32>,
    %max3A_1138 = vector.broadcast %reshape3A_347 : vector<128x1xf32> to vector<128x128xf32>
    %max3A_1139 = vector.broadcast %reshape3A_517 : vector<1x128xf32> to vector<128x128xf32>
    %max3A_1140 = arith.maximumf %max3A_1138, %max3A_1139 : vector<128x128xf32>
    %max3A_1141 = vector.broadcast %reshape3A_359 : vector<128x1xf32> to vector<128x128xf32>
    %max3A_1142 = vector.broadcast %reshape3A_519 : vector<1x128xf32> to vector<128x128xf32>
    %max3A_1143 = arith.maximumf %max3A_1141, %max3A_1142 : vector<128x128xf32>
    %min3A_1144 = vector.broadcast %reshape3A_371 : vector<128x1xf32> to vector<128x128xf32>
    %min3A_1145 = vector.broadcast %reshape3A_521 : vector<1x128xf32> to vector<128x128xf32>
    %min3A_1146 = arith.minimumf %min3A_1144, %min3A_1145 : vector<128x128xf32>
    %min3A_1147 = vector.broadcast %reshape3A_383 : vector<128x1xf32> to vector<128x128xf32>
    %min3A_1148 = vector.broadcast %reshape3A_523 : vector<1x128xf32> to vector<128x128xf32>
    %min3A_1149 = arith.minimumf %min3A_1147, %min3A_1148 : vector<128x128xf32>
    %sub3A_1150 = arith.subf %min3A_1146, %max3A_1140 : vector<128x128xf32>
    %max3A_1151 = arith.constant 0.000000e+00 : f32
    %max3A_1152 = vector.broadcast %max3A_1151 : f32 to vector<128x128xf32>
    %max3A_1153 = arith.maximumf %sub3A_1150, %max3A_1152 : vector<128x128xf32>
    %sub3A_1154 = arith.subf %min3A_1149, %max3A_1143 : vector<128x128xf32>
    %max3A_1155 = arith.constant 0.000000e+00 : f32
    %max3A_1156 = vector.broadcast %max3A_1155 : f32 to vector<128x128xf32>
    %max3A_1157 = arith.maximumf %sub3A_1154, %max3A_1156 : vector<128x128xf32>
    %mul3A_1158 = arith.mulf %max3A_1153, %max3A_1157 : vector<128x128xf32>
    %add3A_1159 = vector.broadcast %mul3A_392 : vector<128x1xf32> to vector<128x128xf32>
    %add3A_1160 = vector.broadcast %reshape3A_525 : vector<1x128xf32> to vector<128x128xf32>
    %add3A_1161 = arith.addf %add3A_1159, %add3A_1160 : vector<128x128xf32>
    %sub3A_1162 = arith.subf %add3A_1161, %mul3A_1158 : vector<128x128xf32>
    %max3A_1163 = arith.constant 9.99999971E-10 : f32
    %max3A_1164 = vector.broadcast %max3A_1163 : f32 to vector<128x128xf32>
    %max3A_1165 = arith.maximumf %sub3A_1162, %max3A_1164 : vector<128x128xf32>
    %div3A_1166 = arith.divf %mul3A_1158, %max3A_1165 : vector<128x128xf32>
    %gt3A_1167 = arith.constant 3.000000e-01 : f32
    %gt3A_1168 = vector.broadcast %gt3A_1167 : f32 to vector<128x128xf32>
    %gt3A_1169 = arith.cmpf ogt, %div3A_1166, %gt3A_1168 : vector<128x128xf32>
    %convert_element_type3A_1170 = arith.extui %gt3A_1169 : vector<128x128xi1> to vector<128x128xi32>
    %convert_element_type3A_1171 = arith.sitofp %convert_element_type3A_1170 : vector<128x128xi32> to vector<128x128xf32>
    %mul3A_1172 = vector.broadcast %reshape3A_1008 : vector<1x128xf32> to vector<128x128xf32>
    %mul3A_1173 = arith.mulf %convert_element_type3A_1171, %mul3A_1172 : vector<128x128xf32>
    %reduce_sum3A_1174 = arith.constant dense<0.000000e+00> : vector<128xf32>
    %reduce_sum3A_1175 = vector.multi_reduction <add>, %mul3A_1173, %reduce_sum3A_1174 [1] : vector<128x128xf32> to vector<128xf32>
    %get3A_1176 = arith.constant 640 : index
    %get3A_1177 = vector.load %arg4[%get3A_1176] : memref<1024xf32, #tpu.memory_space<vmem>>, vector<128xf32>
    %add3A_1178 = arith.addf %get3A_1177, %reduce_sum3A_1175 : vector<128xf32>
    %swap3A_1179 = arith.constant 640 : index
    %swap3A_1180 = vector.load %arg4[%swap3A_1179] : memref<1024xf32, #tpu.memory_space<vmem>>, vector<128xf32>
    tpu.vector_store %arg4[%swap3A_1179], %add3A_1178 {strides = array<i32>} : memref<1024xf32, #tpu.memory_space<vmem>>, vector<128xf32>,
    %max3A_1181 = vector.broadcast %reshape3A_404 : vector<128x1xf32> to vector<128x128xf32>
    %max3A_1182 = vector.broadcast %reshape3A_517 : vector<1x128xf32> to vector<128x128xf32>
    %max3A_1183 = arith.maximumf %max3A_1181, %max3A_1182 : vector<128x128xf32>
    %max3A_1184 = vector.broadcast %reshape3A_416 : vector<128x1xf32> to vector<128x128xf32>
    %max3A_1185 = vector.broadcast %reshape3A_519 : vector<1x128xf32> to vector<128x128xf32>
    %max3A_1186 = arith.maximumf %max3A_1184, %max3A_1185 : vector<128x128xf32>
    %min3A_1187 = vector.broadcast %reshape3A_428 : vector<128x1xf32> to vector<128x128xf32>
    %min3A_1188 = vector.broadcast %reshape3A_521 : vector<1x128xf32> to vector<128x128xf32>
    %min3A_1189 = arith.minimumf %min3A_1187, %min3A_1188 : vector<128x128xf32>
    %min3A_1190 = vector.broadcast %reshape3A_440 : vector<128x1xf32> to vector<128x128xf32>
    %min3A_1191 = vector.broadcast %reshape3A_523 : vector<1x128xf32> to vector<128x128xf32>
    %min3A_1192 = arith.minimumf %min3A_1190, %min3A_1191 : vector<128x128xf32>
    %sub3A_1193 = arith.subf %min3A_1189, %max3A_1183 : vector<128x128xf32>
    %max3A_1194 = arith.constant 0.000000e+00 : f32
    %max3A_1195 = vector.broadcast %max3A_1194 : f32 to vector<128x128xf32>
    %max3A_1196 = arith.maximumf %sub3A_1193, %max3A_1195 : vector<128x128xf32>
    %sub3A_1197 = arith.subf %min3A_1192, %max3A_1186 : vector<128x128xf32>
    %max3A_1198 = arith.constant 0.000000e+00 : f32
    %max3A_1199 = vector.broadcast %max3A_1198 : f32 to vector<128x128xf32>
    %max3A_1200 = arith.maximumf %sub3A_1197, %max3A_1199 : vector<128x128xf32>
    %mul3A_1201 = arith.mulf %max3A_1196, %max3A_1200 : vector<128x128xf32>
    %add3A_1202 = vector.broadcast %mul3A_449 : vector<128x1xf32> to vector<128x128xf32>
    %add3A_1203 = vector.broadcast %reshape3A_525 : vector<1x128xf32> to vector<128x128xf32>
    %add3A_1204 = arith.addf %add3A_1202, %add3A_1203 : vector<128x128xf32>
    %sub3A_1205 = arith.subf %add3A_1204, %mul3A_1201 : vector<128x128xf32>
    %max3A_1206 = arith.constant 9.99999971E-10 : f32
    %max3A_1207 = vector.broadcast %max3A_1206 : f32 to vector<128x128xf32>
    %max3A_1208 = arith.maximumf %sub3A_1205, %max3A_1207 : vector<128x128xf32>
    %div3A_1209 = arith.divf %mul3A_1201, %max3A_1208 : vector<128x128xf32>
    %gt3A_1210 = arith.constant 3.000000e-01 : f32
    %gt3A_1211 = vector.broadcast %gt3A_1210 : f32 to vector<128x128xf32>
    %gt3A_1212 = arith.cmpf ogt, %div3A_1209, %gt3A_1211 : vector<128x128xf32>
    %convert_element_type3A_1213 = arith.extui %gt3A_1212 : vector<128x128xi1> to vector<128x128xi32>
    %convert_element_type3A_1214 = arith.sitofp %convert_element_type3A_1213 : vector<128x128xi32> to vector<128x128xf32>
    %mul3A_1215 = vector.broadcast %reshape3A_1008 : vector<1x128xf32> to vector<128x128xf32>
    %mul3A_1216 = arith.mulf %convert_element_type3A_1214, %mul3A_1215 : vector<128x128xf32>
    %reduce_sum3A_1217 = arith.constant dense<0.000000e+00> : vector<128xf32>
    %reduce_sum3A_1218 = vector.multi_reduction <add>, %mul3A_1216, %reduce_sum3A_1217 [1] : vector<128x128xf32> to vector<128xf32>
    %get3A_1219 = arith.constant 768 : index
    %get3A_1220 = vector.load %arg4[%get3A_1219] : memref<1024xf32, #tpu.memory_space<vmem>>, vector<128xf32>
    %add3A_1221 = arith.addf %get3A_1220, %reduce_sum3A_1218 : vector<128xf32>
    %swap3A_1222 = arith.constant 768 : index
    %swap3A_1223 = vector.load %arg4[%swap3A_1222] : memref<1024xf32, #tpu.memory_space<vmem>>, vector<128xf32>
    tpu.vector_store %arg4[%swap3A_1222], %add3A_1221 {strides = array<i32>} : memref<1024xf32, #tpu.memory_space<vmem>>, vector<128xf32>,
    %max3A_1224 = vector.broadcast %reshape3A_461 : vector<128x1xf32> to vector<128x128xf32>
    %max3A_1225 = vector.broadcast %reshape3A_517 : vector<1x128xf32> to vector<128x128xf32>
    %max3A_1226 = arith.maximumf %max3A_1224, %max3A_1225 : vector<128x128xf32>
    %max3A_1227 = vector.broadcast %reshape3A_473 : vector<128x1xf32> to vector<128x128xf32>
    %max3A_1228 = vector.broadcast %reshape3A_519 : vector<1x128xf32> to vector<128x128xf32>
    %max3A_1229 = arith.maximumf %max3A_1227, %max3A_1228 : vector<128x128xf32>
    %min3A_1230 = vector.broadcast %reshape3A_485 : vector<128x1xf32> to vector<128x128xf32>
    %min3A_1231 = vector.broadcast %reshape3A_521 : vector<1x128xf32> to vector<128x128xf32>
    %min3A_1232 = arith.minimumf %min3A_1230, %min3A_1231 : vector<128x128xf32>
    %min3A_1233 = vector.broadcast %reshape3A_497 : vector<128x1xf32> to vector<128x128xf32>
    %min3A_1234 = vector.broadcast %reshape3A_523 : vector<1x128xf32> to vector<128x128xf32>
    %min3A_1235 = arith.minimumf %min3A_1233, %min3A_1234 : vector<128x128xf32>
    %sub3A_1236 = arith.subf %min3A_1232, %max3A_1226 : vector<128x128xf32>
    %max3A_1237 = arith.constant 0.000000e+00 : f32
    %max3A_1238 = vector.broadcast %max3A_1237 : f32 to vector<128x128xf32>
    %max3A_1239 = arith.maximumf %sub3A_1236, %max3A_1238 : vector<128x128xf32>
    %sub3A_1240 = arith.subf %min3A_1235, %max3A_1229 : vector<128x128xf32>
    %max3A_1241 = arith.constant 0.000000e+00 : f32
    %max3A_1242 = vector.broadcast %max3A_1241 : f32 to vector<128x128xf32>
    %max3A_1243 = arith.maximumf %sub3A_1240, %max3A_1242 : vector<128x128xf32>
    %mul3A_1244 = arith.mulf %max3A_1239, %max3A_1243 : vector<128x128xf32>
    %add3A_1245 = vector.broadcast %mul3A_506 : vector<128x1xf32> to vector<128x128xf32>
    %add3A_1246 = vector.broadcast %reshape3A_525 : vector<1x128xf32> to vector<128x128xf32>
    %add3A_1247 = arith.addf %add3A_1245, %add3A_1246 : vector<128x128xf32>
    %sub3A_1248 = arith.subf %add3A_1247, %mul3A_1244 : vector<128x128xf32>
    %max3A_1249 = arith.constant 9.99999971E-10 : f32
    %max3A_1250 = vector.broadcast %max3A_1249 : f32 to vector<128x128xf32>
    %max3A_1251 = arith.maximumf %sub3A_1248, %max3A_1250 : vector<128x128xf32>
    %div3A_1252 = arith.divf %mul3A_1244, %max3A_1251 : vector<128x128xf32>
    %gt3A_1253 = arith.constant 3.000000e-01 : f32
    %gt3A_1254 = vector.broadcast %gt3A_1253 : f32 to vector<128x128xf32>
    %gt3A_1255 = arith.cmpf ogt, %div3A_1252, %gt3A_1254 : vector<128x128xf32>
    %convert_element_type3A_1256 = arith.extui %gt3A_1255 : vector<128x128xi1> to vector<128x128xi32>
    %convert_element_type3A_1257 = arith.sitofp %convert_element_type3A_1256 : vector<128x128xi32> to vector<128x128xf32>
    %mul3A_1258 = vector.broadcast %reshape3A_1008 : vector<1x128xf32> to vector<128x128xf32>
    %mul3A_1259 = arith.mulf %convert_element_type3A_1257, %mul3A_1258 : vector<128x128xf32>
    %reduce_sum3A_1260 = arith.constant dense<0.000000e+00> : vector<128xf32>
    %reduce_sum3A_1261 = vector.multi_reduction <add>, %mul3A_1259, %reduce_sum3A_1260 [1] : vector<128x128xf32> to vector<128xf32>
    %get3A_1262 = arith.constant 896 : index
    %get3A_1263 = vector.load %arg4[%get3A_1262] : memref<1024xf32, #tpu.memory_space<vmem>>, vector<128xf32>
    %add3A_1264 = arith.addf %get3A_1263, %reduce_sum3A_1261 : vector<128xf32>
    %swap3A_1265 = arith.constant 896 : index
    %swap3A_1266 = vector.load %arg4[%swap3A_1265] : memref<1024xf32, #tpu.memory_space<vmem>>, vector<128xf32>
    tpu.vector_store %arg4[%swap3A_1265], %add3A_1264 {strides = array<i32>} : memref<1024xf32, #tpu.memory_space<vmem>>, vector<128xf32>,
    %get3A_1267 = arith.constant 256 : index
    %get3A_1268 = vector.load %arg4[%get3A_1267] : memref<1024xf32, #tpu.memory_space<vmem>>, vector<128xf32>
    %max3A_1269 = vector.broadcast %reshape3A_176 : vector<128x1xf32> to vector<128x128xf32>
    %max3A_1270 = vector.broadcast %reshape3A_527 : vector<1x128xf32> to vector<128x128xf32>
    %max3A_1271 = arith.maximumf %max3A_1269, %max3A_1270 : vector<128x128xf32>
    %max3A_1272 = vector.broadcast %reshape3A_188 : vector<128x1xf32> to vector<128x128xf32>
    %max3A_1273 = vector.broadcast %reshape3A_529 : vector<1x128xf32> to vector<128x128xf32>
    %max3A_1274 = arith.maximumf %max3A_1272, %max3A_1273 : vector<128x128xf32>
    %min3A_1275 = vector.broadcast %reshape3A_200 : vector<128x1xf32> to vector<128x128xf32>
    %min3A_1276 = vector.broadcast %reshape3A_531 : vector<1x128xf32> to vector<128x128xf32>
    %min3A_1277 = arith.minimumf %min3A_1275, %min3A_1276 : vector<128x128xf32>
    %min3A_1278 = vector.broadcast %reshape3A_212 : vector<128x1xf32> to vector<128x128xf32>
    %min3A_1279 = vector.broadcast %reshape3A_533 : vector<1x128xf32> to vector<128x128xf32>
    %min3A_1280 = arith.minimumf %min3A_1278, %min3A_1279 : vector<128x128xf32>
    %sub3A_1281 = arith.subf %min3A_1277, %max3A_1271 : vector<128x128xf32>
    %max3A_1282 = arith.constant 0.000000e+00 : f32
    %max3A_1283 = vector.broadcast %max3A_1282 : f32 to vector<128x128xf32>
    %max3A_1284 = arith.maximumf %sub3A_1281, %max3A_1283 : vector<128x128xf32>
    %sub3A_1285 = arith.subf %min3A_1280, %max3A_1274 : vector<128x128xf32>
    %max3A_1286 = arith.constant 0.000000e+00 : f32
    %max3A_1287 = vector.broadcast %max3A_1286 : f32 to vector<128x128xf32>
    %max3A_1288 = arith.maximumf %sub3A_1285, %max3A_1287 : vector<128x128xf32>
    %mul3A_1289 = arith.mulf %max3A_1284, %max3A_1288 : vector<128x128xf32>
    %add3A_1290 = vector.broadcast %mul3A_221 : vector<128x1xf32> to vector<128x128xf32>
    %add3A_1291 = vector.broadcast %reshape3A_535 : vector<1x128xf32> to vector<128x128xf32>
    %add3A_1292 = arith.addf %add3A_1290, %add3A_1291 : vector<128x128xf32>
    %sub3A_1293 = arith.subf %add3A_1292, %mul3A_1289 : vector<128x128xf32>
    %max3A_1294 = arith.constant 9.99999971E-10 : f32
    %max3A_1295 = vector.broadcast %max3A_1294 : f32 to vector<128x128xf32>
    %max3A_1296 = arith.maximumf %sub3A_1293, %max3A_1295 : vector<128x128xf32>
    %div3A_1297 = arith.divf %mul3A_1289, %max3A_1296 : vector<128x128xf32>
    %gt3A_1298 = arith.constant 3.000000e-01 : f32
    %gt3A_1299 = vector.broadcast %gt3A_1298 : f32 to vector<128x128xf32>
    %gt3A_1300 = arith.cmpf ogt, %div3A_1297, %gt3A_1299 : vector<128x128xf32>
    %iota3A_1301 = tpu.iota {dimensions = array<i32: 0>} : vector<128x128xi32>
    %iota3A_1302 = tpu.iota {dimensions = array<i32: 1>} : vector<128x128xi32>
    %lt3A_1303 = arith.cmpi slt, %iota3A_1302, %iota3A_1301 : vector<128x128xi32>
    %and3A_1304 = arith.andi %gt3A_1300, %lt3A_1303 : vector<128x128xi1>
    %convert_element_type3A_1305 = arith.extui %and3A_1304 : vector<128x128xi1> to vector<128x128xi32>
    %convert_element_type3A_1306 = arith.sitofp %convert_element_type3A_1305 : vector<128x128xi32> to vector<128x128xf32>
    %reshape3A_1307 = vector.shape_cast %convert_element_type3A_591 : vector<1024xf32> to vector<8x128xf32>
    %slice3A_1308 = vector.extract_strided_slice %reshape3A_1307 {offsets = [2, 0], sizes = [1, 128], strides = [1, 1]} : vector<8x128xf32> to vector<1x128xf32>
    %squeeze3A_1309 = vector.shape_cast %slice3A_1308 : vector<1x128xf32> to vector<128xf32>
    %eq3A_1310 = arith.constant 0.000000e+00 : f32
    %eq3A_1311 = vector.broadcast %eq3A_1310 : f32 to vector<128xf32>
    %eq3A_1312 = arith.cmpf oeq, %get3A_1268, %eq3A_1311 : vector<128xf32>
    %convert_element_type3A_1313 = arith.extui %eq3A_1312 : vector<128xi1> to vector<128xi32>
    %convert_element_type3A_1314 = arith.sitofp %convert_element_type3A_1313 : vector<128xi32> to vector<128xf32>
    %mul3A_1315 = arith.mulf %squeeze3A_1309, %convert_element_type3A_1314 : vector<128xf32>
    %sub3A_1316 = arith.constant 1.000000e+00 : f32
    %sub3A_1317 = vector.broadcast %sub3A_1316 : f32 to vector<128xf32>
    %sub3A_1318 = arith.subf %mul3A_1315, %sub3A_1317 : vector<128xf32>
    %while3A_1319:2 = scf.while (%while3A_2325 = %mul3A_1315, %while3A_2326 = %sub3A_1318) : (vector<128xf32>, vector<128xf32>) -> (vector<128xf32>, vector<128xf32>) {
      %sub3A_2327 = arith.subf %while3A_2325, %while3A_2326 : vector<128xf32>
      %abs3A = math.absf %sub3A_2327 : vector<128xf32>
      %reduce_sum3A_2328 = vector.shape_cast %abs3A : vector<128xf32> to vector<1x128xf32>
      %reduce_sum3A_2329 = arith.constant dense<0.000000e+00> : vector<1xf32>
      %reduce_sum3A_2330 = vector.multi_reduction <add>, %reduce_sum3A_2328, %reduce_sum3A_2329 [1] : vector<1x128xf32> to vector<1xf32>
      %reduce_sum3A_2331 = vector.shape_cast %reduce_sum3A_2330 : vector<1xf32> to vector<1x1xf32>
      %reduce_sum3A_2332 = vector.extract %reduce_sum3A_2331[0, 0] : f32 from vector<1x1xf32>
      %gt3A_2333 = arith.constant 0.000000e+00 : f32
      %gt3A_2334 = arith.cmpf ogt, %reduce_sum3A_2332, %gt3A_2333 : f32
      scf.condition(%gt3A_2334) %while3A_2325, %while3A_2326 : vector<128xf32>, vector<128xf32>
    } do {
    ^bb0(%while3A_2325: vector<128xf32>, %while3A_2326: vector<128xf32>):
      %reshape3A_2327 = vector.shape_cast %while3A_2325 : vector<128xf32> to vector<1x128xf32>
      %mul3A_2328 = vector.broadcast %reshape3A_2327 : vector<1x128xf32> to vector<128x128xf32>
      %mul3A_2329 = arith.mulf %convert_element_type3A_1306, %mul3A_2328 : vector<128x128xf32>
      %reduce_sum3A_2330 = arith.constant dense<0.000000e+00> : vector<128xf32>
      %reduce_sum3A_2331 = vector.multi_reduction <add>, %mul3A_2329, %reduce_sum3A_2330 [1] : vector<128x128xf32> to vector<128xf32>
      %eq3A_2332 = arith.constant 0.000000e+00 : f32
      %eq3A_2333 = vector.broadcast %eq3A_2332 : f32 to vector<128xf32>
      %eq3A_2334 = arith.cmpf oeq, %reduce_sum3A_2331, %eq3A_2333 : vector<128xf32>
      %convert_element_type3A_2335 = arith.extui %eq3A_2334 : vector<128xi1> to vector<128xi32>
      %convert_element_type3A_2336 = arith.sitofp %convert_element_type3A_2335 : vector<128xi32> to vector<128xf32>
      %mul3A_2337 = arith.mulf %mul3A_1315, %convert_element_type3A_2336 : vector<128xf32>
      scf.yield %mul3A_2337, %while3A_2325 : vector<128xf32>, vector<128xf32>
    }
    %swap3A_1320 = arith.constant 0 : index
    %swap3A_1321 = arith.constant 5 : index
    %swap3A_1322 = arith.constant 256 : index
    %swap3A_1323 = vector.load %arg3[%swap3A_1320, %swap3A_1321, %swap3A_1322] : memref<1x8x1024xf32, #tpu.memory_space<vmem>>, vector<1x1x128xf32>
    %swap3A_1324 = vector.shape_cast %swap3A_1323 : vector<1x1x128xf32> to vector<128xf32>
    %swap3A_1325 = vector.shape_cast %while3A_1319#0 : vector<128xf32> to vector<1x1x128xf32>
    tpu.vector_store %arg3[%swap3A_1320, %swap3A_1321, %swap3A_1322], %swap3A_1325 {strides = array<i32>} : memref<1x8x1024xf32, #tpu.memory_space<vmem>>, vector<1x1x128xf32>,
    %reshape3A_1326 = vector.shape_cast %while3A_1319#0 : vector<128xf32> to vector<1x128xf32>
    %max3A_1327 = vector.broadcast %reshape3A_233 : vector<128x1xf32> to vector<128x128xf32>
    %max3A_1328 = vector.broadcast %reshape3A_527 : vector<1x128xf32> to vector<128x128xf32>
    %max3A_1329 = arith.maximumf %max3A_1327, %max3A_1328 : vector<128x128xf32>
    %max3A_1330 = vector.broadcast %reshape3A_245 : vector<128x1xf32> to vector<128x128xf32>
    %max3A_1331 = vector.broadcast %reshape3A_529 : vector<1x128xf32> to vector<128x128xf32>
    %max3A_1332 = arith.maximumf %max3A_1330, %max3A_1331 : vector<128x128xf32>
    %min3A_1333 = vector.broadcast %reshape3A_257 : vector<128x1xf32> to vector<128x128xf32>
    %min3A_1334 = vector.broadcast %reshape3A_531 : vector<1x128xf32> to vector<128x128xf32>
    %min3A_1335 = arith.minimumf %min3A_1333, %min3A_1334 : vector<128x128xf32>
    %min3A_1336 = vector.broadcast %reshape3A_269 : vector<128x1xf32> to vector<128x128xf32>
    %min3A_1337 = vector.broadcast %reshape3A_533 : vector<1x128xf32> to vector<128x128xf32>
    %min3A_1338 = arith.minimumf %min3A_1336, %min3A_1337 : vector<128x128xf32>
    %sub3A_1339 = arith.subf %min3A_1335, %max3A_1329 : vector<128x128xf32>
    %max3A_1340 = arith.constant 0.000000e+00 : f32
    %max3A_1341 = vector.broadcast %max3A_1340 : f32 to vector<128x128xf32>
    %max3A_1342 = arith.maximumf %sub3A_1339, %max3A_1341 : vector<128x128xf32>
    %sub3A_1343 = arith.subf %min3A_1338, %max3A_1332 : vector<128x128xf32>
    %max3A_1344 = arith.constant 0.000000e+00 : f32
    %max3A_1345 = vector.broadcast %max3A_1344 : f32 to vector<128x128xf32>
    %max3A_1346 = arith.maximumf %sub3A_1343, %max3A_1345 : vector<128x128xf32>
    %mul3A_1347 = arith.mulf %max3A_1342, %max3A_1346 : vector<128x128xf32>
    %add3A_1348 = vector.broadcast %mul3A_278 : vector<128x1xf32> to vector<128x128xf32>
    %add3A_1349 = vector.broadcast %reshape3A_535 : vector<1x128xf32> to vector<128x128xf32>
    %add3A_1350 = arith.addf %add3A_1348, %add3A_1349 : vector<128x128xf32>
    %sub3A_1351 = arith.subf %add3A_1350, %mul3A_1347 : vector<128x128xf32>
    %max3A_1352 = arith.constant 9.99999971E-10 : f32
    %max3A_1353 = vector.broadcast %max3A_1352 : f32 to vector<128x128xf32>
    %max3A_1354 = arith.maximumf %sub3A_1351, %max3A_1353 : vector<128x128xf32>
    %div3A_1355 = arith.divf %mul3A_1347, %max3A_1354 : vector<128x128xf32>
    %gt3A_1356 = arith.constant 3.000000e-01 : f32
    %gt3A_1357 = vector.broadcast %gt3A_1356 : f32 to vector<128x128xf32>
    %gt3A_1358 = arith.cmpf ogt, %div3A_1355, %gt3A_1357 : vector<128x128xf32>
    %convert_element_type3A_1359 = arith.extui %gt3A_1358 : vector<128x128xi1> to vector<128x128xi32>
    %convert_element_type3A_1360 = arith.sitofp %convert_element_type3A_1359 : vector<128x128xi32> to vector<128x128xf32>
    %mul3A_1361 = vector.broadcast %reshape3A_1326 : vector<1x128xf32> to vector<128x128xf32>
    %mul3A_1362 = arith.mulf %convert_element_type3A_1360, %mul3A_1361 : vector<128x128xf32>
    %reduce_sum3A_1363 = arith.constant dense<0.000000e+00> : vector<128xf32>
    %reduce_sum3A_1364 = vector.multi_reduction <add>, %mul3A_1362, %reduce_sum3A_1363 [1] : vector<128x128xf32> to vector<128xf32>
    %get3A_1365 = arith.constant 384 : index
    %get3A_1366 = vector.load %arg4[%get3A_1365] : memref<1024xf32, #tpu.memory_space<vmem>>, vector<128xf32>
    %add3A_1367 = arith.addf %get3A_1366, %reduce_sum3A_1364 : vector<128xf32>
    %swap3A_1368 = arith.constant 384 : index
    %swap3A_1369 = vector.load %arg4[%swap3A_1368] : memref<1024xf32, #tpu.memory_space<vmem>>, vector<128xf32>
    tpu.vector_store %arg4[%swap3A_1368], %add3A_1367 {strides = array<i32>} : memref<1024xf32, #tpu.memory_space<vmem>>, vector<128xf32>,
    %max3A_1370 = vector.broadcast %reshape3A_290 : vector<128x1xf32> to vector<128x128xf32>
    %max3A_1371 = vector.broadcast %reshape3A_527 : vector<1x128xf32> to vector<128x128xf32>
    %max3A_1372 = arith.maximumf %max3A_1370, %max3A_1371 : vector<128x128xf32>
    %max3A_1373 = vector.broadcast %reshape3A_302 : vector<128x1xf32> to vector<128x128xf32>
    %max3A_1374 = vector.broadcast %reshape3A_529 : vector<1x128xf32> to vector<128x128xf32>
    %max3A_1375 = arith.maximumf %max3A_1373, %max3A_1374 : vector<128x128xf32>
    %min3A_1376 = vector.broadcast %reshape3A_314 : vector<128x1xf32> to vector<128x128xf32>
    %min3A_1377 = vector.broadcast %reshape3A_531 : vector<1x128xf32> to vector<128x128xf32>
    %min3A_1378 = arith.minimumf %min3A_1376, %min3A_1377 : vector<128x128xf32>
    %min3A_1379 = vector.broadcast %reshape3A_326 : vector<128x1xf32> to vector<128x128xf32>
    %min3A_1380 = vector.broadcast %reshape3A_533 : vector<1x128xf32> to vector<128x128xf32>
    %min3A_1381 = arith.minimumf %min3A_1379, %min3A_1380 : vector<128x128xf32>
    %sub3A_1382 = arith.subf %min3A_1378, %max3A_1372 : vector<128x128xf32>
    %max3A_1383 = arith.constant 0.000000e+00 : f32
    %max3A_1384 = vector.broadcast %max3A_1383 : f32 to vector<128x128xf32>
    %max3A_1385 = arith.maximumf %sub3A_1382, %max3A_1384 : vector<128x128xf32>
    %sub3A_1386 = arith.subf %min3A_1381, %max3A_1375 : vector<128x128xf32>
    %max3A_1387 = arith.constant 0.000000e+00 : f32
    %max3A_1388 = vector.broadcast %max3A_1387 : f32 to vector<128x128xf32>
    %max3A_1389 = arith.maximumf %sub3A_1386, %max3A_1388 : vector<128x128xf32>
    %mul3A_1390 = arith.mulf %max3A_1385, %max3A_1389 : vector<128x128xf32>
    %add3A_1391 = vector.broadcast %mul3A_335 : vector<128x1xf32> to vector<128x128xf32>
    %add3A_1392 = vector.broadcast %reshape3A_535 : vector<1x128xf32> to vector<128x128xf32>
    %add3A_1393 = arith.addf %add3A_1391, %add3A_1392 : vector<128x128xf32>
    %sub3A_1394 = arith.subf %add3A_1393, %mul3A_1390 : vector<128x128xf32>
    %max3A_1395 = arith.constant 9.99999971E-10 : f32
    %max3A_1396 = vector.broadcast %max3A_1395 : f32 to vector<128x128xf32>
    %max3A_1397 = arith.maximumf %sub3A_1394, %max3A_1396 : vector<128x128xf32>
    %div3A_1398 = arith.divf %mul3A_1390, %max3A_1397 : vector<128x128xf32>
    %gt3A_1399 = arith.constant 3.000000e-01 : f32
    %gt3A_1400 = vector.broadcast %gt3A_1399 : f32 to vector<128x128xf32>
    %gt3A_1401 = arith.cmpf ogt, %div3A_1398, %gt3A_1400 : vector<128x128xf32>
    %convert_element_type3A_1402 = arith.extui %gt3A_1401 : vector<128x128xi1> to vector<128x128xi32>
    %convert_element_type3A_1403 = arith.sitofp %convert_element_type3A_1402 : vector<128x128xi32> to vector<128x128xf32>
    %mul3A_1404 = vector.broadcast %reshape3A_1326 : vector<1x128xf32> to vector<128x128xf32>
    %mul3A_1405 = arith.mulf %convert_element_type3A_1403, %mul3A_1404 : vector<128x128xf32>
    %reduce_sum3A_1406 = arith.constant dense<0.000000e+00> : vector<128xf32>
    %reduce_sum3A_1407 = vector.multi_reduction <add>, %mul3A_1405, %reduce_sum3A_1406 [1] : vector<128x128xf32> to vector<128xf32>
    %get3A_1408 = arith.constant 512 : index
    %get3A_1409 = vector.load %arg4[%get3A_1408] : memref<1024xf32, #tpu.memory_space<vmem>>, vector<128xf32>
    %add3A_1410 = arith.addf %get3A_1409, %reduce_sum3A_1407 : vector<128xf32>
    %swap3A_1411 = arith.constant 512 : index
    %swap3A_1412 = vector.load %arg4[%swap3A_1411] : memref<1024xf32, #tpu.memory_space<vmem>>, vector<128xf32>
    tpu.vector_store %arg4[%swap3A_1411], %add3A_1410 {strides = array<i32>} : memref<1024xf32, #tpu.memory_space<vmem>>, vector<128xf32>,
    %max3A_1413 = vector.broadcast %reshape3A_347 : vector<128x1xf32> to vector<128x128xf32>
    %max3A_1414 = vector.broadcast %reshape3A_527 : vector<1x128xf32> to vector<128x128xf32>
    %max3A_1415 = arith.maximumf %max3A_1413, %max3A_1414 : vector<128x128xf32>
    %max3A_1416 = vector.broadcast %reshape3A_359 : vector<128x1xf32> to vector<128x128xf32>
    %max3A_1417 = vector.broadcast %reshape3A_529 : vector<1x128xf32> to vector<128x128xf32>
    %max3A_1418 = arith.maximumf %max3A_1416, %max3A_1417 : vector<128x128xf32>
    %min3A_1419 = vector.broadcast %reshape3A_371 : vector<128x1xf32> to vector<128x128xf32>
    %min3A_1420 = vector.broadcast %reshape3A_531 : vector<1x128xf32> to vector<128x128xf32>
    %min3A_1421 = arith.minimumf %min3A_1419, %min3A_1420 : vector<128x128xf32>
    %min3A_1422 = vector.broadcast %reshape3A_383 : vector<128x1xf32> to vector<128x128xf32>
    %min3A_1423 = vector.broadcast %reshape3A_533 : vector<1x128xf32> to vector<128x128xf32>
    %min3A_1424 = arith.minimumf %min3A_1422, %min3A_1423 : vector<128x128xf32>
    %sub3A_1425 = arith.subf %min3A_1421, %max3A_1415 : vector<128x128xf32>
    %max3A_1426 = arith.constant 0.000000e+00 : f32
    %max3A_1427 = vector.broadcast %max3A_1426 : f32 to vector<128x128xf32>
    %max3A_1428 = arith.maximumf %sub3A_1425, %max3A_1427 : vector<128x128xf32>
    %sub3A_1429 = arith.subf %min3A_1424, %max3A_1418 : vector<128x128xf32>
    %max3A_1430 = arith.constant 0.000000e+00 : f32
    %max3A_1431 = vector.broadcast %max3A_1430 : f32 to vector<128x128xf32>
    %max3A_1432 = arith.maximumf %sub3A_1429, %max3A_1431 : vector<128x128xf32>
    %mul3A_1433 = arith.mulf %max3A_1428, %max3A_1432 : vector<128x128xf32>
    %add3A_1434 = vector.broadcast %mul3A_392 : vector<128x1xf32> to vector<128x128xf32>
    %add3A_1435 = vector.broadcast %reshape3A_535 : vector<1x128xf32> to vector<128x128xf32>
    %add3A_1436 = arith.addf %add3A_1434, %add3A_1435 : vector<128x128xf32>
    %sub3A_1437 = arith.subf %add3A_1436, %mul3A_1433 : vector<128x128xf32>
    %max3A_1438 = arith.constant 9.99999971E-10 : f32
    %max3A_1439 = vector.broadcast %max3A_1438 : f32 to vector<128x128xf32>
    %max3A_1440 = arith.maximumf %sub3A_1437, %max3A_1439 : vector<128x128xf32>
    %div3A_1441 = arith.divf %mul3A_1433, %max3A_1440 : vector<128x128xf32>
    %gt3A_1442 = arith.constant 3.000000e-01 : f32
    %gt3A_1443 = vector.broadcast %gt3A_1442 : f32 to vector<128x128xf32>
    %gt3A_1444 = arith.cmpf ogt, %div3A_1441, %gt3A_1443 : vector<128x128xf32>
    %convert_element_type3A_1445 = arith.extui %gt3A_1444 : vector<128x128xi1> to vector<128x128xi32>
    %convert_element_type3A_1446 = arith.sitofp %convert_element_type3A_1445 : vector<128x128xi32> to vector<128x128xf32>
    %mul3A_1447 = vector.broadcast %reshape3A_1326 : vector<1x128xf32> to vector<128x128xf32>
    %mul3A_1448 = arith.mulf %convert_element_type3A_1446, %mul3A_1447 : vector<128x128xf32>
    %reduce_sum3A_1449 = arith.constant dense<0.000000e+00> : vector<128xf32>
    %reduce_sum3A_1450 = vector.multi_reduction <add>, %mul3A_1448, %reduce_sum3A_1449 [1] : vector<128x128xf32> to vector<128xf32>
    %get3A_1451 = arith.constant 640 : index
    %get3A_1452 = vector.load %arg4[%get3A_1451] : memref<1024xf32, #tpu.memory_space<vmem>>, vector<128xf32>
    %add3A_1453 = arith.addf %get3A_1452, %reduce_sum3A_1450 : vector<128xf32>
    %swap3A_1454 = arith.constant 640 : index
    %swap3A_1455 = vector.load %arg4[%swap3A_1454] : memref<1024xf32, #tpu.memory_space<vmem>>, vector<128xf32>
    tpu.vector_store %arg4[%swap3A_1454], %add3A_1453 {strides = array<i32>} : memref<1024xf32, #tpu.memory_space<vmem>>, vector<128xf32>,
    %max3A_1456 = vector.broadcast %reshape3A_404 : vector<128x1xf32> to vector<128x128xf32>
    %max3A_1457 = vector.broadcast %reshape3A_527 : vector<1x128xf32> to vector<128x128xf32>
    %max3A_1458 = arith.maximumf %max3A_1456, %max3A_1457 : vector<128x128xf32>
    %max3A_1459 = vector.broadcast %reshape3A_416 : vector<128x1xf32> to vector<128x128xf32>
    %max3A_1460 = vector.broadcast %reshape3A_529 : vector<1x128xf32> to vector<128x128xf32>
    %max3A_1461 = arith.maximumf %max3A_1459, %max3A_1460 : vector<128x128xf32>
    %min3A_1462 = vector.broadcast %reshape3A_428 : vector<128x1xf32> to vector<128x128xf32>
    %min3A_1463 = vector.broadcast %reshape3A_531 : vector<1x128xf32> to vector<128x128xf32>
    %min3A_1464 = arith.minimumf %min3A_1462, %min3A_1463 : vector<128x128xf32>
    %min3A_1465 = vector.broadcast %reshape3A_440 : vector<128x1xf32> to vector<128x128xf32>
    %min3A_1466 = vector.broadcast %reshape3A_533 : vector<1x128xf32> to vector<128x128xf32>
    %min3A_1467 = arith.minimumf %min3A_1465, %min3A_1466 : vector<128x128xf32>
    %sub3A_1468 = arith.subf %min3A_1464, %max3A_1458 : vector<128x128xf32>
    %max3A_1469 = arith.constant 0.000000e+00 : f32
    %max3A_1470 = vector.broadcast %max3A_1469 : f32 to vector<128x128xf32>
    %max3A_1471 = arith.maximumf %sub3A_1468, %max3A_1470 : vector<128x128xf32>
    %sub3A_1472 = arith.subf %min3A_1467, %max3A_1461 : vector<128x128xf32>
    %max3A_1473 = arith.constant 0.000000e+00 : f32
    %max3A_1474 = vector.broadcast %max3A_1473 : f32 to vector<128x128xf32>
    %max3A_1475 = arith.maximumf %sub3A_1472, %max3A_1474 : vector<128x128xf32>
    %mul3A_1476 = arith.mulf %max3A_1471, %max3A_1475 : vector<128x128xf32>
    %add3A_1477 = vector.broadcast %mul3A_449 : vector<128x1xf32> to vector<128x128xf32>
    %add3A_1478 = vector.broadcast %reshape3A_535 : vector<1x128xf32> to vector<128x128xf32>
    %add3A_1479 = arith.addf %add3A_1477, %add3A_1478 : vector<128x128xf32>
    %sub3A_1480 = arith.subf %add3A_1479, %mul3A_1476 : vector<128x128xf32>
    %max3A_1481 = arith.constant 9.99999971E-10 : f32
    %max3A_1482 = vector.broadcast %max3A_1481 : f32 to vector<128x128xf32>
    %max3A_1483 = arith.maximumf %sub3A_1480, %max3A_1482 : vector<128x128xf32>
    %div3A_1484 = arith.divf %mul3A_1476, %max3A_1483 : vector<128x128xf32>
    %gt3A_1485 = arith.constant 3.000000e-01 : f32
    %gt3A_1486 = vector.broadcast %gt3A_1485 : f32 to vector<128x128xf32>
    %gt3A_1487 = arith.cmpf ogt, %div3A_1484, %gt3A_1486 : vector<128x128xf32>
    %convert_element_type3A_1488 = arith.extui %gt3A_1487 : vector<128x128xi1> to vector<128x128xi32>
    %convert_element_type3A_1489 = arith.sitofp %convert_element_type3A_1488 : vector<128x128xi32> to vector<128x128xf32>
    %mul3A_1490 = vector.broadcast %reshape3A_1326 : vector<1x128xf32> to vector<128x128xf32>
    %mul3A_1491 = arith.mulf %convert_element_type3A_1489, %mul3A_1490 : vector<128x128xf32>
    %reduce_sum3A_1492 = arith.constant dense<0.000000e+00> : vector<128xf32>
    %reduce_sum3A_1493 = vector.multi_reduction <add>, %mul3A_1491, %reduce_sum3A_1492 [1] : vector<128x128xf32> to vector<128xf32>
    %get3A_1494 = arith.constant 768 : index
    %get3A_1495 = vector.load %arg4[%get3A_1494] : memref<1024xf32, #tpu.memory_space<vmem>>, vector<128xf32>
    %add3A_1496 = arith.addf %get3A_1495, %reduce_sum3A_1493 : vector<128xf32>
    %swap3A_1497 = arith.constant 768 : index
    %swap3A_1498 = vector.load %arg4[%swap3A_1497] : memref<1024xf32, #tpu.memory_space<vmem>>, vector<128xf32>
    tpu.vector_store %arg4[%swap3A_1497], %add3A_1496 {strides = array<i32>} : memref<1024xf32, #tpu.memory_space<vmem>>, vector<128xf32>,
    %max3A_1499 = vector.broadcast %reshape3A_461 : vector<128x1xf32> to vector<128x128xf32>
    %max3A_1500 = vector.broadcast %reshape3A_527 : vector<1x128xf32> to vector<128x128xf32>
    %max3A_1501 = arith.maximumf %max3A_1499, %max3A_1500 : vector<128x128xf32>
    %max3A_1502 = vector.broadcast %reshape3A_473 : vector<128x1xf32> to vector<128x128xf32>
    %max3A_1503 = vector.broadcast %reshape3A_529 : vector<1x128xf32> to vector<128x128xf32>
    %max3A_1504 = arith.maximumf %max3A_1502, %max3A_1503 : vector<128x128xf32>
    %min3A_1505 = vector.broadcast %reshape3A_485 : vector<128x1xf32> to vector<128x128xf32>
    %min3A_1506 = vector.broadcast %reshape3A_531 : vector<1x128xf32> to vector<128x128xf32>
    %min3A_1507 = arith.minimumf %min3A_1505, %min3A_1506 : vector<128x128xf32>
    %min3A_1508 = vector.broadcast %reshape3A_497 : vector<128x1xf32> to vector<128x128xf32>
    %min3A_1509 = vector.broadcast %reshape3A_533 : vector<1x128xf32> to vector<128x128xf32>
    %min3A_1510 = arith.minimumf %min3A_1508, %min3A_1509 : vector<128x128xf32>
    %sub3A_1511 = arith.subf %min3A_1507, %max3A_1501 : vector<128x128xf32>
    %max3A_1512 = arith.constant 0.000000e+00 : f32
    %max3A_1513 = vector.broadcast %max3A_1512 : f32 to vector<128x128xf32>
    %max3A_1514 = arith.maximumf %sub3A_1511, %max3A_1513 : vector<128x128xf32>
    %sub3A_1515 = arith.subf %min3A_1510, %max3A_1504 : vector<128x128xf32>
    %max3A_1516 = arith.constant 0.000000e+00 : f32
    %max3A_1517 = vector.broadcast %max3A_1516 : f32 to vector<128x128xf32>
    %max3A_1518 = arith.maximumf %sub3A_1515, %max3A_1517 : vector<128x128xf32>
    %mul3A_1519 = arith.mulf %max3A_1514, %max3A_1518 : vector<128x128xf32>
    %add3A_1520 = vector.broadcast %mul3A_506 : vector<128x1xf32> to vector<128x128xf32>
    %add3A_1521 = vector.broadcast %reshape3A_535 : vector<1x128xf32> to vector<128x128xf32>
    %add3A_1522 = arith.addf %add3A_1520, %add3A_1521 : vector<128x128xf32>
    %sub3A_1523 = arith.subf %add3A_1522, %mul3A_1519 : vector<128x128xf32>
    %max3A_1524 = arith.constant 9.99999971E-10 : f32
    %max3A_1525 = vector.broadcast %max3A_1524 : f32 to vector<128x128xf32>
    %max3A_1526 = arith.maximumf %sub3A_1523, %max3A_1525 : vector<128x128xf32>
    %div3A_1527 = arith.divf %mul3A_1519, %max3A_1526 : vector<128x128xf32>
    %gt3A_1528 = arith.constant 3.000000e-01 : f32
    %gt3A_1529 = vector.broadcast %gt3A_1528 : f32 to vector<128x128xf32>
    %gt3A_1530 = arith.cmpf ogt, %div3A_1527, %gt3A_1529 : vector<128x128xf32>
    %convert_element_type3A_1531 = arith.extui %gt3A_1530 : vector<128x128xi1> to vector<128x128xi32>
    %convert_element_type3A_1532 = arith.sitofp %convert_element_type3A_1531 : vector<128x128xi32> to vector<128x128xf32>
    %mul3A_1533 = vector.broadcast %reshape3A_1326 : vector<1x128xf32> to vector<128x128xf32>
    %mul3A_1534 = arith.mulf %convert_element_type3A_1532, %mul3A_1533 : vector<128x128xf32>
    %reduce_sum3A_1535 = arith.constant dense<0.000000e+00> : vector<128xf32>
    %reduce_sum3A_1536 = vector.multi_reduction <add>, %mul3A_1534, %reduce_sum3A_1535 [1] : vector<128x128xf32> to vector<128xf32>
    %get3A_1537 = arith.constant 896 : index
    %get3A_1538 = vector.load %arg4[%get3A_1537] : memref<1024xf32, #tpu.memory_space<vmem>>, vector<128xf32>
    %add3A_1539 = arith.addf %get3A_1538, %reduce_sum3A_1536 : vector<128xf32>
    %swap3A_1540 = arith.constant 896 : index
    %swap3A_1541 = vector.load %arg4[%swap3A_1540] : memref<1024xf32, #tpu.memory_space<vmem>>, vector<128xf32>
    tpu.vector_store %arg4[%swap3A_1540], %add3A_1539 {strides = array<i32>} : memref<1024xf32, #tpu.memory_space<vmem>>, vector<128xf32>,
    %get3A_1542 = arith.constant 384 : index
    %get3A_1543 = vector.load %arg4[%get3A_1542] : memref<1024xf32, #tpu.memory_space<vmem>>, vector<128xf32>
    %max3A_1544 = vector.broadcast %reshape3A_233 : vector<128x1xf32> to vector<128x128xf32>
    %max3A_1545 = vector.broadcast %reshape3A_537 : vector<1x128xf32> to vector<128x128xf32>
    %max3A_1546 = arith.maximumf %max3A_1544, %max3A_1545 : vector<128x128xf32>
    %max3A_1547 = vector.broadcast %reshape3A_245 : vector<128x1xf32> to vector<128x128xf32>
    %max3A_1548 = vector.broadcast %reshape3A_539 : vector<1x128xf32> to vector<128x128xf32>
    %max3A_1549 = arith.maximumf %max3A_1547, %max3A_1548 : vector<128x128xf32>
    %min3A_1550 = vector.broadcast %reshape3A_257 : vector<128x1xf32> to vector<128x128xf32>
    %min3A_1551 = vector.broadcast %reshape3A_541 : vector<1x128xf32> to vector<128x128xf32>
    %min3A_1552 = arith.minimumf %min3A_1550, %min3A_1551 : vector<128x128xf32>
    %min3A_1553 = vector.broadcast %reshape3A_269 : vector<128x1xf32> to vector<128x128xf32>
    %min3A_1554 = vector.broadcast %reshape3A_543 : vector<1x128xf32> to vector<128x128xf32>
    %min3A_1555 = arith.minimumf %min3A_1553, %min3A_1554 : vector<128x128xf32>
    %sub3A_1556 = arith.subf %min3A_1552, %max3A_1546 : vector<128x128xf32>
    %max3A_1557 = arith.constant 0.000000e+00 : f32
    %max3A_1558 = vector.broadcast %max3A_1557 : f32 to vector<128x128xf32>
    %max3A_1559 = arith.maximumf %sub3A_1556, %max3A_1558 : vector<128x128xf32>
    %sub3A_1560 = arith.subf %min3A_1555, %max3A_1549 : vector<128x128xf32>
    %max3A_1561 = arith.constant 0.000000e+00 : f32
    %max3A_1562 = vector.broadcast %max3A_1561 : f32 to vector<128x128xf32>
    %max3A_1563 = arith.maximumf %sub3A_1560, %max3A_1562 : vector<128x128xf32>
    %mul3A_1564 = arith.mulf %max3A_1559, %max3A_1563 : vector<128x128xf32>
    %add3A_1565 = vector.broadcast %mul3A_278 : vector<128x1xf32> to vector<128x128xf32>
    %add3A_1566 = vector.broadcast %reshape3A_545 : vector<1x128xf32> to vector<128x128xf32>
    %add3A_1567 = arith.addf %add3A_1565, %add3A_1566 : vector<128x128xf32>
    %sub3A_1568 = arith.subf %add3A_1567, %mul3A_1564 : vector<128x128xf32>
    %max3A_1569 = arith.constant 9.99999971E-10 : f32
    %max3A_1570 = vector.broadcast %max3A_1569 : f32 to vector<128x128xf32>
    %max3A_1571 = arith.maximumf %sub3A_1568, %max3A_1570 : vector<128x128xf32>
    %div3A_1572 = arith.divf %mul3A_1564, %max3A_1571 : vector<128x128xf32>
    %gt3A_1573 = arith.constant 3.000000e-01 : f32
    %gt3A_1574 = vector.broadcast %gt3A_1573 : f32 to vector<128x128xf32>
    %gt3A_1575 = arith.cmpf ogt, %div3A_1572, %gt3A_1574 : vector<128x128xf32>
    %iota3A_1576 = tpu.iota {dimensions = array<i32: 0>} : vector<128x128xi32>
    %iota3A_1577 = tpu.iota {dimensions = array<i32: 1>} : vector<128x128xi32>
    %lt3A_1578 = arith.cmpi slt, %iota3A_1577, %iota3A_1576 : vector<128x128xi32>
    %and3A_1579 = arith.andi %gt3A_1575, %lt3A_1578 : vector<128x128xi1>
    %convert_element_type3A_1580 = arith.extui %and3A_1579 : vector<128x128xi1> to vector<128x128xi32>
    %convert_element_type3A_1581 = arith.sitofp %convert_element_type3A_1580 : vector<128x128xi32> to vector<128x128xf32>
    %reshape3A_1582 = vector.shape_cast %convert_element_type3A_591 : vector<1024xf32> to vector<8x128xf32>
    %slice3A_1583 = vector.extract_strided_slice %reshape3A_1582 {offsets = [3, 0], sizes = [1, 128], strides = [1, 1]} : vector<8x128xf32> to vector<1x128xf32>
    %squeeze3A_1584 = vector.shape_cast %slice3A_1583 : vector<1x128xf32> to vector<128xf32>
    %eq3A_1585 = arith.constant 0.000000e+00 : f32
    %eq3A_1586 = vector.broadcast %eq3A_1585 : f32 to vector<128xf32>
    %eq3A_1587 = arith.cmpf oeq, %get3A_1543, %eq3A_1586 : vector<128xf32>
    %convert_element_type3A_1588 = arith.extui %eq3A_1587 : vector<128xi1> to vector<128xi32>
    %convert_element_type3A_1589 = arith.sitofp %convert_element_type3A_1588 : vector<128xi32> to vector<128xf32>
    %mul3A_1590 = arith.mulf %squeeze3A_1584, %convert_element_type3A_1589 : vector<128xf32>
    %sub3A_1591 = arith.constant 1.000000e+00 : f32
    %sub3A_1592 = vector.broadcast %sub3A_1591 : f32 to vector<128xf32>
    %sub3A_1593 = arith.subf %mul3A_1590, %sub3A_1592 : vector<128xf32>
    %while3A_1594:2 = scf.while (%while3A_2325 = %mul3A_1590, %while3A_2326 = %sub3A_1593) : (vector<128xf32>, vector<128xf32>) -> (vector<128xf32>, vector<128xf32>) {
      %sub3A_2327 = arith.subf %while3A_2325, %while3A_2326 : vector<128xf32>
      %abs3A = math.absf %sub3A_2327 : vector<128xf32>
      %reduce_sum3A_2328 = vector.shape_cast %abs3A : vector<128xf32> to vector<1x128xf32>
      %reduce_sum3A_2329 = arith.constant dense<0.000000e+00> : vector<1xf32>
      %reduce_sum3A_2330 = vector.multi_reduction <add>, %reduce_sum3A_2328, %reduce_sum3A_2329 [1] : vector<1x128xf32> to vector<1xf32>
      %reduce_sum3A_2331 = vector.shape_cast %reduce_sum3A_2330 : vector<1xf32> to vector<1x1xf32>
      %reduce_sum3A_2332 = vector.extract %reduce_sum3A_2331[0, 0] : f32 from vector<1x1xf32>
      %gt3A_2333 = arith.constant 0.000000e+00 : f32
      %gt3A_2334 = arith.cmpf ogt, %reduce_sum3A_2332, %gt3A_2333 : f32
      scf.condition(%gt3A_2334) %while3A_2325, %while3A_2326 : vector<128xf32>, vector<128xf32>
    } do {
    ^bb0(%while3A_2325: vector<128xf32>, %while3A_2326: vector<128xf32>):
      %reshape3A_2327 = vector.shape_cast %while3A_2325 : vector<128xf32> to vector<1x128xf32>
      %mul3A_2328 = vector.broadcast %reshape3A_2327 : vector<1x128xf32> to vector<128x128xf32>
      %mul3A_2329 = arith.mulf %convert_element_type3A_1581, %mul3A_2328 : vector<128x128xf32>
      %reduce_sum3A_2330 = arith.constant dense<0.000000e+00> : vector<128xf32>
      %reduce_sum3A_2331 = vector.multi_reduction <add>, %mul3A_2329, %reduce_sum3A_2330 [1] : vector<128x128xf32> to vector<128xf32>
      %eq3A_2332 = arith.constant 0.000000e+00 : f32
      %eq3A_2333 = vector.broadcast %eq3A_2332 : f32 to vector<128xf32>
      %eq3A_2334 = arith.cmpf oeq, %reduce_sum3A_2331, %eq3A_2333 : vector<128xf32>
      %convert_element_type3A_2335 = arith.extui %eq3A_2334 : vector<128xi1> to vector<128xi32>
      %convert_element_type3A_2336 = arith.sitofp %convert_element_type3A_2335 : vector<128xi32> to vector<128xf32>
      %mul3A_2337 = arith.mulf %mul3A_1590, %convert_element_type3A_2336 : vector<128xf32>
      scf.yield %mul3A_2337, %while3A_2325 : vector<128xf32>, vector<128xf32>
    }
    %swap3A_1595 = arith.constant 0 : index
    %swap3A_1596 = arith.constant 5 : index
    %swap3A_1597 = arith.constant 384 : index
    %swap3A_1598 = vector.load %arg3[%swap3A_1595, %swap3A_1596, %swap3A_1597] : memref<1x8x1024xf32, #tpu.memory_space<vmem>>, vector<1x1x128xf32>
    %swap3A_1599 = vector.shape_cast %swap3A_1598 : vector<1x1x128xf32> to vector<128xf32>
    %swap3A_1600 = vector.shape_cast %while3A_1594#0 : vector<128xf32> to vector<1x1x128xf32>
    tpu.vector_store %arg3[%swap3A_1595, %swap3A_1596, %swap3A_1597], %swap3A_1600 {strides = array<i32>} : memref<1x8x1024xf32, #tpu.memory_space<vmem>>, vector<1x1x128xf32>,
    %reshape3A_1601 = vector.shape_cast %while3A_1594#0 : vector<128xf32> to vector<1x128xf32>
    %max3A_1602 = vector.broadcast %reshape3A_290 : vector<128x1xf32> to vector<128x128xf32>
    %max3A_1603 = vector.broadcast %reshape3A_537 : vector<1x128xf32> to vector<128x128xf32>
    %max3A_1604 = arith.maximumf %max3A_1602, %max3A_1603 : vector<128x128xf32>
    %max3A_1605 = vector.broadcast %reshape3A_302 : vector<128x1xf32> to vector<128x128xf32>
    %max3A_1606 = vector.broadcast %reshape3A_539 : vector<1x128xf32> to vector<128x128xf32>
    %max3A_1607 = arith.maximumf %max3A_1605, %max3A_1606 : vector<128x128xf32>
    %min3A_1608 = vector.broadcast %reshape3A_314 : vector<128x1xf32> to vector<128x128xf32>
    %min3A_1609 = vector.broadcast %reshape3A_541 : vector<1x128xf32> to vector<128x128xf32>
    %min3A_1610 = arith.minimumf %min3A_1608, %min3A_1609 : vector<128x128xf32>
    %min3A_1611 = vector.broadcast %reshape3A_326 : vector<128x1xf32> to vector<128x128xf32>
    %min3A_1612 = vector.broadcast %reshape3A_543 : vector<1x128xf32> to vector<128x128xf32>
    %min3A_1613 = arith.minimumf %min3A_1611, %min3A_1612 : vector<128x128xf32>
    %sub3A_1614 = arith.subf %min3A_1610, %max3A_1604 : vector<128x128xf32>
    %max3A_1615 = arith.constant 0.000000e+00 : f32
    %max3A_1616 = vector.broadcast %max3A_1615 : f32 to vector<128x128xf32>
    %max3A_1617 = arith.maximumf %sub3A_1614, %max3A_1616 : vector<128x128xf32>
    %sub3A_1618 = arith.subf %min3A_1613, %max3A_1607 : vector<128x128xf32>
    %max3A_1619 = arith.constant 0.000000e+00 : f32
    %max3A_1620 = vector.broadcast %max3A_1619 : f32 to vector<128x128xf32>
    %max3A_1621 = arith.maximumf %sub3A_1618, %max3A_1620 : vector<128x128xf32>
    %mul3A_1622 = arith.mulf %max3A_1617, %max3A_1621 : vector<128x128xf32>
    %add3A_1623 = vector.broadcast %mul3A_335 : vector<128x1xf32> to vector<128x128xf32>
    %add3A_1624 = vector.broadcast %reshape3A_545 : vector<1x128xf32> to vector<128x128xf32>
    %add3A_1625 = arith.addf %add3A_1623, %add3A_1624 : vector<128x128xf32>
    %sub3A_1626 = arith.subf %add3A_1625, %mul3A_1622 : vector<128x128xf32>
    %max3A_1627 = arith.constant 9.99999971E-10 : f32
    %max3A_1628 = vector.broadcast %max3A_1627 : f32 to vector<128x128xf32>
    %max3A_1629 = arith.maximumf %sub3A_1626, %max3A_1628 : vector<128x128xf32>
    %div3A_1630 = arith.divf %mul3A_1622, %max3A_1629 : vector<128x128xf32>
    %gt3A_1631 = arith.constant 3.000000e-01 : f32
    %gt3A_1632 = vector.broadcast %gt3A_1631 : f32 to vector<128x128xf32>
    %gt3A_1633 = arith.cmpf ogt, %div3A_1630, %gt3A_1632 : vector<128x128xf32>
    %convert_element_type3A_1634 = arith.extui %gt3A_1633 : vector<128x128xi1> to vector<128x128xi32>
    %convert_element_type3A_1635 = arith.sitofp %convert_element_type3A_1634 : vector<128x128xi32> to vector<128x128xf32>
    %mul3A_1636 = vector.broadcast %reshape3A_1601 : vector<1x128xf32> to vector<128x128xf32>
    %mul3A_1637 = arith.mulf %convert_element_type3A_1635, %mul3A_1636 : vector<128x128xf32>
    %reduce_sum3A_1638 = arith.constant dense<0.000000e+00> : vector<128xf32>
    %reduce_sum3A_1639 = vector.multi_reduction <add>, %mul3A_1637, %reduce_sum3A_1638 [1] : vector<128x128xf32> to vector<128xf32>
    %get3A_1640 = arith.constant 512 : index
    %get3A_1641 = vector.load %arg4[%get3A_1640] : memref<1024xf32, #tpu.memory_space<vmem>>, vector<128xf32>
    %add3A_1642 = arith.addf %get3A_1641, %reduce_sum3A_1639 : vector<128xf32>
    %swap3A_1643 = arith.constant 512 : index
    %swap3A_1644 = vector.load %arg4[%swap3A_1643] : memref<1024xf32, #tpu.memory_space<vmem>>, vector<128xf32>
    tpu.vector_store %arg4[%swap3A_1643], %add3A_1642 {strides = array<i32>} : memref<1024xf32, #tpu.memory_space<vmem>>, vector<128xf32>,
    %max3A_1645 = vector.broadcast %reshape3A_347 : vector<128x1xf32> to vector<128x128xf32>
    %max3A_1646 = vector.broadcast %reshape3A_537 : vector<1x128xf32> to vector<128x128xf32>
    %max3A_1647 = arith.maximumf %max3A_1645, %max3A_1646 : vector<128x128xf32>
    %max3A_1648 = vector.broadcast %reshape3A_359 : vector<128x1xf32> to vector<128x128xf32>
    %max3A_1649 = vector.broadcast %reshape3A_539 : vector<1x128xf32> to vector<128x128xf32>
    %max3A_1650 = arith.maximumf %max3A_1648, %max3A_1649 : vector<128x128xf32>
    %min3A_1651 = vector.broadcast %reshape3A_371 : vector<128x1xf32> to vector<128x128xf32>
    %min3A_1652 = vector.broadcast %reshape3A_541 : vector<1x128xf32> to vector<128x128xf32>
    %min3A_1653 = arith.minimumf %min3A_1651, %min3A_1652 : vector<128x128xf32>
    %min3A_1654 = vector.broadcast %reshape3A_383 : vector<128x1xf32> to vector<128x128xf32>
    %min3A_1655 = vector.broadcast %reshape3A_543 : vector<1x128xf32> to vector<128x128xf32>
    %min3A_1656 = arith.minimumf %min3A_1654, %min3A_1655 : vector<128x128xf32>
    %sub3A_1657 = arith.subf %min3A_1653, %max3A_1647 : vector<128x128xf32>
    %max3A_1658 = arith.constant 0.000000e+00 : f32
    %max3A_1659 = vector.broadcast %max3A_1658 : f32 to vector<128x128xf32>
    %max3A_1660 = arith.maximumf %sub3A_1657, %max3A_1659 : vector<128x128xf32>
    %sub3A_1661 = arith.subf %min3A_1656, %max3A_1650 : vector<128x128xf32>
    %max3A_1662 = arith.constant 0.000000e+00 : f32
    %max3A_1663 = vector.broadcast %max3A_1662 : f32 to vector<128x128xf32>
    %max3A_1664 = arith.maximumf %sub3A_1661, %max3A_1663 : vector<128x128xf32>
    %mul3A_1665 = arith.mulf %max3A_1660, %max3A_1664 : vector<128x128xf32>
    %add3A_1666 = vector.broadcast %mul3A_392 : vector<128x1xf32> to vector<128x128xf32>
    %add3A_1667 = vector.broadcast %reshape3A_545 : vector<1x128xf32> to vector<128x128xf32>
    %add3A_1668 = arith.addf %add3A_1666, %add3A_1667 : vector<128x128xf32>
    %sub3A_1669 = arith.subf %add3A_1668, %mul3A_1665 : vector<128x128xf32>
    %max3A_1670 = arith.constant 9.99999971E-10 : f32
    %max3A_1671 = vector.broadcast %max3A_1670 : f32 to vector<128x128xf32>
    %max3A_1672 = arith.maximumf %sub3A_1669, %max3A_1671 : vector<128x128xf32>
    %div3A_1673 = arith.divf %mul3A_1665, %max3A_1672 : vector<128x128xf32>
    %gt3A_1674 = arith.constant 3.000000e-01 : f32
    %gt3A_1675 = vector.broadcast %gt3A_1674 : f32 to vector<128x128xf32>
    %gt3A_1676 = arith.cmpf ogt, %div3A_1673, %gt3A_1675 : vector<128x128xf32>
    %convert_element_type3A_1677 = arith.extui %gt3A_1676 : vector<128x128xi1> to vector<128x128xi32>
    %convert_element_type3A_1678 = arith.sitofp %convert_element_type3A_1677 : vector<128x128xi32> to vector<128x128xf32>
    %mul3A_1679 = vector.broadcast %reshape3A_1601 : vector<1x128xf32> to vector<128x128xf32>
    %mul3A_1680 = arith.mulf %convert_element_type3A_1678, %mul3A_1679 : vector<128x128xf32>
    %reduce_sum3A_1681 = arith.constant dense<0.000000e+00> : vector<128xf32>
    %reduce_sum3A_1682 = vector.multi_reduction <add>, %mul3A_1680, %reduce_sum3A_1681 [1] : vector<128x128xf32> to vector<128xf32>
    %get3A_1683 = arith.constant 640 : index
    %get3A_1684 = vector.load %arg4[%get3A_1683] : memref<1024xf32, #tpu.memory_space<vmem>>, vector<128xf32>
    %add3A_1685 = arith.addf %get3A_1684, %reduce_sum3A_1682 : vector<128xf32>
    %swap3A_1686 = arith.constant 640 : index
    %swap3A_1687 = vector.load %arg4[%swap3A_1686] : memref<1024xf32, #tpu.memory_space<vmem>>, vector<128xf32>
    tpu.vector_store %arg4[%swap3A_1686], %add3A_1685 {strides = array<i32>} : memref<1024xf32, #tpu.memory_space<vmem>>, vector<128xf32>,
    %max3A_1688 = vector.broadcast %reshape3A_404 : vector<128x1xf32> to vector<128x128xf32>
    %max3A_1689 = vector.broadcast %reshape3A_537 : vector<1x128xf32> to vector<128x128xf32>
    %max3A_1690 = arith.maximumf %max3A_1688, %max3A_1689 : vector<128x128xf32>
    %max3A_1691 = vector.broadcast %reshape3A_416 : vector<128x1xf32> to vector<128x128xf32>
    %max3A_1692 = vector.broadcast %reshape3A_539 : vector<1x128xf32> to vector<128x128xf32>
    %max3A_1693 = arith.maximumf %max3A_1691, %max3A_1692 : vector<128x128xf32>
    %min3A_1694 = vector.broadcast %reshape3A_428 : vector<128x1xf32> to vector<128x128xf32>
    %min3A_1695 = vector.broadcast %reshape3A_541 : vector<1x128xf32> to vector<128x128xf32>
    %min3A_1696 = arith.minimumf %min3A_1694, %min3A_1695 : vector<128x128xf32>
    %min3A_1697 = vector.broadcast %reshape3A_440 : vector<128x1xf32> to vector<128x128xf32>
    %min3A_1698 = vector.broadcast %reshape3A_543 : vector<1x128xf32> to vector<128x128xf32>
    %min3A_1699 = arith.minimumf %min3A_1697, %min3A_1698 : vector<128x128xf32>
    %sub3A_1700 = arith.subf %min3A_1696, %max3A_1690 : vector<128x128xf32>
    %max3A_1701 = arith.constant 0.000000e+00 : f32
    %max3A_1702 = vector.broadcast %max3A_1701 : f32 to vector<128x128xf32>
    %max3A_1703 = arith.maximumf %sub3A_1700, %max3A_1702 : vector<128x128xf32>
    %sub3A_1704 = arith.subf %min3A_1699, %max3A_1693 : vector<128x128xf32>
    %max3A_1705 = arith.constant 0.000000e+00 : f32
    %max3A_1706 = vector.broadcast %max3A_1705 : f32 to vector<128x128xf32>
    %max3A_1707 = arith.maximumf %sub3A_1704, %max3A_1706 : vector<128x128xf32>
    %mul3A_1708 = arith.mulf %max3A_1703, %max3A_1707 : vector<128x128xf32>
    %add3A_1709 = vector.broadcast %mul3A_449 : vector<128x1xf32> to vector<128x128xf32>
    %add3A_1710 = vector.broadcast %reshape3A_545 : vector<1x128xf32> to vector<128x128xf32>
    %add3A_1711 = arith.addf %add3A_1709, %add3A_1710 : vector<128x128xf32>
    %sub3A_1712 = arith.subf %add3A_1711, %mul3A_1708 : vector<128x128xf32>
    %max3A_1713 = arith.constant 9.99999971E-10 : f32
    %max3A_1714 = vector.broadcast %max3A_1713 : f32 to vector<128x128xf32>
    %max3A_1715 = arith.maximumf %sub3A_1712, %max3A_1714 : vector<128x128xf32>
    %div3A_1716 = arith.divf %mul3A_1708, %max3A_1715 : vector<128x128xf32>
    %gt3A_1717 = arith.constant 3.000000e-01 : f32
    %gt3A_1718 = vector.broadcast %gt3A_1717 : f32 to vector<128x128xf32>
    %gt3A_1719 = arith.cmpf ogt, %div3A_1716, %gt3A_1718 : vector<128x128xf32>
    %convert_element_type3A_1720 = arith.extui %gt3A_1719 : vector<128x128xi1> to vector<128x128xi32>
    %convert_element_type3A_1721 = arith.sitofp %convert_element_type3A_1720 : vector<128x128xi32> to vector<128x128xf32>
    %mul3A_1722 = vector.broadcast %reshape3A_1601 : vector<1x128xf32> to vector<128x128xf32>
    %mul3A_1723 = arith.mulf %convert_element_type3A_1721, %mul3A_1722 : vector<128x128xf32>
    %reduce_sum3A_1724 = arith.constant dense<0.000000e+00> : vector<128xf32>
    %reduce_sum3A_1725 = vector.multi_reduction <add>, %mul3A_1723, %reduce_sum3A_1724 [1] : vector<128x128xf32> to vector<128xf32>
    %get3A_1726 = arith.constant 768 : index
    %get3A_1727 = vector.load %arg4[%get3A_1726] : memref<1024xf32, #tpu.memory_space<vmem>>, vector<128xf32>
    %add3A_1728 = arith.addf %get3A_1727, %reduce_sum3A_1725 : vector<128xf32>
    %swap3A_1729 = arith.constant 768 : index
    %swap3A_1730 = vector.load %arg4[%swap3A_1729] : memref<1024xf32, #tpu.memory_space<vmem>>, vector<128xf32>
    tpu.vector_store %arg4[%swap3A_1729], %add3A_1728 {strides = array<i32>} : memref<1024xf32, #tpu.memory_space<vmem>>, vector<128xf32>,
    %max3A_1731 = vector.broadcast %reshape3A_461 : vector<128x1xf32> to vector<128x128xf32>
    %max3A_1732 = vector.broadcast %reshape3A_537 : vector<1x128xf32> to vector<128x128xf32>
    %max3A_1733 = arith.maximumf %max3A_1731, %max3A_1732 : vector<128x128xf32>
    %max3A_1734 = vector.broadcast %reshape3A_473 : vector<128x1xf32> to vector<128x128xf32>
    %max3A_1735 = vector.broadcast %reshape3A_539 : vector<1x128xf32> to vector<128x128xf32>
    %max3A_1736 = arith.maximumf %max3A_1734, %max3A_1735 : vector<128x128xf32>
    %min3A_1737 = vector.broadcast %reshape3A_485 : vector<128x1xf32> to vector<128x128xf32>
    %min3A_1738 = vector.broadcast %reshape3A_541 : vector<1x128xf32> to vector<128x128xf32>
    %min3A_1739 = arith.minimumf %min3A_1737, %min3A_1738 : vector<128x128xf32>
    %min3A_1740 = vector.broadcast %reshape3A_497 : vector<128x1xf32> to vector<128x128xf32>
    %min3A_1741 = vector.broadcast %reshape3A_543 : vector<1x128xf32> to vector<128x128xf32>
    %min3A_1742 = arith.minimumf %min3A_1740, %min3A_1741 : vector<128x128xf32>
    %sub3A_1743 = arith.subf %min3A_1739, %max3A_1733 : vector<128x128xf32>
    %max3A_1744 = arith.constant 0.000000e+00 : f32
    %max3A_1745 = vector.broadcast %max3A_1744 : f32 to vector<128x128xf32>
    %max3A_1746 = arith.maximumf %sub3A_1743, %max3A_1745 : vector<128x128xf32>
    %sub3A_1747 = arith.subf %min3A_1742, %max3A_1736 : vector<128x128xf32>
    %max3A_1748 = arith.constant 0.000000e+00 : f32
    %max3A_1749 = vector.broadcast %max3A_1748 : f32 to vector<128x128xf32>
    %max3A_1750 = arith.maximumf %sub3A_1747, %max3A_1749 : vector<128x128xf32>
    %mul3A_1751 = arith.mulf %max3A_1746, %max3A_1750 : vector<128x128xf32>
    %add3A_1752 = vector.broadcast %mul3A_506 : vector<128x1xf32> to vector<128x128xf32>
    %add3A_1753 = vector.broadcast %reshape3A_545 : vector<1x128xf32> to vector<128x128xf32>
    %add3A_1754 = arith.addf %add3A_1752, %add3A_1753 : vector<128x128xf32>
    %sub3A_1755 = arith.subf %add3A_1754, %mul3A_1751 : vector<128x128xf32>
    %max3A_1756 = arith.constant 9.99999971E-10 : f32
    %max3A_1757 = vector.broadcast %max3A_1756 : f32 to vector<128x128xf32>
    %max3A_1758 = arith.maximumf %sub3A_1755, %max3A_1757 : vector<128x128xf32>
    %div3A_1759 = arith.divf %mul3A_1751, %max3A_1758 : vector<128x128xf32>
    %gt3A_1760 = arith.constant 3.000000e-01 : f32
    %gt3A_1761 = vector.broadcast %gt3A_1760 : f32 to vector<128x128xf32>
    %gt3A_1762 = arith.cmpf ogt, %div3A_1759, %gt3A_1761 : vector<128x128xf32>
    %convert_element_type3A_1763 = arith.extui %gt3A_1762 : vector<128x128xi1> to vector<128x128xi32>
    %convert_element_type3A_1764 = arith.sitofp %convert_element_type3A_1763 : vector<128x128xi32> to vector<128x128xf32>
    %mul3A_1765 = vector.broadcast %reshape3A_1601 : vector<1x128xf32> to vector<128x128xf32>
    %mul3A_1766 = arith.mulf %convert_element_type3A_1764, %mul3A_1765 : vector<128x128xf32>
    %reduce_sum3A_1767 = arith.constant dense<0.000000e+00> : vector<128xf32>
    %reduce_sum3A_1768 = vector.multi_reduction <add>, %mul3A_1766, %reduce_sum3A_1767 [1] : vector<128x128xf32> to vector<128xf32>
    %get3A_1769 = arith.constant 896 : index
    %get3A_1770 = vector.load %arg4[%get3A_1769] : memref<1024xf32, #tpu.memory_space<vmem>>, vector<128xf32>
    %add3A_1771 = arith.addf %get3A_1770, %reduce_sum3A_1768 : vector<128xf32>
    %swap3A_1772 = arith.constant 896 : index
    %swap3A_1773 = vector.load %arg4[%swap3A_1772] : memref<1024xf32, #tpu.memory_space<vmem>>, vector<128xf32>
    tpu.vector_store %arg4[%swap3A_1772], %add3A_1771 {strides = array<i32>} : memref<1024xf32, #tpu.memory_space<vmem>>, vector<128xf32>,
    %get3A_1774 = arith.constant 512 : index
    %get3A_1775 = vector.load %arg4[%get3A_1774] : memref<1024xf32, #tpu.memory_space<vmem>>, vector<128xf32>
    %max3A_1776 = vector.broadcast %reshape3A_290 : vector<128x1xf32> to vector<128x128xf32>
    %max3A_1777 = vector.broadcast %reshape3A_547 : vector<1x128xf32> to vector<128x128xf32>
    %max3A_1778 = arith.maximumf %max3A_1776, %max3A_1777 : vector<128x128xf32>
    %max3A_1779 = vector.broadcast %reshape3A_302 : vector<128x1xf32> to vector<128x128xf32>
    %max3A_1780 = vector.broadcast %reshape3A_549 : vector<1x128xf32> to vector<128x128xf32>
    %max3A_1781 = arith.maximumf %max3A_1779, %max3A_1780 : vector<128x128xf32>
    %min3A_1782 = vector.broadcast %reshape3A_314 : vector<128x1xf32> to vector<128x128xf32>
    %min3A_1783 = vector.broadcast %reshape3A_551 : vector<1x128xf32> to vector<128x128xf32>
    %min3A_1784 = arith.minimumf %min3A_1782, %min3A_1783 : vector<128x128xf32>
    %min3A_1785 = vector.broadcast %reshape3A_326 : vector<128x1xf32> to vector<128x128xf32>
    %min3A_1786 = vector.broadcast %reshape3A_553 : vector<1x128xf32> to vector<128x128xf32>
    %min3A_1787 = arith.minimumf %min3A_1785, %min3A_1786 : vector<128x128xf32>
    %sub3A_1788 = arith.subf %min3A_1784, %max3A_1778 : vector<128x128xf32>
    %max3A_1789 = arith.constant 0.000000e+00 : f32
    %max3A_1790 = vector.broadcast %max3A_1789 : f32 to vector<128x128xf32>
    %max3A_1791 = arith.maximumf %sub3A_1788, %max3A_1790 : vector<128x128xf32>
    %sub3A_1792 = arith.subf %min3A_1787, %max3A_1781 : vector<128x128xf32>
    %max3A_1793 = arith.constant 0.000000e+00 : f32
    %max3A_1794 = vector.broadcast %max3A_1793 : f32 to vector<128x128xf32>
    %max3A_1795 = arith.maximumf %sub3A_1792, %max3A_1794 : vector<128x128xf32>
    %mul3A_1796 = arith.mulf %max3A_1791, %max3A_1795 : vector<128x128xf32>
    %add3A_1797 = vector.broadcast %mul3A_335 : vector<128x1xf32> to vector<128x128xf32>
    %add3A_1798 = vector.broadcast %reshape3A_555 : vector<1x128xf32> to vector<128x128xf32>
    %add3A_1799 = arith.addf %add3A_1797, %add3A_1798 : vector<128x128xf32>
    %sub3A_1800 = arith.subf %add3A_1799, %mul3A_1796 : vector<128x128xf32>
    %max3A_1801 = arith.constant 9.99999971E-10 : f32
    %max3A_1802 = vector.broadcast %max3A_1801 : f32 to vector<128x128xf32>
    %max3A_1803 = arith.maximumf %sub3A_1800, %max3A_1802 : vector<128x128xf32>
    %div3A_1804 = arith.divf %mul3A_1796, %max3A_1803 : vector<128x128xf32>
    %gt3A_1805 = arith.constant 3.000000e-01 : f32
    %gt3A_1806 = vector.broadcast %gt3A_1805 : f32 to vector<128x128xf32>
    %gt3A_1807 = arith.cmpf ogt, %div3A_1804, %gt3A_1806 : vector<128x128xf32>
    %iota3A_1808 = tpu.iota {dimensions = array<i32: 0>} : vector<128x128xi32>
    %iota3A_1809 = tpu.iota {dimensions = array<i32: 1>} : vector<128x128xi32>
    %lt3A_1810 = arith.cmpi slt, %iota3A_1809, %iota3A_1808 : vector<128x128xi32>
    %and3A_1811 = arith.andi %gt3A_1807, %lt3A_1810 : vector<128x128xi1>
    %convert_element_type3A_1812 = arith.extui %and3A_1811 : vector<128x128xi1> to vector<128x128xi32>
    %convert_element_type3A_1813 = arith.sitofp %convert_element_type3A_1812 : vector<128x128xi32> to vector<128x128xf32>
    %reshape3A_1814 = vector.shape_cast %convert_element_type3A_591 : vector<1024xf32> to vector<8x128xf32>
    %slice3A_1815 = vector.extract_strided_slice %reshape3A_1814 {offsets = [4, 0], sizes = [1, 128], strides = [1, 1]} : vector<8x128xf32> to vector<1x128xf32>
    %squeeze3A_1816 = vector.shape_cast %slice3A_1815 : vector<1x128xf32> to vector<128xf32>
    %eq3A_1817 = arith.constant 0.000000e+00 : f32
    %eq3A_1818 = vector.broadcast %eq3A_1817 : f32 to vector<128xf32>
    %eq3A_1819 = arith.cmpf oeq, %get3A_1775, %eq3A_1818 : vector<128xf32>
    %convert_element_type3A_1820 = arith.extui %eq3A_1819 : vector<128xi1> to vector<128xi32>
    %convert_element_type3A_1821 = arith.sitofp %convert_element_type3A_1820 : vector<128xi32> to vector<128xf32>
    %mul3A_1822 = arith.mulf %squeeze3A_1816, %convert_element_type3A_1821 : vector<128xf32>
    %sub3A_1823 = arith.constant 1.000000e+00 : f32
    %sub3A_1824 = vector.broadcast %sub3A_1823 : f32 to vector<128xf32>
    %sub3A_1825 = arith.subf %mul3A_1822, %sub3A_1824 : vector<128xf32>
    %while3A_1826:2 = scf.while (%while3A_2325 = %mul3A_1822, %while3A_2326 = %sub3A_1825) : (vector<128xf32>, vector<128xf32>) -> (vector<128xf32>, vector<128xf32>) {
      %sub3A_2327 = arith.subf %while3A_2325, %while3A_2326 : vector<128xf32>
      %abs3A = math.absf %sub3A_2327 : vector<128xf32>
      %reduce_sum3A_2328 = vector.shape_cast %abs3A : vector<128xf32> to vector<1x128xf32>
      %reduce_sum3A_2329 = arith.constant dense<0.000000e+00> : vector<1xf32>
      %reduce_sum3A_2330 = vector.multi_reduction <add>, %reduce_sum3A_2328, %reduce_sum3A_2329 [1] : vector<1x128xf32> to vector<1xf32>
      %reduce_sum3A_2331 = vector.shape_cast %reduce_sum3A_2330 : vector<1xf32> to vector<1x1xf32>
      %reduce_sum3A_2332 = vector.extract %reduce_sum3A_2331[0, 0] : f32 from vector<1x1xf32>
      %gt3A_2333 = arith.constant 0.000000e+00 : f32
      %gt3A_2334 = arith.cmpf ogt, %reduce_sum3A_2332, %gt3A_2333 : f32
      scf.condition(%gt3A_2334) %while3A_2325, %while3A_2326 : vector<128xf32>, vector<128xf32>
    } do {
    ^bb0(%while3A_2325: vector<128xf32>, %while3A_2326: vector<128xf32>):
      %reshape3A_2327 = vector.shape_cast %while3A_2325 : vector<128xf32> to vector<1x128xf32>
      %mul3A_2328 = vector.broadcast %reshape3A_2327 : vector<1x128xf32> to vector<128x128xf32>
      %mul3A_2329 = arith.mulf %convert_element_type3A_1813, %mul3A_2328 : vector<128x128xf32>
      %reduce_sum3A_2330 = arith.constant dense<0.000000e+00> : vector<128xf32>
      %reduce_sum3A_2331 = vector.multi_reduction <add>, %mul3A_2329, %reduce_sum3A_2330 [1] : vector<128x128xf32> to vector<128xf32>
      %eq3A_2332 = arith.constant 0.000000e+00 : f32
      %eq3A_2333 = vector.broadcast %eq3A_2332 : f32 to vector<128xf32>
      %eq3A_2334 = arith.cmpf oeq, %reduce_sum3A_2331, %eq3A_2333 : vector<128xf32>
      %convert_element_type3A_2335 = arith.extui %eq3A_2334 : vector<128xi1> to vector<128xi32>
      %convert_element_type3A_2336 = arith.sitofp %convert_element_type3A_2335 : vector<128xi32> to vector<128xf32>
      %mul3A_2337 = arith.mulf %mul3A_1822, %convert_element_type3A_2336 : vector<128xf32>
      scf.yield %mul3A_2337, %while3A_2325 : vector<128xf32>, vector<128xf32>
    }
    %swap3A_1827 = arith.constant 0 : index
    %swap3A_1828 = arith.constant 5 : index
    %swap3A_1829 = arith.constant 512 : index
    %swap3A_1830 = vector.load %arg3[%swap3A_1827, %swap3A_1828, %swap3A_1829] : memref<1x8x1024xf32, #tpu.memory_space<vmem>>, vector<1x1x128xf32>
    %swap3A_1831 = vector.shape_cast %swap3A_1830 : vector<1x1x128xf32> to vector<128xf32>
    %swap3A_1832 = vector.shape_cast %while3A_1826#0 : vector<128xf32> to vector<1x1x128xf32>
    tpu.vector_store %arg3[%swap3A_1827, %swap3A_1828, %swap3A_1829], %swap3A_1832 {strides = array<i32>} : memref<1x8x1024xf32, #tpu.memory_space<vmem>>, vector<1x1x128xf32>,
    %reshape3A_1833 = vector.shape_cast %while3A_1826#0 : vector<128xf32> to vector<1x128xf32>
    %max3A_1834 = vector.broadcast %reshape3A_347 : vector<128x1xf32> to vector<128x128xf32>
    %max3A_1835 = vector.broadcast %reshape3A_547 : vector<1x128xf32> to vector<128x128xf32>
    %max3A_1836 = arith.maximumf %max3A_1834, %max3A_1835 : vector<128x128xf32>
    %max3A_1837 = vector.broadcast %reshape3A_359 : vector<128x1xf32> to vector<128x128xf32>
    %max3A_1838 = vector.broadcast %reshape3A_549 : vector<1x128xf32> to vector<128x128xf32>
    %max3A_1839 = arith.maximumf %max3A_1837, %max3A_1838 : vector<128x128xf32>
    %min3A_1840 = vector.broadcast %reshape3A_371 : vector<128x1xf32> to vector<128x128xf32>
    %min3A_1841 = vector.broadcast %reshape3A_551 : vector<1x128xf32> to vector<128x128xf32>
    %min3A_1842 = arith.minimumf %min3A_1840, %min3A_1841 : vector<128x128xf32>
    %min3A_1843 = vector.broadcast %reshape3A_383 : vector<128x1xf32> to vector<128x128xf32>
    %min3A_1844 = vector.broadcast %reshape3A_553 : vector<1x128xf32> to vector<128x128xf32>
    %min3A_1845 = arith.minimumf %min3A_1843, %min3A_1844 : vector<128x128xf32>
    %sub3A_1846 = arith.subf %min3A_1842, %max3A_1836 : vector<128x128xf32>
    %max3A_1847 = arith.constant 0.000000e+00 : f32
    %max3A_1848 = vector.broadcast %max3A_1847 : f32 to vector<128x128xf32>
    %max3A_1849 = arith.maximumf %sub3A_1846, %max3A_1848 : vector<128x128xf32>
    %sub3A_1850 = arith.subf %min3A_1845, %max3A_1839 : vector<128x128xf32>
    %max3A_1851 = arith.constant 0.000000e+00 : f32
    %max3A_1852 = vector.broadcast %max3A_1851 : f32 to vector<128x128xf32>
    %max3A_1853 = arith.maximumf %sub3A_1850, %max3A_1852 : vector<128x128xf32>
    %mul3A_1854 = arith.mulf %max3A_1849, %max3A_1853 : vector<128x128xf32>
    %add3A_1855 = vector.broadcast %mul3A_392 : vector<128x1xf32> to vector<128x128xf32>
    %add3A_1856 = vector.broadcast %reshape3A_555 : vector<1x128xf32> to vector<128x128xf32>
    %add3A_1857 = arith.addf %add3A_1855, %add3A_1856 : vector<128x128xf32>
    %sub3A_1858 = arith.subf %add3A_1857, %mul3A_1854 : vector<128x128xf32>
    %max3A_1859 = arith.constant 9.99999971E-10 : f32
    %max3A_1860 = vector.broadcast %max3A_1859 : f32 to vector<128x128xf32>
    %max3A_1861 = arith.maximumf %sub3A_1858, %max3A_1860 : vector<128x128xf32>
    %div3A_1862 = arith.divf %mul3A_1854, %max3A_1861 : vector<128x128xf32>
    %gt3A_1863 = arith.constant 3.000000e-01 : f32
    %gt3A_1864 = vector.broadcast %gt3A_1863 : f32 to vector<128x128xf32>
    %gt3A_1865 = arith.cmpf ogt, %div3A_1862, %gt3A_1864 : vector<128x128xf32>
    %convert_element_type3A_1866 = arith.extui %gt3A_1865 : vector<128x128xi1> to vector<128x128xi32>
    %convert_element_type3A_1867 = arith.sitofp %convert_element_type3A_1866 : vector<128x128xi32> to vector<128x128xf32>
    %mul3A_1868 = vector.broadcast %reshape3A_1833 : vector<1x128xf32> to vector<128x128xf32>
    %mul3A_1869 = arith.mulf %convert_element_type3A_1867, %mul3A_1868 : vector<128x128xf32>
    %reduce_sum3A_1870 = arith.constant dense<0.000000e+00> : vector<128xf32>
    %reduce_sum3A_1871 = vector.multi_reduction <add>, %mul3A_1869, %reduce_sum3A_1870 [1] : vector<128x128xf32> to vector<128xf32>
    %get3A_1872 = arith.constant 640 : index
    %get3A_1873 = vector.load %arg4[%get3A_1872] : memref<1024xf32, #tpu.memory_space<vmem>>, vector<128xf32>
    %add3A_1874 = arith.addf %get3A_1873, %reduce_sum3A_1871 : vector<128xf32>
    %swap3A_1875 = arith.constant 640 : index
    %swap3A_1876 = vector.load %arg4[%swap3A_1875] : memref<1024xf32, #tpu.memory_space<vmem>>, vector<128xf32>
    tpu.vector_store %arg4[%swap3A_1875], %add3A_1874 {strides = array<i32>} : memref<1024xf32, #tpu.memory_space<vmem>>, vector<128xf32>,
    %max3A_1877 = vector.broadcast %reshape3A_404 : vector<128x1xf32> to vector<128x128xf32>
    %max3A_1878 = vector.broadcast %reshape3A_547 : vector<1x128xf32> to vector<128x128xf32>
    %max3A_1879 = arith.maximumf %max3A_1877, %max3A_1878 : vector<128x128xf32>
    %max3A_1880 = vector.broadcast %reshape3A_416 : vector<128x1xf32> to vector<128x128xf32>
    %max3A_1881 = vector.broadcast %reshape3A_549 : vector<1x128xf32> to vector<128x128xf32>
    %max3A_1882 = arith.maximumf %max3A_1880, %max3A_1881 : vector<128x128xf32>
    %min3A_1883 = vector.broadcast %reshape3A_428 : vector<128x1xf32> to vector<128x128xf32>
    %min3A_1884 = vector.broadcast %reshape3A_551 : vector<1x128xf32> to vector<128x128xf32>
    %min3A_1885 = arith.minimumf %min3A_1883, %min3A_1884 : vector<128x128xf32>
    %min3A_1886 = vector.broadcast %reshape3A_440 : vector<128x1xf32> to vector<128x128xf32>
    %min3A_1887 = vector.broadcast %reshape3A_553 : vector<1x128xf32> to vector<128x128xf32>
    %min3A_1888 = arith.minimumf %min3A_1886, %min3A_1887 : vector<128x128xf32>
    %sub3A_1889 = arith.subf %min3A_1885, %max3A_1879 : vector<128x128xf32>
    %max3A_1890 = arith.constant 0.000000e+00 : f32
    %max3A_1891 = vector.broadcast %max3A_1890 : f32 to vector<128x128xf32>
    %max3A_1892 = arith.maximumf %sub3A_1889, %max3A_1891 : vector<128x128xf32>
    %sub3A_1893 = arith.subf %min3A_1888, %max3A_1882 : vector<128x128xf32>
    %max3A_1894 = arith.constant 0.000000e+00 : f32
    %max3A_1895 = vector.broadcast %max3A_1894 : f32 to vector<128x128xf32>
    %max3A_1896 = arith.maximumf %sub3A_1893, %max3A_1895 : vector<128x128xf32>
    %mul3A_1897 = arith.mulf %max3A_1892, %max3A_1896 : vector<128x128xf32>
    %add3A_1898 = vector.broadcast %mul3A_449 : vector<128x1xf32> to vector<128x128xf32>
    %add3A_1899 = vector.broadcast %reshape3A_555 : vector<1x128xf32> to vector<128x128xf32>
    %add3A_1900 = arith.addf %add3A_1898, %add3A_1899 : vector<128x128xf32>
    %sub3A_1901 = arith.subf %add3A_1900, %mul3A_1897 : vector<128x128xf32>
    %max3A_1902 = arith.constant 9.99999971E-10 : f32
    %max3A_1903 = vector.broadcast %max3A_1902 : f32 to vector<128x128xf32>
    %max3A_1904 = arith.maximumf %sub3A_1901, %max3A_1903 : vector<128x128xf32>
    %div3A_1905 = arith.divf %mul3A_1897, %max3A_1904 : vector<128x128xf32>
    %gt3A_1906 = arith.constant 3.000000e-01 : f32
    %gt3A_1907 = vector.broadcast %gt3A_1906 : f32 to vector<128x128xf32>
    %gt3A_1908 = arith.cmpf ogt, %div3A_1905, %gt3A_1907 : vector<128x128xf32>
    %convert_element_type3A_1909 = arith.extui %gt3A_1908 : vector<128x128xi1> to vector<128x128xi32>
    %convert_element_type3A_1910 = arith.sitofp %convert_element_type3A_1909 : vector<128x128xi32> to vector<128x128xf32>
    %mul3A_1911 = vector.broadcast %reshape3A_1833 : vector<1x128xf32> to vector<128x128xf32>
    %mul3A_1912 = arith.mulf %convert_element_type3A_1910, %mul3A_1911 : vector<128x128xf32>
    %reduce_sum3A_1913 = arith.constant dense<0.000000e+00> : vector<128xf32>
    %reduce_sum3A_1914 = vector.multi_reduction <add>, %mul3A_1912, %reduce_sum3A_1913 [1] : vector<128x128xf32> to vector<128xf32>
    %get3A_1915 = arith.constant 768 : index
    %get3A_1916 = vector.load %arg4[%get3A_1915] : memref<1024xf32, #tpu.memory_space<vmem>>, vector<128xf32>
    %add3A_1917 = arith.addf %get3A_1916, %reduce_sum3A_1914 : vector<128xf32>
    %swap3A_1918 = arith.constant 768 : index
    %swap3A_1919 = vector.load %arg4[%swap3A_1918] : memref<1024xf32, #tpu.memory_space<vmem>>, vector<128xf32>
    tpu.vector_store %arg4[%swap3A_1918], %add3A_1917 {strides = array<i32>} : memref<1024xf32, #tpu.memory_space<vmem>>, vector<128xf32>,
    %max3A_1920 = vector.broadcast %reshape3A_461 : vector<128x1xf32> to vector<128x128xf32>
    %max3A_1921 = vector.broadcast %reshape3A_547 : vector<1x128xf32> to vector<128x128xf32>
    %max3A_1922 = arith.maximumf %max3A_1920, %max3A_1921 : vector<128x128xf32>
    %max3A_1923 = vector.broadcast %reshape3A_473 : vector<128x1xf32> to vector<128x128xf32>
    %max3A_1924 = vector.broadcast %reshape3A_549 : vector<1x128xf32> to vector<128x128xf32>
    %max3A_1925 = arith.maximumf %max3A_1923, %max3A_1924 : vector<128x128xf32>
    %min3A_1926 = vector.broadcast %reshape3A_485 : vector<128x1xf32> to vector<128x128xf32>
    %min3A_1927 = vector.broadcast %reshape3A_551 : vector<1x128xf32> to vector<128x128xf32>
    %min3A_1928 = arith.minimumf %min3A_1926, %min3A_1927 : vector<128x128xf32>
    %min3A_1929 = vector.broadcast %reshape3A_497 : vector<128x1xf32> to vector<128x128xf32>
    %min3A_1930 = vector.broadcast %reshape3A_553 : vector<1x128xf32> to vector<128x128xf32>
    %min3A_1931 = arith.minimumf %min3A_1929, %min3A_1930 : vector<128x128xf32>
    %sub3A_1932 = arith.subf %min3A_1928, %max3A_1922 : vector<128x128xf32>
    %max3A_1933 = arith.constant 0.000000e+00 : f32
    %max3A_1934 = vector.broadcast %max3A_1933 : f32 to vector<128x128xf32>
    %max3A_1935 = arith.maximumf %sub3A_1932, %max3A_1934 : vector<128x128xf32>
    %sub3A_1936 = arith.subf %min3A_1931, %max3A_1925 : vector<128x128xf32>
    %max3A_1937 = arith.constant 0.000000e+00 : f32
    %max3A_1938 = vector.broadcast %max3A_1937 : f32 to vector<128x128xf32>
    %max3A_1939 = arith.maximumf %sub3A_1936, %max3A_1938 : vector<128x128xf32>
    %mul3A_1940 = arith.mulf %max3A_1935, %max3A_1939 : vector<128x128xf32>
    %add3A_1941 = vector.broadcast %mul3A_506 : vector<128x1xf32> to vector<128x128xf32>
    %add3A_1942 = vector.broadcast %reshape3A_555 : vector<1x128xf32> to vector<128x128xf32>
    %add3A_1943 = arith.addf %add3A_1941, %add3A_1942 : vector<128x128xf32>
    %sub3A_1944 = arith.subf %add3A_1943, %mul3A_1940 : vector<128x128xf32>
    %max3A_1945 = arith.constant 9.99999971E-10 : f32
    %max3A_1946 = vector.broadcast %max3A_1945 : f32 to vector<128x128xf32>
    %max3A_1947 = arith.maximumf %sub3A_1944, %max3A_1946 : vector<128x128xf32>
    %div3A_1948 = arith.divf %mul3A_1940, %max3A_1947 : vector<128x128xf32>
    %gt3A_1949 = arith.constant 3.000000e-01 : f32
    %gt3A_1950 = vector.broadcast %gt3A_1949 : f32 to vector<128x128xf32>
    %gt3A_1951 = arith.cmpf ogt, %div3A_1948, %gt3A_1950 : vector<128x128xf32>
    %convert_element_type3A_1952 = arith.extui %gt3A_1951 : vector<128x128xi1> to vector<128x128xi32>
    %convert_element_type3A_1953 = arith.sitofp %convert_element_type3A_1952 : vector<128x128xi32> to vector<128x128xf32>
    %mul3A_1954 = vector.broadcast %reshape3A_1833 : vector<1x128xf32> to vector<128x128xf32>
    %mul3A_1955 = arith.mulf %convert_element_type3A_1953, %mul3A_1954 : vector<128x128xf32>
    %reduce_sum3A_1956 = arith.constant dense<0.000000e+00> : vector<128xf32>
    %reduce_sum3A_1957 = vector.multi_reduction <add>, %mul3A_1955, %reduce_sum3A_1956 [1] : vector<128x128xf32> to vector<128xf32>
    %get3A_1958 = arith.constant 896 : index
    %get3A_1959 = vector.load %arg4[%get3A_1958] : memref<1024xf32, #tpu.memory_space<vmem>>, vector<128xf32>
    %add3A_1960 = arith.addf %get3A_1959, %reduce_sum3A_1957 : vector<128xf32>
    %swap3A_1961 = arith.constant 896 : index
    %swap3A_1962 = vector.load %arg4[%swap3A_1961] : memref<1024xf32, #tpu.memory_space<vmem>>, vector<128xf32>
    tpu.vector_store %arg4[%swap3A_1961], %add3A_1960 {strides = array<i32>} : memref<1024xf32, #tpu.memory_space<vmem>>, vector<128xf32>,
    %get3A_1963 = arith.constant 640 : index
    %get3A_1964 = vector.load %arg4[%get3A_1963] : memref<1024xf32, #tpu.memory_space<vmem>>, vector<128xf32>
    %max3A_1965 = vector.broadcast %reshape3A_347 : vector<128x1xf32> to vector<128x128xf32>
    %max3A_1966 = vector.broadcast %reshape3A_557 : vector<1x128xf32> to vector<128x128xf32>
    %max3A_1967 = arith.maximumf %max3A_1965, %max3A_1966 : vector<128x128xf32>
    %max3A_1968 = vector.broadcast %reshape3A_359 : vector<128x1xf32> to vector<128x128xf32>
    %max3A_1969 = vector.broadcast %reshape3A_559 : vector<1x128xf32> to vector<128x128xf32>
    %max3A_1970 = arith.maximumf %max3A_1968, %max3A_1969 : vector<128x128xf32>
    %min3A_1971 = vector.broadcast %reshape3A_371 : vector<128x1xf32> to vector<128x128xf32>
    %min3A_1972 = vector.broadcast %reshape3A_561 : vector<1x128xf32> to vector<128x128xf32>
    %min3A_1973 = arith.minimumf %min3A_1971, %min3A_1972 : vector<128x128xf32>
    %min3A_1974 = vector.broadcast %reshape3A_383 : vector<128x1xf32> to vector<128x128xf32>
    %min3A_1975 = vector.broadcast %reshape3A_563 : vector<1x128xf32> to vector<128x128xf32>
    %min3A_1976 = arith.minimumf %min3A_1974, %min3A_1975 : vector<128x128xf32>
    %sub3A_1977 = arith.subf %min3A_1973, %max3A_1967 : vector<128x128xf32>
    %max3A_1978 = arith.constant 0.000000e+00 : f32
    %max3A_1979 = vector.broadcast %max3A_1978 : f32 to vector<128x128xf32>
    %max3A_1980 = arith.maximumf %sub3A_1977, %max3A_1979 : vector<128x128xf32>
    %sub3A_1981 = arith.subf %min3A_1976, %max3A_1970 : vector<128x128xf32>
    %max3A_1982 = arith.constant 0.000000e+00 : f32
    %max3A_1983 = vector.broadcast %max3A_1982 : f32 to vector<128x128xf32>
    %max3A_1984 = arith.maximumf %sub3A_1981, %max3A_1983 : vector<128x128xf32>
    %mul3A_1985 = arith.mulf %max3A_1980, %max3A_1984 : vector<128x128xf32>
    %add3A_1986 = vector.broadcast %mul3A_392 : vector<128x1xf32> to vector<128x128xf32>
    %add3A_1987 = vector.broadcast %reshape3A_565 : vector<1x128xf32> to vector<128x128xf32>
    %add3A_1988 = arith.addf %add3A_1986, %add3A_1987 : vector<128x128xf32>
    %sub3A_1989 = arith.subf %add3A_1988, %mul3A_1985 : vector<128x128xf32>
    %max3A_1990 = arith.constant 9.99999971E-10 : f32
    %max3A_1991 = vector.broadcast %max3A_1990 : f32 to vector<128x128xf32>
    %max3A_1992 = arith.maximumf %sub3A_1989, %max3A_1991 : vector<128x128xf32>
    %div3A_1993 = arith.divf %mul3A_1985, %max3A_1992 : vector<128x128xf32>
    %gt3A_1994 = arith.constant 3.000000e-01 : f32
    %gt3A_1995 = vector.broadcast %gt3A_1994 : f32 to vector<128x128xf32>
    %gt3A_1996 = arith.cmpf ogt, %div3A_1993, %gt3A_1995 : vector<128x128xf32>
    %iota3A_1997 = tpu.iota {dimensions = array<i32: 0>} : vector<128x128xi32>
    %iota3A_1998 = tpu.iota {dimensions = array<i32: 1>} : vector<128x128xi32>
    %lt3A_1999 = arith.cmpi slt, %iota3A_1998, %iota3A_1997 : vector<128x128xi32>
    %and3A_2000 = arith.andi %gt3A_1996, %lt3A_1999 : vector<128x128xi1>
    %convert_element_type3A_2001 = arith.extui %and3A_2000 : vector<128x128xi1> to vector<128x128xi32>
    %convert_element_type3A_2002 = arith.sitofp %convert_element_type3A_2001 : vector<128x128xi32> to vector<128x128xf32>
    %reshape3A_2003 = vector.shape_cast %convert_element_type3A_591 : vector<1024xf32> to vector<8x128xf32>
    %slice3A_2004 = vector.extract_strided_slice %reshape3A_2003 {offsets = [5, 0], sizes = [1, 128], strides = [1, 1]} : vector<8x128xf32> to vector<1x128xf32>
    %squeeze3A_2005 = vector.shape_cast %slice3A_2004 : vector<1x128xf32> to vector<128xf32>
    %eq3A_2006 = arith.constant 0.000000e+00 : f32
    %eq3A_2007 = vector.broadcast %eq3A_2006 : f32 to vector<128xf32>
    %eq3A_2008 = arith.cmpf oeq, %get3A_1964, %eq3A_2007 : vector<128xf32>
    %convert_element_type3A_2009 = arith.extui %eq3A_2008 : vector<128xi1> to vector<128xi32>
    %convert_element_type3A_2010 = arith.sitofp %convert_element_type3A_2009 : vector<128xi32> to vector<128xf32>
    %mul3A_2011 = arith.mulf %squeeze3A_2005, %convert_element_type3A_2010 : vector<128xf32>
    %sub3A_2012 = arith.constant 1.000000e+00 : f32
    %sub3A_2013 = vector.broadcast %sub3A_2012 : f32 to vector<128xf32>
    %sub3A_2014 = arith.subf %mul3A_2011, %sub3A_2013 : vector<128xf32>
    %while3A_2015:2 = scf.while (%while3A_2325 = %mul3A_2011, %while3A_2326 = %sub3A_2014) : (vector<128xf32>, vector<128xf32>) -> (vector<128xf32>, vector<128xf32>) {
      %sub3A_2327 = arith.subf %while3A_2325, %while3A_2326 : vector<128xf32>
      %abs3A = math.absf %sub3A_2327 : vector<128xf32>
      %reduce_sum3A_2328 = vector.shape_cast %abs3A : vector<128xf32> to vector<1x128xf32>
      %reduce_sum3A_2329 = arith.constant dense<0.000000e+00> : vector<1xf32>
      %reduce_sum3A_2330 = vector.multi_reduction <add>, %reduce_sum3A_2328, %reduce_sum3A_2329 [1] : vector<1x128xf32> to vector<1xf32>
      %reduce_sum3A_2331 = vector.shape_cast %reduce_sum3A_2330 : vector<1xf32> to vector<1x1xf32>
      %reduce_sum3A_2332 = vector.extract %reduce_sum3A_2331[0, 0] : f32 from vector<1x1xf32>
      %gt3A_2333 = arith.constant 0.000000e+00 : f32
      %gt3A_2334 = arith.cmpf ogt, %reduce_sum3A_2332, %gt3A_2333 : f32
      scf.condition(%gt3A_2334) %while3A_2325, %while3A_2326 : vector<128xf32>, vector<128xf32>
    } do {
    ^bb0(%while3A_2325: vector<128xf32>, %while3A_2326: vector<128xf32>):
      %reshape3A_2327 = vector.shape_cast %while3A_2325 : vector<128xf32> to vector<1x128xf32>
      %mul3A_2328 = vector.broadcast %reshape3A_2327 : vector<1x128xf32> to vector<128x128xf32>
      %mul3A_2329 = arith.mulf %convert_element_type3A_2002, %mul3A_2328 : vector<128x128xf32>
      %reduce_sum3A_2330 = arith.constant dense<0.000000e+00> : vector<128xf32>
      %reduce_sum3A_2331 = vector.multi_reduction <add>, %mul3A_2329, %reduce_sum3A_2330 [1] : vector<128x128xf32> to vector<128xf32>
      %eq3A_2332 = arith.constant 0.000000e+00 : f32
      %eq3A_2333 = vector.broadcast %eq3A_2332 : f32 to vector<128xf32>
      %eq3A_2334 = arith.cmpf oeq, %reduce_sum3A_2331, %eq3A_2333 : vector<128xf32>
      %convert_element_type3A_2335 = arith.extui %eq3A_2334 : vector<128xi1> to vector<128xi32>
      %convert_element_type3A_2336 = arith.sitofp %convert_element_type3A_2335 : vector<128xi32> to vector<128xf32>
      %mul3A_2337 = arith.mulf %mul3A_2011, %convert_element_type3A_2336 : vector<128xf32>
      scf.yield %mul3A_2337, %while3A_2325 : vector<128xf32>, vector<128xf32>
    }
    %swap3A_2016 = arith.constant 0 : index
    %swap3A_2017 = arith.constant 5 : index
    %swap3A_2018 = arith.constant 640 : index
    %swap3A_2019 = vector.load %arg3[%swap3A_2016, %swap3A_2017, %swap3A_2018] : memref<1x8x1024xf32, #tpu.memory_space<vmem>>, vector<1x1x128xf32>
    %swap3A_2020 = vector.shape_cast %swap3A_2019 : vector<1x1x128xf32> to vector<128xf32>
    %swap3A_2021 = vector.shape_cast %while3A_2015#0 : vector<128xf32> to vector<1x1x128xf32>
    tpu.vector_store %arg3[%swap3A_2016, %swap3A_2017, %swap3A_2018], %swap3A_2021 {strides = array<i32>} : memref<1x8x1024xf32, #tpu.memory_space<vmem>>, vector<1x1x128xf32>,
    %reshape3A_2022 = vector.shape_cast %while3A_2015#0 : vector<128xf32> to vector<1x128xf32>
    %max3A_2023 = vector.broadcast %reshape3A_404 : vector<128x1xf32> to vector<128x128xf32>
    %max3A_2024 = vector.broadcast %reshape3A_557 : vector<1x128xf32> to vector<128x128xf32>
    %max3A_2025 = arith.maximumf %max3A_2023, %max3A_2024 : vector<128x128xf32>
    %max3A_2026 = vector.broadcast %reshape3A_416 : vector<128x1xf32> to vector<128x128xf32>
    %max3A_2027 = vector.broadcast %reshape3A_559 : vector<1x128xf32> to vector<128x128xf32>
    %max3A_2028 = arith.maximumf %max3A_2026, %max3A_2027 : vector<128x128xf32>
    %min3A_2029 = vector.broadcast %reshape3A_428 : vector<128x1xf32> to vector<128x128xf32>
    %min3A_2030 = vector.broadcast %reshape3A_561 : vector<1x128xf32> to vector<128x128xf32>
    %min3A_2031 = arith.minimumf %min3A_2029, %min3A_2030 : vector<128x128xf32>
    %min3A_2032 = vector.broadcast %reshape3A_440 : vector<128x1xf32> to vector<128x128xf32>
    %min3A_2033 = vector.broadcast %reshape3A_563 : vector<1x128xf32> to vector<128x128xf32>
    %min3A_2034 = arith.minimumf %min3A_2032, %min3A_2033 : vector<128x128xf32>
    %sub3A_2035 = arith.subf %min3A_2031, %max3A_2025 : vector<128x128xf32>
    %max3A_2036 = arith.constant 0.000000e+00 : f32
    %max3A_2037 = vector.broadcast %max3A_2036 : f32 to vector<128x128xf32>
    %max3A_2038 = arith.maximumf %sub3A_2035, %max3A_2037 : vector<128x128xf32>
    %sub3A_2039 = arith.subf %min3A_2034, %max3A_2028 : vector<128x128xf32>
    %max3A_2040 = arith.constant 0.000000e+00 : f32
    %max3A_2041 = vector.broadcast %max3A_2040 : f32 to vector<128x128xf32>
    %max3A_2042 = arith.maximumf %sub3A_2039, %max3A_2041 : vector<128x128xf32>
    %mul3A_2043 = arith.mulf %max3A_2038, %max3A_2042 : vector<128x128xf32>
    %add3A_2044 = vector.broadcast %mul3A_449 : vector<128x1xf32> to vector<128x128xf32>
    %add3A_2045 = vector.broadcast %reshape3A_565 : vector<1x128xf32> to vector<128x128xf32>
    %add3A_2046 = arith.addf %add3A_2044, %add3A_2045 : vector<128x128xf32>
    %sub3A_2047 = arith.subf %add3A_2046, %mul3A_2043 : vector<128x128xf32>
    %max3A_2048 = arith.constant 9.99999971E-10 : f32
    %max3A_2049 = vector.broadcast %max3A_2048 : f32 to vector<128x128xf32>
    %max3A_2050 = arith.maximumf %sub3A_2047, %max3A_2049 : vector<128x128xf32>
    %div3A_2051 = arith.divf %mul3A_2043, %max3A_2050 : vector<128x128xf32>
    %gt3A_2052 = arith.constant 3.000000e-01 : f32
    %gt3A_2053 = vector.broadcast %gt3A_2052 : f32 to vector<128x128xf32>
    %gt3A_2054 = arith.cmpf ogt, %div3A_2051, %gt3A_2053 : vector<128x128xf32>
    %convert_element_type3A_2055 = arith.extui %gt3A_2054 : vector<128x128xi1> to vector<128x128xi32>
    %convert_element_type3A_2056 = arith.sitofp %convert_element_type3A_2055 : vector<128x128xi32> to vector<128x128xf32>
    %mul3A_2057 = vector.broadcast %reshape3A_2022 : vector<1x128xf32> to vector<128x128xf32>
    %mul3A_2058 = arith.mulf %convert_element_type3A_2056, %mul3A_2057 : vector<128x128xf32>
    %reduce_sum3A_2059 = arith.constant dense<0.000000e+00> : vector<128xf32>
    %reduce_sum3A_2060 = vector.multi_reduction <add>, %mul3A_2058, %reduce_sum3A_2059 [1] : vector<128x128xf32> to vector<128xf32>
    %get3A_2061 = arith.constant 768 : index
    %get3A_2062 = vector.load %arg4[%get3A_2061] : memref<1024xf32, #tpu.memory_space<vmem>>, vector<128xf32>
    %add3A_2063 = arith.addf %get3A_2062, %reduce_sum3A_2060 : vector<128xf32>
    %swap3A_2064 = arith.constant 768 : index
    %swap3A_2065 = vector.load %arg4[%swap3A_2064] : memref<1024xf32, #tpu.memory_space<vmem>>, vector<128xf32>
    tpu.vector_store %arg4[%swap3A_2064], %add3A_2063 {strides = array<i32>} : memref<1024xf32, #tpu.memory_space<vmem>>, vector<128xf32>,
    %max3A_2066 = vector.broadcast %reshape3A_461 : vector<128x1xf32> to vector<128x128xf32>
    %max3A_2067 = vector.broadcast %reshape3A_557 : vector<1x128xf32> to vector<128x128xf32>
    %max3A_2068 = arith.maximumf %max3A_2066, %max3A_2067 : vector<128x128xf32>
    %max3A_2069 = vector.broadcast %reshape3A_473 : vector<128x1xf32> to vector<128x128xf32>
    %max3A_2070 = vector.broadcast %reshape3A_559 : vector<1x128xf32> to vector<128x128xf32>
    %max3A_2071 = arith.maximumf %max3A_2069, %max3A_2070 : vector<128x128xf32>
    %min3A_2072 = vector.broadcast %reshape3A_485 : vector<128x1xf32> to vector<128x128xf32>
    %min3A_2073 = vector.broadcast %reshape3A_561 : vector<1x128xf32> to vector<128x128xf32>
    %min3A_2074 = arith.minimumf %min3A_2072, %min3A_2073 : vector<128x128xf32>
    %min3A_2075 = vector.broadcast %reshape3A_497 : vector<128x1xf32> to vector<128x128xf32>
    %min3A_2076 = vector.broadcast %reshape3A_563 : vector<1x128xf32> to vector<128x128xf32>
    %min3A_2077 = arith.minimumf %min3A_2075, %min3A_2076 : vector<128x128xf32>
    %sub3A_2078 = arith.subf %min3A_2074, %max3A_2068 : vector<128x128xf32>
    %max3A_2079 = arith.constant 0.000000e+00 : f32
    %max3A_2080 = vector.broadcast %max3A_2079 : f32 to vector<128x128xf32>
    %max3A_2081 = arith.maximumf %sub3A_2078, %max3A_2080 : vector<128x128xf32>
    %sub3A_2082 = arith.subf %min3A_2077, %max3A_2071 : vector<128x128xf32>
    %max3A_2083 = arith.constant 0.000000e+00 : f32
    %max3A_2084 = vector.broadcast %max3A_2083 : f32 to vector<128x128xf32>
    %max3A_2085 = arith.maximumf %sub3A_2082, %max3A_2084 : vector<128x128xf32>
    %mul3A_2086 = arith.mulf %max3A_2081, %max3A_2085 : vector<128x128xf32>
    %add3A_2087 = vector.broadcast %mul3A_506 : vector<128x1xf32> to vector<128x128xf32>
    %add3A_2088 = vector.broadcast %reshape3A_565 : vector<1x128xf32> to vector<128x128xf32>
    %add3A_2089 = arith.addf %add3A_2087, %add3A_2088 : vector<128x128xf32>
    %sub3A_2090 = arith.subf %add3A_2089, %mul3A_2086 : vector<128x128xf32>
    %max3A_2091 = arith.constant 9.99999971E-10 : f32
    %max3A_2092 = vector.broadcast %max3A_2091 : f32 to vector<128x128xf32>
    %max3A_2093 = arith.maximumf %sub3A_2090, %max3A_2092 : vector<128x128xf32>
    %div3A_2094 = arith.divf %mul3A_2086, %max3A_2093 : vector<128x128xf32>
    %gt3A_2095 = arith.constant 3.000000e-01 : f32
    %gt3A_2096 = vector.broadcast %gt3A_2095 : f32 to vector<128x128xf32>
    %gt3A_2097 = arith.cmpf ogt, %div3A_2094, %gt3A_2096 : vector<128x128xf32>
    %convert_element_type3A_2098 = arith.extui %gt3A_2097 : vector<128x128xi1> to vector<128x128xi32>
    %convert_element_type3A_2099 = arith.sitofp %convert_element_type3A_2098 : vector<128x128xi32> to vector<128x128xf32>
    %mul3A_2100 = vector.broadcast %reshape3A_2022 : vector<1x128xf32> to vector<128x128xf32>
    %mul3A_2101 = arith.mulf %convert_element_type3A_2099, %mul3A_2100 : vector<128x128xf32>
    %reduce_sum3A_2102 = arith.constant dense<0.000000e+00> : vector<128xf32>
    %reduce_sum3A_2103 = vector.multi_reduction <add>, %mul3A_2101, %reduce_sum3A_2102 [1] : vector<128x128xf32> to vector<128xf32>
    %get3A_2104 = arith.constant 896 : index
    %get3A_2105 = vector.load %arg4[%get3A_2104] : memref<1024xf32, #tpu.memory_space<vmem>>, vector<128xf32>
    %add3A_2106 = arith.addf %get3A_2105, %reduce_sum3A_2103 : vector<128xf32>
    %swap3A_2107 = arith.constant 896 : index
    %swap3A_2108 = vector.load %arg4[%swap3A_2107] : memref<1024xf32, #tpu.memory_space<vmem>>, vector<128xf32>
    tpu.vector_store %arg4[%swap3A_2107], %add3A_2106 {strides = array<i32>} : memref<1024xf32, #tpu.memory_space<vmem>>, vector<128xf32>,
    %get3A_2109 = arith.constant 768 : index
    %get3A_2110 = vector.load %arg4[%get3A_2109] : memref<1024xf32, #tpu.memory_space<vmem>>, vector<128xf32>
    %max3A_2111 = vector.broadcast %reshape3A_404 : vector<128x1xf32> to vector<128x128xf32>
    %max3A_2112 = vector.broadcast %reshape3A_567 : vector<1x128xf32> to vector<128x128xf32>
    %max3A_2113 = arith.maximumf %max3A_2111, %max3A_2112 : vector<128x128xf32>
    %max3A_2114 = vector.broadcast %reshape3A_416 : vector<128x1xf32> to vector<128x128xf32>
    %max3A_2115 = vector.broadcast %reshape3A_569 : vector<1x128xf32> to vector<128x128xf32>
    %max3A_2116 = arith.maximumf %max3A_2114, %max3A_2115 : vector<128x128xf32>
    %min3A_2117 = vector.broadcast %reshape3A_428 : vector<128x1xf32> to vector<128x128xf32>
    %min3A_2118 = vector.broadcast %reshape3A_571 : vector<1x128xf32> to vector<128x128xf32>
    %min3A_2119 = arith.minimumf %min3A_2117, %min3A_2118 : vector<128x128xf32>
    %min3A_2120 = vector.broadcast %reshape3A_440 : vector<128x1xf32> to vector<128x128xf32>
    %min3A_2121 = vector.broadcast %reshape3A_573 : vector<1x128xf32> to vector<128x128xf32>
    %min3A_2122 = arith.minimumf %min3A_2120, %min3A_2121 : vector<128x128xf32>
    %sub3A_2123 = arith.subf %min3A_2119, %max3A_2113 : vector<128x128xf32>
    %max3A_2124 = arith.constant 0.000000e+00 : f32
    %max3A_2125 = vector.broadcast %max3A_2124 : f32 to vector<128x128xf32>
    %max3A_2126 = arith.maximumf %sub3A_2123, %max3A_2125 : vector<128x128xf32>
    %sub3A_2127 = arith.subf %min3A_2122, %max3A_2116 : vector<128x128xf32>
    %max3A_2128 = arith.constant 0.000000e+00 : f32
    %max3A_2129 = vector.broadcast %max3A_2128 : f32 to vector<128x128xf32>
    %max3A_2130 = arith.maximumf %sub3A_2127, %max3A_2129 : vector<128x128xf32>
    %mul3A_2131 = arith.mulf %max3A_2126, %max3A_2130 : vector<128x128xf32>
    %add3A_2132 = vector.broadcast %mul3A_449 : vector<128x1xf32> to vector<128x128xf32>
    %add3A_2133 = vector.broadcast %reshape3A_575 : vector<1x128xf32> to vector<128x128xf32>
    %add3A_2134 = arith.addf %add3A_2132, %add3A_2133 : vector<128x128xf32>
    %sub3A_2135 = arith.subf %add3A_2134, %mul3A_2131 : vector<128x128xf32>
    %max3A_2136 = arith.constant 9.99999971E-10 : f32
    %max3A_2137 = vector.broadcast %max3A_2136 : f32 to vector<128x128xf32>
    %max3A_2138 = arith.maximumf %sub3A_2135, %max3A_2137 : vector<128x128xf32>
    %div3A_2139 = arith.divf %mul3A_2131, %max3A_2138 : vector<128x128xf32>
    %gt3A_2140 = arith.constant 3.000000e-01 : f32
    %gt3A_2141 = vector.broadcast %gt3A_2140 : f32 to vector<128x128xf32>
    %gt3A_2142 = arith.cmpf ogt, %div3A_2139, %gt3A_2141 : vector<128x128xf32>
    %iota3A_2143 = tpu.iota {dimensions = array<i32: 0>} : vector<128x128xi32>
    %iota3A_2144 = tpu.iota {dimensions = array<i32: 1>} : vector<128x128xi32>
    %lt3A_2145 = arith.cmpi slt, %iota3A_2144, %iota3A_2143 : vector<128x128xi32>
    %and3A_2146 = arith.andi %gt3A_2142, %lt3A_2145 : vector<128x128xi1>
    %convert_element_type3A_2147 = arith.extui %and3A_2146 : vector<128x128xi1> to vector<128x128xi32>
    %convert_element_type3A_2148 = arith.sitofp %convert_element_type3A_2147 : vector<128x128xi32> to vector<128x128xf32>
    %reshape3A_2149 = vector.shape_cast %convert_element_type3A_591 : vector<1024xf32> to vector<8x128xf32>
    %slice3A_2150 = vector.extract_strided_slice %reshape3A_2149 {offsets = [6, 0], sizes = [1, 128], strides = [1, 1]} : vector<8x128xf32> to vector<1x128xf32>
    %squeeze3A_2151 = vector.shape_cast %slice3A_2150 : vector<1x128xf32> to vector<128xf32>
    %eq3A_2152 = arith.constant 0.000000e+00 : f32
    %eq3A_2153 = vector.broadcast %eq3A_2152 : f32 to vector<128xf32>
    %eq3A_2154 = arith.cmpf oeq, %get3A_2110, %eq3A_2153 : vector<128xf32>
    %convert_element_type3A_2155 = arith.extui %eq3A_2154 : vector<128xi1> to vector<128xi32>
    %convert_element_type3A_2156 = arith.sitofp %convert_element_type3A_2155 : vector<128xi32> to vector<128xf32>
    %mul3A_2157 = arith.mulf %squeeze3A_2151, %convert_element_type3A_2156 : vector<128xf32>
    %sub3A_2158 = arith.constant 1.000000e+00 : f32
    %sub3A_2159 = vector.broadcast %sub3A_2158 : f32 to vector<128xf32>
    %sub3A_2160 = arith.subf %mul3A_2157, %sub3A_2159 : vector<128xf32>
    %while3A_2161:2 = scf.while (%while3A_2325 = %mul3A_2157, %while3A_2326 = %sub3A_2160) : (vector<128xf32>, vector<128xf32>) -> (vector<128xf32>, vector<128xf32>) {
      %sub3A_2327 = arith.subf %while3A_2325, %while3A_2326 : vector<128xf32>
      %abs3A = math.absf %sub3A_2327 : vector<128xf32>
      %reduce_sum3A_2328 = vector.shape_cast %abs3A : vector<128xf32> to vector<1x128xf32>
      %reduce_sum3A_2329 = arith.constant dense<0.000000e+00> : vector<1xf32>
      %reduce_sum3A_2330 = vector.multi_reduction <add>, %reduce_sum3A_2328, %reduce_sum3A_2329 [1] : vector<1x128xf32> to vector<1xf32>
      %reduce_sum3A_2331 = vector.shape_cast %reduce_sum3A_2330 : vector<1xf32> to vector<1x1xf32>
      %reduce_sum3A_2332 = vector.extract %reduce_sum3A_2331[0, 0] : f32 from vector<1x1xf32>
      %gt3A_2333 = arith.constant 0.000000e+00 : f32
      %gt3A_2334 = arith.cmpf ogt, %reduce_sum3A_2332, %gt3A_2333 : f32
      scf.condition(%gt3A_2334) %while3A_2325, %while3A_2326 : vector<128xf32>, vector<128xf32>
    } do {
    ^bb0(%while3A_2325: vector<128xf32>, %while3A_2326: vector<128xf32>):
      %reshape3A_2327 = vector.shape_cast %while3A_2325 : vector<128xf32> to vector<1x128xf32>
      %mul3A_2328 = vector.broadcast %reshape3A_2327 : vector<1x128xf32> to vector<128x128xf32>
      %mul3A_2329 = arith.mulf %convert_element_type3A_2148, %mul3A_2328 : vector<128x128xf32>
      %reduce_sum3A_2330 = arith.constant dense<0.000000e+00> : vector<128xf32>
      %reduce_sum3A_2331 = vector.multi_reduction <add>, %mul3A_2329, %reduce_sum3A_2330 [1] : vector<128x128xf32> to vector<128xf32>
      %eq3A_2332 = arith.constant 0.000000e+00 : f32
      %eq3A_2333 = vector.broadcast %eq3A_2332 : f32 to vector<128xf32>
      %eq3A_2334 = arith.cmpf oeq, %reduce_sum3A_2331, %eq3A_2333 : vector<128xf32>
      %convert_element_type3A_2335 = arith.extui %eq3A_2334 : vector<128xi1> to vector<128xi32>
      %convert_element_type3A_2336 = arith.sitofp %convert_element_type3A_2335 : vector<128xi32> to vector<128xf32>
      %mul3A_2337 = arith.mulf %mul3A_2157, %convert_element_type3A_2336 : vector<128xf32>
      scf.yield %mul3A_2337, %while3A_2325 : vector<128xf32>, vector<128xf32>
    }
    %swap3A_2162 = arith.constant 0 : index
    %swap3A_2163 = arith.constant 5 : index
    %swap3A_2164 = arith.constant 768 : index
    %swap3A_2165 = vector.load %arg3[%swap3A_2162, %swap3A_2163, %swap3A_2164] : memref<1x8x1024xf32, #tpu.memory_space<vmem>>, vector<1x1x128xf32>
    %swap3A_2166 = vector.shape_cast %swap3A_2165 : vector<1x1x128xf32> to vector<128xf32>
    %swap3A_2167 = vector.shape_cast %while3A_2161#0 : vector<128xf32> to vector<1x1x128xf32>
    tpu.vector_store %arg3[%swap3A_2162, %swap3A_2163, %swap3A_2164], %swap3A_2167 {strides = array<i32>} : memref<1x8x1024xf32, #tpu.memory_space<vmem>>, vector<1x1x128xf32>,
    %reshape3A_2168 = vector.shape_cast %while3A_2161#0 : vector<128xf32> to vector<1x128xf32>
    %max3A_2169 = vector.broadcast %reshape3A_461 : vector<128x1xf32> to vector<128x128xf32>
    %max3A_2170 = vector.broadcast %reshape3A_567 : vector<1x128xf32> to vector<128x128xf32>
    %max3A_2171 = arith.maximumf %max3A_2169, %max3A_2170 : vector<128x128xf32>
    %max3A_2172 = vector.broadcast %reshape3A_473 : vector<128x1xf32> to vector<128x128xf32>
    %max3A_2173 = vector.broadcast %reshape3A_569 : vector<1x128xf32> to vector<128x128xf32>
    %max3A_2174 = arith.maximumf %max3A_2172, %max3A_2173 : vector<128x128xf32>
    %min3A_2175 = vector.broadcast %reshape3A_485 : vector<128x1xf32> to vector<128x128xf32>
    %min3A_2176 = vector.broadcast %reshape3A_571 : vector<1x128xf32> to vector<128x128xf32>
    %min3A_2177 = arith.minimumf %min3A_2175, %min3A_2176 : vector<128x128xf32>
    %min3A_2178 = vector.broadcast %reshape3A_497 : vector<128x1xf32> to vector<128x128xf32>
    %min3A_2179 = vector.broadcast %reshape3A_573 : vector<1x128xf32> to vector<128x128xf32>
    %min3A_2180 = arith.minimumf %min3A_2178, %min3A_2179 : vector<128x128xf32>
    %sub3A_2181 = arith.subf %min3A_2177, %max3A_2171 : vector<128x128xf32>
    %max3A_2182 = arith.constant 0.000000e+00 : f32
    %max3A_2183 = vector.broadcast %max3A_2182 : f32 to vector<128x128xf32>
    %max3A_2184 = arith.maximumf %sub3A_2181, %max3A_2183 : vector<128x128xf32>
    %sub3A_2185 = arith.subf %min3A_2180, %max3A_2174 : vector<128x128xf32>
    %max3A_2186 = arith.constant 0.000000e+00 : f32
    %max3A_2187 = vector.broadcast %max3A_2186 : f32 to vector<128x128xf32>
    %max3A_2188 = arith.maximumf %sub3A_2185, %max3A_2187 : vector<128x128xf32>
    %mul3A_2189 = arith.mulf %max3A_2184, %max3A_2188 : vector<128x128xf32>
    %add3A_2190 = vector.broadcast %mul3A_506 : vector<128x1xf32> to vector<128x128xf32>
    %add3A_2191 = vector.broadcast %reshape3A_575 : vector<1x128xf32> to vector<128x128xf32>
    %add3A_2192 = arith.addf %add3A_2190, %add3A_2191 : vector<128x128xf32>
    %sub3A_2193 = arith.subf %add3A_2192, %mul3A_2189 : vector<128x128xf32>
    %max3A_2194 = arith.constant 9.99999971E-10 : f32
    %max3A_2195 = vector.broadcast %max3A_2194 : f32 to vector<128x128xf32>
    %max3A_2196 = arith.maximumf %sub3A_2193, %max3A_2195 : vector<128x128xf32>
    %div3A_2197 = arith.divf %mul3A_2189, %max3A_2196 : vector<128x128xf32>
    %gt3A_2198 = arith.constant 3.000000e-01 : f32
    %gt3A_2199 = vector.broadcast %gt3A_2198 : f32 to vector<128x128xf32>
    %gt3A_2200 = arith.cmpf ogt, %div3A_2197, %gt3A_2199 : vector<128x128xf32>
    %convert_element_type3A_2201 = arith.extui %gt3A_2200 : vector<128x128xi1> to vector<128x128xi32>
    %convert_element_type3A_2202 = arith.sitofp %convert_element_type3A_2201 : vector<128x128xi32> to vector<128x128xf32>
    %mul3A_2203 = vector.broadcast %reshape3A_2168 : vector<1x128xf32> to vector<128x128xf32>
    %mul3A_2204 = arith.mulf %convert_element_type3A_2202, %mul3A_2203 : vector<128x128xf32>
    %reduce_sum3A_2205 = arith.constant dense<0.000000e+00> : vector<128xf32>
    %reduce_sum3A_2206 = vector.multi_reduction <add>, %mul3A_2204, %reduce_sum3A_2205 [1] : vector<128x128xf32> to vector<128xf32>
    %get3A_2207 = arith.constant 896 : index
    %get3A_2208 = vector.load %arg4[%get3A_2207] : memref<1024xf32, #tpu.memory_space<vmem>>, vector<128xf32>
    %add3A_2209 = arith.addf %get3A_2208, %reduce_sum3A_2206 : vector<128xf32>
    %swap3A_2210 = arith.constant 896 : index
    %swap3A_2211 = vector.load %arg4[%swap3A_2210] : memref<1024xf32, #tpu.memory_space<vmem>>, vector<128xf32>
    tpu.vector_store %arg4[%swap3A_2210], %add3A_2209 {strides = array<i32>} : memref<1024xf32, #tpu.memory_space<vmem>>, vector<128xf32>,
    %get3A_2212 = arith.constant 896 : index
    %get3A_2213 = vector.load %arg4[%get3A_2212] : memref<1024xf32, #tpu.memory_space<vmem>>, vector<128xf32>
    %max3A_2214 = vector.broadcast %reshape3A_461 : vector<128x1xf32> to vector<128x128xf32>
    %max3A_2215 = vector.broadcast %reshape3A_577 : vector<1x128xf32> to vector<128x128xf32>
    %max3A_2216 = arith.maximumf %max3A_2214, %max3A_2215 : vector<128x128xf32>
    %max3A_2217 = vector.broadcast %reshape3A_473 : vector<128x1xf32> to vector<128x128xf32>
    %max3A_2218 = vector.broadcast %reshape3A_579 : vector<1x128xf32> to vector<128x128xf32>
    %max3A_2219 = arith.maximumf %max3A_2217, %max3A_2218 : vector<128x128xf32>
    %min3A_2220 = vector.broadcast %reshape3A_485 : vector<128x1xf32> to vector<128x128xf32>
    %min3A_2221 = vector.broadcast %reshape3A_581 : vector<1x128xf32> to vector<128x128xf32>
    %min3A_2222 = arith.minimumf %min3A_2220, %min3A_2221 : vector<128x128xf32>
    %min3A_2223 = vector.broadcast %reshape3A_497 : vector<128x1xf32> to vector<128x128xf32>
    %min3A_2224 = vector.broadcast %reshape3A_583 : vector<1x128xf32> to vector<128x128xf32>
    %min3A_2225 = arith.minimumf %min3A_2223, %min3A_2224 : vector<128x128xf32>
    %sub3A_2226 = arith.subf %min3A_2222, %max3A_2216 : vector<128x128xf32>
    %max3A_2227 = arith.constant 0.000000e+00 : f32
    %max3A_2228 = vector.broadcast %max3A_2227 : f32 to vector<128x128xf32>
    %max3A_2229 = arith.maximumf %sub3A_2226, %max3A_2228 : vector<128x128xf32>
    %sub3A_2230 = arith.subf %min3A_2225, %max3A_2219 : vector<128x128xf32>
    %max3A_2231 = arith.constant 0.000000e+00 : f32
    %max3A_2232 = vector.broadcast %max3A_2231 : f32 to vector<128x128xf32>
    %max3A_2233 = arith.maximumf %sub3A_2230, %max3A_2232 : vector<128x128xf32>
    %mul3A_2234 = arith.mulf %max3A_2229, %max3A_2233 : vector<128x128xf32>
    %add3A_2235 = vector.broadcast %mul3A_506 : vector<128x1xf32> to vector<128x128xf32>
    %add3A_2236 = vector.broadcast %reshape3A_585 : vector<1x128xf32> to vector<128x128xf32>
    %add3A_2237 = arith.addf %add3A_2235, %add3A_2236 : vector<128x128xf32>
    %sub3A_2238 = arith.subf %add3A_2237, %mul3A_2234 : vector<128x128xf32>
    %max3A_2239 = arith.constant 9.99999971E-10 : f32
    %max3A_2240 = vector.broadcast %max3A_2239 : f32 to vector<128x128xf32>
    %max3A_2241 = arith.maximumf %sub3A_2238, %max3A_2240 : vector<128x128xf32>
    %div3A_2242 = arith.divf %mul3A_2234, %max3A_2241 : vector<128x128xf32>
    %gt3A_2243 = arith.constant 3.000000e-01 : f32
    %gt3A_2244 = vector.broadcast %gt3A_2243 : f32 to vector<128x128xf32>
    %gt3A_2245 = arith.cmpf ogt, %div3A_2242, %gt3A_2244 : vector<128x128xf32>
    %iota3A_2246 = tpu.iota {dimensions = array<i32: 0>} : vector<128x128xi32>
    %iota3A_2247 = tpu.iota {dimensions = array<i32: 1>} : vector<128x128xi32>
    %lt3A_2248 = arith.cmpi slt, %iota3A_2247, %iota3A_2246 : vector<128x128xi32>
    %and3A_2249 = arith.andi %gt3A_2245, %lt3A_2248 : vector<128x128xi1>
    %convert_element_type3A_2250 = arith.extui %and3A_2249 : vector<128x128xi1> to vector<128x128xi32>
    %convert_element_type3A_2251 = arith.sitofp %convert_element_type3A_2250 : vector<128x128xi32> to vector<128x128xf32>
    %reshape3A_2252 = vector.shape_cast %convert_element_type3A_591 : vector<1024xf32> to vector<8x128xf32>
    %slice3A_2253 = vector.extract_strided_slice %reshape3A_2252 {offsets = [7, 0], sizes = [1, 128], strides = [1, 1]} : vector<8x128xf32> to vector<1x128xf32>
    %squeeze3A_2254 = vector.shape_cast %slice3A_2253 : vector<1x128xf32> to vector<128xf32>
    %eq3A_2255 = arith.constant 0.000000e+00 : f32
    %eq3A_2256 = vector.broadcast %eq3A_2255 : f32 to vector<128xf32>
    %eq3A_2257 = arith.cmpf oeq, %get3A_2213, %eq3A_2256 : vector<128xf32>
    %convert_element_type3A_2258 = arith.extui %eq3A_2257 : vector<128xi1> to vector<128xi32>
    %convert_element_type3A_2259 = arith.sitofp %convert_element_type3A_2258 : vector<128xi32> to vector<128xf32>
    %mul3A_2260 = arith.mulf %squeeze3A_2254, %convert_element_type3A_2259 : vector<128xf32>
    %sub3A_2261 = arith.constant 1.000000e+00 : f32
    %sub3A_2262 = vector.broadcast %sub3A_2261 : f32 to vector<128xf32>
    %sub3A_2263 = arith.subf %mul3A_2260, %sub3A_2262 : vector<128xf32>
    %while3A_2264:2 = scf.while (%while3A_2325 = %mul3A_2260, %while3A_2326 = %sub3A_2263) : (vector<128xf32>, vector<128xf32>) -> (vector<128xf32>, vector<128xf32>) {
      %sub3A_2327 = arith.subf %while3A_2325, %while3A_2326 : vector<128xf32>
      %abs3A = math.absf %sub3A_2327 : vector<128xf32>
      %reduce_sum3A_2328 = vector.shape_cast %abs3A : vector<128xf32> to vector<1x128xf32>
      %reduce_sum3A_2329 = arith.constant dense<0.000000e+00> : vector<1xf32>
      %reduce_sum3A_2330 = vector.multi_reduction <add>, %reduce_sum3A_2328, %reduce_sum3A_2329 [1] : vector<1x128xf32> to vector<1xf32>
      %reduce_sum3A_2331 = vector.shape_cast %reduce_sum3A_2330 : vector<1xf32> to vector<1x1xf32>
      %reduce_sum3A_2332 = vector.extract %reduce_sum3A_2331[0, 0] : f32 from vector<1x1xf32>
      %gt3A_2333 = arith.constant 0.000000e+00 : f32
      %gt3A_2334 = arith.cmpf ogt, %reduce_sum3A_2332, %gt3A_2333 : f32
      scf.condition(%gt3A_2334) %while3A_2325, %while3A_2326 : vector<128xf32>, vector<128xf32>
    } do {
    ^bb0(%while3A_2325: vector<128xf32>, %while3A_2326: vector<128xf32>):
      %reshape3A_2327 = vector.shape_cast %while3A_2325 : vector<128xf32> to vector<1x128xf32>
      %mul3A_2328 = vector.broadcast %reshape3A_2327 : vector<1x128xf32> to vector<128x128xf32>
      %mul3A_2329 = arith.mulf %convert_element_type3A_2251, %mul3A_2328 : vector<128x128xf32>
      %reduce_sum3A_2330 = arith.constant dense<0.000000e+00> : vector<128xf32>
      %reduce_sum3A_2331 = vector.multi_reduction <add>, %mul3A_2329, %reduce_sum3A_2330 [1] : vector<128x128xf32> to vector<128xf32>
      %eq3A_2332 = arith.constant 0.000000e+00 : f32
      %eq3A_2333 = vector.broadcast %eq3A_2332 : f32 to vector<128xf32>
      %eq3A_2334 = arith.cmpf oeq, %reduce_sum3A_2331, %eq3A_2333 : vector<128xf32>
      %convert_element_type3A_2335 = arith.extui %eq3A_2334 : vector<128xi1> to vector<128xi32>
      %convert_element_type3A_2336 = arith.sitofp %convert_element_type3A_2335 : vector<128xi32> to vector<128xf32>
      %mul3A_2337 = arith.mulf %mul3A_2260, %convert_element_type3A_2336 : vector<128xf32>
      scf.yield %mul3A_2337, %while3A_2325 : vector<128xf32>, vector<128xf32>
    }
    %swap3A_2265 = arith.constant 0 : index
    %swap3A_2266 = arith.constant 5 : index
    %swap3A_2267 = arith.constant 896 : index
    %swap3A_2268 = vector.load %arg3[%swap3A_2265, %swap3A_2266, %swap3A_2267] : memref<1x8x1024xf32, #tpu.memory_space<vmem>>, vector<1x1x128xf32>
    %swap3A_2269 = vector.shape_cast %swap3A_2268 : vector<1x1x128xf32> to vector<128xf32>
    %swap3A_2270 = vector.shape_cast %while3A_2264#0 : vector<128xf32> to vector<1x1x128xf32>
    tpu.vector_store %arg3[%swap3A_2265, %swap3A_2266, %swap3A_2267], %swap3A_2270 {strides = array<i32>} : memref<1x8x1024xf32, #tpu.memory_space<vmem>>, vector<1x1x128xf32>,
    %get3A_2271 = arith.constant 0 : index
    %get3A_2272 = arith.constant 5 : index
    %get3A_2273 = arith.constant 0 : index
    %get3A_2274 = vector.load %arg3[%get3A_2271, %get3A_2272, %get3A_2273] : memref<1x8x1024xf32, #tpu.memory_space<vmem>>, vector<1x1x1024xf32>
    %get3A_2275 = vector.shape_cast %get3A_2274 : vector<1x1x1024xf32> to vector<1024xf32>
    %mul3A_2276 = arith.mulf %min3A_6, %get3A_2275 : vector<1024xf32>
    %swap3A_2277 = arith.constant 0 : index
    %swap3A_2278 = arith.constant 0 : index
    %swap3A_2279 = arith.constant 0 : index
    %swap3A_2280 = vector.load %arg3[%swap3A_2277, %swap3A_2278, %swap3A_2279] : memref<1x8x1024xf32, #tpu.memory_space<vmem>>, vector<1x1x1024xf32>
    %swap3A_2281 = vector.shape_cast %swap3A_2280 : vector<1x1x1024xf32> to vector<1024xf32>
    %swap3A_2282 = vector.shape_cast %mul3A_2276 : vector<1024xf32> to vector<1x1x1024xf32>
    tpu.vector_store %arg3[%swap3A_2277, %swap3A_2278, %swap3A_2279], %swap3A_2282 {strides = array<i32>} : memref<1x8x1024xf32, #tpu.memory_space<vmem>>, vector<1x1x1024xf32>,
    %mul3A_2283 = arith.mulf %min3A_17, %get3A_2275 : vector<1024xf32>
    %swap3A_2284 = arith.constant 0 : index
    %swap3A_2285 = arith.constant 1 : index
    %swap3A_2286 = arith.constant 0 : index
    %swap3A_2287 = vector.load %arg3[%swap3A_2284, %swap3A_2285, %swap3A_2286] : memref<1x8x1024xf32, #tpu.memory_space<vmem>>, vector<1x1x1024xf32>
    %swap3A_2288 = vector.shape_cast %swap3A_2287 : vector<1x1x1024xf32> to vector<1024xf32>
    %swap3A_2289 = vector.shape_cast %mul3A_2283 : vector<1024xf32> to vector<1x1x1024xf32>
    tpu.vector_store %arg3[%swap3A_2284, %swap3A_2285, %swap3A_2286], %swap3A_2289 {strides = array<i32>} : memref<1x8x1024xf32, #tpu.memory_space<vmem>>, vector<1x1x1024xf32>,
    %mul3A_2290 = arith.mulf %min3A_28, %get3A_2275 : vector<1024xf32>
    %swap3A_2291 = arith.constant 0 : index
    %swap3A_2292 = arith.constant 2 : index
    %swap3A_2293 = arith.constant 0 : index
    %swap3A_2294 = vector.load %arg3[%swap3A_2291, %swap3A_2292, %swap3A_2293] : memref<1x8x1024xf32, #tpu.memory_space<vmem>>, vector<1x1x1024xf32>
    %swap3A_2295 = vector.shape_cast %swap3A_2294 : vector<1x1x1024xf32> to vector<1024xf32>
    %swap3A_2296 = vector.shape_cast %mul3A_2290 : vector<1024xf32> to vector<1x1x1024xf32>
    tpu.vector_store %arg3[%swap3A_2291, %swap3A_2292, %swap3A_2293], %swap3A_2296 {strides = array<i32>} : memref<1x8x1024xf32, #tpu.memory_space<vmem>>, vector<1x1x1024xf32>,
    %mul3A_2297 = arith.mulf %min3A_39, %get3A_2275 : vector<1024xf32>
    %swap3A_2298 = arith.constant 0 : index
    %swap3A_2299 = arith.constant 3 : index
    %swap3A_2300 = arith.constant 0 : index
    %swap3A_2301 = vector.load %arg3[%swap3A_2298, %swap3A_2299, %swap3A_2300] : memref<1x8x1024xf32, #tpu.memory_space<vmem>>, vector<1x1x1024xf32>
    %swap3A_2302 = vector.shape_cast %swap3A_2301 : vector<1x1x1024xf32> to vector<1024xf32>
    %swap3A_2303 = vector.shape_cast %mul3A_2297 : vector<1024xf32> to vector<1x1x1024xf32>
    tpu.vector_store %arg3[%swap3A_2298, %swap3A_2299, %swap3A_2300], %swap3A_2303 {strides = array<i32>} : memref<1x8x1024xf32, #tpu.memory_space<vmem>>, vector<1x1x1024xf32>,
    %mul3A_2304 = arith.mulf %get3A_44, %get3A_2275 : vector<1024xf32>
    %swap3A_2305 = arith.constant 0 : index
    %swap3A_2306 = arith.constant 4 : index
    %swap3A_2307 = arith.constant 0 : index
    %swap3A_2308 = vector.load %arg3[%swap3A_2305, %swap3A_2306, %swap3A_2307] : memref<1x8x1024xf32, #tpu.memory_space<vmem>>, vector<1x1x1024xf32>
    %swap3A_2309 = vector.shape_cast %swap3A_2308 : vector<1x1x1024xf32> to vector<1024xf32>
    %swap3A_2310 = vector.shape_cast %mul3A_2304 : vector<1024xf32> to vector<1x1x1024xf32>
    tpu.vector_store %arg3[%swap3A_2305, %swap3A_2306, %swap3A_2307], %swap3A_2310 {strides = array<i32>} : memref<1x8x1024xf32, #tpu.memory_space<vmem>>, vector<1x1x1024xf32>,
    %broadcast_in_dim3A_2311 = arith.constant 0.000000e+00 : f32
    %broadcast_in_dim3A_2312 = vector.broadcast %broadcast_in_dim3A_2311 : f32 to vector<1024xf32>
    %swap3A_2313 = arith.constant 0 : index
    %swap3A_2314 = arith.constant 6 : index
    %swap3A_2315 = arith.constant 0 : index
    %swap3A_2316 = vector.load %arg3[%swap3A_2313, %swap3A_2314, %swap3A_2315] : memref<1x8x1024xf32, #tpu.memory_space<vmem>>, vector<1x1x1024xf32>
    %swap3A_2317 = vector.shape_cast %swap3A_2316 : vector<1x1x1024xf32> to vector<1024xf32>
    %swap3A_2318 = vector.shape_cast %broadcast_in_dim3A_2312 : vector<1024xf32> to vector<1x1x1024xf32>
    tpu.vector_store %arg3[%swap3A_2313, %swap3A_2314, %swap3A_2315], %swap3A_2318 {strides = array<i32>} : memref<1x8x1024xf32, #tpu.memory_space<vmem>>, vector<1x1x1024xf32>,
    %swap3A_2319 = arith.constant 0 : index
    %swap3A_2320 = arith.constant 7 : index
    %swap3A_2321 = arith.constant 0 : index
    %swap3A_2322 = vector.load %arg3[%swap3A_2319, %swap3A_2320, %swap3A_2321] : memref<1x8x1024xf32, #tpu.memory_space<vmem>>, vector<1x1x1024xf32>
    %swap3A_2323 = vector.shape_cast %swap3A_2322 : vector<1x1x1024xf32> to vector<1024xf32>
    %swap3A_2324 = vector.shape_cast %broadcast_in_dim3A_2312 : vector<1024xf32> to vector<1x1x1024xf32>
    tpu.vector_store %arg3[%swap3A_2319, %swap3A_2320, %swap3A_2321], %swap3A_2324 {strides = array<i32>} : memref<1x8x1024xf32, #tpu.memory_space<vmem>>, vector<1x1x1024xf32>,
    return
  }
  func.func @transform_0(%arg0: i32) -> (i32, i32, i32) {
    %c0_i32 = arith.constant 0 : i32
    %c0_i32_0 = arith.constant 0 : i32
    %c0_i32_1 = arith.constant 0 : i32
    return %arg0, %c0_i32, %c0_i32_0 : i32, i32, i32
  }
  func.func @transform_1(%arg0: i32) -> (i32, i32, i32) {
    %c0_i32 = arith.constant 0 : i32
    %c0_i32_0 = arith.constant 0 : i32
    %c0_i32_1 = arith.constant 0 : i32
    return %arg0, %c0_i32, %c0_i32_0 : i32, i32, i32
  }
  func.func @transform_2(%arg0: i32) -> (i32, i32, i32) {
    %c0_i32 = arith.constant 0 : i32
    %c0_i32_0 = arith.constant 0 : i32
    %c0_i32_1 = arith.constant 0 : i32
    return %arg0, %c0_i32, %c0_i32_0 : i32, i32, i32
  }
}

</mosaic_0001>

<sc_bundles>
// kernel: kernel.10.cloned.1.call-start
scs
__scs_entry_jumppad:
0x0: {  	(pc) =	sbr.rel $0x88, $3  }
0x1: {  	(tag) =	ssettag $0x0;
	lr =	simm.s32 $0x1  }
0x2: {  	[smem:$0x3F9F] =	sst lr;
	_ =	strace $0xD0000000  }
0x3: {  	_ = 	snop  }
0x4: {  	_ = 	snop  }
0x5: {  	_ = 	snop  }
0x6: {  	_ = 	snop  }
0x7: {  	_ = 	snop  }
__scs_overlays_trampoline_lowered:
0x8: {  	[smem:$0x3FAE] =	sst s0  }
0x9: {  	[smem:$0x3FAF] =	sst s1  }
0xa: {  	[smem:$0x3FB0] =	sst s2  }
0xb: {  	[smem:$0x3FB1] =	sst s3  }
0xc: {  	[smem:$0x3FB2] =	sst s4  }
0xd: {  	[smem:$0x3FB3] =	sst s5  }
0xe: {  	[smem:$0x3FB4] =	sst s6  }
0xf: {  	[smem:$0x3FB5] =	sst s7  }
0x10: {  	[smem:$0x3FB6] =	sst s8  }
0x11: {  	[smem:$0x3FB7] =	sst s9;
	s0 =	simm.s32 @!p0 $0x0  }
0x12: {  	s1 =	sld [smem:$0x3F9D];
	s0 =	simm.s32 @p0 $0x1  }
0x13: {  	[smem:$0x3FB8] =	sst s0;
	s0 =	simm.s32 @!p1 $0x0  }
0x14: {  	s2 =	sld [smem:$0x3F9C];
	s0 =	simm.s32 @p1 $0x1  }
0x15: {  	[smem:$0x3FB9] =	sst s0;
	s0 =	simm.s32 @!p2 $0x0  }
0x16: {  	s3 =	sld [smem:$0x3FDB];
	s0 =	simm.s32 @p2 $0x1  }
0x17: {  	s4 =	simm.s32 $0x1BF5;
	[smem:$0x3FBB] =	sst s0  }
0x18: {  	s0 =	sld [smem:$0x3F9E];
	_ =	swait.ge [sflag:s4], $0x0  }
0x19: {  	s7 =	sld [smem:$0x3F9F]  }
0x1a: {  	s8 =	sadd.s32 $0xFFFFE003, lr  }
0x1b: {  	s9 =	sadd.s32 $0xFFFFFEF7, lr;
	s5 =	simm.s32 $0xFFFFFFFF;
	p2 =	slt.u32 s8, $0xFFFFF086  }
0x1c: {  	p1 =	slt.u32 s9, $0xF7A;
	s5 =	simm.s32 @!p2 $0x0  }
0x1d: {  	s5 =	simm.s32 @p1 $0x1;
	p0 =	seq.s32 s7, s2  }
0x1e: {  	s7 =	smul.u32 @!p0 $0xF7A, s2;
	p2 =	seq.s32 @!p0 s5, $0x0  }
0x1f: {  	s9 =	smul.u32 $0xF7A, s1;
	s8 =	simm.s32 @!p0 $0x1BF5;
	p2 =	por !p2, p0  }
0x20: {  	[sflag:s8] =	ssyncset.s32 @!p0 $0xFFFFF086;
	s6 =	sadd.s32 @!p0 s3, s7;
	s7 =	simm.s32 @!p0 $0x108  }
0x21: {  	s3 =	sadd.s32 s3, s9;
	s6 =	sadd.s32 @!p0 $0x88, s6;
	s7 =	simm.s32 @p2 $0x1082  }
0x22: {  	[simem:s7], [sflag:s8] =	dma.local @!p0 [hbm:s6], $0xF7A  }
0x23: {  	s9 =	sor.u32 $0xD0000000, s2;
	s6 =	simm.s32 $0x108;
	_ =	swait.ge @!p0 [sflag:s8], $0x0  }
0x24: {  	s3 =	sadd.s32 $0x88, s3;
	s6 =	simm.s32 @!p1 $0x1082;
	[sflag:s4] =	ssyncset.s32 $0xFFFFF086  }
0x25: {  	[simem:s6], [sflag:s4] =	dma.local [hbm:s3], $0xF7A  }
0x26: {  	[smem:$0x3F9F] =	sst s1;
	(tag) =	ssettag s2;
	_ =	strace s9  }
0x27: {  	s1 =	sld [smem:$0x3FAF]  }
0x28: {  	s2 =	sld [smem:$0x3FB0]  }
0x29: {  	s4 =	sld [smem:$0x3FB2]  }
0x2a: {  	p0 =	seq.s32 s5, $0x0;
	s5 =	sld [smem:$0x3FB3]  }
0x2b: {  	s6 =	sld [smem:$0x3FB4]  }
0x2c: {  	s7 =	sld [smem:$0x3FB5]  }
0x2d: {  	s3 =	simm.s32 $0x108;
	s8 =	sld [smem:$0x3FB6]  }
0x2e: {  	s3 =	simm.s32 @!p0 $0x1082;
	s9 =	sld [smem:$0x3FB7]  }
0x2f: {  	lr =	sadd.s32 s0, s3;
	s0 =	sld [smem:$0x3FAE]  }
0x30: {  	s3 =	sld [smem:$0x3FB1]  }
0x31: {  	[smem:$0x3FBA] =	sst s10  }
0x32: {  	s10 =	sld [smem:$0x3FB8];
	_ =	sdelay $0x3  }
0x33: {  	p0 =	seq.s32 s10, $0x1;
	s10 =	sld [smem:$0x3FBA];
	_ =	sdelay $0x3  }
0x34: {  	[smem:$0x3FBA] =	sst s10  }
0x35: {  	s10 =	sld [smem:$0x3FB9];
	_ =	sdelay $0x3  }
0x36: {  	p1 =	seq.s32 s10, $0x1;
	s10 =	sld [smem:$0x3FBA];
	_ =	sdelay $0x3  }
0x37: {  	[smem:$0x3FBA] =	sst s10  }
0x38: {  	s10 =	sld [smem:$0x3FBB]  }
0x39: {  	_ = 	snop;
	(pc) =	sbr.ind lr, $3  }
0x3a: {  	_ = 	snop  }
0x3b: {  	_ = 	snop  }
0x3c: {  	p2 =	seq.s32 s10, $0x1;
	s10 =	sld [smem:$0x3FBA]  }
0x3d: {  	_ =	shalt  }
0x3e: {  	_ =	shalt  }
0x3f: {  	_ =	shalt  }
0x40: {  	_ =	shalt  }
0x41: {  	_ =	shalt  }
0x42: {  	_ =	shalt  }
0x43: {  	_ =	shalt  }
0x44: {  	_ =	shalt  }
0x45: {  	_ =	shalt  }
0x46: {  	_ =	shalt  }
0x47: {  	_ =	shalt  }
0x48: {  	_ =	shalt  }
0x49: {  	_ =	shalt  }
0x4a: {  	_ =	shalt  }
0x4b: {  	_ =	shalt  }
0x4c: {  	_ =	shalt  }
0x4d: {  	_ =	shalt  }
0x4e: {  	_ =	shalt  }
0x4f: {  	_ =	shalt  }
0x50: {  	_ =	shalt  }
0x51: {  	_ =	shalt  }
0x52: {  	_ =	shalt  }
0x53: {  	_ =	shalt  }
0x54: {  	_ =	shalt  }
0x55: {  	_ =	shalt  }
0x56: {  	_ =	shalt  }
0x57: {  	_ =	shalt  }
0x58: {  	_ =	shalt  }
0x59: {  	_ =	shalt  }
0x5a: {  	_ =	shalt  }
0x5b: {  	_ =	shalt  }
0x5c: {  	_ =	shalt  }
0x5d: {  	_ =	shalt  }
0x5e: {  	_ =	shalt  }
0x5f: {  	_ =	shalt  }
0x60: {  	_ =	shalt  }
0x61: {  	_ =	shalt  }
0x62: {  	_ =	shalt  }
0x63: {  	_ =	shalt  }
0x64: {  	_ =	shalt  }
0x65: {  	_ =	shalt  }
0x66: {  	_ =	shalt  }
0x67: {  	_ =	shalt  }
0x68: {  	_ =	shalt  }
0x69: {  	_ =	shalt  }
0x6a: {  	_ =	shalt  }
0x6b: {  	_ =	shalt  }
0x6c: {  	_ =	shalt  }
0x6d: {  	_ =	shalt  }
0x6e: {  	_ =	shalt  }
0x6f: {  	_ =	shalt  }
0x70: {  	_ =	shalt  }
0x71: {  	_ =	shalt  }
0x72: {  	_ =	shalt  }
0x73: {  	_ =	shalt  }
0x74: {  	_ =	shalt  }
0x75: {  	_ =	shalt  }
0x76: {  	_ =	shalt  }
0x77: {  	_ =	shalt  }
0x78: {  	_ =	shalt  }
0x79: {  	_ =	shalt  }
0x7a: {  	_ =	shalt  }
0x7b: {  	_ =	shalt  }
0x7c: {  	_ =	shalt  }
0x7d: {  	_ =	shalt  }
0x7e: {  	_ =	shalt  }
0x7f: {  	_ =	shalt  }
0x80: {  	_ =	shalt  }
0x81: {  	_ =	shalt  }
0x82: {  	_ =	shalt  }
0x83: {  	_ =	shalt  }
0x84: {  	_ =	shalt  }
0x85: {  	_ =	shalt  }
0x86: {  	_ =	shalt  }
0x87: {  	_ =	shalt  }
.Lfunc_end0:
.L_simem_size_0:
called_computation.1_lowered:
.L_overlay_start_0:
0x88: {  	s2 =	sld [smem:$0x3FD9]  }
0x89: {  	s3 =	sld [smem:$0x3FFE];
	_ =	sdelay $0x1  }
0x8a: {  	s1 =	srdreg.scid  }
0x8b: {  	s0 =	sand.u32 $0x1, s1  }
0x8c: {  	s14 =	sshll.u32 s0, $0xA;
	s2 =	sadd.s32 s3, s2  }
0x8d: {  	s2 =	sadd.s32 s2, s14  }
0x8e: {  	[smem:$0x3FC6] =	sst s2  }
0x8f: {  	_ = 	snop  }
0x90: {  	s2 =	sld [smem:$0x3FD0];
	_ =	sdelay $0x2  }
0x91: {  	s15 =	simm.s32 $0xA;
	s4 =	simm.s32 $0x10  }
0x92: {  	[smem:s4], [sflag:s15] =	dma.local [hbm:s2], $0x1  }
0x93: {  	_ =	swait.eq [sflag:s15], $0x1  }
0x94: {  	[sflag:s15] =	ssyncset.done $0x0  }
0x95: {  	[sflag:s15] =	ssyncadd.s32 $0xFFFFFFFF  }
0x96: {  	s16 =	sld [smem:$0x10];
	(tm) =	ssettm $0x1  }
0x97: {  	s17 =	sld [smem:$0x3FFB];
	_ =	sdelay $0x3  }
0x98: {  	_ =	strace s17  }
0x99: {  	s3 =	sld [smem:$0x3FFC];
	_ =	sdelay $0x3  }
0x9a: {  	_ =	strace s3  }
0x9b: {  	s3 =	sld [smem:$0x3FFD];
	_ =	sdelay $0x3  }
0x9c: {  	_ =	strace s3  }
0x9d: {  	_ =	strace $0x8FFFFFFF  }
0x9e: {  	s18 =	sld [smem:$0x3FDB];
	_ =	sdelay $0x1  }
0x9f: {  	s19 =	simm.s32 $_scs_section_size  }
0xa0: {  	s5 =	simm.s32 $_size__tile_overlayer_lowered;
	s6 =	simm.s32 $_tile_overlayer_lowered  }
0xa1: {  	s22 =	simm.s32 $0x1BFF;
	s21 =	sshll.u32 s6, $0x1;
	s3 =	sadd.s32 s19, s18  }
0xa2: {  	s7 =	simm.s32 $0x0;
	s20 =	sshll.u32 s5, $0x1;
	s5 =	sadd.s32 s21, s3  }
0xa3: {  	[timem:s7], [sflag:s22] =	dma.local [hbm:s5], s20  }
0xa4: {  	_ =	swait.ge [sflag:s22], s20  }
0xa5: {  	s4 =	ssub.s32 $0x0, s20;
	[sflag:s22] =	ssyncset.done $0x0  }
0xa6: {  	[sflag:s22] =	ssyncadd.s32 s4;
	_ =	sdelay $0x1  }
0xa7: {  	s23 =	simm.s32 $0x1B8B  }
0xa8: {  	_ =	swait.ge [sflag:s23], $0x1  }
0xa9: {  	[sflag:s23] =	ssyncset.done $0x0  }
0xaa: {  	s25 =	simm.s32 $0x1B8E;
	s24 =	sld [smem:$0x3FFE];
	[sflag:s23] =	ssyncadd.s32 $0xFFFFFFFF  }
0xab: {  	s26 =	simm.s32 $execute0_lowered;
	[smem:$0x3FD2] =	sst s25  }
0xac: {  	s5 =	sshll.u32 s26, $0x1;
	_ =	strace $0x80000049;
	[dreg:$0x1] =	wrdreg $0xFFFFFFFF  }
0xad: {  	s28 =	simm.s32 $_size_execute0_lowered;
	s3 =	sadd.s32 s3, s5;
	[dreg:$0x0] =	wrdreg $0x0  }
0xae: {  	s5 =	sshll.u32 s28, $0x1;
	[dreg:$0x2] =	wrdreg s3  }
0xaf: {  	[dreg:$0x3] =	wrdreg s5  }
0xb0: {  	[dreg:$0x4] =	wrdreg $0xC0  }
0xb1: {  	_ =	task [dreg:s7], $0x5FFFF  }
0xb2: {  	[dreg:$0x1] =	wrdreg $0xFFFFFFFF  }
0xb3: {  	[dreg:$0x0] =	wrdreg $0x60  }
0xb4: {  	[dreg:$0x2] =	wrdreg s16  }
0xb5: {  	[dreg:$0x3] =	wrdreg s24  }
0xb6: {  	[dreg:$0x4] =	wrdreg $0x9  }
0xb7: {  	_ =	task.clear_ibuf [dreg:s7], $0x5FFFF;
	_ =	strace $0x90000049  }
0xb8: {  	s29 =	simm.s32 $0x9;
	_ =	strace $0x8000004B  }
0xb9: {  	_ =	swait.ge [sflag:s29], $0x1  }
0xba: {  	[sflag:s29] =	ssyncadd.s32 $0xFFFFFFFF  }
0xbb: {  	_ =	strace $0x9000004B  }
0xbc: {  	_ =	sfence  }
0xbd: {  	s30 =	sld [smem:$0x0];
	_ =	sdelay $0x2  }
0xbe: {  	s31 =	sshll.u32 s1, $0xD;
	s1 =	sshrl.u32 s1, $0x2  }
0xbf: {  	s3 =	sand.u32 $0x4000, s31;
	s1 =	sadd.s32 s1, s30  }
0xc0: {  	s0 =	sor.u32 s3, s0;
	s1 =	sshll.u32 s1, $0x11  }
0xc1: {  	s0 =	sor.u32 s1, s0  }
0xc2: {  	s0 =	sadd.s32 $0x8F2B, s0  }
0xc3: {  	[sflag:s0] =	ssyncadd.remote.s32 $0x1  }
0xc4: {  	_ =	sfence.sel $0xFFFF  }
0xc5: {  	[dreg:$0x0] =	wrdreg $0xFFFFFFFF;
	(pc) =	sbr.abs _section_cstart, $3  }
0xc6: {  	[dreg:$0x1] =	wrdreg $0xFFFFFFFF  }
0xc7: {  	_ =	task.clear_ibuf [dreg:s7], $0x2FFFF;
	_ =	strace $0x9FFFFFFF  }
0xc8: {  	(tm) =	ssettm $0x7FFFFFFF  }
0xc9: {  	_ =	shalt  }
tec
execute0_lowered:
.L_overlay_start_1:
0x0: {  	(tag) =	ssettag $0x1  }
0x1: {  	s1 =	stileid.u32  }
0x2: {  	p0 =	sgt.u32 s1, $0x9  }
.Ltmp0:
0x3: {  	_ = 	snop;
	(pc) =	sbr.rel @p0 .LBB2_5-.Ltmp0, $4  }
0x4: {  	s6 =	rddreg [dreg:$0x0]  }
0x5: {  	s3 =	rddreg [dreg:$0x1];
	s2 =	simm.s32 $0x0  }
0x6: {  	[smem:$0x7FF] =	sst s2  }
0x7: {  	s0 =	rddreg [dreg:$0x2];
	_ =	strace $0x8000004A  }
0x8: {  	s4 =	srdreg.scid  }
0x9: {  	s5 =	sshrl.u32 s1, $0x2;
	s7 =	sshll.u32 s1, $0x8;
	s11 =	simm.s32 $0x3800  }
0xa: {  	s12 =	simm.s32 $0x400;
	s4 =	sand.u32 $0x1, s4;
	s7 =	sand.u32 $0x300, s7  }
0xb: {  	s9 =	smul.u32 $0xA000, s5;
	s29 =	sshll.u32 s5, $0x10;
	s8 =	sshll.u32 s4, $0x7  }
0xc: {  	s5 =	sshll.u32 s5, $0xD;
	s30 =	ssub.s32 $0x2, s4;
	s7 =	sor.u32 s8, s7  }
0xd: {  	s31 =	sshrl.u32 s30, $0x1;
	s9 =	sor.u32 s9, s7;
	s8 =	sor.u32 s29, s7  }
0xe: {  	s5 =	sor.u32 s5, s7;
	s7 =	ssub.s32 s30, s31;
	s9 =	sshrl.u32 s9, $0x3  }
0xf: {  	s8 =	sshrl.u32 s8, $0x3;
	s10 =	sshrl.u32 s5, $0x3;
	s7 =	smax.u32 s7, $0x1  }
0x10: {  	s9 =	sadd.s32 s9, s3;
	s8 =	sadd.s32 s8, s3;
	s6 =	sadd.s32 s6, s10  }
0x11: {  	s10 =	simm.s32 $0x1800;
	s3 =	sadd.s32 $0x1A000, s9;
	s4 =	sadd.s32 $0x400, s8  }
0x12: {  	s5 =	sadd.s32 $0x6400, s8;
	s8 =	simm.s32 $0x80;
	s9 =	simm.s32 $0x1  }
.LBB2_2:
0x13: {  	s13 =	simm.s32 $0x0  }
0x14: {  	[tilespmem:s13], [sflag:$0x1] =	stream.strided.gather [hbm4b:s6+s8], $0x400, s12, s8, $0x38;
	[tilespmem:$0x5800] =	vst v63  }
0x15: {  	_ =	swait.ge [sflag:s9], $0x400  }
0x16: {  	[sflag:s9] =	ssyncset.done $0x0  }
0x17: {  	[sflag:s9] =	ssyncadd.s32 $0xFFFFFC00  }
0x18: {  	[tilespmem:s12], [sflag:$0x1] =	stream.strided.gather [hbm4b:s3+s8], $0x1400, s12, s8, $0x38;
	[tilespmem:$0x5800] =	vst v63  }
0x19: {  	_ =	swait.ge [sflag:s9], $0x1400  }
0x1a: {  	[sflag:s9] =	ssyncset.done $0x0  }
0x1b: {  	[sflag:s9] =	ssyncadd.s32 $0xFFFFEC00  }
0x1c: {  	v0 =	vld [tilespmem:s13+$0x0];
	_ =	sdelay $0x4  }
0x1d: {  	vm0 =	vlt.s32 v0, $0x400  }
0x1e: {  	v1 =	vnsel vm0, $0x0, v0;
	v0 =	vld [tilespmem:s12+$0x0]  }
0x1f: {  	v2 =	vshll.u32 v1, $0x3;
	_ =	sdelay $0x3  }
0x20: {  	[tilespmem:v1+s10+$0x0] =	vst.idx.msk vm0, v0  }
0x21: {  	s14 =	sand.u32 $0x3F0, s13;
	[tilespmem:v2+s11+$0x0] =	vst.idx.msk vm0, v0  }
0x22: {  	v3 =	vadd.s32 $0x400, v1;
	v0 =	vld [tilespmem:s14+$0x800]  }
0x23: {  	v4 =	vor.u32 $0x1, v2;
	_ =	sdelay $0x3  }
0x24: {  	[tilespmem:v3+s10+$0x0] =	vst.idx.msk vm0, v0  }
0x25: {  	[tilespmem:v4+s11+$0x0] =	vst.idx.msk vm0, v0  }
0x26: {  	v3 =	vadd.s32 $0x800, v1;
	v0 =	vld [tilespmem:s14+$0xC00]  }
0x27: {  	v62 =	vor.u32 $0x2, v2;
	_ =	sdelay $0x3  }
0x28: {  	[tilespmem:v3+s10+$0x0] =	vst.idx.msk vm0, v0  }
0x29: {  	[tilespmem:v62+s11+$0x0] =	vst.idx.msk vm0, v0  }
0x2a: {  	v3 =	vadd.s32 $0xC00, v1;
	v0 =	vld [tilespmem:s14+$0x1000]  }
0x2b: {  	v63 =	vor.u32 $0x3, v2;
	_ =	sdelay $0x3  }
0x2c: {  	[tilespmem:v3+s10+$0x0] =	vst.idx.msk vm0, v0  }
0x2d: {  	[tilespmem:v63+s11+$0x0] =	vst.idx.msk vm0, v0  }
0x2e: {  	v3 =	vadd.s32 $0x1000, v1;
	v0 =	vld [tilespmem:s14+$0x1400]  }
0x2f: {  	v1 =	vor.u32 $0x4, v2;
	_ =	sdelay $0x3  }
0x30: {  	s15 =	simm.s32 $0x400;
	s14 =	simm.s32 $0x10;
	[tilespmem:v3+s10+$0x0] =	vst.idx.msk vm0, v0  }
.LBB2_3:
0x31: {  	p0 =	sne.s32 s14, $0x3F0;
	[tilespmem:v1+s11+$0x0] =	vst.idx.msk vm0, v0;
	s13 =	sadd.s32 $0x10, s13;
	s15 =	sadd.s32 $0x10, s15  }
0x32: {  	s16 =	smov.u32 s14;
	s14 =	sadd.s32 $0x10, s14;
	v0 =	vld [tilespmem:s13+$0x0];
	_ =	sdelay $0x4  }
0x33: {  	vm0 =	vlt.s32 v0, $0x400  }
0x34: {  	v1 =	vnsel vm0, $0x0, v0;
	v0 =	vld [tilespmem:s15+$0x0]  }
0x35: {  	v2 =	vshll.u32 v1, $0x3;
	_ =	sdelay $0x3  }
0x36: {  	[tilespmem:v1+s10+$0x0] =	vst.idx.msk vm0, v0  }
0x37: {  	s16 =	sand.u32 $0x3F0, s16;
	[tilespmem:v2+s11+$0x0] =	vst.idx.msk vm0, v0  }
0x38: {  	v3 =	vadd.s32 $0x400, v1;
	v0 =	vld [tilespmem:s16+$0x800]  }
0x39: {  	v4 =	vor.u32 $0x1, v2;
	_ =	sdelay $0x3  }
0x3a: {  	[tilespmem:v3+s10+$0x0] =	vst.idx.msk vm0, v0  }
0x3b: {  	[tilespmem:v4+s11+$0x0] =	vst.idx.msk vm0, v0  }
0x3c: {  	v3 =	vadd.s32 $0x800, v1;
	v0 =	vld [tilespmem:s16+$0xC00]  }
0x3d: {  	v4 =	vor.u32 $0x2, v2;
	_ =	sdelay $0x3  }
0x3e: {  	[tilespmem:v3+s10+$0x0] =	vst.idx.msk vm0, v0  }
0x3f: {  	[tilespmem:v4+s11+$0x0] =	vst.idx.msk vm0, v0  }
0x40: {  	v3 =	vadd.s32 $0xC00, v1;
	v0 =	vld [tilespmem:s16+$0x1000]  }
0x41: {  	v4 =	vor.u32 $0x3, v2;
	_ =	sdelay $0x3  }
0x42: {  	[tilespmem:v3+s10+$0x0] =	vst.idx.msk vm0, v0  }
0x43: {  	[tilespmem:v4+s11+$0x0] =	vst.idx.msk vm0, v0  }
0x44: {  	v3 =	vadd.s32 $0x1000, v1;
	v0 =	vld [tilespmem:s16+$0x1400]  }
.Ltmp1:
0x45: {  	v1 =	vor.u32 $0x4, v2;
	(pc) =	sbr.rel @p0 .LBB2_3-.Ltmp1, $2  }
0x46: {  	_ =	sdelay $0x2  }
0x47: {  	[tilespmem:v3+s10+$0x0] =	vst.idx.msk vm0, v0  }
0x48: {  	_ =	sdelay $0x4  }
0x49: {  	[tilespmem:v1+s11+$0x0] =	vst.idx.msk vm0, v0  }
0x4a: {  	[hbm4b:s4+s8] =	stream.strided.scatter [tilespmem:s10], [sflag:$0x1], $0x2000, s12, s8, $0x38;
	[tilespmem:$0x5800] =	vst v63  }
0x4b: {  	s2 =	sadd.s32 $0x1, s2;
	_ =	swait.ge [sflag:s9], $0x2000  }
0x4c: {  	p0 =	sne.s32 s2, s7;
	[sflag:s9] =	ssyncset.done $0x0  }
.Ltmp2:
0x4d: {  	[sflag:s9] =	ssyncadd.s32 $0xFFFFE000;
	(pc) =	sbr.rel @p0 .LBB2_2-.Ltmp2, $4  }
0x4e: {  	[hbm4b:s5+s8] =	stream.strided.scatter [tilespmem:s11], [sflag:$0x1], $0x2000, s12, s8, $0x38;
	[tilespmem:$0x5800] =	vst v63  }
0x4f: {  	_ =	swait.ge [sflag:s9], $0x2000  }
0x50: {  	[sflag:s9] =	ssyncset.done $0x0  }
0x51: {  	[sflag:s9] =	ssyncadd.s32 $0xFFFFE000  }
.LBB2_5:
0x52: {  	_ =	sfence.sel $0x180000  }
0x53: {  	[bflag:$0x0] =	sbarrier.arrive $0xFFFF  }
0x54: {  	p0 =	sne.s32 s1, $0x0;
	_ =	strace $0x9000004A  }
0x55: {  	s0 =	sadd.s32 @!p0 $0x100000, s0;
	[bflag:$0x2] =	sbarrier.arrive $0xFFFF  }
0x56: {  	[sflag:s0] =	ssyncadd.tile.s32 @!p0 $0x1;
	_ =	shalt  }
.Lfunc_end2:
_tile_overlayer_lowered:
.L_overlay_start_2:
0x57: {  	(tag) =	ssettag $0x2  }
0x58: {  	s0 =	rddreg [dreg:$0x0];
	s2 =	stileid.u32  }
0x59: {  	s1 =	rddreg [dreg:$0x1];
	p0 =	sne.s32 s2, $0x0  }
0x5a: {  	s3 =	rddreg [dreg:$0x2];
	[bflag:$0x3] =	sbarrier.arrive $0xFFFF;
	s2 =	simm.s32 @!p0 $0x1C01  }
0x5b: {  	[timem:s3], [sflag:s2] =	dma.local @!p0 [hbm:s0], s1  }
0x5c: {  	s0 =	simm.s32 @!p0 $0x1  }
0x5d: {  	_ =	swait.ge @!p0 [sflag:s0], s1  }
0x5e: {  	s1 =	ssub.s32 @!p0 $0x0, s1;
	[sflag:s0] =	ssyncset.done @!p0 $0x0  }
0x5f: {  	[sflag:s0] =	ssyncadd.s32 @!p0 s1  }
0x60: {  	[bflag:$0x3] =	sbarrier.arrive $0xFFFF  }
0x61: {  	_ =	shalt  }

// kernel: kernel.7.cloned.1.call-start
scs
__scs_entry_jumppad:
0x0: {  	(pc) =	sbr.rel $0x88, $3  }
0x1: {  	(tag) =	ssettag $0x0;
	lr =	simm.s32 $0x1  }
0x2: {  	[smem:$0x3F9F] =	sst lr;
	_ =	strace $0xD0000000  }
0x3: {  	_ = 	snop  }
0x4: {  	_ = 	snop  }
0x5: {  	_ = 	snop  }
0x6: {  	_ = 	snop  }
0x7: {  	_ = 	snop  }
__scs_overlays_trampoline_lowered:
0x8: {  	[smem:$0x3FAE] =	sst s0  }
0x9: {  	[smem:$0x3FAF] =	sst s1  }
0xa: {  	[smem:$0x3FB0] =	sst s2  }
0xb: {  	[smem:$0x3FB1] =	sst s3  }
0xc: {  	[smem:$0x3FB2] =	sst s4  }
0xd: {  	[smem:$0x3FB3] =	sst s5  }
0xe: {  	[smem:$0x3FB4] =	sst s6  }
0xf: {  	[smem:$0x3FB5] =	sst s7  }
0x10: {  	[smem:$0x3FB6] =	sst s8  }
0x11: {  	[smem:$0x3FB7] =	sst s9;
	s0 =	simm.s32 @!p0 $0x0  }
0x12: {  	s1 =	sld [smem:$0x3F9D];
	s0 =	simm.s32 @p0 $0x1  }
0x13: {  	[smem:$0x3FB8] =	sst s0;
	s0 =	simm.s32 @!p1 $0x0  }
0x14: {  	s2 =	sld [smem:$0x3F9C];
	s0 =	simm.s32 @p1 $0x1  }
0x15: {  	[smem:$0x3FB9] =	sst s0;
	s0 =	simm.s32 @!p2 $0x0  }
0x16: {  	s3 =	sld [smem:$0x3FDB];
	s0 =	simm.s32 @p2 $0x1  }
0x17: {  	s4 =	simm.s32 $0x1BF5;
	[smem:$0x3FBB] =	sst s0  }
0x18: {  	s0 =	sld [smem:$0x3F9E];
	_ =	swait.ge [sflag:s4], $0x0  }
0x19: {  	s7 =	sld [smem:$0x3F9F]  }
0x1a: {  	s8 =	sadd.s32 $0xFFFFE003, lr  }
0x1b: {  	s9 =	sadd.s32 $0xFFFFFEF7, lr;
	s5 =	simm.s32 $0xFFFFFFFF;
	p2 =	slt.u32 s8, $0xFFFFF086  }
0x1c: {  	p1 =	slt.u32 s9, $0xF7A;
	s5 =	simm.s32 @!p2 $0x0  }
0x1d: {  	s5 =	simm.s32 @p1 $0x1;
	p0 =	seq.s32 s7, s2  }
0x1e: {  	s7 =	smul.u32 @!p0 $0xF7A, s2;
	p2 =	seq.s32 @!p0 s5, $0x0  }
0x1f: {  	s9 =	smul.u32 $0xF7A, s1;
	s8 =	simm.s32 @!p0 $0x1BF5;
	p2 =	por !p2, p0  }
0x20: {  	[sflag:s8] =	ssyncset.s32 @!p0 $0xFFFFF086;
	s6 =	sadd.s32 @!p0 s3, s7;
	s7 =	simm.s32 @!p0 $0x108  }
0x21: {  	s3 =	sadd.s32 s3, s9;
	s6 =	sadd.s32 @!p0 $0x88, s6;
	s7 =	simm.s32 @p2 $0x1082  }
0x22: {  	[simem:s7], [sflag:s8] =	dma.local @!p0 [hbm:s6], $0xF7A  }
0x23: {  	s9 =	sor.u32 $0xD0000000, s2;
	s6 =	simm.s32 $0x108;
	_ =	swait.ge @!p0 [sflag:s8], $0x0  }
0x24: {  	s3 =	sadd.s32 $0x88, s3;
	s6 =	simm.s32 @!p1 $0x1082;
	[sflag:s4] =	ssyncset.s32 $0xFFFFF086  }
0x25: {  	[simem:s6], [sflag:s4] =	dma.local [hbm:s3], $0xF7A  }
0x26: {  	[smem:$0x3F9F] =	sst s1;
	(tag) =	ssettag s2;
	_ =	strace s9  }
0x27: {  	s1 =	sld [smem:$0x3FAF]  }
0x28: {  	s2 =	sld [smem:$0x3FB0]  }
0x29: {  	s4 =	sld [smem:$0x3FB2]  }
0x2a: {  	p0 =	seq.s32 s5, $0x0;
	s5 =	sld [smem:$0x3FB3]  }
0x2b: {  	s6 =	sld [smem:$0x3FB4]  }
0x2c: {  	s7 =	sld [smem:$0x3FB5]  }
0x2d: {  	s3 =	simm.s32 $0x108;
	s8 =	sld [smem:$0x3FB6]  }
0x2e: {  	s3 =	simm.s32 @!p0 $0x1082;
	s9 =	sld [smem:$0x3FB7]  }
0x2f: {  	lr =	sadd.s32 s0, s3;
	s0 =	sld [smem:$0x3FAE]  }
0x30: {  	s3 =	sld [smem:$0x3FB1]  }
0x31: {  	[smem:$0x3FBA] =	sst s10  }
0x32: {  	s10 =	sld [smem:$0x3FB8];
	_ =	sdelay $0x3  }
0x33: {  	p0 =	seq.s32 s10, $0x1;
	s10 =	sld [smem:$0x3FBA];
	_ =	sdelay $0x3  }
0x34: {  	[smem:$0x3FBA] =	sst s10  }
0x35: {  	s10 =	sld [smem:$0x3FB9];
	_ =	sdelay $0x3  }
0x36: {  	p1 =	seq.s32 s10, $0x1;
	s10 =	sld [smem:$0x3FBA];
	_ =	sdelay $0x3  }
0x37: {  	[smem:$0x3FBA] =	sst s10  }
0x38: {  	s10 =	sld [smem:$0x3FBB]  }
0x39: {  	_ = 	snop;
	(pc) =	sbr.ind lr, $3  }
0x3a: {  	_ = 	snop  }
0x3b: {  	_ = 	snop  }
0x3c: {  	p2 =	seq.s32 s10, $0x1;
	s10 =	sld [smem:$0x3FBA]  }
0x3d: {  	_ =	shalt  }
0x3e: {  	_ =	shalt  }
0x3f: {  	_ =	shalt  }
0x40: {  	_ =	shalt  }
0x41: {  	_ =	shalt  }
0x42: {  	_ =	shalt  }
0x43: {  	_ =	shalt  }
0x44: {  	_ =	shalt  }
0x45: {  	_ =	shalt  }
0x46: {  	_ =	shalt  }
0x47: {  	_ =	shalt  }
0x48: {  	_ =	shalt  }
0x49: {  	_ =	shalt  }
0x4a: {  	_ =	shalt  }
0x4b: {  	_ =	shalt  }
0x4c: {  	_ =	shalt  }
0x4d: {  	_ =	shalt  }
0x4e: {  	_ =	shalt  }
0x4f: {  	_ =	shalt  }
0x50: {  	_ =	shalt  }
0x51: {  	_ =	shalt  }
0x52: {  	_ =	shalt  }
0x53: {  	_ =	shalt  }
0x54: {  	_ =	shalt  }
0x55: {  	_ =	shalt  }
0x56: {  	_ =	shalt  }
0x57: {  	_ =	shalt  }
0x58: {  	_ =	shalt  }
0x59: {  	_ =	shalt  }
0x5a: {  	_ =	shalt  }
0x5b: {  	_ =	shalt  }
0x5c: {  	_ =	shalt  }
0x5d: {  	_ =	shalt  }
0x5e: {  	_ =	shalt  }
0x5f: {  	_ =	shalt  }
0x60: {  	_ =	shalt  }
0x61: {  	_ =	shalt  }
0x62: {  	_ =	shalt  }
0x63: {  	_ =	shalt  }
0x64: {  	_ =	shalt  }
0x65: {  	_ =	shalt  }
0x66: {  	_ =	shalt  }
0x67: {  	_ =	shalt  }
0x68: {  	_ =	shalt  }
0x69: {  	_ =	shalt  }
0x6a: {  	_ =	shalt  }
0x6b: {  	_ =	shalt  }
0x6c: {  	_ =	shalt  }
0x6d: {  	_ =	shalt  }
0x6e: {  	_ =	shalt  }
0x6f: {  	_ =	shalt  }
0x70: {  	_ =	shalt  }
0x71: {  	_ =	shalt  }
0x72: {  	_ =	shalt  }
0x73: {  	_ =	shalt  }
0x74: {  	_ =	shalt  }
0x75: {  	_ =	shalt  }
0x76: {  	_ =	shalt  }
0x77: {  	_ =	shalt  }
0x78: {  	_ =	shalt  }
0x79: {  	_ =	shalt  }
0x7a: {  	_ =	shalt  }
0x7b: {  	_ =	shalt  }
0x7c: {  	_ =	shalt  }
0x7d: {  	_ =	shalt  }
0x7e: {  	_ =	shalt  }
0x7f: {  	_ =	shalt  }
0x80: {  	_ =	shalt  }
0x81: {  	_ =	shalt  }
0x82: {  	_ =	shalt  }
0x83: {  	_ =	shalt  }
0x84: {  	_ =	shalt  }
0x85: {  	_ =	shalt  }
0x86: {  	_ =	shalt  }
0x87: {  	_ =	shalt  }
.Lfunc_end0:
.L_simem_size_0:
called_computation_lowered:
.L_overlay_start_0:
0x88: {  	s2 =	sld [smem:$0x3FD9]  }
0x89: {  	s3 =	sld [smem:$0x3FFE];
	_ =	sdelay $0x1  }
0x8a: {  	s1 =	srdreg.scid  }
0x8b: {  	s0 =	sand.u32 $0x1, s1  }
0x8c: {  	s14 =	sshll.u32 s0, $0xA;
	s2 =	sadd.s32 s3, s2  }
0x8d: {  	s2 =	sadd.s32 s2, s14  }
0x8e: {  	[smem:$0x3FC6] =	sst s2  }
0x8f: {  	_ = 	snop  }
0x90: {  	s2 =	sld [smem:$0x3FD0];
	_ =	sdelay $0x2  }
0x91: {  	s15 =	simm.s32 $0xA;
	s4 =	simm.s32 $0x10  }
0x92: {  	[smem:s4], [sflag:s15] =	dma.local [hbm:s2], $0x1  }
0x93: {  	_ =	swait.eq [sflag:s15], $0x1  }
0x94: {  	[sflag:s15] =	ssyncset.done $0x0  }
0x95: {  	s16 =	sld [smem:$0x10];
	[sflag:s15] =	ssyncadd.s32 $0xFFFFFFFF  }
0x96: {  	s17 =	sld [smem:$0x11];
	(tm) =	ssettm $0x1  }
0x97: {  	s18 =	sld [smem:$0x3FFB];
	_ =	sdelay $0x3  }
0x98: {  	_ =	strace s18  }
0x99: {  	s4 =	sld [smem:$0x3FFC];
	_ =	sdelay $0x3  }
0x9a: {  	_ =	strace s4  }
0x9b: {  	s4 =	sld [smem:$0x3FFD];
	_ =	sdelay $0x3  }
0x9c: {  	_ =	strace s4  }
0x9d: {  	_ =	strace $0x8FFFFFFF  }
0x9e: {  	s19 =	sld [smem:$0x3FDB];
	_ =	sdelay $0x1  }
0x9f: {  	s5 =	simm.s32 $_scs_section_size  }
0xa0: {  	s6 =	simm.s32 $_size__tile_overlayer_lowered;
	s7 =	simm.s32 $_tile_overlayer_lowered  }
0xa1: {  	s22 =	simm.s32 $0x1BFF;
	s21 =	sshll.u32 s7, $0x1;
	s4 =	sadd.s32 s5, s19  }
0xa2: {  	s8 =	simm.s32 $0x0;
	s20 =	sshll.u32 s6, $0x1;
	s6 =	sadd.s32 s21, s4  }
0xa3: {  	[timem:s8], [sflag:s22] =	dma.local [hbm:s6], s20  }
0xa4: {  	_ =	swait.ge [sflag:s22], s20  }
0xa5: {  	s5 =	ssub.s32 $0x0, s20;
	[sflag:s22] =	ssyncset.done $0x0  }
0xa6: {  	[sflag:s22] =	ssyncadd.s32 s5;
	_ =	sdelay $0x1  }
0xa7: {  	s23 =	simm.s32 $0x1B8B  }
0xa8: {  	_ =	swait.ge [sflag:s23], $0x1  }
0xa9: {  	[sflag:s23] =	ssyncset.done $0x0  }
0xaa: {  	s25 =	simm.s32 $0x1B8E;
	s24 =	sld [smem:$0x3FFE];
	[sflag:s23] =	ssyncadd.s32 $0xFFFFFFFF  }
0xab: {  	s26 =	simm.s32 $execute0_lowered;
	[smem:$0x3FD2] =	sst s25  }
0xac: {  	s6 =	sshll.u32 s26, $0x1;
	_ =	strace $0x80000046;
	[dreg:$0x1] =	wrdreg $0xFFFFFFFF  }
0xad: {  	s28 =	simm.s32 $_size_execute0_lowered;
	s4 =	sadd.s32 s4, s6;
	[dreg:$0x0] =	wrdreg $0x0  }
0xae: {  	s6 =	sshll.u32 s28, $0x1;
	[dreg:$0x2] =	wrdreg s4  }
0xaf: {  	[dreg:$0x3] =	wrdreg s6  }
0xb0: {  	[dreg:$0x4] =	wrdreg $0xC0  }
0xb1: {  	_ =	task [dreg:s8], $0x5FFFF  }
0xb2: {  	[dreg:$0x1] =	wrdreg $0xFFFFFFFF  }
0xb3: {  	[dreg:$0x0] =	wrdreg $0x60  }
0xb4: {  	[dreg:$0x2] =	wrdreg s16  }
0xb5: {  	[dreg:$0x3] =	wrdreg s24  }
0xb6: {  	[dreg:$0x4] =	wrdreg s17  }
0xb7: {  	[dreg:$0x5] =	wrdreg $0x9  }
0xb8: {  	_ =	task.clear_ibuf [dreg:s8], $0x6FFFF;
	_ =	strace $0x90000046  }
0xb9: {  	s29 =	simm.s32 $0x9;
	_ =	strace $0x80000048  }
0xba: {  	_ =	swait.ge [sflag:s29], $0x1  }
0xbb: {  	[sflag:s29] =	ssyncadd.s32 $0xFFFFFFFF  }
0xbc: {  	_ =	strace $0x90000048  }
0xbd: {  	_ =	sfence  }
0xbe: {  	s30 =	sld [smem:$0x0];
	_ =	sdelay $0x2  }
0xbf: {  	s31 =	sshll.u32 s1, $0xD;
	s1 =	sshrl.u32 s1, $0x2  }
0xc0: {  	s3 =	sand.u32 $0x4000, s31;
	s1 =	sadd.s32 s1, s30  }
0xc1: {  	s0 =	sor.u32 s3, s0;
	s1 =	sshll.u32 s1, $0x11  }
0xc2: {  	s0 =	sor.u32 s1, s0  }
0xc3: {  	s0 =	sadd.s32 $0x8F2B, s0  }
0xc4: {  	[sflag:s0] =	ssyncadd.remote.s32 $0x1  }
0xc5: {  	_ =	sfence.sel $0xFFFF  }
0xc6: {  	[dreg:$0x0] =	wrdreg $0xFFFFFFFF;
	(pc) =	sbr.abs _section_cstart, $3  }
0xc7: {  	[dreg:$0x1] =	wrdreg $0xFFFFFFFF  }
0xc8: {  	_ =	task.clear_ibuf [dreg:s8], $0x2FFFF;
	_ =	strace $0x9FFFFFFF  }
0xc9: {  	(tm) =	ssettm $0x7FFFFFFF  }
tec
execute0_lowered:
.L_overlay_start_1:
0x0: {  	(tag) =	ssettag $0x1  }
0x1: {  	s1 =	stileid.u32  }
0x2: {  	p0 =	sgt.u32 s1, $0x9  }
.Ltmp0:
0x3: {  	s7 =	rddreg [dreg:$0x0];
	(pc) =	sbr.rel @p0 .LBB2_5-.Ltmp0, $4  }
0x4: {  	s3 =	rddreg [dreg:$0x1]  }
0x5: {  	s4 =	rddreg [dreg:$0x2];
	s2 =	simm.s32 $0x0  }
0x6: {  	[smem:$0x7FF] =	sst s2  }
0x7: {  	s0 =	rddreg [dreg:$0x3];
	_ =	strace $0x80000047  }
0x8: {  	s5 =	srdreg.scid;
	s6 =	sshll.u32 s1, $0x1;
	s9 =	sshrl.u32 s1, $0x2  }
0x9: {  	s13 =	simm.s32 $0xB400;
	s14 =	simm.s32 $0xB480;
	s5 =	sand.u32 $0x1, s5  }
0xa: {  	s15 =	simm.s32 $0xB880;
	s11 =	smul.u32 $0xA000, s9;
	s6 =	sor.u32 s5, s6  }
0xb: {  	s10 =	sshll.u32 s9, $0xD;
	s8 =	smul.u32 $0x1400, s6;
	s6 =	sshll.u32 s6, $0x7  }
0xc: {  	s9 =	sshll.u32 s9, $0xA;
	s12 =	ssub.s32 $0x2, s5;
	s6 =	sand.u32 $0x380, s6  }
0xd: {  	s31 =	sshrl.u32 s12, $0x1;
	s8 =	sadd.s32 s8, s3;
	s10 =	sor.u32 s10, s6  }
0xe: {  	s11 =	sor.u32 s11, s6;
	s6 =	sor.u32 s9, s6;
	s9 =	simm.s32 $0x80  }
0xf: {  	s10 =	sshrl.u32 s10, $0x3;
	s11 =	sshrl.u32 s11, $0x3;
	s6 =	sshrl.u32 s6, $0x3  }
0x10: {  	s10 =	sadd.s32 s10, s3;
	s30 =	sadd.s32 s11, s3;
	s3 =	sadd.s32 $0x400, s8  }
0x11: {  	s4 =	sadd.s32 s4, s6;
	s8 =	ssub.s32 s12, s31;
	s7 =	sadd.s32 s7, s11  }
0x12: {  	s11 =	simm.s32 $0x1;
	s12 =	simm.s32 $0x1400;
	s5 =	sadd.s32 $0x19400, s10  }
0x13: {  	v0 =	vimm.s32 $0x0;
	s6 =	sadd.s32 $0x1A000, s30;
	s8 =	smax.u32 s8, $0x1;
	s10 =	simm.s32 $0x400  }
.LBB2_2:
0x14: {  	s16 =	simm.s32 $0x0  }
0x15: {  	[tilespmem:s16], [sflag:$0x1] =	stream.strided.gather [hbm4b:s7+s9], $0x1400, s10, s9, $0x38;
	[tilespmem:$0xCC80] =	vst v63  }
0x16: {  	_ =	swait.ge [sflag:s11], $0x1400  }
0x17: {  	[sflag:s11] =	ssyncset.done $0x0  }
0x18: {  	[sflag:s11] =	ssyncadd.s32 $0xFFFFEC00  }
0x19: {  	[tilespmem:s12], [sflag:$0x1] =	stream.linear.gather [hbm4b:s3+s16], $0xA000, $0x38;
	[tilespmem:$0xCC80] =	vst v63  }
0x1a: {  	_ =	swait.ge [sflag:s11], $0xA000  }
0x1b: {  	[sflag:s11] =	ssyncset.done $0x0  }
0x1c: {  	[sflag:s11] =	ssyncadd.s32 $0xFFFF6000  }
0x1d: {  	[tilespmem:s13], [sflag:$0x1] =	stream.linear.gather [hbm4b:s4+s16], $0x80, $0x38;
	[tilespmem:$0xCC80] =	vst v63  }
0x1e: {  	_ =	swait.ge [sflag:s11], $0x80  }
0x1f: {  	[sflag:s11] =	ssyncset.done $0x0  }
0x20: {  	[sflag:s11] =	ssyncadd.s32 $0xFFFFFF80  }
0x21: {  	v1 =	vld [tilespmem:$0xB400]  }
0x22: {  	v3 =	vld [tilespmem:s16+$0x0];
	_ =	sdelay $0x4  }
0x23: {  	vm0 =	veq.s32 v3, v1  }
0x24: {  	v2 =	vsel vm0, $0x1, v0  }
0x25: {  	(xrf0) =	vadd.scan.msk.s32 $0xffff, v2;
	_ =	sdelay $0x2  }
0x26: {  	v2 =	vld [tilespmem:$0xB410];
	_ =	sdelay $0x2  }
0x27: {  	v4, _, _ =	vpop (xrf0)  }
0x28: {  	v4 =	vadd.s32 v0, v4  }
0x29: {  	vm1 =	vle.s32 v4, v2  }
0x2a: {  	vm2 =	vgt.s32 v3, v1;
	vm1 =	vmand vm0, vm1  }
0x2b: {  	vm0 =	vmor vm2, vm1  }
0x2c: {  	v4 =	vsel vm0, $0x1, v0  }
0x2d: {  	(xrf0) =	vadd.scan.msk.s32 $0xffff, v4;
	_ =	sdelay $0x5  }
0x2e: {  	v4, _, _ =	vpop (xrf0)  }
0x2f: {  	v4 =	vadd.s32 v4, v0  }
0x30: {  	v4 =	vadd.s32 $0xFFFFFFFF, v4  }
0x31: {  	vm2 =	vlt.s32 v4, $0x3FF  }
0x32: {  	v6 =	vnsel vm2, $0x3FF, v4;
	_ =	sdelay $0x3  }
0x33: {  	s17 =	sand.u32 $0x70, s16;
	s18 =	sand.u32 $0xFC00, s16  }
0x34: {  	s18 =	sor.u32 s17, s18;
	[tilespmem:v6+s14+$0x0] =	vst.idx.msk vm0, v3  }
0x35: {  	v3 =	vld [tilespmem:s18+$0x1400];
	_ =	sdelay $0x4  }
0x36: {  	[tilespmem:v6+s15+$0x0] =	vst.idx.msk vm0, v3  }
0x37: {  	v4 =	vadd.s32 $0x400, v6;
	v3 =	vld [tilespmem:s18+$0x1480];
	_ =	sdelay $0x4  }
0x38: {  	[tilespmem:v4+s15+$0x0] =	vst.idx.msk vm0, v3  }
0x39: {  	v4 =	vadd.s32 $0x800, v6;
	v3 =	vld [tilespmem:s18+$0x1500];
	_ =	sdelay $0x4  }
0x3a: {  	[tilespmem:v4+s15+$0x0] =	vst.idx.msk vm0, v3  }
0x3b: {  	v4 =	vadd.s32 $0xC00, v6;
	v3 =	vld [tilespmem:s18+$0x1580];
	_ =	sdelay $0x3  }
0x3c: {  	v5 =	vmpcnt.ones.xlane vm1;
	v7 =	vmpcnt.ones.xlane vm0  }
0x3d: {  	[tilespmem:v4+s15+$0x0] =	vst.idx.msk vm0, v3  }
0x3e: {  	s17 =	simm.s32 $0x10;
	v6 =	vadd.s32 $0x1000, v6;
	v3 =	vadd.s32 v0, v5;
	v4 =	vadd.s32 v0, v7;
	v5 =	vld [tilespmem:s18+$0x1600];
	s18 =	simm.s32 $0x0  }
.LBB2_3:
0x3f: {  	_ =	sdelay $0x3  }
0x40: {  	p0 =	sne.s32 s17, $0x13F0;
	s16 =	sadd.s32 $0x80, s16;
	s18 =	sadd.s32 $0x10, s18;
	[tilespmem:v6+s15+$0x0] =	vst.idx.msk vm0, v5;
	v5 =	vmov v4  }
0x41: {  	s19 =	smov.u32 s17;
	s17 =	sadd.s32 $0x10, s17;
	v6 =	vld [tilespmem:s18+$0x0];
	_ =	sdelay $0x4  }
0x42: {  	vm0 =	veq.s32 v6, v1  }
0x43: {  	v7 =	vsel vm0, $0x1, v0  }
0x44: {  	(xrf0) =	vadd.scan.msk.s32 $0xffff, v7;
	_ =	sdelay $0x5  }
0x45: {  	v7, _, _ =	vpop (xrf0)  }
0x46: {  	v7 =	vadd.s32 v3, v7  }
0x47: {  	vm1 =	vle.s32 v7, v2  }
0x48: {  	vm2 =	vgt.s32 v6, v1;
	vm1 =	vmand vm0, vm1  }
0x49: {  	vm0 =	vmor vm2, vm1;
	v7 =	vmpcnt.ones.xlane vm1  }
0x4a: {  	v8 =	vsel vm0, $0x1, v0;
	v9 =	vmpcnt.ones.xlane vm0  }
0x4b: {  	v3 =	vadd.s32 v3, v7;
	(xrf0) =	vadd.scan.msk.s32 $0xffff, v8  }
0x4c: {  	v4 =	vadd.s32 v4, v9;
	_ =	sdelay $0x4  }
0x4d: {  	v7, _, _ =	vpop (xrf0)  }
0x4e: {  	v5 =	vadd.s32 v7, v5  }
0x4f: {  	v5 =	vadd.s32 $0xFFFFFFFF, v5  }
0x50: {  	vm1 =	vlt.s32 v5, $0x3FF  }
0x51: {  	v7 =	vnsel vm1, $0x3FF, v5;
	_ =	sdelay $0x3  }
0x52: {  	s19 =	sand.u32 $0x70, s19;
	s20 =	sand.u32 $0xFC00, s16  }
0x53: {  	s19 =	sor.u32 s19, s20;
	[tilespmem:v7+s14+$0x0] =	vst.idx.msk vm0, v6  }
0x54: {  	v5 =	vld [tilespmem:s19+$0x1400];
	_ =	sdelay $0x4  }
0x55: {  	[tilespmem:v7+s15+$0x0] =	vst.idx.msk vm0, v5  }
0x56: {  	v6 =	vadd.s32 $0x400, v7;
	v5 =	vld [tilespmem:s19+$0x1480];
	_ =	sdelay $0x4  }
0x57: {  	[tilespmem:v6+s15+$0x0] =	vst.idx.msk vm0, v5  }
0x58: {  	v6 =	vadd.s32 $0x800, v7;
	v5 =	vld [tilespmem:s19+$0x1500];
	_ =	sdelay $0x4  }
0x59: {  	[tilespmem:v6+s15+$0x0] =	vst.idx.msk vm0, v5  }
0x5a: {  	v6 =	vadd.s32 $0xC00, v7;
	v5 =	vld [tilespmem:s19+$0x1580];
	_ =	sdelay $0x1  }
.Ltmp1:
0x5b: {  	(pc) =	sbr.rel @p0 .LBB2_3-.Ltmp1, $3  }
0x5c: {  	_ =	sdelay $0x1  }
0x5d: {  	[tilespmem:v6+s15+$0x0] =	vst.idx.msk vm0, v5  }
0x5e: {  	v6 =	vadd.s32 $0x1000, v7;
	v5 =	vld [tilespmem:s19+$0x1600]  }
0x5f: {  	_ =	sdelay $0x4  }
0x60: {  	[tilespmem:v6+s15+$0x0] =	vst.idx.msk vm0, v5  }
0x61: {  	[hbm4b:s5+s9] =	stream.strided.scatter [tilespmem:s14], [sflag:$0x1], $0x400, s10, s9, $0x38;
	[tilespmem:$0xCC80] =	vst v63  }
0x62: {  	s2 =	sadd.s32 $0x1, s2;
	_ =	swait.ge [sflag:s11], $0x400  }
0x63: {  	p0 =	sne.s32 s2, s8;
	[sflag:s11] =	ssyncset.done $0x0  }
.Ltmp2:
0x64: {  	[sflag:s11] =	ssyncadd.s32 $0xFFFFFC00;
	(pc) =	sbr.rel @p0 .LBB2_2-.Ltmp2, $4  }
0x65: {  	[hbm4b:s6+s9] =	stream.strided.scatter [tilespmem:s15], [sflag:$0x1], $0x1400, s10, s9, $0x38;
	[tilespmem:$0xCC80] =	vst v63  }
0x66: {  	_ =	swait.ge [sflag:s11], $0x1400  }
0x67: {  	[sflag:s11] =	ssyncset.done $0x0  }
0x68: {  	[sflag:s11] =	ssyncadd.s32 $0xFFFFEC00  }
.LBB2_5:
0x69: {  	_ =	sfence.sel $0x180000  }
0x6a: {  	[bflag:$0x0] =	sbarrier.arrive $0xFFFF  }
0x6b: {  	p0 =	sne.s32 s1, $0x0;
	_ =	strace $0x90000047  }
0x6c: {  	s0 =	sadd.s32 @!p0 $0x100000, s0;
	[bflag:$0x2] =	sbarrier.arrive $0xFFFF  }
0x6d: {  	[sflag:s0] =	ssyncadd.tile.s32 @!p0 $0x1;
	_ =	shalt  }
.Lfunc_end2:
_tile_overlayer_lowered:
.L_overlay_start_2:
0x6e: {  	(tag) =	ssettag $0x2  }
0x6f: {  	s0 =	rddreg [dreg:$0x0];
	s2 =	stileid.u32  }
0x70: {  	s1 =	rddreg [dreg:$0x1];
	p0 =	sne.s32 s2, $0x0  }
0x71: {  	s3 =	rddreg [dreg:$0x2];
	[bflag:$0x3] =	sbarrier.arrive $0xFFFF;
	s2 =	simm.s32 @!p0 $0x1C01  }
0x72: {  	[timem:s3], [sflag:s2] =	dma.local @!p0 [hbm:s0], s1  }
0x73: {  	s0 =	simm.s32 @!p0 $0x1  }
0x74: {  	_ =	swait.ge @!p0 [sflag:s0], s1  }
0x75: {  	s1 =	ssub.s32 @!p0 $0x0, s1;
	[sflag:s0] =	ssyncset.done @!p0 $0x0  }
0x76: {  	[sflag:s0] =	ssyncadd.s32 @!p0 s1  }
0x77: {  	[bflag:$0x3] =	sbarrier.arrive $0xFFFF  }
0x78: {  	_ =	shalt  }

</sc_bundles>
